<compile_context>
chip_gen: v7x
topology: tpu7x:2x2x1
jax: 0.10.2.dev20260603
libtpu: 0.0.44.dev20260713+nightly
codegen_flags: <defaults>
</compile_context>

<pallas_src>
import functools

import numpy as np
import jax
import jax.numpy as jnp
from jax import lax
from jax.experimental import pallas as pl
from jax.experimental.pallas import tpu as pltpu
from jax.experimental.pallas import tpu_sc as plsc

_N = 10000
_E = 320000
_SEM = 17
_HID = 128
_HEADS = 4
_HD = 32
_NC = 17
_PITCH = 144
_DPITCH = 16
_K = 80
_NSUB = 16
_EPS = 1e-16

_PERM_NP = (np.arange(_HID) % _HEADS) * _HD + (np.arange(_HID) // _HEADS)
_MASK_NP = np.kron(np.eye(_HEADS, dtype=np.float32), np.ones((_HD, 1), np.float32))
_B4P_NP = (np.arange(_HEADS)[:, None] == (np.arange(_HID) % _HEADS)[None, :]
           ).astype(np.float32)


def _lrelu(x):
    return jnp.where(x > 0, x, 0.2 * x)


_GDN = lax.GatherDimensionNumbers(offset_dims=(), collapsed_slice_dims=(0,),
                                  start_index_map=(0,))


def _take16(vec, idx):
    return lax.gather(vec, idx[:, None], _GDN, slice_sizes=(1,),
                      mode=lax.GatherScatterMode.PROMISE_IN_BOUNDS)


def _pre_body(xp_ref, xs_ref, wp_ref, ws_ref, apst_ref, asst_ref,
              apd_ref, asd_ref, hp_ref, hs_ref, de_ref):
    hp = jnp.dot(xp_ref[...], wp_ref[...], preferred_element_type=jnp.float32)
    hs = jnp.dot(xs_ref[...], ws_ref[...], preferred_element_type=jnp.float32)
    spt = jnp.dot(hp, apst_ref[...], preferred_element_type=jnp.float32)
    sst = jnp.dot(hs, asst_ref[...], preferred_element_type=jnp.float32)
    adp = jnp.dot(hp, apd_ref[...], preferred_element_type=jnp.float32)
    ads = jnp.dot(hs, asd_ref[...], preferred_element_type=jnp.float32)
    gp = jnp.max(spt[:, 0:4], axis=0, keepdims=True)
    gs = jnp.max(sst[:, 0:4], axis=0, keepdims=True)
    cp = _lrelu(gp + adp)
    cs = _lrelu(gs + ads)
    hp_ref[...] = jnp.concatenate([hp, spt], axis=1)
    hs_ref[...] = jnp.concatenate([hs, sst], axis=1)
    de_ref[...] = jnp.concatenate([adp, cp, ads, cs], axis=1)


def _pre_call(xp, xs, wp, ws, apst, asst, apd, asd):
    return pl.pallas_call(
        _pre_body,
        out_shape=[
            jax.ShapeDtypeStruct((_N, _PITCH), jnp.float32),
            jax.ShapeDtypeStruct((_N, _PITCH), jnp.float32),
            jax.ShapeDtypeStruct((_N, _DPITCH), jnp.float32),
        ],
    )(xp, xs, wp, ws, apst, asst, apd, asd)


def _sc_edge_body(ei_hbm, hp_hbm, hs_hbm, de_hbm, z_hbm, out_hbm,
                  rowbuf0, rowbuf1, rowbuf2,
                  dstbuf0, dstbuf1, dstbuf2,
                  idx0, idx1, idx2, acc,
                  semr0, semr1, semr2,
                  semd0, semd1, semd2,
                  semi0, semi1, semi2,
                  semsc0, semsc1, semsc2):
    c = lax.axis_index("c")
    s = lax.axis_index("s")
    rows = _N // _NSUB
    base = s * rows

    rowbuf = (rowbuf0, rowbuf1, rowbuf2)
    dstbuf = (dstbuf0, dstbuf1, dstbuf2)
    idxb = (idx0, idx1, idx2)
    semr = (semr0, semr1, semr2)
    semd = (semd0, semd1, semd2)
    semi = (semi0, semi1, semi2)
    semsc = (semsc0, semsc1, semsc2)

    pltpu.sync_copy(z_hbm.at[pl.ds(base, rows)], acc.at[pl.ds(base, rows)])
    plsc.subcore_barrier()

    epersub = _E // _NSUB
    nchunk = epersub // _K
    eb = s * epersub
    idx4 = lax.iota(jnp.int32, 16) & 3

    def make_loop(tab_hbm, coff):
        def compute(p):
            @plsc.parallel_loop(0, _K, 1, unroll=4)
            def edge(k):
                avec = rowbuf[p][k, pl.ds(_HID, 16)]
                dvec = dstbuf[p][k, pl.ds(0, 16)]
                d_t = _take16(dvec, coff + idx4)
                c_t = _take16(dvec, coff + 4 + idx4)
                e = avec + d_t
                e = jnp.where(e > 0, e, 0.2 * e)
                w = jnp.exp(e - c_t)
                rowbuf[p][k, pl.ds(_HID, 16)] = w
                for v in range(8):
                    x = rowbuf[p][k, pl.ds(16 * v, 16)]
                    rowbuf[p][k, pl.ds(16 * v, 16)] = x * w

        def step(i, b, launch_next=True, prefetch=True, scwait=True):
            bn = (b + 1) % 3
            b2 = (b + 2) % 3
            pltpu.make_async_copy(tab_hbm.at[idxb[b].at[0]], rowbuf[b],
                                  semr[b]).wait()
            pltpu.make_async_copy(de_hbm.at[idxb[b].at[1]], dstbuf[b],
                                  semd[b]).wait()
            if launch_next:
                pltpu.make_async_copy(ei_hbm.at[:, pl.ds(0, _K)], idxb[bn],
                                      semi[bn]).wait()
                pltpu.async_copy(tab_hbm.at[idxb[bn].at[0]], rowbuf[bn],
                                 semr[bn])
                pltpu.async_copy(de_hbm.at[idxb[bn].at[1]], dstbuf[bn],
                                 semd[bn])
            compute(b)
            pltpu.async_copy(rowbuf[b], acc.at[idxb[b].at[1]], semsc[b],
                             add=True)
            if prefetch:
                if scwait:
                    pltpu.make_async_copy(rowbuf[b2], acc.at[idxb[b2].at[1]],
                                          semsc[b2]).wait()
                bb = eb + (i + 2) * _K
                pltpu.async_copy(ei_hbm.at[:, pl.ds(bb, _K)], idxb[b2],
                                 semi[b2])

        pltpu.sync_copy(ei_hbm.at[:, pl.ds(eb, _K)], idxb[0])
        pltpu.async_copy(tab_hbm.at[idxb[0].at[0]], rowbuf[0], semr[0])
        pltpu.async_copy(de_hbm.at[idxb[0].at[1]], dstbuf[0], semd[0])
        pltpu.async_copy(ei_hbm.at[:, pl.ds(eb + _K, _K)], idxb[1], semi[1])

        step(0, 0, scwait=False)
        step(1, 1)

        def triple(t, carry):
            i0 = 2 + 3 * t
            step(i0, 2)
            step(i0 + 1, 0)
            step(i0 + 2, 1)
            return carry

        lax.fori_loop(0, (nchunk - 4) // 3, triple, 0)

        step(nchunk - 2, 2, prefetch=False)
        step(nchunk - 1, 0, launch_next=False, prefetch=False)

        pltpu.make_async_copy(rowbuf[1], acc.at[idxb[1].at[1]], semsc[1]).wait()
        pltpu.make_async_copy(rowbuf[2], acc.at[idxb[2].at[1]], semsc[2]).wait()
        pltpu.make_async_copy(rowbuf[0], acc.at[idxb[0].at[1]], semsc[0]).wait()

    @pl.when(c == 0)
    def _():
        make_loop(hp_hbm, 0)

    @pl.when(c == 1)
    def _():
        make_loop(hs_hbm, 8)

    plsc.subcore_barrier()
    pltpu.sync_copy(acc.at[pl.ds(base, rows)], out_hbm.at[c, pl.ds(base, rows)])


def _sc_call(edge_index, hp_ext, hs_ext, dst_ext, ztab):
    mesh = plsc.VectorSubcoreMesh(core_axis_name="c", subcore_axis_name="s")
    fn = pl.kernel(
        _sc_edge_body,
        out_type=jax.ShapeDtypeStruct((2, _N, _PITCH), jnp.float32),
        mesh=mesh,
        scratch_types=(
            [pltpu.VMEM((_K, _PITCH), jnp.float32)] * 3
            + [pltpu.VMEM((_K, _DPITCH), jnp.float32)] * 3
            + [pltpu.VMEM((2, _K), jnp.int32)] * 3
            + [pltpu.VMEM_SHARED((_N, _PITCH), jnp.float32)]
            + [pltpu.SemaphoreType.DMA] * 12
        ),
        compiler_params=pltpu.CompilerParams(use_tc_tiling_on_sc=False,
                                             needs_layout_passes=False),
    )
    return fn(edge_index, hp_ext, hs_ext, dst_ext, ztab)


def _post_body(ap_ref, as_ref, b4_ref, bp_ref, bs_ref, wg1_ref, wg2_ref,
               bg_ref, w1_ref, b1_ref, w2_ref, b2_ref, out_ref):
    b4 = b4_ref[...]
    ap = ap_ref[...]
    hp = ap[:, 0:_HID] / (jnp.dot(ap[:, _HID:_HID + 4], b4,
                                  preferred_element_type=jnp.float32) + _EPS)
    hp = hp + bp_ref[...]
    hp = jnp.where(hp > 0, hp, jnp.exp(jnp.minimum(hp, 0.0)) - 1.0)
    a_s = as_ref[...]
    hs = a_s[:, 0:_HID] / (jnp.dot(a_s[:, _HID:_HID + 4], b4,
                                   preferred_element_type=jnp.float32) + _EPS)
    hs = hs + bs_ref[...]
    hs = jnp.where(hs > 0, hs, jnp.exp(jnp.minimum(hs, 0.0)) - 1.0)
    zlin = (jnp.dot(hp, wg1_ref[...], preferred_element_type=jnp.float32)
            + jnp.dot(hs, wg2_ref[...], preferred_element_type=jnp.float32)
            + bg_ref[...])
    z = 1.0 / (1.0 + jnp.exp(-zlin))
    fused = z * hp + (1.0 - z) * hs
    hdec = jnp.maximum(
        jnp.dot(fused, w1_ref[...], preferred_element_type=jnp.float32)
        + b1_ref[...], 0.0)
    out_ref[...] = (jnp.dot(hdec, w2_ref[...], preferred_element_type=jnp.float32)
                    + b2_ref[...])


def _post_call(accp, accs, b4, bp, bs, wg1, wg2, bg, w1, b1, w2, b2):
    r = 2000
    grid = _N // r
    full = lambda shape: pl.BlockSpec(shape, lambda i: (0, 0))
    return pl.pallas_call(
        _post_body,
        grid=(grid,),
        in_specs=[
            pl.BlockSpec((r, _PITCH), lambda i: (i, 0)),
            pl.BlockSpec((r, _PITCH), lambda i: (i, 0)),
            full((4, _HID)),
            full((1, _HID)),
            full((1, _HID)),
            full((_HID, _HID)),
            full((_HID, _HID)),
            full((1, _HID)),
            full((_HID, _HID)),
            full((1, _HID)),
            full((_HID, _NC)),
            full((1, _NC)),
        ],
        out_specs=pl.BlockSpec((r, _NC), lambda i: (i, 0)),
        out_shape=jax.ShapeDtypeStruct((_N, _NC), jnp.float32),
    )(accp, accs, b4, bp, bs, wg1, wg2, bg, w1, b1, w2, b2)


def kernel(x_phys, x_sem, edge_index, Wp, ap_src, ap_dst, bp,
           Ws, as_src, as_dst, bs, Wg, bg, W1, b1, W2, b2):
    perm = jnp.asarray(_PERM_NP)
    tile4 = jnp.asarray(np.arange(16) % 4)
    mask = jnp.asarray(_MASK_NP)

    xs = jnp.pad(x_sem, ((0, 0), (0, 32 - _SEM)))
    wsp = jnp.pad(Ws, ((0, 32 - _SEM), (0, 0)))
    wp_perm = Wp[:, perm]
    ws_perm = wsp[:, perm]
    apsrc = (mask * ap_src.reshape(-1)[:, None])[perm]
    assrc = (mask * as_src.reshape(-1)[:, None])[perm]
    apdst = (mask * ap_dst.reshape(-1)[:, None])[perm]
    asdst = (mask * as_dst.reshape(-1)[:, None])[perm]
    apst = apsrc[:, tile4]
    asst = assrc[:, tile4]

    hp_ext, hs_ext, dst_ext = _pre_call(x_phys, xs, wp_perm, ws_perm,
                                        apst, asst, apdst, asdst)
    ztab = jnp.zeros((_N, _PITCH), jnp.float32)
    gat = _sc_call(edge_index, hp_ext, hs_ext, dst_ext, ztab)
    b4 = jnp.asarray(_B4P_NP)
    return _post_call(gat[0], gat[1], b4, bp[perm][None, :], bs[perm][None, :],
                      Wg[0:_HID][perm][:, perm], Wg[_HID:][perm][:, perm],
                      bg[perm][None, :],
                      W1[perm], b1[None, :], W2, b2[None, :])

# --- scband reference (transcript-rebuilt; emitter-appended) ---
"""Pipeline reference for scband-refine-net-21079699488796 (READ-ONLY COPY).

The authoritative reference and input builder live on the scoring server;
editing this copy changes nothing except your own understanding.
"""

import jax, jax.numpy as jnp
import numpy as np

N = 10000
E = 320000
PHYS = 128
SEM = 17
HID = 128
HEADS = 4
HD = HID // HEADS
NC = 17


def setup_inputs(seed: int = 0) -> dict:
    key = jax.random.key(seed)
    ks = jax.random.split(key, 16)
    s = lambda fan: 1.0 / np.sqrt(fan)
    inp = {}
    inp["x_phys"] = jax.random.normal(ks[0], (N, PHYS), jnp.float32)
    inp["x_sem"] = jax.random.normal(ks[1], (N, SEM), jnp.float32)
    inp["edge_index"] = jax.random.randint(ks[2], (2, E), 0, N, jnp.int32)
    # physical-stream GAT params
    inp["Wp"] = jax.random.normal(ks[3], (PHYS, HID), jnp.float32) * s(PHYS)
    inp["ap_src"] = jax.random.normal(ks[4], (HEADS, HD), jnp.float32) * s(HD)
    inp["ap_dst"] = jax.random.normal(ks[5], (HEADS, HD), jnp.float32) * s(HD)
    inp["bp"] = jnp.zeros((HID,), jnp.float32)
    # semantic-stream GAT params
    inp["Ws"] = jax.random.normal(ks[6], (SEM, HID), jnp.float32) * s(SEM)
    inp["as_src"] = jax.random.normal(ks[7], (HEADS, HD), jnp.float32) * s(HD)
    inp["as_dst"] = jax.random.normal(ks[8], (HEADS, HD), jnp.float32) * s(HD)
    inp["bs"] = jnp.zeros((HID,), jnp.float32)
    # gate
    inp["Wg"] = jax.random.normal(ks[9], (2 * HID, HID), jnp.float32) * s(2 * HID)
    inp["bg"] = jnp.zeros((HID,), jnp.float32)
    # MLP decoder
    inp["W1"] = jax.random.normal(ks[10], (HID, HID), jnp.float32) * s(HID)
    inp["b1"] = jnp.zeros((HID,), jnp.float32)
    inp["W2"] = jax.random.normal(ks[11], (HID, NC), jnp.float32) * s(HID)
    inp["b2"] = jnp.zeros((NC,), jnp.float32)
    return inp


def _gat(x, W, a_src, a_dst, b, src, dst):
    h = (x @ W).reshape(-1, HEADS, HD)                      # [N,H,hd]
    asrc = jnp.sum(h * a_src[None], axis=-1)                # [N,H]
    adst = jnp.sum(h * a_dst[None], axis=-1)                # [N,H]
    e = jax.nn.leaky_relu(asrc[src] + adst[dst], 0.2)       # [E,H]
    emax = jax.ops.segment_max(e, dst, num_segments=N)
    emax = jnp.where(jnp.isfinite(emax), emax, 0.0)
    ex = jnp.exp(e - emax[dst])
    denom = jax.ops.segment_sum(ex, dst, num_segments=N)
    alpha = ex / (denom[dst] + 1e-16)                       # [E,H]
    msg = alpha[:, :, None] * h[src]                        # [E,H,hd]
    out = jax.ops.segment_sum(msg, dst, num_segments=N)     # [N,H,hd]
    return jax.nn.elu(out.reshape(-1, HID) + b)


def reference(x_phys, x_sem, edge_index, Wp, ap_src, ap_dst, bp,
              Ws, as_src, as_dst, bs, Wg, bg, W1, b1, W2, b2):
    src = edge_index[0]
    dst = edge_index[1]
    Hp = _gat(x_phys, Wp, ap_src, ap_dst, bp, src, dst)
    Hs = _gat(x_sem, Ws, as_src, as_dst, bs, src, dst)
    z = jax.nn.sigmoid(jnp.concatenate([Hp, Hs], axis=-1) @ Wg + bg)
    fused = z * Hp + (1.0 - z) * Hs
    hdec = jax.nn.relu(fused @ W1 + b1)
    logits = hdec @ W2 + b2
    return logits

if __name__ == "__main__":
    import jax
    _d = setup_inputs()
    print(jax.jit(kernel)(*tuple(_d.values())))

</pallas_src>

<mosaic_0001>
#map = affine_map<(d0, d1) -> (0, 0)>
#map1 = affine_map<(d0, d1) -> (0, 0, 0)>
module attributes {stable_mosaic.version = 14 : i64} {
  func.func @_sc_edge_body(%arg0: i32, %arg1: i32, %arg2: memref<2x320000xi32, #tpu.memory_space<hbm>>, %arg3: memref<10000x144xf32, #tpu.memory_space<hbm>>, %arg4: memref<10000x144xf32, #tpu.memory_space<hbm>>, %arg5: memref<10000x16xf32, #tpu.memory_space<hbm>>, %arg6: memref<10000x144xf32, #tpu.memory_space<hbm>>, %arg7: memref<2x10000x144xf32, #tpu.memory_space<hbm>>, %arg8: memref<80x144xf32, #tpu.memory_space<vmem>>, %arg9: memref<80x144xf32, #tpu.memory_space<vmem>>, %arg10: memref<80x144xf32, #tpu.memory_space<vmem>>, %arg11: memref<80x16xf32, #tpu.memory_space<vmem>>, %arg12: memref<80x16xf32, #tpu.memory_space<vmem>>, %arg13: memref<80x16xf32, #tpu.memory_space<vmem>>, %arg14: memref<2x80xi32, #tpu.memory_space<vmem>>, %arg15: memref<2x80xi32, #tpu.memory_space<vmem>>, %arg16: memref<2x80xi32, #tpu.memory_space<vmem>>, %arg17: memref<10000x144xf32, #tpu.memory_space<vmem_shared>>, %arg18: memref<!tpu.dma_semaphore, #tpu.memory_space<semaphore_mem>>, %arg19: memref<!tpu.dma_semaphore, #tpu.memory_space<semaphore_mem>>, %arg20: memref<!tpu.dma_semaphore, #tpu.memory_space<semaphore_mem>>, %arg21: memref<!tpu.dma_semaphore, #tpu.memory_space<semaphore_mem>>, %arg22: memref<!tpu.dma_semaphore, #tpu.memory_space<semaphore_mem>>, %arg23: memref<!tpu.dma_semaphore, #tpu.memory_space<semaphore_mem>>, %arg24: memref<!tpu.dma_semaphore, #tpu.memory_space<semaphore_mem>>, %arg25: memref<!tpu.dma_semaphore, #tpu.memory_space<semaphore_mem>>, %arg26: memref<!tpu.dma_semaphore, #tpu.memory_space<semaphore_mem>>, %arg27: memref<!tpu.dma_semaphore, #tpu.memory_space<semaphore_mem>>, %arg28: memref<!tpu.dma_semaphore, #tpu.memory_space<semaphore_mem>>, %arg29: memref<!tpu.dma_semaphore, #tpu.memory_space<semaphore_mem>>) attributes {dimension_semantics = [#tpu.dimension_semantics<core_parallel>, #tpu.dimension_semantics<subcore_parallel>], iteration_bounds = array<i64: 2, 16>, scalar_prefetch = 0 : i64, scratch_operands = 22 : i64, tpu.core_type = #tpu.core_type<sc_vector_subcore>, window_params = [{transform_indices = #map}, {transform_indices = #map}, {transform_indices = #map}, {transform_indices = #map}, {transform_indices = #map}, {transform_indices = #map1}]} {
    %mul3A = arith.constant 625 : i32
    %mul3A_0 = arith.muli %arg1, %mul3A : i32
    "tpu.region"() ({
      %run_scoped3A = tpu.sem_alloc : memref<!tpu.dma_semaphore, #tpu.memory_space<semaphore_mem>>
      %dma_start3A = arith.constant 0 : i32
      %dma_start3A_13 = tpu.memref_slice %arg17[%mul3A_0, %dma_start3A] : memref<10000x144xf32, #tpu.memory_space<vmem_shared>> -> memref<625x144xf32, #tpu.memory_space<vmem_shared>>
      %dma_start3A_14 = arith.constant 0 : i32
      %dma_start3A_15 = tpu.memref_slice %arg6[%mul3A_0, %dma_start3A_14] : memref<10000x144xf32, #tpu.memory_space<hbm>> -> memref<625x144xf32, #tpu.memory_space<hbm>>
      tpu.enqueue_dma source(%dma_start3A_15 : memref<625x144xf32, #tpu.memory_space<hbm>>) target(%dma_start3A_13 : memref<625x144xf32, #tpu.memory_space<vmem_shared>>) target_semaphore(%run_scoped3A : memref<!tpu.dma_semaphore, #tpu.memory_space<semaphore_mem>>)
      %dma_wait3A = arith.constant 0 : i32
      %dma_wait3A_16 = tpu.memref_slice %arg17[%mul3A_0, %dma_wait3A] : memref<10000x144xf32, #tpu.memory_space<vmem_shared>> -> memref<625x144xf32, #tpu.memory_space<vmem_shared>>
      %dma_wait3A_17 = arith.constant 0 : i32
      %dma_wait3A_18 = tpu.memref_slice %arg6[%mul3A_0, %dma_wait3A_17] : memref<10000x144xf32, #tpu.memory_space<hbm>> -> memref<625x144xf32, #tpu.memory_space<hbm>>
      tpu.wait_dma2 semaphore(%run_scoped3A : memref<!tpu.dma_semaphore, #tpu.memory_space<semaphore_mem>>) src(%dma_wait3A_18 : memref<625x144xf32, #tpu.memory_space<hbm>>) dst(%dma_wait3A_16 : memref<625x144xf32, #tpu.memory_space<vmem_shared>>)
      tpu.yield
    }) : () -> ()
    %barrier3A = arith.constant 0 : index
    tpu.barrier barrier_id(%barrier3A)
    %mul3A_1 = arith.constant 20000 : i32
    %mul3A_2 = arith.muli %arg1, %mul3A_1 : i32
    %iota3A = tpu.iota {dimensions = array<i32: 0>} : vector<16xi32>
    %and3A = arith.constant 3 : i32
    %and3A_3 = vector.broadcast %and3A : i32 to vector<16xi32>
    %and3A_4 = arith.andi %iota3A, %and3A_3 : vector<16xi32>
    %eq3A = arith.constant 0 : i32
    %eq3A_5 = arith.cmpi eq, %arg0, %eq3A : i32
    %convert_element_type3A = arith.extui %eq3A_5 : i1 to i32
    %cond3A = arith.constant 0 : i32
    %cond3A_6 = arith.cmpi ne, %convert_element_type3A, %cond3A : i32
    scf.if %cond3A_6 {
      "tpu.region"() ({
        %run_scoped3A = tpu.sem_alloc : memref<!tpu.dma_semaphore, #tpu.memory_space<semaphore_mem>>
        %dma_start3A_230 = arith.constant 0 : i32
        %dma_start3A_231 = tpu.memref_slice %arg2[%dma_start3A_230, %mul3A_2] : memref<2x320000xi32, #tpu.memory_space<hbm>> -> memref<2x80xi32, #tpu.memory_space<hbm>>
        %dma_start3A_232 = arith.constant 0 : i32
        %dma_start3A_233 = tpu.memref_slice %arg2[%dma_start3A_232, %mul3A_2] : memref<2x320000xi32, #tpu.memory_space<hbm>> -> memref<2x80xi32, #tpu.memory_space<hbm>>
        tpu.enqueue_dma source(%dma_start3A_233 : memref<2x80xi32, #tpu.memory_space<hbm>>) target(%arg14 : memref<2x80xi32, #tpu.memory_space<vmem>>) target_semaphore(%run_scoped3A : memref<!tpu.dma_semaphore, #tpu.memory_space<semaphore_mem>>)
        %dma_wait3A_234 = arith.constant 0 : i32
        %dma_wait3A_235 = tpu.memref_slice %arg2[%dma_wait3A_234, %mul3A_2] : memref<2x320000xi32, #tpu.memory_space<hbm>> -> memref<2x80xi32, #tpu.memory_space<hbm>>
        %dma_wait3A_236 = arith.constant 0 : i32
        %dma_wait3A_237 = tpu.memref_slice %arg2[%dma_wait3A_236, %mul3A_2] : memref<2x320000xi32, #tpu.memory_space<hbm>> -> memref<2x80xi32, #tpu.memory_space<hbm>>
        tpu.wait_dma2 semaphore(%run_scoped3A : memref<!tpu.dma_semaphore, #tpu.memory_space<semaphore_mem>>) src(%dma_wait3A_237 : memref<2x80xi32, #tpu.memory_space<hbm>>) dst(%arg14 : memref<2x80xi32, #tpu.memory_space<vmem>>)
        tpu.yield
      }) : () -> ()
      %dma_start3A = arith.constant 0 : i32
      %dma_start3A_13 = arith.constant 0 : i32
      %dma_start3A_14 = tpu.memref_slice %arg14[%dma_start3A, %dma_start3A_13] : memref<2x80xi32, #tpu.memory_space<vmem>> -> memref<1x80xi32, #tpu.memory_space<vmem>>
      %dma_start3A_15 = tpu.memref_squeeze %dma_start3A_14 : memref<1x80xi32, #tpu.memory_space<vmem>> -> memref<80xi32, #tpu.memory_space<vmem>>
      %dma_start3A_16 = arith.constant 0 : i32
      %dma_start3A_17 = arith.constant 0 : i32
      %dma_start3A_18 = tpu.memref_slice %arg3[%dma_start3A_16, %dma_start3A_17] : memref<10000x144xf32, #tpu.memory_space<hbm>> -> memref<10000x144xf32, #tpu.memory_space<hbm>>
      tpu.enqueue_indirect_dma source(%dma_start3A_18 : memref<10000x144xf32, #tpu.memory_space<hbm>>) target(%arg8 : memref<80x144xf32, #tpu.memory_space<vmem>>) offsets(%dma_start3A_15 : memref<80xi32, #tpu.memory_space<vmem>>) semaphore(%arg18 : memref<!tpu.dma_semaphore, #tpu.memory_space<semaphore_mem>>)
      %dma_start3A_19 = arith.constant 1 : i32
      %dma_start3A_20 = arith.constant 0 : i32
      %dma_start3A_21 = tpu.memref_slice %arg14[%dma_start3A_19, %dma_start3A_20] : memref<2x80xi32, #tpu.memory_space<vmem>> -> memref<1x80xi32, #tpu.memory_space<vmem>>
      %dma_start3A_22 = tpu.memref_squeeze %dma_start3A_21 : memref<1x80xi32, #tpu.memory_space<vmem>> -> memref<80xi32, #tpu.memory_space<vmem>>
      %dma_start3A_23 = arith.constant 0 : i32
      %dma_start3A_24 = arith.constant 0 : i32
      %dma_start3A_25 = tpu.memref_slice %arg5[%dma_start3A_23, %dma_start3A_24] : memref<10000x16xf32, #tpu.memory_space<hbm>> -> memref<10000x16xf32, #tpu.memory_space<hbm>>
      tpu.enqueue_indirect_dma source(%dma_start3A_25 : memref<10000x16xf32, #tpu.memory_space<hbm>>) target(%arg11 : memref<80x16xf32, #tpu.memory_space<vmem>>) offsets(%dma_start3A_22 : memref<80xi32, #tpu.memory_space<vmem>>) semaphore(%arg21 : memref<!tpu.dma_semaphore, #tpu.memory_space<semaphore_mem>>)
      %add3A = arith.constant 80 : i32
      %add3A_26 = arith.addi %mul3A_2, %add3A : i32
      %dma_start3A_27 = arith.constant 0 : i32
      %dma_start3A_28 = tpu.memref_slice %arg2[%dma_start3A_27, %add3A_26] : memref<2x320000xi32, #tpu.memory_space<hbm>> -> memref<2x80xi32, #tpu.memory_space<hbm>>
      %dma_start3A_29 = arith.constant 0 : i32
      %dma_start3A_30 = tpu.memref_slice %arg2[%dma_start3A_29, %add3A_26] : memref<2x320000xi32, #tpu.memory_space<hbm>> -> memref<2x80xi32, #tpu.memory_space<hbm>>
      tpu.enqueue_dma source(%dma_start3A_30 : memref<2x80xi32, #tpu.memory_space<hbm>>) target(%arg15 : memref<2x80xi32, #tpu.memory_space<vmem>>) target_semaphore(%arg25 : memref<!tpu.dma_semaphore, #tpu.memory_space<semaphore_mem>>)
      %dma_wait3A = arith.constant 0 : i32
      %dma_wait3A_31 = arith.constant 0 : i32
      %dma_wait3A_32 = tpu.memref_slice %arg14[%dma_wait3A, %dma_wait3A_31] : memref<2x80xi32, #tpu.memory_space<vmem>> -> memref<1x80xi32, #tpu.memory_space<vmem>>
      %dma_wait3A_33 = tpu.memref_squeeze %dma_wait3A_32 : memref<1x80xi32, #tpu.memory_space<vmem>> -> memref<80xi32, #tpu.memory_space<vmem>>
      %dma_wait3A_34 = arith.constant 0 : i32
      %dma_wait3A_35 = arith.constant 0 : i32
      %dma_wait3A_36 = tpu.memref_slice %arg3[%dma_wait3A_34, %dma_wait3A_35] : memref<10000x144xf32, #tpu.memory_space<hbm>> -> memref<10000x144xf32, #tpu.memory_space<hbm>>
      tpu.wait_indirect_dma semaphore(%arg18 : memref<!tpu.dma_semaphore, #tpu.memory_space<semaphore_mem>>) src(%dma_wait3A_36 : memref<10000x144xf32, #tpu.memory_space<hbm>>) dst(%arg8 : memref<80x144xf32, #tpu.memory_space<vmem>>)
      %dma_wait3A_37 = arith.constant 1 : i32
      %dma_wait3A_38 = arith.constant 0 : i32
      %dma_wait3A_39 = tpu.memref_slice %arg14[%dma_wait3A_37, %dma_wait3A_38] : memref<2x80xi32, #tpu.memory_space<vmem>> -> memref<1x80xi32, #tpu.memory_space<vmem>>
      %dma_wait3A_40 = tpu.memref_squeeze %dma_wait3A_39 : memref<1x80xi32, #tpu.memory_space<vmem>> -> memref<80xi32, #tpu.memory_space<vmem>>
      %dma_wait3A_41 = arith.constant 0 : i32
      %dma_wait3A_42 = arith.constant 0 : i32
      %dma_wait3A_43 = tpu.memref_slice %arg5[%dma_wait3A_41, %dma_wait3A_42] : memref<10000x16xf32, #tpu.memory_space<hbm>> -> memref<10000x16xf32, #tpu.memory_space<hbm>>
      tpu.wait_indirect_dma semaphore(%arg21 : memref<!tpu.dma_semaphore, #tpu.memory_space<semaphore_mem>>) src(%dma_wait3A_43 : memref<10000x16xf32, #tpu.memory_space<hbm>>) dst(%arg11 : memref<80x16xf32, #tpu.memory_space<vmem>>)
      %dma_wait3A_44 = arith.constant 0 : i32
      %dma_wait3A_45 = arith.constant 0 : i32
      %dma_wait3A_46 = tpu.memref_slice %arg2[%dma_wait3A_44, %dma_wait3A_45] : memref<2x320000xi32, #tpu.memory_space<hbm>> -> memref<2x80xi32, #tpu.memory_space<hbm>>
      %dma_wait3A_47 = arith.constant 0 : i32
      %dma_wait3A_48 = arith.constant 0 : i32
      %dma_wait3A_49 = tpu.memref_slice %arg2[%dma_wait3A_47, %dma_wait3A_48] : memref<2x320000xi32, #tpu.memory_space<hbm>> -> memref<2x80xi32, #tpu.memory_space<hbm>>
      tpu.wait_dma2 semaphore(%arg25 : memref<!tpu.dma_semaphore, #tpu.memory_space<semaphore_mem>>) src(%dma_wait3A_49 : memref<2x80xi32, #tpu.memory_space<hbm>>) dst(%arg15 : memref<2x80xi32, #tpu.memory_space<vmem>>)
      %dma_start3A_50 = arith.constant 0 : i32
      %dma_start3A_51 = arith.constant 0 : i32
      %dma_start3A_52 = tpu.memref_slice %arg15[%dma_start3A_50, %dma_start3A_51] : memref<2x80xi32, #tpu.memory_space<vmem>> -> memref<1x80xi32, #tpu.memory_space<vmem>>
      %dma_start3A_53 = tpu.memref_squeeze %dma_start3A_52 : memref<1x80xi32, #tpu.memory_space<vmem>> -> memref<80xi32, #tpu.memory_space<vmem>>
      %dma_start3A_54 = arith.constant 0 : i32
      %dma_start3A_55 = arith.constant 0 : i32
      %dma_start3A_56 = tpu.memref_slice %arg3[%dma_start3A_54, %dma_start3A_55] : memref<10000x144xf32, #tpu.memory_space<hbm>> -> memref<10000x144xf32, #tpu.memory_space<hbm>>
      tpu.enqueue_indirect_dma source(%dma_start3A_56 : memref<10000x144xf32, #tpu.memory_space<hbm>>) target(%arg9 : memref<80x144xf32, #tpu.memory_space<vmem>>) offsets(%dma_start3A_53 : memref<80xi32, #tpu.memory_space<vmem>>) semaphore(%arg19 : memref<!tpu.dma_semaphore, #tpu.memory_space<semaphore_mem>>)
      %dma_start3A_57 = arith.constant 1 : i32
      %dma_start3A_58 = arith.constant 0 : i32
      %dma_start3A_59 = tpu.memref_slice %arg15[%dma_start3A_57, %dma_start3A_58] : memref<2x80xi32, #tpu.memory_space<vmem>> -> memref<1x80xi32, #tpu.memory_space<vmem>>
      %dma_start3A_60 = tpu.memref_squeeze %dma_start3A_59 : memref<1x80xi32, #tpu.memory_space<vmem>> -> memref<80xi32, #tpu.memory_space<vmem>>
      %dma_start3A_61 = arith.constant 0 : i32
      %dma_start3A_62 = arith.constant 0 : i32
      %dma_start3A_63 = tpu.memref_slice %arg5[%dma_start3A_61, %dma_start3A_62] : memref<10000x16xf32, #tpu.memory_space<hbm>> -> memref<10000x16xf32, #tpu.memory_space<hbm>>
      tpu.enqueue_indirect_dma source(%dma_start3A_63 : memref<10000x16xf32, #tpu.memory_space<hbm>>) target(%arg12 : memref<80x16xf32, #tpu.memory_space<vmem>>) offsets(%dma_start3A_60 : memref<80xi32, #tpu.memory_space<vmem>>) semaphore(%arg22 : memref<!tpu.dma_semaphore, #tpu.memory_space<semaphore_mem>>)
      %parallel_loop3A = arith.constant 0 : i32
      %parallel_loop3A_64 = arith.constant 80 : i32
      %parallel_loop3A_65 = arith.constant 1 : i32
      scf.for %parallel_loop3A_230 = %parallel_loop3A to %parallel_loop3A_64 step %parallel_loop3A_65  : i32 {
        %parallel_loop3A_231 = arith.index_cast %parallel_loop3A_230 : i32 to index
        %parallel_loop3A_232 = arith.constant 128 : index
        %parallel_loop3A_233 = tpu.vector_load %arg8[%parallel_loop3A_231, %parallel_loop3A_232] {strides = array<i32>} : memref<80x144xf32, #tpu.memory_space<vmem>>, vector<16xf32>,
        %parallel_loop3A_234 = arith.index_cast %parallel_loop3A_230 : i32 to index
        %parallel_loop3A_235 = arith.constant 0 : index
        %parallel_loop3A_236 = tpu.vector_load %arg11[%parallel_loop3A_234, %parallel_loop3A_235] {strides = array<i32>} : memref<80x16xf32, #tpu.memory_space<vmem>>, vector<16xf32>,
        %parallel_loop3A_237 = arith.constant 0 : i32
        %parallel_loop3A_238 = vector.broadcast %parallel_loop3A_237 : i32 to vector<16xi32>
        %parallel_loop3A_239 = arith.addi %parallel_loop3A_238, %and3A_4 : vector<16xi32>
        %parallel_loop3A_240 = vector.shape_cast %parallel_loop3A_239 : vector<16xi32> to vector<16x1xi32>
        %parallel_loop3A_241 = vector.shape_cast %parallel_loop3A_240 : vector<16x1xi32> to vector<16xi32>
        %parallel_loop3A_242 = tpu.dynamic_gather %parallel_loop3A_236[%parallel_loop3A_241] in [0] : vector<16xf32>, vector<16xi32> -> vector<16xf32>
        %parallel_loop3A_243 = arith.constant 4 : i32
        %parallel_loop3A_244 = vector.broadcast %parallel_loop3A_243 : i32 to vector<16xi32>
        %parallel_loop3A_245 = arith.addi %parallel_loop3A_244, %and3A_4 : vector<16xi32>
        %parallel_loop3A_246 = vector.shape_cast %parallel_loop3A_245 : vector<16xi32> to vector<16x1xi32>
        %parallel_loop3A_247 = vector.shape_cast %parallel_loop3A_246 : vector<16x1xi32> to vector<16xi32>
        %parallel_loop3A_248 = tpu.dynamic_gather %parallel_loop3A_236[%parallel_loop3A_247] in [0] : vector<16xf32>, vector<16xi32> -> vector<16xf32>
        %parallel_loop3A_249 = arith.addf %parallel_loop3A_233, %parallel_loop3A_242 : vector<16xf32>
        %parallel_loop3A_250 = arith.constant 0.000000e+00 : f32
        %parallel_loop3A_251 = vector.broadcast %parallel_loop3A_250 : f32 to vector<16xf32>
        %parallel_loop3A_252 = arith.cmpf ogt, %parallel_loop3A_249, %parallel_loop3A_251 : vector<16xf32>
        %parallel_loop3A_253 = arith.constant 2.000000e-01 : f32
        %parallel_loop3A_254 = vector.broadcast %parallel_loop3A_253 : f32 to vector<16xf32>
        %parallel_loop3A_255 = arith.mulf %parallel_loop3A_254, %parallel_loop3A_249 : vector<16xf32>
        %parallel_loop3A_256 = arith.select %parallel_loop3A_252, %parallel_loop3A_249, %parallel_loop3A_255 : vector<16xi1>, vector<16xf32>
        %parallel_loop3A_257 = arith.subf %parallel_loop3A_256, %parallel_loop3A_248 : vector<16xf32>
        %parallel_loop3A_258 = math.exp %parallel_loop3A_257 : vector<16xf32>
        %parallel_loop3A_259 = arith.index_cast %parallel_loop3A_230 : i32 to index
        %parallel_loop3A_260 = arith.constant 128 : index
        %parallel_loop3A_261 = tpu.vector_load %arg8[%parallel_loop3A_259, %parallel_loop3A_260] {strides = array<i32>} : memref<80x144xf32, #tpu.memory_space<vmem>>, vector<16xf32>,
        tpu.vector_store %arg8[%parallel_loop3A_259, %parallel_loop3A_260], %parallel_loop3A_258 {strides = array<i32>} : memref<80x144xf32, #tpu.memory_space<vmem>>, vector<16xf32>,
        %parallel_loop3A_262 = arith.index_cast %parallel_loop3A_230 : i32 to index
        %parallel_loop3A_263 = arith.constant 0 : index
        %parallel_loop3A_264 = tpu.vector_load %arg8[%parallel_loop3A_262, %parallel_loop3A_263] {strides = array<i32>} : memref<80x144xf32, #tpu.memory_space<vmem>>, vector<16xf32>,
        %parallel_loop3A_265 = arith.mulf %parallel_loop3A_264, %parallel_loop3A_258 : vector<16xf32>
        %parallel_loop3A_266 = arith.index_cast %parallel_loop3A_230 : i32 to index
        %parallel_loop3A_267 = arith.constant 0 : index
        %parallel_loop3A_268 = tpu.vector_load %arg8[%parallel_loop3A_266, %parallel_loop3A_267] {strides = array<i32>} : memref<80x144xf32, #tpu.memory_space<vmem>>, vector<16xf32>,
        tpu.vector_store %arg8[%parallel_loop3A_266, %parallel_loop3A_267], %parallel_loop3A_265 {strides = array<i32>} : memref<80x144xf32, #tpu.memory_space<vmem>>, vector<16xf32>,
        %parallel_loop3A_269 = arith.index_cast %parallel_loop3A_230 : i32 to index
        %parallel_loop3A_270 = arith.constant 16 : index
        %parallel_loop3A_271 = tpu.vector_load %arg8[%parallel_loop3A_269, %parallel_loop3A_270] {strides = array<i32>} : memref<80x144xf32, #tpu.memory_space<vmem>>, vector<16xf32>,
        %parallel_loop3A_272 = arith.mulf %parallel_loop3A_271, %parallel_loop3A_258 : vector<16xf32>
        %parallel_loop3A_273 = arith.index_cast %parallel_loop3A_230 : i32 to index
        %parallel_loop3A_274 = arith.constant 16 : index
        %parallel_loop3A_275 = tpu.vector_load %arg8[%parallel_loop3A_273, %parallel_loop3A_274] {strides = array<i32>} : memref<80x144xf32, #tpu.memory_space<vmem>>, vector<16xf32>,
        tpu.vector_store %arg8[%parallel_loop3A_273, %parallel_loop3A_274], %parallel_loop3A_272 {strides = array<i32>} : memref<80x144xf32, #tpu.memory_space<vmem>>, vector<16xf32>,
        %parallel_loop3A_276 = arith.index_cast %parallel_loop3A_230 : i32 to index
        %parallel_loop3A_277 = arith.constant 32 : index
        %parallel_loop3A_278 = tpu.vector_load %arg8[%parallel_loop3A_276, %parallel_loop3A_277] {strides = array<i32>} : memref<80x144xf32, #tpu.memory_space<vmem>>, vector<16xf32>,
        %parallel_loop3A_279 = arith.mulf %parallel_loop3A_278, %parallel_loop3A_258 : vector<16xf32>
        %parallel_loop3A_280 = arith.index_cast %parallel_loop3A_230 : i32 to index
        %parallel_loop3A_281 = arith.constant 32 : index
        %parallel_loop3A_282 = tpu.vector_load %arg8[%parallel_loop3A_280, %parallel_loop3A_281] {strides = array<i32>} : memref<80x144xf32, #tpu.memory_space<vmem>>, vector<16xf32>,
        tpu.vector_store %arg8[%parallel_loop3A_280, %parallel_loop3A_281], %parallel_loop3A_279 {strides = array<i32>} : memref<80x144xf32, #tpu.memory_space<vmem>>, vector<16xf32>,
        %parallel_loop3A_283 = arith.index_cast %parallel_loop3A_230 : i32 to index
        %parallel_loop3A_284 = arith.constant 48 : index
        %parallel_loop3A_285 = tpu.vector_load %arg8[%parallel_loop3A_283, %parallel_loop3A_284] {strides = array<i32>} : memref<80x144xf32, #tpu.memory_space<vmem>>, vector<16xf32>,
        %parallel_loop3A_286 = arith.mulf %parallel_loop3A_285, %parallel_loop3A_258 : vector<16xf32>
        %parallel_loop3A_287 = arith.index_cast %parallel_loop3A_230 : i32 to index
        %parallel_loop3A_288 = arith.constant 48 : index
        %parallel_loop3A_289 = tpu.vector_load %arg8[%parallel_loop3A_287, %parallel_loop3A_288] {strides = array<i32>} : memref<80x144xf32, #tpu.memory_space<vmem>>, vector<16xf32>,
        tpu.vector_store %arg8[%parallel_loop3A_287, %parallel_loop3A_288], %parallel_loop3A_286 {strides = array<i32>} : memref<80x144xf32, #tpu.memory_space<vmem>>, vector<16xf32>,
        %parallel_loop3A_290 = arith.index_cast %parallel_loop3A_230 : i32 to index
        %parallel_loop3A_291 = arith.constant 64 : index
        %parallel_loop3A_292 = tpu.vector_load %arg8[%parallel_loop3A_290, %parallel_loop3A_291] {strides = array<i32>} : memref<80x144xf32, #tpu.memory_space<vmem>>, vector<16xf32>,
        %parallel_loop3A_293 = arith.mulf %parallel_loop3A_292, %parallel_loop3A_258 : vector<16xf32>
        %parallel_loop3A_294 = arith.index_cast %parallel_loop3A_230 : i32 to index
        %parallel_loop3A_295 = arith.constant 64 : index
        %parallel_loop3A_296 = tpu.vector_load %arg8[%parallel_loop3A_294, %parallel_loop3A_295] {strides = array<i32>} : memref<80x144xf32, #tpu.memory_space<vmem>>, vector<16xf32>,
        tpu.vector_store %arg8[%parallel_loop3A_294, %parallel_loop3A_295], %parallel_loop3A_293 {strides = array<i32>} : memref<80x144xf32, #tpu.memory_space<vmem>>, vector<16xf32>,
        %parallel_loop3A_297 = arith.index_cast %parallel_loop3A_230 : i32 to index
        %parallel_loop3A_298 = arith.constant 80 : index
        %parallel_loop3A_299 = tpu.vector_load %arg8[%parallel_loop3A_297, %parallel_loop3A_298] {strides = array<i32>} : memref<80x144xf32, #tpu.memory_space<vmem>>, vector<16xf32>,
        %parallel_loop3A_300 = arith.mulf %parallel_loop3A_299, %parallel_loop3A_258 : vector<16xf32>
        %parallel_loop3A_301 = arith.index_cast %parallel_loop3A_230 : i32 to index
        %parallel_loop3A_302 = arith.constant 80 : index
        %parallel_loop3A_303 = tpu.vector_load %arg8[%parallel_loop3A_301, %parallel_loop3A_302] {strides = array<i32>} : memref<80x144xf32, #tpu.memory_space<vmem>>, vector<16xf32>,
        tpu.vector_store %arg8[%parallel_loop3A_301, %parallel_loop3A_302], %parallel_loop3A_300 {strides = array<i32>} : memref<80x144xf32, #tpu.memory_space<vmem>>, vector<16xf32>,
        %parallel_loop3A_304 = arith.index_cast %parallel_loop3A_230 : i32 to index
        %parallel_loop3A_305 = arith.constant 96 : index
        %parallel_loop3A_306 = tpu.vector_load %arg8[%parallel_loop3A_304, %parallel_loop3A_305] {strides = array<i32>} : memref<80x144xf32, #tpu.memory_space<vmem>>, vector<16xf32>,
        %parallel_loop3A_307 = arith.mulf %parallel_loop3A_306, %parallel_loop3A_258 : vector<16xf32>
        %parallel_loop3A_308 = arith.index_cast %parallel_loop3A_230 : i32 to index
        %parallel_loop3A_309 = arith.constant 96 : index
        %parallel_loop3A_310 = tpu.vector_load %arg8[%parallel_loop3A_308, %parallel_loop3A_309] {strides = array<i32>} : memref<80x144xf32, #tpu.memory_space<vmem>>, vector<16xf32>,
        tpu.vector_store %arg8[%parallel_loop3A_308, %parallel_loop3A_309], %parallel_loop3A_307 {strides = array<i32>} : memref<80x144xf32, #tpu.memory_space<vmem>>, vector<16xf32>,
        %parallel_loop3A_311 = arith.index_cast %parallel_loop3A_230 : i32 to index
        %parallel_loop3A_312 = arith.constant 112 : index
        %parallel_loop3A_313 = tpu.vector_load %arg8[%parallel_loop3A_311, %parallel_loop3A_312] {strides = array<i32>} : memref<80x144xf32, #tpu.memory_space<vmem>>, vector<16xf32>,
        %parallel_loop3A_314 = arith.mulf %parallel_loop3A_313, %parallel_loop3A_258 : vector<16xf32>
        %parallel_loop3A_315 = arith.index_cast %parallel_loop3A_230 : i32 to index
        %parallel_loop3A_316 = arith.constant 112 : index
        %parallel_loop3A_317 = tpu.vector_load %arg8[%parallel_loop3A_315, %parallel_loop3A_316] {strides = array<i32>} : memref<80x144xf32, #tpu.memory_space<vmem>>, vector<16xf32>,
        tpu.vector_store %arg8[%parallel_loop3A_315, %parallel_loop3A_316], %parallel_loop3A_314 {strides = array<i32>} : memref<80x144xf32, #tpu.memory_space<vmem>>, vector<16xf32>,
      } {sc.loop_unroll_factor = 4 : i64, sc.parallel_access}
      %dma_start3A_66 = arith.constant 1 : i32
      %dma_start3A_67 = arith.constant 0 : i32
      %dma_start3A_68 = tpu.memref_slice %arg14[%dma_start3A_66, %dma_start3A_67] : memref<2x80xi32, #tpu.memory_space<vmem>> -> memref<1x80xi32, #tpu.memory_space<vmem>>
      %dma_start3A_69 = tpu.memref_squeeze %dma_start3A_68 : memref<1x80xi32, #tpu.memory_space<vmem>> -> memref<80xi32, #tpu.memory_space<vmem>>
      %dma_start3A_70 = arith.constant 0 : i32
      %dma_start3A_71 = arith.constant 0 : i32
      %dma_start3A_72 = tpu.memref_slice %arg17[%dma_start3A_70, %dma_start3A_71] : memref<10000x144xf32, #tpu.memory_space<vmem_shared>> -> memref<10000x144xf32, #tpu.memory_space<vmem_shared>>
      tpu.enqueue_indirect_dma source(%arg8 : memref<80x144xf32, #tpu.memory_space<vmem>>) target(%dma_start3A_72 : memref<10000x144xf32, #tpu.memory_space<vmem_shared>>) offsets(%dma_start3A_69 : memref<80xi32, #tpu.memory_space<vmem>>) semaphore(%arg27 : memref<!tpu.dma_semaphore, #tpu.memory_space<semaphore_mem>>) {add = true}
      %add3A_73 = arith.constant 160 : i32
      %add3A_74 = arith.addi %mul3A_2, %add3A_73 : i32
      %dma_start3A_75 = arith.constant 0 : i32
      %dma_start3A_76 = tpu.memref_slice %arg2[%dma_start3A_75, %add3A_74] : memref<2x320000xi32, #tpu.memory_space<hbm>> -> memref<2x80xi32, #tpu.memory_space<hbm>>
      %dma_start3A_77 = arith.constant 0 : i32
      %dma_start3A_78 = tpu.memref_slice %arg2[%dma_start3A_77, %add3A_74] : memref<2x320000xi32, #tpu.memory_space<hbm>> -> memref<2x80xi32, #tpu.memory_space<hbm>>
      tpu.enqueue_dma source(%dma_start3A_78 : memref<2x80xi32, #tpu.memory_space<hbm>>) target(%arg16 : memref<2x80xi32, #tpu.memory_space<vmem>>) target_semaphore(%arg26 : memref<!tpu.dma_semaphore, #tpu.memory_space<semaphore_mem>>)
      %dma_wait3A_79 = arith.constant 0 : i32
      %dma_wait3A_80 = arith.constant 0 : i32
      %dma_wait3A_81 = tpu.memref_slice %arg15[%dma_wait3A_79, %dma_wait3A_80] : memref<2x80xi32, #tpu.memory_space<vmem>> -> memref<1x80xi32, #tpu.memory_space<vmem>>
      %dma_wait3A_82 = tpu.memref_squeeze %dma_wait3A_81 : memref<1x80xi32, #tpu.memory_space<vmem>> -> memref<80xi32, #tpu.memory_space<vmem>>
      %dma_wait3A_83 = arith.constant 0 : i32
      %dma_wait3A_84 = arith.constant 0 : i32
      %dma_wait3A_85 = tpu.memref_slice %arg3[%dma_wait3A_83, %dma_wait3A_84] : memref<10000x144xf32, #tpu.memory_space<hbm>> -> memref<10000x144xf32, #tpu.memory_space<hbm>>
      tpu.wait_indirect_dma semaphore(%arg19 : memref<!tpu.dma_semaphore, #tpu.memory_space<semaphore_mem>>) src(%dma_wait3A_85 : memref<10000x144xf32, #tpu.memory_space<hbm>>) dst(%arg9 : memref<80x144xf32, #tpu.memory_space<vmem>>)
      %dma_wait3A_86 = arith.constant 1 : i32
      %dma_wait3A_87 = arith.constant 0 : i32
      %dma_wait3A_88 = tpu.memref_slice %arg15[%dma_wait3A_86, %dma_wait3A_87] : memref<2x80xi32, #tpu.memory_space<vmem>> -> memref<1x80xi32, #tpu.memory_space<vmem>>
      %dma_wait3A_89 = tpu.memref_squeeze %dma_wait3A_88 : memref<1x80xi32, #tpu.memory_space<vmem>> -> memref<80xi32, #tpu.memory_space<vmem>>
      %dma_wait3A_90 = arith.constant 0 : i32
      %dma_wait3A_91 = arith.constant 0 : i32
      %dma_wait3A_92 = tpu.memref_slice %arg5[%dma_wait3A_90, %dma_wait3A_91] : memref<10000x16xf32, #tpu.memory_space<hbm>> -> memref<10000x16xf32, #tpu.memory_space<hbm>>
      tpu.wait_indirect_dma semaphore(%arg22 : memref<!tpu.dma_semaphore, #tpu.memory_space<semaphore_mem>>) src(%dma_wait3A_92 : memref<10000x16xf32, #tpu.memory_space<hbm>>) dst(%arg12 : memref<80x16xf32, #tpu.memory_space<vmem>>)
      %dma_wait3A_93 = arith.constant 0 : i32
      %dma_wait3A_94 = arith.constant 0 : i32
      %dma_wait3A_95 = tpu.memref_slice %arg2[%dma_wait3A_93, %dma_wait3A_94] : memref<2x320000xi32, #tpu.memory_space<hbm>> -> memref<2x80xi32, #tpu.memory_space<hbm>>
      %dma_wait3A_96 = arith.constant 0 : i32
      %dma_wait3A_97 = arith.constant 0 : i32
      %dma_wait3A_98 = tpu.memref_slice %arg2[%dma_wait3A_96, %dma_wait3A_97] : memref<2x320000xi32, #tpu.memory_space<hbm>> -> memref<2x80xi32, #tpu.memory_space<hbm>>
      tpu.wait_dma2 semaphore(%arg26 : memref<!tpu.dma_semaphore, #tpu.memory_space<semaphore_mem>>) src(%dma_wait3A_98 : memref<2x80xi32, #tpu.memory_space<hbm>>) dst(%arg16 : memref<2x80xi32, #tpu.memory_space<vmem>>)
      %dma_start3A_99 = arith.constant 0 : i32
      %dma_start3A_100 = arith.constant 0 : i32
      %dma_start3A_101 = tpu.memref_slice %arg16[%dma_start3A_99, %dma_start3A_100] : memref<2x80xi32, #tpu.memory_space<vmem>> -> memref<1x80xi32, #tpu.memory_space<vmem>>
      %dma_start3A_102 = tpu.memref_squeeze %dma_start3A_101 : memref<1x80xi32, #tpu.memory_space<vmem>> -> memref<80xi32, #tpu.memory_space<vmem>>
      %dma_start3A_103 = arith.constant 0 : i32
      %dma_start3A_104 = arith.constant 0 : i32
      %dma_start3A_105 = tpu.memref_slice %arg3[%dma_start3A_103, %dma_start3A_104] : memref<10000x144xf32, #tpu.memory_space<hbm>> -> memref<10000x144xf32, #tpu.memory_space<hbm>>
      tpu.enqueue_indirect_dma source(%dma_start3A_105 : memref<10000x144xf32, #tpu.memory_space<hbm>>) target(%arg10 : memref<80x144xf32, #tpu.memory_space<vmem>>) offsets(%dma_start3A_102 : memref<80xi32, #tpu.memory_space<vmem>>) semaphore(%arg20 : memref<!tpu.dma_semaphore, #tpu.memory_space<semaphore_mem>>)
      %dma_start3A_106 = arith.constant 1 : i32
      %dma_start3A_107 = arith.constant 0 : i32
      %dma_start3A_108 = tpu.memref_slice %arg16[%dma_start3A_106, %dma_start3A_107] : memref<2x80xi32, #tpu.memory_space<vmem>> -> memref<1x80xi32, #tpu.memory_space<vmem>>
      %dma_start3A_109 = tpu.memref_squeeze %dma_start3A_108 : memref<1x80xi32, #tpu.memory_space<vmem>> -> memref<80xi32, #tpu.memory_space<vmem>>
      %dma_start3A_110 = arith.constant 0 : i32
      %dma_start3A_111 = arith.constant 0 : i32
      %dma_start3A_112 = tpu.memref_slice %arg5[%dma_start3A_110, %dma_start3A_111] : memref<10000x16xf32, #tpu.memory_space<hbm>> -> memref<10000x16xf32, #tpu.memory_space<hbm>>
      tpu.enqueue_indirect_dma source(%dma_start3A_112 : memref<10000x16xf32, #tpu.memory_space<hbm>>) target(%arg13 : memref<80x16xf32, #tpu.memory_space<vmem>>) offsets(%dma_start3A_109 : memref<80xi32, #tpu.memory_space<vmem>>) semaphore(%arg23 : memref<!tpu.dma_semaphore, #tpu.memory_space<semaphore_mem>>)
      %parallel_loop3A_113 = arith.constant 0 : i32
      %parallel_loop3A_114 = arith.constant 80 : i32
      %parallel_loop3A_115 = arith.constant 1 : i32
      scf.for %parallel_loop3A_230 = %parallel_loop3A_113 to %parallel_loop3A_114 step %parallel_loop3A_115  : i32 {
        %parallel_loop3A_231 = arith.index_cast %parallel_loop3A_230 : i32 to index
        %parallel_loop3A_232 = arith.constant 128 : index
        %parallel_loop3A_233 = tpu.vector_load %arg9[%parallel_loop3A_231, %parallel_loop3A_232] {strides = array<i32>} : memref<80x144xf32, #tpu.memory_space<vmem>>, vector<16xf32>,
        %parallel_loop3A_234 = arith.index_cast %parallel_loop3A_230 : i32 to index
        %parallel_loop3A_235 = arith.constant 0 : index
        %parallel_loop3A_236 = tpu.vector_load %arg12[%parallel_loop3A_234, %parallel_loop3A_235] {strides = array<i32>} : memref<80x16xf32, #tpu.memory_space<vmem>>, vector<16xf32>,
        %parallel_loop3A_237 = arith.constant 0 : i32
        %parallel_loop3A_238 = vector.broadcast %parallel_loop3A_237 : i32 to vector<16xi32>
        %parallel_loop3A_239 = arith.addi %parallel_loop3A_238, %and3A_4 : vector<16xi32>
        %parallel_loop3A_240 = vector.shape_cast %parallel_loop3A_239 : vector<16xi32> to vector<16x1xi32>
        %parallel_loop3A_241 = vector.shape_cast %parallel_loop3A_240 : vector<16x1xi32> to vector<16xi32>
        %parallel_loop3A_242 = tpu.dynamic_gather %parallel_loop3A_236[%parallel_loop3A_241] in [0] : vector<16xf32>, vector<16xi32> -> vector<16xf32>
        %parallel_loop3A_243 = arith.constant 4 : i32
        %parallel_loop3A_244 = vector.broadcast %parallel_loop3A_243 : i32 to vector<16xi32>
        %parallel_loop3A_245 = arith.addi %parallel_loop3A_244, %and3A_4 : vector<16xi32>
        %parallel_loop3A_246 = vector.shape_cast %parallel_loop3A_245 : vector<16xi32> to vector<16x1xi32>
        %parallel_loop3A_247 = vector.shape_cast %parallel_loop3A_246 : vector<16x1xi32> to vector<16xi32>
        %parallel_loop3A_248 = tpu.dynamic_gather %parallel_loop3A_236[%parallel_loop3A_247] in [0] : vector<16xf32>, vector<16xi32> -> vector<16xf32>
        %parallel_loop3A_249 = arith.addf %parallel_loop3A_233, %parallel_loop3A_242 : vector<16xf32>
        %parallel_loop3A_250 = arith.constant 0.000000e+00 : f32
        %parallel_loop3A_251 = vector.broadcast %parallel_loop3A_250 : f32 to vector<16xf32>
        %parallel_loop3A_252 = arith.cmpf ogt, %parallel_loop3A_249, %parallel_loop3A_251 : vector<16xf32>
        %parallel_loop3A_253 = arith.constant 2.000000e-01 : f32
        %parallel_loop3A_254 = vector.broadcast %parallel_loop3A_253 : f32 to vector<16xf32>
        %parallel_loop3A_255 = arith.mulf %parallel_loop3A_254, %parallel_loop3A_249 : vector<16xf32>
        %parallel_loop3A_256 = arith.select %parallel_loop3A_252, %parallel_loop3A_249, %parallel_loop3A_255 : vector<16xi1>, vector<16xf32>
        %parallel_loop3A_257 = arith.subf %parallel_loop3A_256, %parallel_loop3A_248 : vector<16xf32>
        %parallel_loop3A_258 = math.exp %parallel_loop3A_257 : vector<16xf32>
        %parallel_loop3A_259 = arith.index_cast %parallel_loop3A_230 : i32 to index
        %parallel_loop3A_260 = arith.constant 128 : index
        %parallel_loop3A_261 = tpu.vector_load %arg9[%parallel_loop3A_259, %parallel_loop3A_260] {strides = array<i32>} : memref<80x144xf32, #tpu.memory_space<vmem>>, vector<16xf32>,
        tpu.vector_store %arg9[%parallel_loop3A_259, %parallel_loop3A_260], %parallel_loop3A_258 {strides = array<i32>} : memref<80x144xf32, #tpu.memory_space<vmem>>, vector<16xf32>,
        %parallel_loop3A_262 = arith.index_cast %parallel_loop3A_230 : i32 to index
        %parallel_loop3A_263 = arith.constant 0 : index
        %parallel_loop3A_264 = tpu.vector_load %arg9[%parallel_loop3A_262, %parallel_loop3A_263] {strides = array<i32>} : memref<80x144xf32, #tpu.memory_space<vmem>>, vector<16xf32>,
        %parallel_loop3A_265 = arith.mulf %parallel_loop3A_264, %parallel_loop3A_258 : vector<16xf32>
        %parallel_loop3A_266 = arith.index_cast %parallel_loop3A_230 : i32 to index
        %parallel_loop3A_267 = arith.constant 0 : index
        %parallel_loop3A_268 = tpu.vector_load %arg9[%parallel_loop3A_266, %parallel_loop3A_267] {strides = array<i32>} : memref<80x144xf32, #tpu.memory_space<vmem>>, vector<16xf32>,
        tpu.vector_store %arg9[%parallel_loop3A_266, %parallel_loop3A_267], %parallel_loop3A_265 {strides = array<i32>} : memref<80x144xf32, #tpu.memory_space<vmem>>, vector<16xf32>,
        %parallel_loop3A_269 = arith.index_cast %parallel_loop3A_230 : i32 to index
        %parallel_loop3A_270 = arith.constant 16 : index
        %parallel_loop3A_271 = tpu.vector_load %arg9[%parallel_loop3A_269, %parallel_loop3A_270] {strides = array<i32>} : memref<80x144xf32, #tpu.memory_space<vmem>>, vector<16xf32>,
        %parallel_loop3A_272 = arith.mulf %parallel_loop3A_271, %parallel_loop3A_258 : vector<16xf32>
        %parallel_loop3A_273 = arith.index_cast %parallel_loop3A_230 : i32 to index
        %parallel_loop3A_274 = arith.constant 16 : index
        %parallel_loop3A_275 = tpu.vector_load %arg9[%parallel_loop3A_273, %parallel_loop3A_274] {strides = array<i32>} : memref<80x144xf32, #tpu.memory_space<vmem>>, vector<16xf32>,
        tpu.vector_store %arg9[%parallel_loop3A_273, %parallel_loop3A_274], %parallel_loop3A_272 {strides = array<i32>} : memref<80x144xf32, #tpu.memory_space<vmem>>, vector<16xf32>,
        %parallel_loop3A_276 = arith.index_cast %parallel_loop3A_230 : i32 to index
        %parallel_loop3A_277 = arith.constant 32 : index
        %parallel_loop3A_278 = tpu.vector_load %arg9[%parallel_loop3A_276, %parallel_loop3A_277] {strides = array<i32>} : memref<80x144xf32, #tpu.memory_space<vmem>>, vector<16xf32>,
        %parallel_loop3A_279 = arith.mulf %parallel_loop3A_278, %parallel_loop3A_258 : vector<16xf32>
        %parallel_loop3A_280 = arith.index_cast %parallel_loop3A_230 : i32 to index
        %parallel_loop3A_281 = arith.constant 32 : index
        %parallel_loop3A_282 = tpu.vector_load %arg9[%parallel_loop3A_280, %parallel_loop3A_281] {strides = array<i32>} : memref<80x144xf32, #tpu.memory_space<vmem>>, vector<16xf32>,
        tpu.vector_store %arg9[%parallel_loop3A_280, %parallel_loop3A_281], %parallel_loop3A_279 {strides = array<i32>} : memref<80x144xf32, #tpu.memory_space<vmem>>, vector<16xf32>,
        %parallel_loop3A_283 = arith.index_cast %parallel_loop3A_230 : i32 to index
        %parallel_loop3A_284 = arith.constant 48 : index
        %parallel_loop3A_285 = tpu.vector_load %arg9[%parallel_loop3A_283, %parallel_loop3A_284] {strides = array<i32>} : memref<80x144xf32, #tpu.memory_space<vmem>>, vector<16xf32>,
        %parallel_loop3A_286 = arith.mulf %parallel_loop3A_285, %parallel_loop3A_258 : vector<16xf32>
        %parallel_loop3A_287 = arith.index_cast %parallel_loop3A_230 : i32 to index
        %parallel_loop3A_288 = arith.constant 48 : index
        %parallel_loop3A_289 = tpu.vector_load %arg9[%parallel_loop3A_287, %parallel_loop3A_288] {strides = array<i32>} : memref<80x144xf32, #tpu.memory_space<vmem>>, vector<16xf32>,
        tpu.vector_store %arg9[%parallel_loop3A_287, %parallel_loop3A_288], %parallel_loop3A_286 {strides = array<i32>} : memref<80x144xf32, #tpu.memory_space<vmem>>, vector<16xf32>,
        %parallel_loop3A_290 = arith.index_cast %parallel_loop3A_230 : i32 to index
        %parallel_loop3A_291 = arith.constant 64 : index
        %parallel_loop3A_292 = tpu.vector_load %arg9[%parallel_loop3A_290, %parallel_loop3A_291] {strides = array<i32>} : memref<80x144xf32, #tpu.memory_space<vmem>>, vector<16xf32>,
        %parallel_loop3A_293 = arith.mulf %parallel_loop3A_292, %parallel_loop3A_258 : vector<16xf32>
        %parallel_loop3A_294 = arith.index_cast %parallel_loop3A_230 : i32 to index
        %parallel_loop3A_295 = arith.constant 64 : index
        %parallel_loop3A_296 = tpu.vector_load %arg9[%parallel_loop3A_294, %parallel_loop3A_295] {strides = array<i32>} : memref<80x144xf32, #tpu.memory_space<vmem>>, vector<16xf32>,
        tpu.vector_store %arg9[%parallel_loop3A_294, %parallel_loop3A_295], %parallel_loop3A_293 {strides = array<i32>} : memref<80x144xf32, #tpu.memory_space<vmem>>, vector<16xf32>,
        %parallel_loop3A_297 = arith.index_cast %parallel_loop3A_230 : i32 to index
        %parallel_loop3A_298 = arith.constant 80 : index
        %parallel_loop3A_299 = tpu.vector_load %arg9[%parallel_loop3A_297, %parallel_loop3A_298] {strides = array<i32>} : memref<80x144xf32, #tpu.memory_space<vmem>>, vector<16xf32>,
        %parallel_loop3A_300 = arith.mulf %parallel_loop3A_299, %parallel_loop3A_258 : vector<16xf32>
        %parallel_loop3A_301 = arith.index_cast %parallel_loop3A_230 : i32 to index
        %parallel_loop3A_302 = arith.constant 80 : index
        %parallel_loop3A_303 = tpu.vector_load %arg9[%parallel_loop3A_301, %parallel_loop3A_302] {strides = array<i32>} : memref<80x144xf32, #tpu.memory_space<vmem>>, vector<16xf32>,
        tpu.vector_store %arg9[%parallel_loop3A_301, %parallel_loop3A_302], %parallel_loop3A_300 {strides = array<i32>} : memref<80x144xf32, #tpu.memory_space<vmem>>, vector<16xf32>,
        %parallel_loop3A_304 = arith.index_cast %parallel_loop3A_230 : i32 to index
        %parallel_loop3A_305 = arith.constant 96 : index
        %parallel_loop3A_306 = tpu.vector_load %arg9[%parallel_loop3A_304, %parallel_loop3A_305] {strides = array<i32>} : memref<80x144xf32, #tpu.memory_space<vmem>>, vector<16xf32>,
        %parallel_loop3A_307 = arith.mulf %parallel_loop3A_306, %parallel_loop3A_258 : vector<16xf32>
        %parallel_loop3A_308 = arith.index_cast %parallel_loop3A_230 : i32 to index
        %parallel_loop3A_309 = arith.constant 96 : index
        %parallel_loop3A_310 = tpu.vector_load %arg9[%parallel_loop3A_308, %parallel_loop3A_309] {strides = array<i32>} : memref<80x144xf32, #tpu.memory_space<vmem>>, vector<16xf32>,
        tpu.vector_store %arg9[%parallel_loop3A_308, %parallel_loop3A_309], %parallel_loop3A_307 {strides = array<i32>} : memref<80x144xf32, #tpu.memory_space<vmem>>, vector<16xf32>,
        %parallel_loop3A_311 = arith.index_cast %parallel_loop3A_230 : i32 to index
        %parallel_loop3A_312 = arith.constant 112 : index
        %parallel_loop3A_313 = tpu.vector_load %arg9[%parallel_loop3A_311, %parallel_loop3A_312] {strides = array<i32>} : memref<80x144xf32, #tpu.memory_space<vmem>>, vector<16xf32>,
        %parallel_loop3A_314 = arith.mulf %parallel_loop3A_313, %parallel_loop3A_258 : vector<16xf32>
        %parallel_loop3A_315 = arith.index_cast %parallel_loop3A_230 : i32 to index
        %parallel_loop3A_316 = arith.constant 112 : index
        %parallel_loop3A_317 = tpu.vector_load %arg9[%parallel_loop3A_315, %parallel_loop3A_316] {strides = array<i32>} : memref<80x144xf32, #tpu.memory_space<vmem>>, vector<16xf32>,
        tpu.vector_store %arg9[%parallel_loop3A_315, %parallel_loop3A_316], %parallel_loop3A_314 {strides = array<i32>} : memref<80x144xf32, #tpu.memory_space<vmem>>, vector<16xf32>,
      } {sc.loop_unroll_factor = 4 : i64, sc.parallel_access}
      %dma_start3A_116 = arith.constant 1 : i32
      %dma_start3A_117 = arith.constant 0 : i32
      %dma_start3A_118 = tpu.memref_slice %arg15[%dma_start3A_116, %dma_start3A_117] : memref<2x80xi32, #tpu.memory_space<vmem>> -> memref<1x80xi32, #tpu.memory_space<vmem>>
      %dma_start3A_119 = tpu.memref_squeeze %dma_start3A_118 : memref<1x80xi32, #tpu.memory_space<vmem>> -> memref<80xi32, #tpu.memory_space<vmem>>
      %dma_start3A_120 = arith.constant 0 : i32
      %dma_start3A_121 = arith.constant 0 : i32
      %dma_start3A_122 = tpu.memref_slice %arg17[%dma_start3A_120, %dma_start3A_121] : memref<10000x144xf32, #tpu.memory_space<vmem_shared>> -> memref<10000x144xf32, #tpu.memory_space<vmem_shared>>
      tpu.enqueue_indirect_dma source(%arg9 : memref<80x144xf32, #tpu.memory_space<vmem>>) target(%dma_start3A_122 : memref<10000x144xf32, #tpu.memory_space<vmem_shared>>) offsets(%dma_start3A_119 : memref<80xi32, #tpu.memory_space<vmem>>) semaphore(%arg28 : memref<!tpu.dma_semaphore, #tpu.memory_space<semaphore_mem>>) {add = true}
      %dma_wait3A_123 = arith.constant 1 : i32
      %dma_wait3A_124 = arith.constant 0 : i32
      %dma_wait3A_125 = tpu.memref_slice %arg14[%dma_wait3A_123, %dma_wait3A_124] : memref<2x80xi32, #tpu.memory_space<vmem>> -> memref<1x80xi32, #tpu.memory_space<vmem>>
      %dma_wait3A_126 = tpu.memref_squeeze %dma_wait3A_125 : memref<1x80xi32, #tpu.memory_space<vmem>> -> memref<80xi32, #tpu.memory_space<vmem>>
      %dma_wait3A_127 = arith.constant 0 : i32
      %dma_wait3A_128 = arith.constant 0 : i32
      %dma_wait3A_129 = tpu.memref_slice %arg17[%dma_wait3A_127, %dma_wait3A_128] : memref<10000x144xf32, #tpu.memory_space<vmem_shared>> -> memref<10000x144xf32, #tpu.memory_space<vmem_shared>>
      tpu.wait_indirect_dma semaphore(%arg27 : memref<!tpu.dma_semaphore, #tpu.memory_space<semaphore_mem>>) src(%arg8 : memref<80x144xf32, #tpu.memory_space<vmem>>) dst(%dma_wait3A_129 : memref<10000x144xf32, #tpu.memory_space<vmem_shared>>)
      %add3A_130 = arith.constant 240 : i32
      %add3A_131 = arith.addi %mul3A_2, %add3A_130 : i32
      %dma_start3A_132 = arith.constant 0 : i32
      %dma_start3A_133 = tpu.memref_slice %arg2[%dma_start3A_132, %add3A_131] : memref<2x320000xi32, #tpu.memory_space<hbm>> -> memref<2x80xi32, #tpu.memory_space<hbm>>
      %dma_start3A_134 = arith.constant 0 : i32
      %dma_start3A_135 = tpu.memref_slice %arg2[%dma_start3A_134, %add3A_131] : memref<2x320000xi32, #tpu.memory_space<hbm>> -> memref<2x80xi32, #tpu.memory_space<hbm>>
      tpu.enqueue_dma source(%dma_start3A_135 : memref<2x80xi32, #tpu.memory_space<hbm>>) target(%arg14 : memref<2x80xi32, #tpu.memory_space<vmem>>) target_semaphore(%arg24 : memref<!tpu.dma_semaphore, #tpu.memory_space<semaphore_mem>>)
      %scan3A = arith.constant 0 : i32
      %scan3A_136 = arith.constant 0 : i32
      %scan3A_137 = arith.constant 82 : i32
      %scan3A_138 = arith.addi %scan3A_136, %scan3A_137 : i32
      %scan3A_139 = arith.constant 1 : i32
      scf.for %scan3A_230 = %scan3A_136 to %scan3A_138 step %scan3A_139  : i32 {
        %mul3A_231 = arith.constant 3 : i32
        %mul3A_232 = arith.muli %mul3A_231, %scan3A_230 : i32
        %add3A_233 = arith.constant 2 : i32
        %add3A_234 = arith.addi %add3A_233, %mul3A_232 : i32
        %dma_wait3A_235 = arith.constant 0 : i32
        %dma_wait3A_236 = arith.constant 0 : i32
        %dma_wait3A_237 = tpu.memref_slice %arg16[%dma_wait3A_235, %dma_wait3A_236] : memref<2x80xi32, #tpu.memory_space<vmem>> -> memref<1x80xi32, #tpu.memory_space<vmem>>
        %dma_wait3A_238 = tpu.memref_squeeze %dma_wait3A_237 : memref<1x80xi32, #tpu.memory_space<vmem>> -> memref<80xi32, #tpu.memory_space<vmem>>
        %dma_wait3A_239 = arith.constant 0 : i32
        %dma_wait3A_240 = arith.constant 0 : i32
        %dma_wait3A_241 = tpu.memref_slice %arg3[%dma_wait3A_239, %dma_wait3A_240] : memref<10000x144xf32, #tpu.memory_space<hbm>> -> memref<10000x144xf32, #tpu.memory_space<hbm>>
        tpu.wait_indirect_dma semaphore(%arg20 : memref<!tpu.dma_semaphore, #tpu.memory_space<semaphore_mem>>) src(%dma_wait3A_241 : memref<10000x144xf32, #tpu.memory_space<hbm>>) dst(%arg10 : memref<80x144xf32, #tpu.memory_space<vmem>>)
        %dma_wait3A_242 = arith.constant 1 : i32
        %dma_wait3A_243 = arith.constant 0 : i32
        %dma_wait3A_244 = tpu.memref_slice %arg16[%dma_wait3A_242, %dma_wait3A_243] : memref<2x80xi32, #tpu.memory_space<vmem>> -> memref<1x80xi32, #tpu.memory_space<vmem>>
        %dma_wait3A_245 = tpu.memref_squeeze %dma_wait3A_244 : memref<1x80xi32, #tpu.memory_space<vmem>> -> memref<80xi32, #tpu.memory_space<vmem>>
        %dma_wait3A_246 = arith.constant 0 : i32
        %dma_wait3A_247 = arith.constant 0 : i32
        %dma_wait3A_248 = tpu.memref_slice %arg5[%dma_wait3A_246, %dma_wait3A_247] : memref<10000x16xf32, #tpu.memory_space<hbm>> -> memref<10000x16xf32, #tpu.memory_space<hbm>>
        tpu.wait_indirect_dma semaphore(%arg23 : memref<!tpu.dma_semaphore, #tpu.memory_space<semaphore_mem>>) src(%dma_wait3A_248 : memref<10000x16xf32, #tpu.memory_space<hbm>>) dst(%arg13 : memref<80x16xf32, #tpu.memory_space<vmem>>)
        %dma_wait3A_249 = arith.constant 0 : i32
        %dma_wait3A_250 = arith.constant 0 : i32
        %dma_wait3A_251 = tpu.memref_slice %arg2[%dma_wait3A_249, %dma_wait3A_250] : memref<2x320000xi32, #tpu.memory_space<hbm>> -> memref<2x80xi32, #tpu.memory_space<hbm>>
        %dma_wait3A_252 = arith.constant 0 : i32
        %dma_wait3A_253 = arith.constant 0 : i32
        %dma_wait3A_254 = tpu.memref_slice %arg2[%dma_wait3A_252, %dma_wait3A_253] : memref<2x320000xi32, #tpu.memory_space<hbm>> -> memref<2x80xi32, #tpu.memory_space<hbm>>
        tpu.wait_dma2 semaphore(%arg24 : memref<!tpu.dma_semaphore, #tpu.memory_space<semaphore_mem>>) src(%dma_wait3A_254 : memref<2x80xi32, #tpu.memory_space<hbm>>) dst(%arg14 : memref<2x80xi32, #tpu.memory_space<vmem>>)
        %dma_start3A_255 = arith.constant 0 : i32
        %dma_start3A_256 = arith.constant 0 : i32
        %dma_start3A_257 = tpu.memref_slice %arg14[%dma_start3A_255, %dma_start3A_256] : memref<2x80xi32, #tpu.memory_space<vmem>> -> memref<1x80xi32, #tpu.memory_space<vmem>>
        %dma_start3A_258 = tpu.memref_squeeze %dma_start3A_257 : memref<1x80xi32, #tpu.memory_space<vmem>> -> memref<80xi32, #tpu.memory_space<vmem>>
        %dma_start3A_259 = arith.constant 0 : i32
        %dma_start3A_260 = arith.constant 0 : i32
        %dma_start3A_261 = tpu.memref_slice %arg3[%dma_start3A_259, %dma_start3A_260] : memref<10000x144xf32, #tpu.memory_space<hbm>> -> memref<10000x144xf32, #tpu.memory_space<hbm>>
        tpu.enqueue_indirect_dma source(%dma_start3A_261 : memref<10000x144xf32, #tpu.memory_space<hbm>>) target(%arg8 : memref<80x144xf32, #tpu.memory_space<vmem>>) offsets(%dma_start3A_258 : memref<80xi32, #tpu.memory_space<vmem>>) semaphore(%arg18 : memref<!tpu.dma_semaphore, #tpu.memory_space<semaphore_mem>>)
        %dma_start3A_262 = arith.constant 1 : i32
        %dma_start3A_263 = arith.constant 0 : i32
        %dma_start3A_264 = tpu.memref_slice %arg14[%dma_start3A_262, %dma_start3A_263] : memref<2x80xi32, #tpu.memory_space<vmem>> -> memref<1x80xi32, #tpu.memory_space<vmem>>
        %dma_start3A_265 = tpu.memref_squeeze %dma_start3A_264 : memref<1x80xi32, #tpu.memory_space<vmem>> -> memref<80xi32, #tpu.memory_space<vmem>>
        %dma_start3A_266 = arith.constant 0 : i32
        %dma_start3A_267 = arith.constant 0 : i32
        %dma_start3A_268 = tpu.memref_slice %arg5[%dma_start3A_266, %dma_start3A_267] : memref<10000x16xf32, #tpu.memory_space<hbm>> -> memref<10000x16xf32, #tpu.memory_space<hbm>>
        tpu.enqueue_indirect_dma source(%dma_start3A_268 : memref<10000x16xf32, #tpu.memory_space<hbm>>) target(%arg11 : memref<80x16xf32, #tpu.memory_space<vmem>>) offsets(%dma_start3A_265 : memref<80xi32, #tpu.memory_space<vmem>>) semaphore(%arg21 : memref<!tpu.dma_semaphore, #tpu.memory_space<semaphore_mem>>)
        %parallel_loop3A_269 = arith.constant 0 : i32
        %parallel_loop3A_270 = arith.constant 80 : i32
        %parallel_loop3A_271 = arith.constant 1 : i32
        scf.for %parallel_loop3A_419 = %parallel_loop3A_269 to %parallel_loop3A_270 step %parallel_loop3A_271  : i32 {
          %parallel_loop3A_420 = arith.index_cast %parallel_loop3A_419 : i32 to index
          %parallel_loop3A_421 = arith.constant 128 : index
          %parallel_loop3A_422 = tpu.vector_load %arg10[%parallel_loop3A_420, %parallel_loop3A_421] {strides = array<i32>} : memref<80x144xf32, #tpu.memory_space<vmem>>, vector<16xf32>,
          %parallel_loop3A_423 = arith.index_cast %parallel_loop3A_419 : i32 to index
          %parallel_loop3A_424 = arith.constant 0 : index
          %parallel_loop3A_425 = tpu.vector_load %arg13[%parallel_loop3A_423, %parallel_loop3A_424] {strides = array<i32>} : memref<80x16xf32, #tpu.memory_space<vmem>>, vector<16xf32>,
          %parallel_loop3A_426 = arith.constant 0 : i32
          %parallel_loop3A_427 = vector.broadcast %parallel_loop3A_426 : i32 to vector<16xi32>
          %parallel_loop3A_428 = arith.addi %parallel_loop3A_427, %and3A_4 : vector<16xi32>
          %parallel_loop3A_429 = vector.shape_cast %parallel_loop3A_428 : vector<16xi32> to vector<16x1xi32>
          %parallel_loop3A_430 = vector.shape_cast %parallel_loop3A_429 : vector<16x1xi32> to vector<16xi32>
          %parallel_loop3A_431 = tpu.dynamic_gather %parallel_loop3A_425[%parallel_loop3A_430] in [0] : vector<16xf32>, vector<16xi32> -> vector<16xf32>
          %parallel_loop3A_432 = arith.constant 4 : i32
          %parallel_loop3A_433 = vector.broadcast %parallel_loop3A_432 : i32 to vector<16xi32>
          %parallel_loop3A_434 = arith.addi %parallel_loop3A_433, %and3A_4 : vector<16xi32>
          %parallel_loop3A_435 = vector.shape_cast %parallel_loop3A_434 : vector<16xi32> to vector<16x1xi32>
          %parallel_loop3A_436 = vector.shape_cast %parallel_loop3A_435 : vector<16x1xi32> to vector<16xi32>
          %parallel_loop3A_437 = tpu.dynamic_gather %parallel_loop3A_425[%parallel_loop3A_436] in [0] : vector<16xf32>, vector<16xi32> -> vector<16xf32>
          %parallel_loop3A_438 = arith.addf %parallel_loop3A_422, %parallel_loop3A_431 : vector<16xf32>
          %parallel_loop3A_439 = arith.constant 0.000000e+00 : f32
          %parallel_loop3A_440 = vector.broadcast %parallel_loop3A_439 : f32 to vector<16xf32>
          %parallel_loop3A_441 = arith.cmpf ogt, %parallel_loop3A_438, %parallel_loop3A_440 : vector<16xf32>
          %parallel_loop3A_442 = arith.constant 2.000000e-01 : f32
          %parallel_loop3A_443 = vector.broadcast %parallel_loop3A_442 : f32 to vector<16xf32>
          %parallel_loop3A_444 = arith.mulf %parallel_loop3A_443, %parallel_loop3A_438 : vector<16xf32>
          %parallel_loop3A_445 = arith.select %parallel_loop3A_441, %parallel_loop3A_438, %parallel_loop3A_444 : vector<16xi1>, vector<16xf32>
          %parallel_loop3A_446 = arith.subf %parallel_loop3A_445, %parallel_loop3A_437 : vector<16xf32>
          %parallel_loop3A_447 = math.exp %parallel_loop3A_446 : vector<16xf32>
          %parallel_loop3A_448 = arith.index_cast %parallel_loop3A_419 : i32 to index
          %parallel_loop3A_449 = arith.constant 128 : index
          %parallel_loop3A_450 = tpu.vector_load %arg10[%parallel_loop3A_448, %parallel_loop3A_449] {strides = array<i32>} : memref<80x144xf32, #tpu.memory_space<vmem>>, vector<16xf32>,
          tpu.vector_store %arg10[%parallel_loop3A_448, %parallel_loop3A_449], %parallel_loop3A_447 {strides = array<i32>} : memref<80x144xf32, #tpu.memory_space<vmem>>, vector<16xf32>,
          %parallel_loop3A_451 = arith.index_cast %parallel_loop3A_419 : i32 to index
          %parallel_loop3A_452 = arith.constant 0 : index
          %parallel_loop3A_453 = tpu.vector_load %arg10[%parallel_loop3A_451, %parallel_loop3A_452] {strides = array<i32>} : memref<80x144xf32, #tpu.memory_space<vmem>>, vector<16xf32>,
          %parallel_loop3A_454 = arith.mulf %parallel_loop3A_453, %parallel_loop3A_447 : vector<16xf32>
          %parallel_loop3A_455 = arith.index_cast %parallel_loop3A_419 : i32 to index
          %parallel_loop3A_456 = arith.constant 0 : index
          %parallel_loop3A_457 = tpu.vector_load %arg10[%parallel_loop3A_455, %parallel_loop3A_456] {strides = array<i32>} : memref<80x144xf32, #tpu.memory_space<vmem>>, vector<16xf32>,
          tpu.vector_store %arg10[%parallel_loop3A_455, %parallel_loop3A_456], %parallel_loop3A_454 {strides = array<i32>} : memref<80x144xf32, #tpu.memory_space<vmem>>, vector<16xf32>,
          %parallel_loop3A_458 = arith.index_cast %parallel_loop3A_419 : i32 to index
          %parallel_loop3A_459 = arith.constant 16 : index
          %parallel_loop3A_460 = tpu.vector_load %arg10[%parallel_loop3A_458, %parallel_loop3A_459] {strides = array<i32>} : memref<80x144xf32, #tpu.memory_space<vmem>>, vector<16xf32>,
          %parallel_loop3A_461 = arith.mulf %parallel_loop3A_460, %parallel_loop3A_447 : vector<16xf32>
          %parallel_loop3A_462 = arith.index_cast %parallel_loop3A_419 : i32 to index
          %parallel_loop3A_463 = arith.constant 16 : index
          %parallel_loop3A_464 = tpu.vector_load %arg10[%parallel_loop3A_462, %parallel_loop3A_463] {strides = array<i32>} : memref<80x144xf32, #tpu.memory_space<vmem>>, vector<16xf32>,
          tpu.vector_store %arg10[%parallel_loop3A_462, %parallel_loop3A_463], %parallel_loop3A_461 {strides = array<i32>} : memref<80x144xf32, #tpu.memory_space<vmem>>, vector<16xf32>,
          %parallel_loop3A_465 = arith.index_cast %parallel_loop3A_419 : i32 to index
          %parallel_loop3A_466 = arith.constant 32 : index
          %parallel_loop3A_467 = tpu.vector_load %arg10[%parallel_loop3A_465, %parallel_loop3A_466] {strides = array<i32>} : memref<80x144xf32, #tpu.memory_space<vmem>>, vector<16xf32>,
          %parallel_loop3A_468 = arith.mulf %parallel_loop3A_467, %parallel_loop3A_447 : vector<16xf32>
          %parallel_loop3A_469 = arith.index_cast %parallel_loop3A_419 : i32 to index
          %parallel_loop3A_470 = arith.constant 32 : index
          %parallel_loop3A_471 = tpu.vector_load %arg10[%parallel_loop3A_469, %parallel_loop3A_470] {strides = array<i32>} : memref<80x144xf32, #tpu.memory_space<vmem>>, vector<16xf32>,
          tpu.vector_store %arg10[%parallel_loop3A_469, %parallel_loop3A_470], %parallel_loop3A_468 {strides = array<i32>} : memref<80x144xf32, #tpu.memory_space<vmem>>, vector<16xf32>,
          %parallel_loop3A_472 = arith.index_cast %parallel_loop3A_419 : i32 to index
          %parallel_loop3A_473 = arith.constant 48 : index
          %parallel_loop3A_474 = tpu.vector_load %arg10[%parallel_loop3A_472, %parallel_loop3A_473] {strides = array<i32>} : memref<80x144xf32, #tpu.memory_space<vmem>>, vector<16xf32>,
          %parallel_loop3A_475 = arith.mulf %parallel_loop3A_474, %parallel_loop3A_447 : vector<16xf32>
          %parallel_loop3A_476 = arith.index_cast %parallel_loop3A_419 : i32 to index
          %parallel_loop3A_477 = arith.constant 48 : index
          %parallel_loop3A_478 = tpu.vector_load %arg10[%parallel_loop3A_476, %parallel_loop3A_477] {strides = array<i32>} : memref<80x144xf32, #tpu.memory_space<vmem>>, vector<16xf32>,
          tpu.vector_store %arg10[%parallel_loop3A_476, %parallel_loop3A_477], %parallel_loop3A_475 {strides = array<i32>} : memref<80x144xf32, #tpu.memory_space<vmem>>, vector<16xf32>,
          %parallel_loop3A_479 = arith.index_cast %parallel_loop3A_419 : i32 to index
          %parallel_loop3A_480 = arith.constant 64 : index
          %parallel_loop3A_481 = tpu.vector_load %arg10[%parallel_loop3A_479, %parallel_loop3A_480] {strides = array<i32>} : memref<80x144xf32, #tpu.memory_space<vmem>>, vector<16xf32>,
          %parallel_loop3A_482 = arith.mulf %parallel_loop3A_481, %parallel_loop3A_447 : vector<16xf32>
          %parallel_loop3A_483 = arith.index_cast %parallel_loop3A_419 : i32 to index
          %parallel_loop3A_484 = arith.constant 64 : index
          %parallel_loop3A_485 = tpu.vector_load %arg10[%parallel_loop3A_483, %parallel_loop3A_484] {strides = array<i32>} : memref<80x144xf32, #tpu.memory_space<vmem>>, vector<16xf32>,
          tpu.vector_store %arg10[%parallel_loop3A_483, %parallel_loop3A_484], %parallel_loop3A_482 {strides = array<i32>} : memref<80x144xf32, #tpu.memory_space<vmem>>, vector<16xf32>,
          %parallel_loop3A_486 = arith.index_cast %parallel_loop3A_419 : i32 to index
          %parallel_loop3A_487 = arith.constant 80 : index
          %parallel_loop3A_488 = tpu.vector_load %arg10[%parallel_loop3A_486, %parallel_loop3A_487] {strides = array<i32>} : memref<80x144xf32, #tpu.memory_space<vmem>>, vector<16xf32>,
          %parallel_loop3A_489 = arith.mulf %parallel_loop3A_488, %parallel_loop3A_447 : vector<16xf32>
          %parallel_loop3A_490 = arith.index_cast %parallel_loop3A_419 : i32 to index
          %parallel_loop3A_491 = arith.constant 80 : index
          %parallel_loop3A_492 = tpu.vector_load %arg10[%parallel_loop3A_490, %parallel_loop3A_491] {strides = array<i32>} : memref<80x144xf32, #tpu.memory_space<vmem>>, vector<16xf32>,
          tpu.vector_store %arg10[%parallel_loop3A_490, %parallel_loop3A_491], %parallel_loop3A_489 {strides = array<i32>} : memref<80x144xf32, #tpu.memory_space<vmem>>, vector<16xf32>,
          %parallel_loop3A_493 = arith.index_cast %parallel_loop3A_419 : i32 to index
          %parallel_loop3A_494 = arith.constant 96 : index
          %parallel_loop3A_495 = tpu.vector_load %arg10[%parallel_loop3A_493, %parallel_loop3A_494] {strides = array<i32>} : memref<80x144xf32, #tpu.memory_space<vmem>>, vector<16xf32>,
          %parallel_loop3A_496 = arith.mulf %parallel_loop3A_495, %parallel_loop3A_447 : vector<16xf32>
          %parallel_loop3A_497 = arith.index_cast %parallel_loop3A_419 : i32 to index
          %parallel_loop3A_498 = arith.constant 96 : index
          %parallel_loop3A_499 = tpu.vector_load %arg10[%parallel_loop3A_497, %parallel_loop3A_498] {strides = array<i32>} : memref<80x144xf32, #tpu.memory_space<vmem>>, vector<16xf32>,
          tpu.vector_store %arg10[%parallel_loop3A_497, %parallel_loop3A_498], %parallel_loop3A_496 {strides = array<i32>} : memref<80x144xf32, #tpu.memory_space<vmem>>, vector<16xf32>,
          %parallel_loop3A_500 = arith.index_cast %parallel_loop3A_419 : i32 to index
          %parallel_loop3A_501 = arith.constant 112 : index
          %parallel_loop3A_502 = tpu.vector_load %arg10[%parallel_loop3A_500, %parallel_loop3A_501] {strides = array<i32>} : memref<80x144xf32, #tpu.memory_space<vmem>>, vector<16xf32>,
          %parallel_loop3A_503 = arith.mulf %parallel_loop3A_502, %parallel_loop3A_447 : vector<16xf32>
          %parallel_loop3A_504 = arith.index_cast %parallel_loop3A_419 : i32 to index
          %parallel_loop3A_505 = arith.constant 112 : index
          %parallel_loop3A_506 = tpu.vector_load %arg10[%parallel_loop3A_504, %parallel_loop3A_505] {strides = array<i32>} : memref<80x144xf32, #tpu.memory_space<vmem>>, vector<16xf32>,
          tpu.vector_store %arg10[%parallel_loop3A_504, %parallel_loop3A_505], %parallel_loop3A_503 {strides = array<i32>} : memref<80x144xf32, #tpu.memory_space<vmem>>, vector<16xf32>,
        } {sc.loop_unroll_factor = 4 : i64, sc.parallel_access}
        %dma_start3A_272 = arith.constant 1 : i32
        %dma_start3A_273 = arith.constant 0 : i32
        %dma_start3A_274 = tpu.memref_slice %arg16[%dma_start3A_272, %dma_start3A_273] : memref<2x80xi32, #tpu.memory_space<vmem>> -> memref<1x80xi32, #tpu.memory_space<vmem>>
        %dma_start3A_275 = tpu.memref_squeeze %dma_start3A_274 : memref<1x80xi32, #tpu.memory_space<vmem>> -> memref<80xi32, #tpu.memory_space<vmem>>
        %dma_start3A_276 = arith.constant 0 : i32
        %dma_start3A_277 = arith.constant 0 : i32
        %dma_start3A_278 = tpu.memref_slice %arg17[%dma_start3A_276, %dma_start3A_277] : memref<10000x144xf32, #tpu.memory_space<vmem_shared>> -> memref<10000x144xf32, #tpu.memory_space<vmem_shared>>
        tpu.enqueue_indirect_dma source(%arg10 : memref<80x144xf32, #tpu.memory_space<vmem>>) target(%dma_start3A_278 : memref<10000x144xf32, #tpu.memory_space<vmem_shared>>) offsets(%dma_start3A_275 : memref<80xi32, #tpu.memory_space<vmem>>) semaphore(%arg29 : memref<!tpu.dma_semaphore, #tpu.memory_space<semaphore_mem>>) {add = true}
        %dma_wait3A_279 = arith.constant 1 : i32
        %dma_wait3A_280 = arith.constant 0 : i32
        %dma_wait3A_281 = tpu.memref_slice %arg15[%dma_wait3A_279, %dma_wait3A_280] : memref<2x80xi32, #tpu.memory_space<vmem>> -> memref<1x80xi32, #tpu.memory_space<vmem>>
        %dma_wait3A_282 = tpu.memref_squeeze %dma_wait3A_281 : memref<1x80xi32, #tpu.memory_space<vmem>> -> memref<80xi32, #tpu.memory_space<vmem>>
        %dma_wait3A_283 = arith.constant 0 : i32
        %dma_wait3A_284 = arith.constant 0 : i32
        %dma_wait3A_285 = tpu.memref_slice %arg17[%dma_wait3A_283, %dma_wait3A_284] : memref<10000x144xf32, #tpu.memory_space<vmem_shared>> -> memref<10000x144xf32, #tpu.memory_space<vmem_shared>>
        tpu.wait_indirect_dma semaphore(%arg28 : memref<!tpu.dma_semaphore, #tpu.memory_space<semaphore_mem>>) src(%arg9 : memref<80x144xf32, #tpu.memory_space<vmem>>) dst(%dma_wait3A_285 : memref<10000x144xf32, #tpu.memory_space<vmem_shared>>)
        %add3A_286 = arith.constant 2 : i32
        %add3A_287 = arith.addi %add3A_234, %add3A_286 : i32
        %mul3A_288 = arith.constant 80 : i32
        %mul3A_289 = arith.muli %add3A_287, %mul3A_288 : i32
        %add3A_290 = arith.addi %mul3A_2, %mul3A_289 : i32
        %dma_start3A_291 = arith.constant 0 : i32
        %dma_start3A_292 = tpu.memref_slice %arg2[%dma_start3A_291, %add3A_290] : memref<2x320000xi32, #tpu.memory_space<hbm>> -> memref<2x80xi32, #tpu.memory_space<hbm>>
        %dma_start3A_293 = arith.constant 0 : i32
        %dma_start3A_294 = tpu.memref_slice %arg2[%dma_start3A_293, %add3A_290] : memref<2x320000xi32, #tpu.memory_space<hbm>> -> memref<2x80xi32, #tpu.memory_space<hbm>>
        tpu.enqueue_dma source(%dma_start3A_294 : memref<2x80xi32, #tpu.memory_space<hbm>>) target(%arg15 : memref<2x80xi32, #tpu.memory_space<vmem>>) target_semaphore(%arg25 : memref<!tpu.dma_semaphore, #tpu.memory_space<semaphore_mem>>)
        %add3A_295 = arith.constant 1 : i32
        %add3A_296 = arith.addi %add3A_234, %add3A_295 : i32
        %dma_wait3A_297 = arith.constant 0 : i32
        %dma_wait3A_298 = arith.constant 0 : i32
        %dma_wait3A_299 = tpu.memref_slice %arg14[%dma_wait3A_297, %dma_wait3A_298] : memref<2x80xi32, #tpu.memory_space<vmem>> -> memref<1x80xi32, #tpu.memory_space<vmem>>
        %dma_wait3A_300 = tpu.memref_squeeze %dma_wait3A_299 : memref<1x80xi32, #tpu.memory_space<vmem>> -> memref<80xi32, #tpu.memory_space<vmem>>
        %dma_wait3A_301 = arith.constant 0 : i32
        %dma_wait3A_302 = arith.constant 0 : i32
        %dma_wait3A_303 = tpu.memref_slice %arg3[%dma_wait3A_301, %dma_wait3A_302] : memref<10000x144xf32, #tpu.memory_space<hbm>> -> memref<10000x144xf32, #tpu.memory_space<hbm>>
        tpu.wait_indirect_dma semaphore(%arg18 : memref<!tpu.dma_semaphore, #tpu.memory_space<semaphore_mem>>) src(%dma_wait3A_303 : memref<10000x144xf32, #tpu.memory_space<hbm>>) dst(%arg8 : memref<80x144xf32, #tpu.memory_space<vmem>>)
        %dma_wait3A_304 = arith.constant 1 : i32
        %dma_wait3A_305 = arith.constant 0 : i32
        %dma_wait3A_306 = tpu.memref_slice %arg14[%dma_wait3A_304, %dma_wait3A_305] : memref<2x80xi32, #tpu.memory_space<vmem>> -> memref<1x80xi32, #tpu.memory_space<vmem>>
        %dma_wait3A_307 = tpu.memref_squeeze %dma_wait3A_306 : memref<1x80xi32, #tpu.memory_space<vmem>> -> memref<80xi32, #tpu.memory_space<vmem>>
        %dma_wait3A_308 = arith.constant 0 : i32
        %dma_wait3A_309 = arith.constant 0 : i32
        %dma_wait3A_310 = tpu.memref_slice %arg5[%dma_wait3A_308, %dma_wait3A_309] : memref<10000x16xf32, #tpu.memory_space<hbm>> -> memref<10000x16xf32, #tpu.memory_space<hbm>>
        tpu.wait_indirect_dma semaphore(%arg21 : memref<!tpu.dma_semaphore, #tpu.memory_space<semaphore_mem>>) src(%dma_wait3A_310 : memref<10000x16xf32, #tpu.memory_space<hbm>>) dst(%arg11 : memref<80x16xf32, #tpu.memory_space<vmem>>)
        %dma_wait3A_311 = arith.constant 0 : i32
        %dma_wait3A_312 = arith.constant 0 : i32
        %dma_wait3A_313 = tpu.memref_slice %arg2[%dma_wait3A_311, %dma_wait3A_312] : memref<2x320000xi32, #tpu.memory_space<hbm>> -> memref<2x80xi32, #tpu.memory_space<hbm>>
        %dma_wait3A_314 = arith.constant 0 : i32
        %dma_wait3A_315 = arith.constant 0 : i32
        %dma_wait3A_316 = tpu.memref_slice %arg2[%dma_wait3A_314, %dma_wait3A_315] : memref<2x320000xi32, #tpu.memory_space<hbm>> -> memref<2x80xi32, #tpu.memory_space<hbm>>
        tpu.wait_dma2 semaphore(%arg25 : memref<!tpu.dma_semaphore, #tpu.memory_space<semaphore_mem>>) src(%dma_wait3A_316 : memref<2x80xi32, #tpu.memory_space<hbm>>) dst(%arg15 : memref<2x80xi32, #tpu.memory_space<vmem>>)
        %dma_start3A_317 = arith.constant 0 : i32
        %dma_start3A_318 = arith.constant 0 : i32
        %dma_start3A_319 = tpu.memref_slice %arg15[%dma_start3A_317, %dma_start3A_318] : memref<2x80xi32, #tpu.memory_space<vmem>> -> memref<1x80xi32, #tpu.memory_space<vmem>>
        %dma_start3A_320 = tpu.memref_squeeze %dma_start3A_319 : memref<1x80xi32, #tpu.memory_space<vmem>> -> memref<80xi32, #tpu.memory_space<vmem>>
        %dma_start3A_321 = arith.constant 0 : i32
        %dma_start3A_322 = arith.constant 0 : i32
        %dma_start3A_323 = tpu.memref_slice %arg3[%dma_start3A_321, %dma_start3A_322] : memref<10000x144xf32, #tpu.memory_space<hbm>> -> memref<10000x144xf32, #tpu.memory_space<hbm>>
        tpu.enqueue_indirect_dma source(%dma_start3A_323 : memref<10000x144xf32, #tpu.memory_space<hbm>>) target(%arg9 : memref<80x144xf32, #tpu.memory_space<vmem>>) offsets(%dma_start3A_320 : memref<80xi32, #tpu.memory_space<vmem>>) semaphore(%arg19 : memref<!tpu.dma_semaphore, #tpu.memory_space<semaphore_mem>>)
        %dma_start3A_324 = arith.constant 1 : i32
        %dma_start3A_325 = arith.constant 0 : i32
        %dma_start3A_326 = tpu.memref_slice %arg15[%dma_start3A_324, %dma_start3A_325] : memref<2x80xi32, #tpu.memory_space<vmem>> -> memref<1x80xi32, #tpu.memory_space<vmem>>
        %dma_start3A_327 = tpu.memref_squeeze %dma_start3A_326 : memref<1x80xi32, #tpu.memory_space<vmem>> -> memref<80xi32, #tpu.memory_space<vmem>>
        %dma_start3A_328 = arith.constant 0 : i32
        %dma_start3A_329 = arith.constant 0 : i32
        %dma_start3A_330 = tpu.memref_slice %arg5[%dma_start3A_328, %dma_start3A_329] : memref<10000x16xf32, #tpu.memory_space<hbm>> -> memref<10000x16xf32, #tpu.memory_space<hbm>>
        tpu.enqueue_indirect_dma source(%dma_start3A_330 : memref<10000x16xf32, #tpu.memory_space<hbm>>) target(%arg12 : memref<80x16xf32, #tpu.memory_space<vmem>>) offsets(%dma_start3A_327 : memref<80xi32, #tpu.memory_space<vmem>>) semaphore(%arg22 : memref<!tpu.dma_semaphore, #tpu.memory_space<semaphore_mem>>)
        %parallel_loop3A_331 = arith.constant 0 : i32
        %parallel_loop3A_332 = arith.constant 80 : i32
        %parallel_loop3A_333 = arith.constant 1 : i32
        scf.for %parallel_loop3A_419 = %parallel_loop3A_331 to %parallel_loop3A_332 step %parallel_loop3A_333  : i32 {
          %parallel_loop3A_420 = arith.index_cast %parallel_loop3A_419 : i32 to index
          %parallel_loop3A_421 = arith.constant 128 : index
          %parallel_loop3A_422 = tpu.vector_load %arg8[%parallel_loop3A_420, %parallel_loop3A_421] {strides = array<i32>} : memref<80x144xf32, #tpu.memory_space<vmem>>, vector<16xf32>,
          %parallel_loop3A_423 = arith.index_cast %parallel_loop3A_419 : i32 to index
          %parallel_loop3A_424 = arith.constant 0 : index
          %parallel_loop3A_425 = tpu.vector_load %arg11[%parallel_loop3A_423, %parallel_loop3A_424] {strides = array<i32>} : memref<80x16xf32, #tpu.memory_space<vmem>>, vector<16xf32>,
          %parallel_loop3A_426 = arith.constant 0 : i32
          %parallel_loop3A_427 = vector.broadcast %parallel_loop3A_426 : i32 to vector<16xi32>
          %parallel_loop3A_428 = arith.addi %parallel_loop3A_427, %and3A_4 : vector<16xi32>
          %parallel_loop3A_429 = vector.shape_cast %parallel_loop3A_428 : vector<16xi32> to vector<16x1xi32>
          %parallel_loop3A_430 = vector.shape_cast %parallel_loop3A_429 : vector<16x1xi32> to vector<16xi32>
          %parallel_loop3A_431 = tpu.dynamic_gather %parallel_loop3A_425[%parallel_loop3A_430] in [0] : vector<16xf32>, vector<16xi32> -> vector<16xf32>
          %parallel_loop3A_432 = arith.constant 4 : i32
          %parallel_loop3A_433 = vector.broadcast %parallel_loop3A_432 : i32 to vector<16xi32>
          %parallel_loop3A_434 = arith.addi %parallel_loop3A_433, %and3A_4 : vector<16xi32>
          %parallel_loop3A_435 = vector.shape_cast %parallel_loop3A_434 : vector<16xi32> to vector<16x1xi32>
          %parallel_loop3A_436 = vector.shape_cast %parallel_loop3A_435 : vector<16x1xi32> to vector<16xi32>
          %parallel_loop3A_437 = tpu.dynamic_gather %parallel_loop3A_425[%parallel_loop3A_436] in [0] : vector<16xf32>, vector<16xi32> -> vector<16xf32>
          %parallel_loop3A_438 = arith.addf %parallel_loop3A_422, %parallel_loop3A_431 : vector<16xf32>
          %parallel_loop3A_439 = arith.constant 0.000000e+00 : f32
          %parallel_loop3A_440 = vector.broadcast %parallel_loop3A_439 : f32 to vector<16xf32>
          %parallel_loop3A_441 = arith.cmpf ogt, %parallel_loop3A_438, %parallel_loop3A_440 : vector<16xf32>
          %parallel_loop3A_442 = arith.constant 2.000000e-01 : f32
          %parallel_loop3A_443 = vector.broadcast %parallel_loop3A_442 : f32 to vector<16xf32>
          %parallel_loop3A_444 = arith.mulf %parallel_loop3A_443, %parallel_loop3A_438 : vector<16xf32>
          %parallel_loop3A_445 = arith.select %parallel_loop3A_441, %parallel_loop3A_438, %parallel_loop3A_444 : vector<16xi1>, vector<16xf32>
          %parallel_loop3A_446 = arith.subf %parallel_loop3A_445, %parallel_loop3A_437 : vector<16xf32>
          %parallel_loop3A_447 = math.exp %parallel_loop3A_446 : vector<16xf32>
          %parallel_loop3A_448 = arith.index_cast %parallel_loop3A_419 : i32 to index
          %parallel_loop3A_449 = arith.constant 128 : index
          %parallel_loop3A_450 = tpu.vector_load %arg8[%parallel_loop3A_448, %parallel_loop3A_449] {strides = array<i32>} : memref<80x144xf32, #tpu.memory_space<vmem>>, vector<16xf32>,
          tpu.vector_store %arg8[%parallel_loop3A_448, %parallel_loop3A_449], %parallel_loop3A_447 {strides = array<i32>} : memref<80x144xf32, #tpu.memory_space<vmem>>, vector<16xf32>,
          %parallel_loop3A_451 = arith.index_cast %parallel_loop3A_419 : i32 to index
          %parallel_loop3A_452 = arith.constant 0 : index
          %parallel_loop3A_453 = tpu.vector_load %arg8[%parallel_loop3A_451, %parallel_loop3A_452] {strides = array<i32>} : memref<80x144xf32, #tpu.memory_space<vmem>>, vector<16xf32>,
          %parallel_loop3A_454 = arith.mulf %parallel_loop3A_453, %parallel_loop3A_447 : vector<16xf32>
          %parallel_loop3A_455 = arith.index_cast %parallel_loop3A_419 : i32 to index
          %parallel_loop3A_456 = arith.constant 0 : index
          %parallel_loop3A_457 = tpu.vector_load %arg8[%parallel_loop3A_455, %parallel_loop3A_456] {strides = array<i32>} : memref<80x144xf32, #tpu.memory_space<vmem>>, vector<16xf32>,
          tpu.vector_store %arg8[%parallel_loop3A_455, %parallel_loop3A_456], %parallel_loop3A_454 {strides = array<i32>} : memref<80x144xf32, #tpu.memory_space<vmem>>, vector<16xf32>,
          %parallel_loop3A_458 = arith.index_cast %parallel_loop3A_419 : i32 to index
          %parallel_loop3A_459 = arith.constant 16 : index
          %parallel_loop3A_460 = tpu.vector_load %arg8[%parallel_loop3A_458, %parallel_loop3A_459] {strides = array<i32>} : memref<80x144xf32, #tpu.memory_space<vmem>>, vector<16xf32>,
          %parallel_loop3A_461 = arith.mulf %parallel_loop3A_460, %parallel_loop3A_447 : vector<16xf32>
          %parallel_loop3A_462 = arith.index_cast %parallel_loop3A_419 : i32 to index
          %parallel_loop3A_463 = arith.constant 16 : index
          %parallel_loop3A_464 = tpu.vector_load %arg8[%parallel_loop3A_462, %parallel_loop3A_463] {strides = array<i32>} : memref<80x144xf32, #tpu.memory_space<vmem>>, vector<16xf32>,
          tpu.vector_store %arg8[%parallel_loop3A_462, %parallel_loop3A_463], %parallel_loop3A_461 {strides = array<i32>} : memref<80x144xf32, #tpu.memory_space<vmem>>, vector<16xf32>,
          %parallel_loop3A_465 = arith.index_cast %parallel_loop3A_419 : i32 to index
          %parallel_loop3A_466 = arith.constant 32 : index
          %parallel_loop3A_467 = tpu.vector_load %arg8[%parallel_loop3A_465, %parallel_loop3A_466] {strides = array<i32>} : memref<80x144xf32, #tpu.memory_space<vmem>>, vector<16xf32>,
          %parallel_loop3A_468 = arith.mulf %parallel_loop3A_467, %parallel_loop3A_447 : vector<16xf32>
          %parallel_loop3A_469 = arith.index_cast %parallel_loop3A_419 : i32 to index
          %parallel_loop3A_470 = arith.constant 32 : index
          %parallel_loop3A_471 = tpu.vector_load %arg8[%parallel_loop3A_469, %parallel_loop3A_470] {strides = array<i32>} : memref<80x144xf32, #tpu.memory_space<vmem>>, vector<16xf32>,
          tpu.vector_store %arg8[%parallel_loop3A_469, %parallel_loop3A_470], %parallel_loop3A_468 {strides = array<i32>} : memref<80x144xf32, #tpu.memory_space<vmem>>, vector<16xf32>,
          %parallel_loop3A_472 = arith.index_cast %parallel_loop3A_419 : i32 to index
          %parallel_loop3A_473 = arith.constant 48 : index
          %parallel_loop3A_474 = tpu.vector_load %arg8[%parallel_loop3A_472, %parallel_loop3A_473] {strides = array<i32>} : memref<80x144xf32, #tpu.memory_space<vmem>>, vector<16xf32>,
          %parallel_loop3A_475 = arith.mulf %parallel_loop3A_474, %parallel_loop3A_447 : vector<16xf32>
          %parallel_loop3A_476 = arith.index_cast %parallel_loop3A_419 : i32 to index
          %parallel_loop3A_477 = arith.constant 48 : index
          %parallel_loop3A_478 = tpu.vector_load %arg8[%parallel_loop3A_476, %parallel_loop3A_477] {strides = array<i32>} : memref<80x144xf32, #tpu.memory_space<vmem>>, vector<16xf32>,
          tpu.vector_store %arg8[%parallel_loop3A_476, %parallel_loop3A_477], %parallel_loop3A_475 {strides = array<i32>} : memref<80x144xf32, #tpu.memory_space<vmem>>, vector<16xf32>,
          %parallel_loop3A_479 = arith.index_cast %parallel_loop3A_419 : i32 to index
          %parallel_loop3A_480 = arith.constant 64 : index
          %parallel_loop3A_481 = tpu.vector_load %arg8[%parallel_loop3A_479, %parallel_loop3A_480] {strides = array<i32>} : memref<80x144xf32, #tpu.memory_space<vmem>>, vector<16xf32>,
          %parallel_loop3A_482 = arith.mulf %parallel_loop3A_481, %parallel_loop3A_447 : vector<16xf32>
          %parallel_loop3A_483 = arith.index_cast %parallel_loop3A_419 : i32 to index
          %parallel_loop3A_484 = arith.constant 64 : index
          %parallel_loop3A_485 = tpu.vector_load %arg8[%parallel_loop3A_483, %parallel_loop3A_484] {strides = array<i32>} : memref<80x144xf32, #tpu.memory_space<vmem>>, vector<16xf32>,
          tpu.vector_store %arg8[%parallel_loop3A_483, %parallel_loop3A_484], %parallel_loop3A_482 {strides = array<i32>} : memref<80x144xf32, #tpu.memory_space<vmem>>, vector<16xf32>,
          %parallel_loop3A_486 = arith.index_cast %parallel_loop3A_419 : i32 to index
          %parallel_loop3A_487 = arith.constant 80 : index
          %parallel_loop3A_488 = tpu.vector_load %arg8[%parallel_loop3A_486, %parallel_loop3A_487] {strides = array<i32>} : memref<80x144xf32, #tpu.memory_space<vmem>>, vector<16xf32>,
          %parallel_loop3A_489 = arith.mulf %parallel_loop3A_488, %parallel_loop3A_447 : vector<16xf32>
          %parallel_loop3A_490 = arith.index_cast %parallel_loop3A_419 : i32 to index
          %parallel_loop3A_491 = arith.constant 80 : index
          %parallel_loop3A_492 = tpu.vector_load %arg8[%parallel_loop3A_490, %parallel_loop3A_491] {strides = array<i32>} : memref<80x144xf32, #tpu.memory_space<vmem>>, vector<16xf32>,
          tpu.vector_store %arg8[%parallel_loop3A_490, %parallel_loop3A_491], %parallel_loop3A_489 {strides = array<i32>} : memref<80x144xf32, #tpu.memory_space<vmem>>, vector<16xf32>,
          %parallel_loop3A_493 = arith.index_cast %parallel_loop3A_419 : i32 to index
          %parallel_loop3A_494 = arith.constant 96 : index
          %parallel_loop3A_495 = tpu.vector_load %arg8[%parallel_loop3A_493, %parallel_loop3A_494] {strides = array<i32>} : memref<80x144xf32, #tpu.memory_space<vmem>>, vector<16xf32>,
          %parallel_loop3A_496 = arith.mulf %parallel_loop3A_495, %parallel_loop3A_447 : vector<16xf32>
          %parallel_loop3A_497 = arith.index_cast %parallel_loop3A_419 : i32 to index
          %parallel_loop3A_498 = arith.constant 96 : index
          %parallel_loop3A_499 = tpu.vector_load %arg8[%parallel_loop3A_497, %parallel_loop3A_498] {strides = array<i32>} : memref<80x144xf32, #tpu.memory_space<vmem>>, vector<16xf32>,
          tpu.vector_store %arg8[%parallel_loop3A_497, %parallel_loop3A_498], %parallel_loop3A_496 {strides = array<i32>} : memref<80x144xf32, #tpu.memory_space<vmem>>, vector<16xf32>,
          %parallel_loop3A_500 = arith.index_cast %parallel_loop3A_419 : i32 to index
          %parallel_loop3A_501 = arith.constant 112 : index
          %parallel_loop3A_502 = tpu.vector_load %arg8[%parallel_loop3A_500, %parallel_loop3A_501] {strides = array<i32>} : memref<80x144xf32, #tpu.memory_space<vmem>>, vector<16xf32>,
          %parallel_loop3A_503 = arith.mulf %parallel_loop3A_502, %parallel_loop3A_447 : vector<16xf32>
          %parallel_loop3A_504 = arith.index_cast %parallel_loop3A_419 : i32 to index
          %parallel_loop3A_505 = arith.constant 112 : index
          %parallel_loop3A_506 = tpu.vector_load %arg8[%parallel_loop3A_504, %parallel_loop3A_505] {strides = array<i32>} : memref<80x144xf32, #tpu.memory_space<vmem>>, vector<16xf32>,
          tpu.vector_store %arg8[%parallel_loop3A_504, %parallel_loop3A_505], %parallel_loop3A_503 {strides = array<i32>} : memref<80x144xf32, #tpu.memory_space<vmem>>, vector<16xf32>,
        } {sc.loop_unroll_factor = 4 : i64, sc.parallel_access}
        %dma_start3A_334 = arith.constant 1 : i32
        %dma_start3A_335 = arith.constant 0 : i32
        %dma_start3A_336 = tpu.memref_slice %arg14[%dma_start3A_334, %dma_start3A_335] : memref<2x80xi32, #tpu.memory_space<vmem>> -> memref<1x80xi32, #tpu.memory_space<vmem>>
        %dma_start3A_337 = tpu.memref_squeeze %dma_start3A_336 : memref<1x80xi32, #tpu.memory_space<vmem>> -> memref<80xi32, #tpu.memory_space<vmem>>
        %dma_start3A_338 = arith.constant 0 : i32
        %dma_start3A_339 = arith.constant 0 : i32
        %dma_start3A_340 = tpu.memref_slice %arg17[%dma_start3A_338, %dma_start3A_339] : memref<10000x144xf32, #tpu.memory_space<vmem_shared>> -> memref<10000x144xf32, #tpu.memory_space<vmem_shared>>
        tpu.enqueue_indirect_dma source(%arg8 : memref<80x144xf32, #tpu.memory_space<vmem>>) target(%dma_start3A_340 : memref<10000x144xf32, #tpu.memory_space<vmem_shared>>) offsets(%dma_start3A_337 : memref<80xi32, #tpu.memory_space<vmem>>) semaphore(%arg27 : memref<!tpu.dma_semaphore, #tpu.memory_space<semaphore_mem>>) {add = true}
        %dma_wait3A_341 = arith.constant 1 : i32
        %dma_wait3A_342 = arith.constant 0 : i32
        %dma_wait3A_343 = tpu.memref_slice %arg16[%dma_wait3A_341, %dma_wait3A_342] : memref<2x80xi32, #tpu.memory_space<vmem>> -> memref<1x80xi32, #tpu.memory_space<vmem>>
        %dma_wait3A_344 = tpu.memref_squeeze %dma_wait3A_343 : memref<1x80xi32, #tpu.memory_space<vmem>> -> memref<80xi32, #tpu.memory_space<vmem>>
        %dma_wait3A_345 = arith.constant 0 : i32
        %dma_wait3A_346 = arith.constant 0 : i32
        %dma_wait3A_347 = tpu.memref_slice %arg17[%dma_wait3A_345, %dma_wait3A_346] : memref<10000x144xf32, #tpu.memory_space<vmem_shared>> -> memref<10000x144xf32, #tpu.memory_space<vmem_shared>>
        tpu.wait_indirect_dma semaphore(%arg29 : memref<!tpu.dma_semaphore, #tpu.memory_space<semaphore_mem>>) src(%arg10 : memref<80x144xf32, #tpu.memory_space<vmem>>) dst(%dma_wait3A_347 : memref<10000x144xf32, #tpu.memory_space<vmem_shared>>)
        %add3A_348 = arith.constant 2 : i32
        %add3A_349 = arith.addi %add3A_296, %add3A_348 : i32
        %mul3A_350 = arith.constant 80 : i32
        %mul3A_351 = arith.muli %add3A_349, %mul3A_350 : i32
        %add3A_352 = arith.addi %mul3A_2, %mul3A_351 : i32
        %dma_start3A_353 = arith.constant 0 : i32
        %dma_start3A_354 = tpu.memref_slice %arg2[%dma_start3A_353, %add3A_352] : memref<2x320000xi32, #tpu.memory_space<hbm>> -> memref<2x80xi32, #tpu.memory_space<hbm>>
        %dma_start3A_355 = arith.constant 0 : i32
        %dma_start3A_356 = tpu.memref_slice %arg2[%dma_start3A_355, %add3A_352] : memref<2x320000xi32, #tpu.memory_space<hbm>> -> memref<2x80xi32, #tpu.memory_space<hbm>>
        tpu.enqueue_dma source(%dma_start3A_356 : memref<2x80xi32, #tpu.memory_space<hbm>>) target(%arg16 : memref<2x80xi32, #tpu.memory_space<vmem>>) target_semaphore(%arg26 : memref<!tpu.dma_semaphore, #tpu.memory_space<semaphore_mem>>)
        %add3A_357 = arith.constant 2 : i32
        %add3A_358 = arith.addi %add3A_234, %add3A_357 : i32
        %dma_wait3A_359 = arith.constant 0 : i32
        %dma_wait3A_360 = arith.constant 0 : i32
        %dma_wait3A_361 = tpu.memref_slice %arg15[%dma_wait3A_359, %dma_wait3A_360] : memref<2x80xi32, #tpu.memory_space<vmem>> -> memref<1x80xi32, #tpu.memory_space<vmem>>
        %dma_wait3A_362 = tpu.memref_squeeze %dma_wait3A_361 : memref<1x80xi32, #tpu.memory_space<vmem>> -> memref<80xi32, #tpu.memory_space<vmem>>
        %dma_wait3A_363 = arith.constant 0 : i32
        %dma_wait3A_364 = arith.constant 0 : i32
        %dma_wait3A_365 = tpu.memref_slice %arg3[%dma_wait3A_363, %dma_wait3A_364] : memref<10000x144xf32, #tpu.memory_space<hbm>> -> memref<10000x144xf32, #tpu.memory_space<hbm>>
        tpu.wait_indirect_dma semaphore(%arg19 : memref<!tpu.dma_semaphore, #tpu.memory_space<semaphore_mem>>) src(%dma_wait3A_365 : memref<10000x144xf32, #tpu.memory_space<hbm>>) dst(%arg9 : memref<80x144xf32, #tpu.memory_space<vmem>>)
        %dma_wait3A_366 = arith.constant 1 : i32
        %dma_wait3A_367 = arith.constant 0 : i32
        %dma_wait3A_368 = tpu.memref_slice %arg15[%dma_wait3A_366, %dma_wait3A_367] : memref<2x80xi32, #tpu.memory_space<vmem>> -> memref<1x80xi32, #tpu.memory_space<vmem>>
        %dma_wait3A_369 = tpu.memref_squeeze %dma_wait3A_368 : memref<1x80xi32, #tpu.memory_space<vmem>> -> memref<80xi32, #tpu.memory_space<vmem>>
        %dma_wait3A_370 = arith.constant 0 : i32
        %dma_wait3A_371 = arith.constant 0 : i32
        %dma_wait3A_372 = tpu.memref_slice %arg5[%dma_wait3A_370, %dma_wait3A_371] : memref<10000x16xf32, #tpu.memory_space<hbm>> -> memref<10000x16xf32, #tpu.memory_space<hbm>>
        tpu.wait_indirect_dma semaphore(%arg22 : memref<!tpu.dma_semaphore, #tpu.memory_space<semaphore_mem>>) src(%dma_wait3A_372 : memref<10000x16xf32, #tpu.memory_space<hbm>>) dst(%arg12 : memref<80x16xf32, #tpu.memory_space<vmem>>)
        %dma_wait3A_373 = arith.constant 0 : i32
        %dma_wait3A_374 = arith.constant 0 : i32
        %dma_wait3A_375 = tpu.memref_slice %arg2[%dma_wait3A_373, %dma_wait3A_374] : memref<2x320000xi32, #tpu.memory_space<hbm>> -> memref<2x80xi32, #tpu.memory_space<hbm>>
        %dma_wait3A_376 = arith.constant 0 : i32
        %dma_wait3A_377 = arith.constant 0 : i32
        %dma_wait3A_378 = tpu.memref_slice %arg2[%dma_wait3A_376, %dma_wait3A_377] : memref<2x320000xi32, #tpu.memory_space<hbm>> -> memref<2x80xi32, #tpu.memory_space<hbm>>
        tpu.wait_dma2 semaphore(%arg26 : memref<!tpu.dma_semaphore, #tpu.memory_space<semaphore_mem>>) src(%dma_wait3A_378 : memref<2x80xi32, #tpu.memory_space<hbm>>) dst(%arg16 : memref<2x80xi32, #tpu.memory_space<vmem>>)
        %dma_start3A_379 = arith.constant 0 : i32
        %dma_start3A_380 = arith.constant 0 : i32
        %dma_start3A_381 = tpu.memref_slice %arg16[%dma_start3A_379, %dma_start3A_380] : memref<2x80xi32, #tpu.memory_space<vmem>> -> memref<1x80xi32, #tpu.memory_space<vmem>>
        %dma_start3A_382 = tpu.memref_squeeze %dma_start3A_381 : memref<1x80xi32, #tpu.memory_space<vmem>> -> memref<80xi32, #tpu.memory_space<vmem>>
        %dma_start3A_383 = arith.constant 0 : i32
        %dma_start3A_384 = arith.constant 0 : i32
        %dma_start3A_385 = tpu.memref_slice %arg3[%dma_start3A_383, %dma_start3A_384] : memref<10000x144xf32, #tpu.memory_space<hbm>> -> memref<10000x144xf32, #tpu.memory_space<hbm>>
        tpu.enqueue_indirect_dma source(%dma_start3A_385 : memref<10000x144xf32, #tpu.memory_space<hbm>>) target(%arg10 : memref<80x144xf32, #tpu.memory_space<vmem>>) offsets(%dma_start3A_382 : memref<80xi32, #tpu.memory_space<vmem>>) semaphore(%arg20 : memref<!tpu.dma_semaphore, #tpu.memory_space<semaphore_mem>>)
        %dma_start3A_386 = arith.constant 1 : i32
        %dma_start3A_387 = arith.constant 0 : i32
        %dma_start3A_388 = tpu.memref_slice %arg16[%dma_start3A_386, %dma_start3A_387] : memref<2x80xi32, #tpu.memory_space<vmem>> -> memref<1x80xi32, #tpu.memory_space<vmem>>
        %dma_start3A_389 = tpu.memref_squeeze %dma_start3A_388 : memref<1x80xi32, #tpu.memory_space<vmem>> -> memref<80xi32, #tpu.memory_space<vmem>>
        %dma_start3A_390 = arith.constant 0 : i32
        %dma_start3A_391 = arith.constant 0 : i32
        %dma_start3A_392 = tpu.memref_slice %arg5[%dma_start3A_390, %dma_start3A_391] : memref<10000x16xf32, #tpu.memory_space<hbm>> -> memref<10000x16xf32, #tpu.memory_space<hbm>>
        tpu.enqueue_indirect_dma source(%dma_start3A_392 : memref<10000x16xf32, #tpu.memory_space<hbm>>) target(%arg13 : memref<80x16xf32, #tpu.memory_space<vmem>>) offsets(%dma_start3A_389 : memref<80xi32, #tpu.memory_space<vmem>>) semaphore(%arg23 : memref<!tpu.dma_semaphore, #tpu.memory_space<semaphore_mem>>)
        %parallel_loop3A_393 = arith.constant 0 : i32
        %parallel_loop3A_394 = arith.constant 80 : i32
        %parallel_loop3A_395 = arith.constant 1 : i32
        scf.for %parallel_loop3A_419 = %parallel_loop3A_393 to %parallel_loop3A_394 step %parallel_loop3A_395  : i32 {
          %parallel_loop3A_420 = arith.index_cast %parallel_loop3A_419 : i32 to index
          %parallel_loop3A_421 = arith.constant 128 : index
          %parallel_loop3A_422 = tpu.vector_load %arg9[%parallel_loop3A_420, %parallel_loop3A_421] {strides = array<i32>} : memref<80x144xf32, #tpu.memory_space<vmem>>, vector<16xf32>,
          %parallel_loop3A_423 = arith.index_cast %parallel_loop3A_419 : i32 to index
          %parallel_loop3A_424 = arith.constant 0 : index
          %parallel_loop3A_425 = tpu.vector_load %arg12[%parallel_loop3A_423, %parallel_loop3A_424] {strides = array<i32>} : memref<80x16xf32, #tpu.memory_space<vmem>>, vector<16xf32>,
          %parallel_loop3A_426 = arith.constant 0 : i32
          %parallel_loop3A_427 = vector.broadcast %parallel_loop3A_426 : i32 to vector<16xi32>
          %parallel_loop3A_428 = arith.addi %parallel_loop3A_427, %and3A_4 : vector<16xi32>
          %parallel_loop3A_429 = vector.shape_cast %parallel_loop3A_428 : vector<16xi32> to vector<16x1xi32>
          %parallel_loop3A_430 = vector.shape_cast %parallel_loop3A_429 : vector<16x1xi32> to vector<16xi32>
          %parallel_loop3A_431 = tpu.dynamic_gather %parallel_loop3A_425[%parallel_loop3A_430] in [0] : vector<16xf32>, vector<16xi32> -> vector<16xf32>
          %parallel_loop3A_432 = arith.constant 4 : i32
          %parallel_loop3A_433 = vector.broadcast %parallel_loop3A_432 : i32 to vector<16xi32>
          %parallel_loop3A_434 = arith.addi %parallel_loop3A_433, %and3A_4 : vector<16xi32>
          %parallel_loop3A_435 = vector.shape_cast %parallel_loop3A_434 : vector<16xi32> to vector<16x1xi32>
          %parallel_loop3A_436 = vector.shape_cast %parallel_loop3A_435 : vector<16x1xi32> to vector<16xi32>
          %parallel_loop3A_437 = tpu.dynamic_gather %parallel_loop3A_425[%parallel_loop3A_436] in [0] : vector<16xf32>, vector<16xi32> -> vector<16xf32>
          %parallel_loop3A_438 = arith.addf %parallel_loop3A_422, %parallel_loop3A_431 : vector<16xf32>
          %parallel_loop3A_439 = arith.constant 0.000000e+00 : f32
          %parallel_loop3A_440 = vector.broadcast %parallel_loop3A_439 : f32 to vector<16xf32>
          %parallel_loop3A_441 = arith.cmpf ogt, %parallel_loop3A_438, %parallel_loop3A_440 : vector<16xf32>
          %parallel_loop3A_442 = arith.constant 2.000000e-01 : f32
          %parallel_loop3A_443 = vector.broadcast %parallel_loop3A_442 : f32 to vector<16xf32>
          %parallel_loop3A_444 = arith.mulf %parallel_loop3A_443, %parallel_loop3A_438 : vector<16xf32>
          %parallel_loop3A_445 = arith.select %parallel_loop3A_441, %parallel_loop3A_438, %parallel_loop3A_444 : vector<16xi1>, vector<16xf32>
          %parallel_loop3A_446 = arith.subf %parallel_loop3A_445, %parallel_loop3A_437 : vector<16xf32>
          %parallel_loop3A_447 = math.exp %parallel_loop3A_446 : vector<16xf32>
          %parallel_loop3A_448 = arith.index_cast %parallel_loop3A_419 : i32 to index
          %parallel_loop3A_449 = arith.constant 128 : index
          %parallel_loop3A_450 = tpu.vector_load %arg9[%parallel_loop3A_448, %parallel_loop3A_449] {strides = array<i32>} : memref<80x144xf32, #tpu.memory_space<vmem>>, vector<16xf32>,
          tpu.vector_store %arg9[%parallel_loop3A_448, %parallel_loop3A_449], %parallel_loop3A_447 {strides = array<i32>} : memref<80x144xf32, #tpu.memory_space<vmem>>, vector<16xf32>,
          %parallel_loop3A_451 = arith.index_cast %parallel_loop3A_419 : i32 to index
          %parallel_loop3A_452 = arith.constant 0 : index
          %parallel_loop3A_453 = tpu.vector_load %arg9[%parallel_loop3A_451, %parallel_loop3A_452] {strides = array<i32>} : memref<80x144xf32, #tpu.memory_space<vmem>>, vector<16xf32>,
          %parallel_loop3A_454 = arith.mulf %parallel_loop3A_453, %parallel_loop3A_447 : vector<16xf32>
          %parallel_loop3A_455 = arith.index_cast %parallel_loop3A_419 : i32 to index
          %parallel_loop3A_456 = arith.constant 0 : index
          %parallel_loop3A_457 = tpu.vector_load %arg9[%parallel_loop3A_455, %parallel_loop3A_456] {strides = array<i32>} : memref<80x144xf32, #tpu.memory_space<vmem>>, vector<16xf32>,
          tpu.vector_store %arg9[%parallel_loop3A_455, %parallel_loop3A_456], %parallel_loop3A_454 {strides = array<i32>} : memref<80x144xf32, #tpu.memory_space<vmem>>, vector<16xf32>,
          %parallel_loop3A_458 = arith.index_cast %parallel_loop3A_419 : i32 to index
          %parallel_loop3A_459 = arith.constant 16 : index
          %parallel_loop3A_460 = tpu.vector_load %arg9[%parallel_loop3A_458, %parallel_loop3A_459] {strides = array<i32>} : memref<80x144xf32, #tpu.memory_space<vmem>>, vector<16xf32>,
          %parallel_loop3A_461 = arith.mulf %parallel_loop3A_460, %parallel_loop3A_447 : vector<16xf32>
          %parallel_loop3A_462 = arith.index_cast %parallel_loop3A_419 : i32 to index
          %parallel_loop3A_463 = arith.constant 16 : index
          %parallel_loop3A_464 = tpu.vector_load %arg9[%parallel_loop3A_462, %parallel_loop3A_463] {strides = array<i32>} : memref<80x144xf32, #tpu.memory_space<vmem>>, vector<16xf32>,
          tpu.vector_store %arg9[%parallel_loop3A_462, %parallel_loop3A_463], %parallel_loop3A_461 {strides = array<i32>} : memref<80x144xf32, #tpu.memory_space<vmem>>, vector<16xf32>,
          %parallel_loop3A_465 = arith.index_cast %parallel_loop3A_419 : i32 to index
          %parallel_loop3A_466 = arith.constant 32 : index
          %parallel_loop3A_467 = tpu.vector_load %arg9[%parallel_loop3A_465, %parallel_loop3A_466] {strides = array<i32>} : memref<80x144xf32, #tpu.memory_space<vmem>>, vector<16xf32>,
          %parallel_loop3A_468 = arith.mulf %parallel_loop3A_467, %parallel_loop3A_447 : vector<16xf32>
          %parallel_loop3A_469 = arith.index_cast %parallel_loop3A_419 : i32 to index
          %parallel_loop3A_470 = arith.constant 32 : index
          %parallel_loop3A_471 = tpu.vector_load %arg9[%parallel_loop3A_469, %parallel_loop3A_470] {strides = array<i32>} : memref<80x144xf32, #tpu.memory_space<vmem>>, vector<16xf32>,
          tpu.vector_store %arg9[%parallel_loop3A_469, %parallel_loop3A_470], %parallel_loop3A_468 {strides = array<i32>} : memref<80x144xf32, #tpu.memory_space<vmem>>, vector<16xf32>,
          %parallel_loop3A_472 = arith.index_cast %parallel_loop3A_419 : i32 to index
          %parallel_loop3A_473 = arith.constant 48 : index
          %parallel_loop3A_474 = tpu.vector_load %arg9[%parallel_loop3A_472, %parallel_loop3A_473] {strides = array<i32>} : memref<80x144xf32, #tpu.memory_space<vmem>>, vector<16xf32>,
          %parallel_loop3A_475 = arith.mulf %parallel_loop3A_474, %parallel_loop3A_447 : vector<16xf32>
          %parallel_loop3A_476 = arith.index_cast %parallel_loop3A_419 : i32 to index
          %parallel_loop3A_477 = arith.constant 48 : index
          %parallel_loop3A_478 = tpu.vector_load %arg9[%parallel_loop3A_476, %parallel_loop3A_477] {strides = array<i32>} : memref<80x144xf32, #tpu.memory_space<vmem>>, vector<16xf32>,
          tpu.vector_store %arg9[%parallel_loop3A_476, %parallel_loop3A_477], %parallel_loop3A_475 {strides = array<i32>} : memref<80x144xf32, #tpu.memory_space<vmem>>, vector<16xf32>,
          %parallel_loop3A_479 = arith.index_cast %parallel_loop3A_419 : i32 to index
          %parallel_loop3A_480 = arith.constant 64 : index
          %parallel_loop3A_481 = tpu.vector_load %arg9[%parallel_loop3A_479, %parallel_loop3A_480] {strides = array<i32>} : memref<80x144xf32, #tpu.memory_space<vmem>>, vector<16xf32>,
          %parallel_loop3A_482 = arith.mulf %parallel_loop3A_481, %parallel_loop3A_447 : vector<16xf32>
          %parallel_loop3A_483 = arith.index_cast %parallel_loop3A_419 : i32 to index
          %parallel_loop3A_484 = arith.constant 64 : index
          %parallel_loop3A_485 = tpu.vector_load %arg9[%parallel_loop3A_483, %parallel_loop3A_484] {strides = array<i32>} : memref<80x144xf32, #tpu.memory_space<vmem>>, vector<16xf32>,
          tpu.vector_store %arg9[%parallel_loop3A_483, %parallel_loop3A_484], %parallel_loop3A_482 {strides = array<i32>} : memref<80x144xf32, #tpu.memory_space<vmem>>, vector<16xf32>,
          %parallel_loop3A_486 = arith.index_cast %parallel_loop3A_419 : i32 to index
          %parallel_loop3A_487 = arith.constant 80 : index
          %parallel_loop3A_488 = tpu.vector_load %arg9[%parallel_loop3A_486, %parallel_loop3A_487] {strides = array<i32>} : memref<80x144xf32, #tpu.memory_space<vmem>>, vector<16xf32>,
          %parallel_loop3A_489 = arith.mulf %parallel_loop3A_488, %parallel_loop3A_447 : vector<16xf32>
          %parallel_loop3A_490 = arith.index_cast %parallel_loop3A_419 : i32 to index
          %parallel_loop3A_491 = arith.constant 80 : index
          %parallel_loop3A_492 = tpu.vector_load %arg9[%parallel_loop3A_490, %parallel_loop3A_491] {strides = array<i32>} : memref<80x144xf32, #tpu.memory_space<vmem>>, vector<16xf32>,
          tpu.vector_store %arg9[%parallel_loop3A_490, %parallel_loop3A_491], %parallel_loop3A_489 {strides = array<i32>} : memref<80x144xf32, #tpu.memory_space<vmem>>, vector<16xf32>,
          %parallel_loop3A_493 = arith.index_cast %parallel_loop3A_419 : i32 to index
          %parallel_loop3A_494 = arith.constant 96 : index
          %parallel_loop3A_495 = tpu.vector_load %arg9[%parallel_loop3A_493, %parallel_loop3A_494] {strides = array<i32>} : memref<80x144xf32, #tpu.memory_space<vmem>>, vector<16xf32>,
          %parallel_loop3A_496 = arith.mulf %parallel_loop3A_495, %parallel_loop3A_447 : vector<16xf32>
          %parallel_loop3A_497 = arith.index_cast %parallel_loop3A_419 : i32 to index
          %parallel_loop3A_498 = arith.constant 96 : index
          %parallel_loop3A_499 = tpu.vector_load %arg9[%parallel_loop3A_497, %parallel_loop3A_498] {strides = array<i32>} : memref<80x144xf32, #tpu.memory_space<vmem>>, vector<16xf32>,
          tpu.vector_store %arg9[%parallel_loop3A_497, %parallel_loop3A_498], %parallel_loop3A_496 {strides = array<i32>} : memref<80x144xf32, #tpu.memory_space<vmem>>, vector<16xf32>,
          %parallel_loop3A_500 = arith.index_cast %parallel_loop3A_419 : i32 to index
          %parallel_loop3A_501 = arith.constant 112 : index
          %parallel_loop3A_502 = tpu.vector_load %arg9[%parallel_loop3A_500, %parallel_loop3A_501] {strides = array<i32>} : memref<80x144xf32, #tpu.memory_space<vmem>>, vector<16xf32>,
          %parallel_loop3A_503 = arith.mulf %parallel_loop3A_502, %parallel_loop3A_447 : vector<16xf32>
          %parallel_loop3A_504 = arith.index_cast %parallel_loop3A_419 : i32 to index
          %parallel_loop3A_505 = arith.constant 112 : index
          %parallel_loop3A_506 = tpu.vector_load %arg9[%parallel_loop3A_504, %parallel_loop3A_505] {strides = array<i32>} : memref<80x144xf32, #tpu.memory_space<vmem>>, vector<16xf32>,
          tpu.vector_store %arg9[%parallel_loop3A_504, %parallel_loop3A_505], %parallel_loop3A_503 {strides = array<i32>} : memref<80x144xf32, #tpu.memory_space<vmem>>, vector<16xf32>,
        } {sc.loop_unroll_factor = 4 : i64, sc.parallel_access}
        %dma_start3A_396 = arith.constant 1 : i32
        %dma_start3A_397 = arith.constant 0 : i32
        %dma_start3A_398 = tpu.memref_slice %arg15[%dma_start3A_396, %dma_start3A_397] : memref<2x80xi32, #tpu.memory_space<vmem>> -> memref<1x80xi32, #tpu.memory_space<vmem>>
        %dma_start3A_399 = tpu.memref_squeeze %dma_start3A_398 : memref<1x80xi32, #tpu.memory_space<vmem>> -> memref<80xi32, #tpu.memory_space<vmem>>
        %dma_start3A_400 = arith.constant 0 : i32
        %dma_start3A_401 = arith.constant 0 : i32
        %dma_start3A_402 = tpu.memref_slice %arg17[%dma_start3A_400, %dma_start3A_401] : memref<10000x144xf32, #tpu.memory_space<vmem_shared>> -> memref<10000x144xf32, #tpu.memory_space<vmem_shared>>
        tpu.enqueue_indirect_dma source(%arg9 : memref<80x144xf32, #tpu.memory_space<vmem>>) target(%dma_start3A_402 : memref<10000x144xf32, #tpu.memory_space<vmem_shared>>) offsets(%dma_start3A_399 : memref<80xi32, #tpu.memory_space<vmem>>) semaphore(%arg28 : memref<!tpu.dma_semaphore, #tpu.memory_space<semaphore_mem>>) {add = true}
        %dma_wait3A_403 = arith.constant 1 : i32
        %dma_wait3A_404 = arith.constant 0 : i32
        %dma_wait3A_405 = tpu.memref_slice %arg14[%dma_wait3A_403, %dma_wait3A_404] : memref<2x80xi32, #tpu.memory_space<vmem>> -> memref<1x80xi32, #tpu.memory_space<vmem>>
        %dma_wait3A_406 = tpu.memref_squeeze %dma_wait3A_405 : memref<1x80xi32, #tpu.memory_space<vmem>> -> memref<80xi32, #tpu.memory_space<vmem>>
        %dma_wait3A_407 = arith.constant 0 : i32
        %dma_wait3A_408 = arith.constant 0 : i32
        %dma_wait3A_409 = tpu.memref_slice %arg17[%dma_wait3A_407, %dma_wait3A_408] : memref<10000x144xf32, #tpu.memory_space<vmem_shared>> -> memref<10000x144xf32, #tpu.memory_space<vmem_shared>>
        tpu.wait_indirect_dma semaphore(%arg27 : memref<!tpu.dma_semaphore, #tpu.memory_space<semaphore_mem>>) src(%arg8 : memref<80x144xf32, #tpu.memory_space<vmem>>) dst(%dma_wait3A_409 : memref<10000x144xf32, #tpu.memory_space<vmem_shared>>)
        %add3A_410 = arith.constant 2 : i32
        %add3A_411 = arith.addi %add3A_358, %add3A_410 : i32
        %mul3A_412 = arith.constant 80 : i32
        %mul3A_413 = arith.muli %add3A_411, %mul3A_412 : i32
        %add3A_414 = arith.addi %mul3A_2, %mul3A_413 : i32
        %dma_start3A_415 = arith.constant 0 : i32
        %dma_start3A_416 = tpu.memref_slice %arg2[%dma_start3A_415, %add3A_414] : memref<2x320000xi32, #tpu.memory_space<hbm>> -> memref<2x80xi32, #tpu.memory_space<hbm>>
        %dma_start3A_417 = arith.constant 0 : i32
        %dma_start3A_418 = tpu.memref_slice %arg2[%dma_start3A_417, %add3A_414] : memref<2x320000xi32, #tpu.memory_space<hbm>> -> memref<2x80xi32, #tpu.memory_space<hbm>>
        tpu.enqueue_dma source(%dma_start3A_418 : memref<2x80xi32, #tpu.memory_space<hbm>>) target(%arg14 : memref<2x80xi32, #tpu.memory_space<vmem>>) target_semaphore(%arg24 : memref<!tpu.dma_semaphore, #tpu.memory_space<semaphore_mem>>)
      }
      %scan3A_140 = arith.constant 82 : i32
      %dma_wait3A_141 = arith.constant 0 : i32
      %dma_wait3A_142 = arith.constant 0 : i32
      %dma_wait3A_143 = tpu.memref_slice %arg16[%dma_wait3A_141, %dma_wait3A_142] : memref<2x80xi32, #tpu.memory_space<vmem>> -> memref<1x80xi32, #tpu.memory_space<vmem>>
      %dma_wait3A_144 = tpu.memref_squeeze %dma_wait3A_143 : memref<1x80xi32, #tpu.memory_space<vmem>> -> memref<80xi32, #tpu.memory_space<vmem>>
      %dma_wait3A_145 = arith.constant 0 : i32
      %dma_wait3A_146 = arith.constant 0 : i32
      %dma_wait3A_147 = tpu.memref_slice %arg3[%dma_wait3A_145, %dma_wait3A_146] : memref<10000x144xf32, #tpu.memory_space<hbm>> -> memref<10000x144xf32, #tpu.memory_space<hbm>>
      tpu.wait_indirect_dma semaphore(%arg20 : memref<!tpu.dma_semaphore, #tpu.memory_space<semaphore_mem>>) src(%dma_wait3A_147 : memref<10000x144xf32, #tpu.memory_space<hbm>>) dst(%arg10 : memref<80x144xf32, #tpu.memory_space<vmem>>)
      %dma_wait3A_148 = arith.constant 1 : i32
      %dma_wait3A_149 = arith.constant 0 : i32
      %dma_wait3A_150 = tpu.memref_slice %arg16[%dma_wait3A_148, %dma_wait3A_149] : memref<2x80xi32, #tpu.memory_space<vmem>> -> memref<1x80xi32, #tpu.memory_space<vmem>>
      %dma_wait3A_151 = tpu.memref_squeeze %dma_wait3A_150 : memref<1x80xi32, #tpu.memory_space<vmem>> -> memref<80xi32, #tpu.memory_space<vmem>>
      %dma_wait3A_152 = arith.constant 0 : i32
      %dma_wait3A_153 = arith.constant 0 : i32
      %dma_wait3A_154 = tpu.memref_slice %arg5[%dma_wait3A_152, %dma_wait3A_153] : memref<10000x16xf32, #tpu.memory_space<hbm>> -> memref<10000x16xf32, #tpu.memory_space<hbm>>
      tpu.wait_indirect_dma semaphore(%arg23 : memref<!tpu.dma_semaphore, #tpu.memory_space<semaphore_mem>>) src(%dma_wait3A_154 : memref<10000x16xf32, #tpu.memory_space<hbm>>) dst(%arg13 : memref<80x16xf32, #tpu.memory_space<vmem>>)
      %dma_wait3A_155 = arith.constant 0 : i32
      %dma_wait3A_156 = arith.constant 0 : i32
      %dma_wait3A_157 = tpu.memref_slice %arg2[%dma_wait3A_155, %dma_wait3A_156] : memref<2x320000xi32, #tpu.memory_space<hbm>> -> memref<2x80xi32, #tpu.memory_space<hbm>>
      %dma_wait3A_158 = arith.constant 0 : i32
      %dma_wait3A_159 = arith.constant 0 : i32
      %dma_wait3A_160 = tpu.memref_slice %arg2[%dma_wait3A_158, %dma_wait3A_159] : memref<2x320000xi32, #tpu.memory_space<hbm>> -> memref<2x80xi32, #tpu.memory_space<hbm>>
      tpu.wait_dma2 semaphore(%arg24 : memref<!tpu.dma_semaphore, #tpu.memory_space<semaphore_mem>>) src(%dma_wait3A_160 : memref<2x80xi32, #tpu.memory_space<hbm>>) dst(%arg14 : memref<2x80xi32, #tpu.memory_space<vmem>>)
      %dma_start3A_161 = arith.constant 0 : i32
      %dma_start3A_162 = arith.constant 0 : i32
      %dma_start3A_163 = tpu.memref_slice %arg14[%dma_start3A_161, %dma_start3A_162] : memref<2x80xi32, #tpu.memory_space<vmem>> -> memref<1x80xi32, #tpu.memory_space<vmem>>
      %dma_start3A_164 = tpu.memref_squeeze %dma_start3A_163 : memref<1x80xi32, #tpu.memory_space<vmem>> -> memref<80xi32, #tpu.memory_space<vmem>>
      %dma_start3A_165 = arith.constant 0 : i32
      %dma_start3A_166 = arith.constant 0 : i32
      %dma_start3A_167 = tpu.memref_slice %arg3[%dma_start3A_165, %dma_start3A_166] : memref<10000x144xf32, #tpu.memory_space<hbm>> -> memref<10000x144xf32, #tpu.memory_space<hbm>>
      tpu.enqueue_indirect_dma source(%dma_start3A_167 : memref<10000x144xf32, #tpu.memory_space<hbm>>) target(%arg8 : memref<80x144xf32, #tpu.memory_space<vmem>>) offsets(%dma_start3A_164 : memref<80xi32, #tpu.memory_space<vmem>>) semaphore(%arg18 : memref<!tpu.dma_semaphore, #tpu.memory_space<semaphore_mem>>)
      %dma_start3A_168 = arith.constant 1 : i32
      %dma_start3A_169 = arith.constant 0 : i32
      %dma_start3A_170 = tpu.memref_slice %arg14[%dma_start3A_168, %dma_start3A_169] : memref<2x80xi32, #tpu.memory_space<vmem>> -> memref<1x80xi32, #tpu.memory_space<vmem>>
      %dma_start3A_171 = tpu.memref_squeeze %dma_start3A_170 : memref<1x80xi32, #tpu.memory_space<vmem>> -> memref<80xi32, #tpu.memory_space<vmem>>
      %dma_start3A_172 = arith.constant 0 : i32
      %dma_start3A_173 = arith.constant 0 : i32
      %dma_start3A_174 = tpu.memref_slice %arg5[%dma_start3A_172, %dma_start3A_173] : memref<10000x16xf32, #tpu.memory_space<hbm>> -> memref<10000x16xf32, #tpu.memory_space<hbm>>
      tpu.enqueue_indirect_dma source(%dma_start3A_174 : memref<10000x16xf32, #tpu.memory_space<hbm>>) target(%arg11 : memref<80x16xf32, #tpu.memory_space<vmem>>) offsets(%dma_start3A_171 : memref<80xi32, #tpu.memory_space<vmem>>) semaphore(%arg21 : memref<!tpu.dma_semaphore, #tpu.memory_space<semaphore_mem>>)
      %parallel_loop3A_175 = arith.constant 0 : i32
      %parallel_loop3A_176 = arith.constant 80 : i32
      %parallel_loop3A_177 = arith.constant 1 : i32
      scf.for %parallel_loop3A_230 = %parallel_loop3A_175 to %parallel_loop3A_176 step %parallel_loop3A_177  : i32 {
        %parallel_loop3A_231 = arith.index_cast %parallel_loop3A_230 : i32 to index
        %parallel_loop3A_232 = arith.constant 128 : index
        %parallel_loop3A_233 = tpu.vector_load %arg10[%parallel_loop3A_231, %parallel_loop3A_232] {strides = array<i32>} : memref<80x144xf32, #tpu.memory_space<vmem>>, vector<16xf32>,
        %parallel_loop3A_234 = arith.index_cast %parallel_loop3A_230 : i32 to index
        %parallel_loop3A_235 = arith.constant 0 : index
        %parallel_loop3A_236 = tpu.vector_load %arg13[%parallel_loop3A_234, %parallel_loop3A_235] {strides = array<i32>} : memref<80x16xf32, #tpu.memory_space<vmem>>, vector<16xf32>,
        %parallel_loop3A_237 = arith.constant 0 : i32
        %parallel_loop3A_238 = vector.broadcast %parallel_loop3A_237 : i32 to vector<16xi32>
        %parallel_loop3A_239 = arith.addi %parallel_loop3A_238, %and3A_4 : vector<16xi32>
        %parallel_loop3A_240 = vector.shape_cast %parallel_loop3A_239 : vector<16xi32> to vector<16x1xi32>
        %parallel_loop3A_241 = vector.shape_cast %parallel_loop3A_240 : vector<16x1xi32> to vector<16xi32>
        %parallel_loop3A_242 = tpu.dynamic_gather %parallel_loop3A_236[%parallel_loop3A_241] in [0] : vector<16xf32>, vector<16xi32> -> vector<16xf32>
        %parallel_loop3A_243 = arith.constant 4 : i32
        %parallel_loop3A_244 = vector.broadcast %parallel_loop3A_243 : i32 to vector<16xi32>
        %parallel_loop3A_245 = arith.addi %parallel_loop3A_244, %and3A_4 : vector<16xi32>
        %parallel_loop3A_246 = vector.shape_cast %parallel_loop3A_245 : vector<16xi32> to vector<16x1xi32>
        %parallel_loop3A_247 = vector.shape_cast %parallel_loop3A_246 : vector<16x1xi32> to vector<16xi32>
        %parallel_loop3A_248 = tpu.dynamic_gather %parallel_loop3A_236[%parallel_loop3A_247] in [0] : vector<16xf32>, vector<16xi32> -> vector<16xf32>
        %parallel_loop3A_249 = arith.addf %parallel_loop3A_233, %parallel_loop3A_242 : vector<16xf32>
        %parallel_loop3A_250 = arith.constant 0.000000e+00 : f32
        %parallel_loop3A_251 = vector.broadcast %parallel_loop3A_250 : f32 to vector<16xf32>
        %parallel_loop3A_252 = arith.cmpf ogt, %parallel_loop3A_249, %parallel_loop3A_251 : vector<16xf32>
        %parallel_loop3A_253 = arith.constant 2.000000e-01 : f32
        %parallel_loop3A_254 = vector.broadcast %parallel_loop3A_253 : f32 to vector<16xf32>
        %parallel_loop3A_255 = arith.mulf %parallel_loop3A_254, %parallel_loop3A_249 : vector<16xf32>
        %parallel_loop3A_256 = arith.select %parallel_loop3A_252, %parallel_loop3A_249, %parallel_loop3A_255 : vector<16xi1>, vector<16xf32>
        %parallel_loop3A_257 = arith.subf %parallel_loop3A_256, %parallel_loop3A_248 : vector<16xf32>
        %parallel_loop3A_258 = math.exp %parallel_loop3A_257 : vector<16xf32>
        %parallel_loop3A_259 = arith.index_cast %parallel_loop3A_230 : i32 to index
        %parallel_loop3A_260 = arith.constant 128 : index
        %parallel_loop3A_261 = tpu.vector_load %arg10[%parallel_loop3A_259, %parallel_loop3A_260] {strides = array<i32>} : memref<80x144xf32, #tpu.memory_space<vmem>>, vector<16xf32>,
        tpu.vector_store %arg10[%parallel_loop3A_259, %parallel_loop3A_260], %parallel_loop3A_258 {strides = array<i32>} : memref<80x144xf32, #tpu.memory_space<vmem>>, vector<16xf32>,
        %parallel_loop3A_262 = arith.index_cast %parallel_loop3A_230 : i32 to index
        %parallel_loop3A_263 = arith.constant 0 : index
        %parallel_loop3A_264 = tpu.vector_load %arg10[%parallel_loop3A_262, %parallel_loop3A_263] {strides = array<i32>} : memref<80x144xf32, #tpu.memory_space<vmem>>, vector<16xf32>,
        %parallel_loop3A_265 = arith.mulf %parallel_loop3A_264, %parallel_loop3A_258 : vector<16xf32>
        %parallel_loop3A_266 = arith.index_cast %parallel_loop3A_230 : i32 to index
        %parallel_loop3A_267 = arith.constant 0 : index
        %parallel_loop3A_268 = tpu.vector_load %arg10[%parallel_loop3A_266, %parallel_loop3A_267] {strides = array<i32>} : memref<80x144xf32, #tpu.memory_space<vmem>>, vector<16xf32>,
        tpu.vector_store %arg10[%parallel_loop3A_266, %parallel_loop3A_267], %parallel_loop3A_265 {strides = array<i32>} : memref<80x144xf32, #tpu.memory_space<vmem>>, vector<16xf32>,
        %parallel_loop3A_269 = arith.index_cast %parallel_loop3A_230 : i32 to index
        %parallel_loop3A_270 = arith.constant 16 : index
        %parallel_loop3A_271 = tpu.vector_load %arg10[%parallel_loop3A_269, %parallel_loop3A_270] {strides = array<i32>} : memref<80x144xf32, #tpu.memory_space<vmem>>, vector<16xf32>,
        %parallel_loop3A_272 = arith.mulf %parallel_loop3A_271, %parallel_loop3A_258 : vector<16xf32>
        %parallel_loop3A_273 = arith.index_cast %parallel_loop3A_230 : i32 to index
        %parallel_loop3A_274 = arith.constant 16 : index
        %parallel_loop3A_275 = tpu.vector_load %arg10[%parallel_loop3A_273, %parallel_loop3A_274] {strides = array<i32>} : memref<80x144xf32, #tpu.memory_space<vmem>>, vector<16xf32>,
        tpu.vector_store %arg10[%parallel_loop3A_273, %parallel_loop3A_274], %parallel_loop3A_272 {strides = array<i32>} : memref<80x144xf32, #tpu.memory_space<vmem>>, vector<16xf32>,
        %parallel_loop3A_276 = arith.index_cast %parallel_loop3A_230 : i32 to index
        %parallel_loop3A_277 = arith.constant 32 : index
        %parallel_loop3A_278 = tpu.vector_load %arg10[%parallel_loop3A_276, %parallel_loop3A_277] {strides = array<i32>} : memref<80x144xf32, #tpu.memory_space<vmem>>, vector<16xf32>,
        %parallel_loop3A_279 = arith.mulf %parallel_loop3A_278, %parallel_loop3A_258 : vector<16xf32>
        %parallel_loop3A_280 = arith.index_cast %parallel_loop3A_230 : i32 to index
        %parallel_loop3A_281 = arith.constant 32 : index
        %parallel_loop3A_282 = tpu.vector_load %arg10[%parallel_loop3A_280, %parallel_loop3A_281] {strides = array<i32>} : memref<80x144xf32, #tpu.memory_space<vmem>>, vector<16xf32>,
        tpu.vector_store %arg10[%parallel_loop3A_280, %parallel_loop3A_281], %parallel_loop3A_279 {strides = array<i32>} : memref<80x144xf32, #tpu.memory_space<vmem>>, vector<16xf32>,
        %parallel_loop3A_283 = arith.index_cast %parallel_loop3A_230 : i32 to index
        %parallel_loop3A_284 = arith.constant 48 : index
        %parallel_loop3A_285 = tpu.vector_load %arg10[%parallel_loop3A_283, %parallel_loop3A_284] {strides = array<i32>} : memref<80x144xf32, #tpu.memory_space<vmem>>, vector<16xf32>,
        %parallel_loop3A_286 = arith.mulf %parallel_loop3A_285, %parallel_loop3A_258 : vector<16xf32>
        %parallel_loop3A_287 = arith.index_cast %parallel_loop3A_230 : i32 to index
        %parallel_loop3A_288 = arith.constant 48 : index
        %parallel_loop3A_289 = tpu.vector_load %arg10[%parallel_loop3A_287, %parallel_loop3A_288] {strides = array<i32>} : memref<80x144xf32, #tpu.memory_space<vmem>>, vector<16xf32>,
        tpu.vector_store %arg10[%parallel_loop3A_287, %parallel_loop3A_288], %parallel_loop3A_286 {strides = array<i32>} : memref<80x144xf32, #tpu.memory_space<vmem>>, vector<16xf32>,
        %parallel_loop3A_290 = arith.index_cast %parallel_loop3A_230 : i32 to index
        %parallel_loop3A_291 = arith.constant 64 : index
        %parallel_loop3A_292 = tpu.vector_load %arg10[%parallel_loop3A_290, %parallel_loop3A_291] {strides = array<i32>} : memref<80x144xf32, #tpu.memory_space<vmem>>, vector<16xf32>,
        %parallel_loop3A_293 = arith.mulf %parallel_loop3A_292, %parallel_loop3A_258 : vector<16xf32>
        %parallel_loop3A_294 = arith.index_cast %parallel_loop3A_230 : i32 to index
        %parallel_loop3A_295 = arith.constant 64 : index
        %parallel_loop3A_296 = tpu.vector_load %arg10[%parallel_loop3A_294, %parallel_loop3A_295] {strides = array<i32>} : memref<80x144xf32, #tpu.memory_space<vmem>>, vector<16xf32>,
        tpu.vector_store %arg10[%parallel_loop3A_294, %parallel_loop3A_295], %parallel_loop3A_293 {strides = array<i32>} : memref<80x144xf32, #tpu.memory_space<vmem>>, vector<16xf32>,
        %parallel_loop3A_297 = arith.index_cast %parallel_loop3A_230 : i32 to index
        %parallel_loop3A_298 = arith.constant 80 : index
        %parallel_loop3A_299 = tpu.vector_load %arg10[%parallel_loop3A_297, %parallel_loop3A_298] {strides = array<i32>} : memref<80x144xf32, #tpu.memory_space<vmem>>, vector<16xf32>,
        %parallel_loop3A_300 = arith.mulf %parallel_loop3A_299, %parallel_loop3A_258 : vector<16xf32>
        %parallel_loop3A_301 = arith.index_cast %parallel_loop3A_230 : i32 to index
        %parallel_loop3A_302 = arith.constant 80 : index
        %parallel_loop3A_303 = tpu.vector_load %arg10[%parallel_loop3A_301, %parallel_loop3A_302] {strides = array<i32>} : memref<80x144xf32, #tpu.memory_space<vmem>>, vector<16xf32>,
        tpu.vector_store %arg10[%parallel_loop3A_301, %parallel_loop3A_302], %parallel_loop3A_300 {strides = array<i32>} : memref<80x144xf32, #tpu.memory_space<vmem>>, vector<16xf32>,
        %parallel_loop3A_304 = arith.index_cast %parallel_loop3A_230 : i32 to index
        %parallel_loop3A_305 = arith.constant 96 : index
        %parallel_loop3A_306 = tpu.vector_load %arg10[%parallel_loop3A_304, %parallel_loop3A_305] {strides = array<i32>} : memref<80x144xf32, #tpu.memory_space<vmem>>, vector<16xf32>,
        %parallel_loop3A_307 = arith.mulf %parallel_loop3A_306, %parallel_loop3A_258 : vector<16xf32>
        %parallel_loop3A_308 = arith.index_cast %parallel_loop3A_230 : i32 to index
        %parallel_loop3A_309 = arith.constant 96 : index
        %parallel_loop3A_310 = tpu.vector_load %arg10[%parallel_loop3A_308, %parallel_loop3A_309] {strides = array<i32>} : memref<80x144xf32, #tpu.memory_space<vmem>>, vector<16xf32>,
        tpu.vector_store %arg10[%parallel_loop3A_308, %parallel_loop3A_309], %parallel_loop3A_307 {strides = array<i32>} : memref<80x144xf32, #tpu.memory_space<vmem>>, vector<16xf32>,
        %parallel_loop3A_311 = arith.index_cast %parallel_loop3A_230 : i32 to index
        %parallel_loop3A_312 = arith.constant 112 : index
        %parallel_loop3A_313 = tpu.vector_load %arg10[%parallel_loop3A_311, %parallel_loop3A_312] {strides = array<i32>} : memref<80x144xf32, #tpu.memory_space<vmem>>, vector<16xf32>,
        %parallel_loop3A_314 = arith.mulf %parallel_loop3A_313, %parallel_loop3A_258 : vector<16xf32>
        %parallel_loop3A_315 = arith.index_cast %parallel_loop3A_230 : i32 to index
        %parallel_loop3A_316 = arith.constant 112 : index
        %parallel_loop3A_317 = tpu.vector_load %arg10[%parallel_loop3A_315, %parallel_loop3A_316] {strides = array<i32>} : memref<80x144xf32, #tpu.memory_space<vmem>>, vector<16xf32>,
        tpu.vector_store %arg10[%parallel_loop3A_315, %parallel_loop3A_316], %parallel_loop3A_314 {strides = array<i32>} : memref<80x144xf32, #tpu.memory_space<vmem>>, vector<16xf32>,
      } {sc.loop_unroll_factor = 4 : i64, sc.parallel_access}
      %dma_start3A_178 = arith.constant 1 : i32
      %dma_start3A_179 = arith.constant 0 : i32
      %dma_start3A_180 = tpu.memref_slice %arg16[%dma_start3A_178, %dma_start3A_179] : memref<2x80xi32, #tpu.memory_space<vmem>> -> memref<1x80xi32, #tpu.memory_space<vmem>>
      %dma_start3A_181 = tpu.memref_squeeze %dma_start3A_180 : memref<1x80xi32, #tpu.memory_space<vmem>> -> memref<80xi32, #tpu.memory_space<vmem>>
      %dma_start3A_182 = arith.constant 0 : i32
      %dma_start3A_183 = arith.constant 0 : i32
      %dma_start3A_184 = tpu.memref_slice %arg17[%dma_start3A_182, %dma_start3A_183] : memref<10000x144xf32, #tpu.memory_space<vmem_shared>> -> memref<10000x144xf32, #tpu.memory_space<vmem_shared>>
      tpu.enqueue_indirect_dma source(%arg10 : memref<80x144xf32, #tpu.memory_space<vmem>>) target(%dma_start3A_184 : memref<10000x144xf32, #tpu.memory_space<vmem_shared>>) offsets(%dma_start3A_181 : memref<80xi32, #tpu.memory_space<vmem>>) semaphore(%arg29 : memref<!tpu.dma_semaphore, #tpu.memory_space<semaphore_mem>>) {add = true}
      %dma_wait3A_185 = arith.constant 0 : i32
      %dma_wait3A_186 = arith.constant 0 : i32
      %dma_wait3A_187 = tpu.memref_slice %arg14[%dma_wait3A_185, %dma_wait3A_186] : memref<2x80xi32, #tpu.memory_space<vmem>> -> memref<1x80xi32, #tpu.memory_space<vmem>>
      %dma_wait3A_188 = tpu.memref_squeeze %dma_wait3A_187 : memref<1x80xi32, #tpu.memory_space<vmem>> -> memref<80xi32, #tpu.memory_space<vmem>>
      %dma_wait3A_189 = arith.constant 0 : i32
      %dma_wait3A_190 = arith.constant 0 : i32
      %dma_wait3A_191 = tpu.memref_slice %arg3[%dma_wait3A_189, %dma_wait3A_190] : memref<10000x144xf32, #tpu.memory_space<hbm>> -> memref<10000x144xf32, #tpu.memory_space<hbm>>
      tpu.wait_indirect_dma semaphore(%arg18 : memref<!tpu.dma_semaphore, #tpu.memory_space<semaphore_mem>>) src(%dma_wait3A_191 : memref<10000x144xf32, #tpu.memory_space<hbm>>) dst(%arg8 : memref<80x144xf32, #tpu.memory_space<vmem>>)
      %dma_wait3A_192 = arith.constant 1 : i32
      %dma_wait3A_193 = arith.constant 0 : i32
      %dma_wait3A_194 = tpu.memref_slice %arg14[%dma_wait3A_192, %dma_wait3A_193] : memref<2x80xi32, #tpu.memory_space<vmem>> -> memref<1x80xi32, #tpu.memory_space<vmem>>
      %dma_wait3A_195 = tpu.memref_squeeze %dma_wait3A_194 : memref<1x80xi32, #tpu.memory_space<vmem>> -> memref<80xi32, #tpu.memory_space<vmem>>
      %dma_wait3A_196 = arith.constant 0 : i32
      %dma_wait3A_197 = arith.constant 0 : i32
      %dma_wait3A_198 = tpu.memref_slice %arg5[%dma_wait3A_196, %dma_wait3A_197] : memref<10000x16xf32, #tpu.memory_space<hbm>> -> memref<10000x16xf32, #tpu.memory_space<hbm>>
      tpu.wait_indirect_dma semaphore(%arg21 : memref<!tpu.dma_semaphore, #tpu.memory_space<semaphore_mem>>) src(%dma_wait3A_198 : memref<10000x16xf32, #tpu.memory_space<hbm>>) dst(%arg11 : memref<80x16xf32, #tpu.memory_space<vmem>>)
      %parallel_loop3A_199 = arith.constant 0 : i32
      %parallel_loop3A_200 = arith.constant 80 : i32
      %parallel_loop3A_201 = arith.constant 1 : i32
      scf.for %parallel_loop3A_230 = %parallel_loop3A_199 to %parallel_loop3A_200 step %parallel_loop3A_201  : i32 {
        %parallel_loop3A_231 = arith.index_cast %parallel_loop3A_230 : i32 to index
        %parallel_loop3A_232 = arith.constant 128 : index
        %parallel_loop3A_233 = tpu.vector_load %arg8[%parallel_loop3A_231, %parallel_loop3A_232] {strides = array<i32>} : memref<80x144xf32, #tpu.memory_space<vmem>>, vector<16xf32>,
        %parallel_loop3A_234 = arith.index_cast %parallel_loop3A_230 : i32 to index
        %parallel_loop3A_235 = arith.constant 0 : index
        %parallel_loop3A_236 = tpu.vector_load %arg11[%parallel_loop3A_234, %parallel_loop3A_235] {strides = array<i32>} : memref<80x16xf32, #tpu.memory_space<vmem>>, vector<16xf32>,
        %parallel_loop3A_237 = arith.constant 0 : i32
        %parallel_loop3A_238 = vector.broadcast %parallel_loop3A_237 : i32 to vector<16xi32>
        %parallel_loop3A_239 = arith.addi %parallel_loop3A_238, %and3A_4 : vector<16xi32>
        %parallel_loop3A_240 = vector.shape_cast %parallel_loop3A_239 : vector<16xi32> to vector<16x1xi32>
        %parallel_loop3A_241 = vector.shape_cast %parallel_loop3A_240 : vector<16x1xi32> to vector<16xi32>
        %parallel_loop3A_242 = tpu.dynamic_gather %parallel_loop3A_236[%parallel_loop3A_241] in [0] : vector<16xf32>, vector<16xi32> -> vector<16xf32>
        %parallel_loop3A_243 = arith.constant 4 : i32
        %parallel_loop3A_244 = vector.broadcast %parallel_loop3A_243 : i32 to vector<16xi32>
        %parallel_loop3A_245 = arith.addi %parallel_loop3A_244, %and3A_4 : vector<16xi32>
        %parallel_loop3A_246 = vector.shape_cast %parallel_loop3A_245 : vector<16xi32> to vector<16x1xi32>
        %parallel_loop3A_247 = vector.shape_cast %parallel_loop3A_246 : vector<16x1xi32> to vector<16xi32>
        %parallel_loop3A_248 = tpu.dynamic_gather %parallel_loop3A_236[%parallel_loop3A_247] in [0] : vector<16xf32>, vector<16xi32> -> vector<16xf32>
        %parallel_loop3A_249 = arith.addf %parallel_loop3A_233, %parallel_loop3A_242 : vector<16xf32>
        %parallel_loop3A_250 = arith.constant 0.000000e+00 : f32
        %parallel_loop3A_251 = vector.broadcast %parallel_loop3A_250 : f32 to vector<16xf32>
        %parallel_loop3A_252 = arith.cmpf ogt, %parallel_loop3A_249, %parallel_loop3A_251 : vector<16xf32>
        %parallel_loop3A_253 = arith.constant 2.000000e-01 : f32
        %parallel_loop3A_254 = vector.broadcast %parallel_loop3A_253 : f32 to vector<16xf32>
        %parallel_loop3A_255 = arith.mulf %parallel_loop3A_254, %parallel_loop3A_249 : vector<16xf32>
        %parallel_loop3A_256 = arith.select %parallel_loop3A_252, %parallel_loop3A_249, %parallel_loop3A_255 : vector<16xi1>, vector<16xf32>
        %parallel_loop3A_257 = arith.subf %parallel_loop3A_256, %parallel_loop3A_248 : vector<16xf32>
        %parallel_loop3A_258 = math.exp %parallel_loop3A_257 : vector<16xf32>
        %parallel_loop3A_259 = arith.index_cast %parallel_loop3A_230 : i32 to index
        %parallel_loop3A_260 = arith.constant 128 : index
        %parallel_loop3A_261 = tpu.vector_load %arg8[%parallel_loop3A_259, %parallel_loop3A_260] {strides = array<i32>} : memref<80x144xf32, #tpu.memory_space<vmem>>, vector<16xf32>,
        tpu.vector_store %arg8[%parallel_loop3A_259, %parallel_loop3A_260], %parallel_loop3A_258 {strides = array<i32>} : memref<80x144xf32, #tpu.memory_space<vmem>>, vector<16xf32>,
        %parallel_loop3A_262 = arith.index_cast %parallel_loop3A_230 : i32 to index
        %parallel_loop3A_263 = arith.constant 0 : index
        %parallel_loop3A_264 = tpu.vector_load %arg8[%parallel_loop3A_262, %parallel_loop3A_263] {strides = array<i32>} : memref<80x144xf32, #tpu.memory_space<vmem>>, vector<16xf32>,
        %parallel_loop3A_265 = arith.mulf %parallel_loop3A_264, %parallel_loop3A_258 : vector<16xf32>
        %parallel_loop3A_266 = arith.index_cast %parallel_loop3A_230 : i32 to index
        %parallel_loop3A_267 = arith.constant 0 : index
        %parallel_loop3A_268 = tpu.vector_load %arg8[%parallel_loop3A_266, %parallel_loop3A_267] {strides = array<i32>} : memref<80x144xf32, #tpu.memory_space<vmem>>, vector<16xf32>,
        tpu.vector_store %arg8[%parallel_loop3A_266, %parallel_loop3A_267], %parallel_loop3A_265 {strides = array<i32>} : memref<80x144xf32, #tpu.memory_space<vmem>>, vector<16xf32>,
        %parallel_loop3A_269 = arith.index_cast %parallel_loop3A_230 : i32 to index
        %parallel_loop3A_270 = arith.constant 16 : index
        %parallel_loop3A_271 = tpu.vector_load %arg8[%parallel_loop3A_269, %parallel_loop3A_270] {strides = array<i32>} : memref<80x144xf32, #tpu.memory_space<vmem>>, vector<16xf32>,
        %parallel_loop3A_272 = arith.mulf %parallel_loop3A_271, %parallel_loop3A_258 : vector<16xf32>
        %parallel_loop3A_273 = arith.index_cast %parallel_loop3A_230 : i32 to index
        %parallel_loop3A_274 = arith.constant 16 : index
        %parallel_loop3A_275 = tpu.vector_load %arg8[%parallel_loop3A_273, %parallel_loop3A_274] {strides = array<i32>} : memref<80x144xf32, #tpu.memory_space<vmem>>, vector<16xf32>,
        tpu.vector_store %arg8[%parallel_loop3A_273, %parallel_loop3A_274], %parallel_loop3A_272 {strides = array<i32>} : memref<80x144xf32, #tpu.memory_space<vmem>>, vector<16xf32>,
        %parallel_loop3A_276 = arith.index_cast %parallel_loop3A_230 : i32 to index
        %parallel_loop3A_277 = arith.constant 32 : index
        %parallel_loop3A_278 = tpu.vector_load %arg8[%parallel_loop3A_276, %parallel_loop3A_277] {strides = array<i32>} : memref<80x144xf32, #tpu.memory_space<vmem>>, vector<16xf32>,
        %parallel_loop3A_279 = arith.mulf %parallel_loop3A_278, %parallel_loop3A_258 : vector<16xf32>
        %parallel_loop3A_280 = arith.index_cast %parallel_loop3A_230 : i32 to index
        %parallel_loop3A_281 = arith.constant 32 : index
        %parallel_loop3A_282 = tpu.vector_load %arg8[%parallel_loop3A_280, %parallel_loop3A_281] {strides = array<i32>} : memref<80x144xf32, #tpu.memory_space<vmem>>, vector<16xf32>,
        tpu.vector_store %arg8[%parallel_loop3A_280, %parallel_loop3A_281], %parallel_loop3A_279 {strides = array<i32>} : memref<80x144xf32, #tpu.memory_space<vmem>>, vector<16xf32>,
        %parallel_loop3A_283 = arith.index_cast %parallel_loop3A_230 : i32 to index
        %parallel_loop3A_284 = arith.constant 48 : index
        %parallel_loop3A_285 = tpu.vector_load %arg8[%parallel_loop3A_283, %parallel_loop3A_284] {strides = array<i32>} : memref<80x144xf32, #tpu.memory_space<vmem>>, vector<16xf32>,
        %parallel_loop3A_286 = arith.mulf %parallel_loop3A_285, %parallel_loop3A_258 : vector<16xf32>
        %parallel_loop3A_287 = arith.index_cast %parallel_loop3A_230 : i32 to index
        %parallel_loop3A_288 = arith.constant 48 : index
        %parallel_loop3A_289 = tpu.vector_load %arg8[%parallel_loop3A_287, %parallel_loop3A_288] {strides = array<i32>} : memref<80x144xf32, #tpu.memory_space<vmem>>, vector<16xf32>,
        tpu.vector_store %arg8[%parallel_loop3A_287, %parallel_loop3A_288], %parallel_loop3A_286 {strides = array<i32>} : memref<80x144xf32, #tpu.memory_space<vmem>>, vector<16xf32>,
        %parallel_loop3A_290 = arith.index_cast %parallel_loop3A_230 : i32 to index
        %parallel_loop3A_291 = arith.constant 64 : index
        %parallel_loop3A_292 = tpu.vector_load %arg8[%parallel_loop3A_290, %parallel_loop3A_291] {strides = array<i32>} : memref<80x144xf32, #tpu.memory_space<vmem>>, vector<16xf32>,
        %parallel_loop3A_293 = arith.mulf %parallel_loop3A_292, %parallel_loop3A_258 : vector<16xf32>
        %parallel_loop3A_294 = arith.index_cast %parallel_loop3A_230 : i32 to index
        %parallel_loop3A_295 = arith.constant 64 : index
        %parallel_loop3A_296 = tpu.vector_load %arg8[%parallel_loop3A_294, %parallel_loop3A_295] {strides = array<i32>} : memref<80x144xf32, #tpu.memory_space<vmem>>, vector<16xf32>,
        tpu.vector_store %arg8[%parallel_loop3A_294, %parallel_loop3A_295], %parallel_loop3A_293 {strides = array<i32>} : memref<80x144xf32, #tpu.memory_space<vmem>>, vector<16xf32>,
        %parallel_loop3A_297 = arith.index_cast %parallel_loop3A_230 : i32 to index
        %parallel_loop3A_298 = arith.constant 80 : index
        %parallel_loop3A_299 = tpu.vector_load %arg8[%parallel_loop3A_297, %parallel_loop3A_298] {strides = array<i32>} : memref<80x144xf32, #tpu.memory_space<vmem>>, vector<16xf32>,
        %parallel_loop3A_300 = arith.mulf %parallel_loop3A_299, %parallel_loop3A_258 : vector<16xf32>
        %parallel_loop3A_301 = arith.index_cast %parallel_loop3A_230 : i32 to index
        %parallel_loop3A_302 = arith.constant 80 : index
        %parallel_loop3A_303 = tpu.vector_load %arg8[%parallel_loop3A_301, %parallel_loop3A_302] {strides = array<i32>} : memref<80x144xf32, #tpu.memory_space<vmem>>, vector<16xf32>,
        tpu.vector_store %arg8[%parallel_loop3A_301, %parallel_loop3A_302], %parallel_loop3A_300 {strides = array<i32>} : memref<80x144xf32, #tpu.memory_space<vmem>>, vector<16xf32>,
        %parallel_loop3A_304 = arith.index_cast %parallel_loop3A_230 : i32 to index
        %parallel_loop3A_305 = arith.constant 96 : index
        %parallel_loop3A_306 = tpu.vector_load %arg8[%parallel_loop3A_304, %parallel_loop3A_305] {strides = array<i32>} : memref<80x144xf32, #tpu.memory_space<vmem>>, vector<16xf32>,
        %parallel_loop3A_307 = arith.mulf %parallel_loop3A_306, %parallel_loop3A_258 : vector<16xf32>
        %parallel_loop3A_308 = arith.index_cast %parallel_loop3A_230 : i32 to index
        %parallel_loop3A_309 = arith.constant 96 : index
        %parallel_loop3A_310 = tpu.vector_load %arg8[%parallel_loop3A_308, %parallel_loop3A_309] {strides = array<i32>} : memref<80x144xf32, #tpu.memory_space<vmem>>, vector<16xf32>,
        tpu.vector_store %arg8[%parallel_loop3A_308, %parallel_loop3A_309], %parallel_loop3A_307 {strides = array<i32>} : memref<80x144xf32, #tpu.memory_space<vmem>>, vector<16xf32>,
        %parallel_loop3A_311 = arith.index_cast %parallel_loop3A_230 : i32 to index
        %parallel_loop3A_312 = arith.constant 112 : index
        %parallel_loop3A_313 = tpu.vector_load %arg8[%parallel_loop3A_311, %parallel_loop3A_312] {strides = array<i32>} : memref<80x144xf32, #tpu.memory_space<vmem>>, vector<16xf32>,
        %parallel_loop3A_314 = arith.mulf %parallel_loop3A_313, %parallel_loop3A_258 : vector<16xf32>
        %parallel_loop3A_315 = arith.index_cast %parallel_loop3A_230 : i32 to index
        %parallel_loop3A_316 = arith.constant 112 : index
        %parallel_loop3A_317 = tpu.vector_load %arg8[%parallel_loop3A_315, %parallel_loop3A_316] {strides = array<i32>} : memref<80x144xf32, #tpu.memory_space<vmem>>, vector<16xf32>,
        tpu.vector_store %arg8[%parallel_loop3A_315, %parallel_loop3A_316], %parallel_loop3A_314 {strides = array<i32>} : memref<80x144xf32, #tpu.memory_space<vmem>>, vector<16xf32>,
      } {sc.loop_unroll_factor = 4 : i64, sc.parallel_access}
      %dma_start3A_202 = arith.constant 1 : i32
      %dma_start3A_203 = arith.constant 0 : i32
      %dma_start3A_204 = tpu.memref_slice %arg14[%dma_start3A_202, %dma_start3A_203] : memref<2x80xi32, #tpu.memory_space<vmem>> -> memref<1x80xi32, #tpu.memory_space<vmem>>
      %dma_start3A_205 = tpu.memref_squeeze %dma_start3A_204 : memref<1x80xi32, #tpu.memory_space<vmem>> -> memref<80xi32, #tpu.memory_space<vmem>>
      %dma_start3A_206 = arith.constant 0 : i32
      %dma_start3A_207 = arith.constant 0 : i32
      %dma_start3A_208 = tpu.memref_slice %arg17[%dma_start3A_206, %dma_start3A_207] : memref<10000x144xf32, #tpu.memory_space<vmem_shared>> -> memref<10000x144xf32, #tpu.memory_space<vmem_shared>>
      tpu.enqueue_indirect_dma source(%arg8 : memref<80x144xf32, #tpu.memory_space<vmem>>) target(%dma_start3A_208 : memref<10000x144xf32, #tpu.memory_space<vmem_shared>>) offsets(%dma_start3A_205 : memref<80xi32, #tpu.memory_space<vmem>>) semaphore(%arg27 : memref<!tpu.dma_semaphore, #tpu.memory_space<semaphore_mem>>) {add = true}
      %dma_wait3A_209 = arith.constant 1 : i32
      %dma_wait3A_210 = arith.constant 0 : i32
      %dma_wait3A_211 = tpu.memref_slice %arg15[%dma_wait3A_209, %dma_wait3A_210] : memref<2x80xi32, #tpu.memory_space<vmem>> -> memref<1x80xi32, #tpu.memory_space<vmem>>
      %dma_wait3A_212 = tpu.memref_squeeze %dma_wait3A_211 : memref<1x80xi32, #tpu.memory_space<vmem>> -> memref<80xi32, #tpu.memory_space<vmem>>
      %dma_wait3A_213 = arith.constant 0 : i32
      %dma_wait3A_214 = arith.constant 0 : i32
      %dma_wait3A_215 = tpu.memref_slice %arg17[%dma_wait3A_213, %dma_wait3A_214] : memref<10000x144xf32, #tpu.memory_space<vmem_shared>> -> memref<10000x144xf32, #tpu.memory_space<vmem_shared>>
      tpu.wait_indirect_dma semaphore(%arg28 : memref<!tpu.dma_semaphore, #tpu.memory_space<semaphore_mem>>) src(%arg9 : memref<80x144xf32, #tpu.memory_space<vmem>>) dst(%dma_wait3A_215 : memref<10000x144xf32, #tpu.memory_space<vmem_shared>>)
      %dma_wait3A_216 = arith.constant 1 : i32
      %dma_wait3A_217 = arith.constant 0 : i32
      %dma_wait3A_218 = tpu.memref_slice %arg16[%dma_wait3A_216, %dma_wait3A_217] : memref<2x80xi32, #tpu.memory_space<vmem>> -> memref<1x80xi32, #tpu.memory_space<vmem>>
      %dma_wait3A_219 = tpu.memref_squeeze %dma_wait3A_218 : memref<1x80xi32, #tpu.memory_space<vmem>> -> memref<80xi32, #tpu.memory_space<vmem>>
      %dma_wait3A_220 = arith.constant 0 : i32
      %dma_wait3A_221 = arith.constant 0 : i32
      %dma_wait3A_222 = tpu.memref_slice %arg17[%dma_wait3A_220, %dma_wait3A_221] : memref<10000x144xf32, #tpu.memory_space<vmem_shared>> -> memref<10000x144xf32, #tpu.memory_space<vmem_shared>>
      tpu.wait_indirect_dma semaphore(%arg29 : memref<!tpu.dma_semaphore, #tpu.memory_space<semaphore_mem>>) src(%arg10 : memref<80x144xf32, #tpu.memory_space<vmem>>) dst(%dma_wait3A_222 : memref<10000x144xf32, #tpu.memory_space<vmem_shared>>)
      %dma_wait3A_223 = arith.constant 1 : i32
      %dma_wait3A_224 = arith.constant 0 : i32
      %dma_wait3A_225 = tpu.memref_slice %arg14[%dma_wait3A_223, %dma_wait3A_224] : memref<2x80xi32, #tpu.memory_space<vmem>> -> memref<1x80xi32, #tpu.memory_space<vmem>>
      %dma_wait3A_226 = tpu.memref_squeeze %dma_wait3A_225 : memref<1x80xi32, #tpu.memory_space<vmem>> -> memref<80xi32, #tpu.memory_space<vmem>>
      %dma_wait3A_227 = arith.constant 0 : i32
      %dma_wait3A_228 = arith.constant 0 : i32
      %dma_wait3A_229 = tpu.memref_slice %arg17[%dma_wait3A_227, %dma_wait3A_228] : memref<10000x144xf32, #tpu.memory_space<vmem_shared>> -> memref<10000x144xf32, #tpu.memory_space<vmem_shared>>
      tpu.wait_indirect_dma semaphore(%arg27 : memref<!tpu.dma_semaphore, #tpu.memory_space<semaphore_mem>>) src(%arg8 : memref<80x144xf32, #tpu.memory_space<vmem>>) dst(%dma_wait3A_229 : memref<10000x144xf32, #tpu.memory_space<vmem_shared>>)
    } else {
    }
    %eq3A_7 = arith.constant 1 : i32
    %eq3A_8 = arith.cmpi eq, %arg0, %eq3A_7 : i32
    %convert_element_type3A_9 = arith.extui %eq3A_8 : i1 to i32
    %cond3A_10 = arith.constant 0 : i32
    %cond3A_11 = arith.cmpi ne, %convert_element_type3A_9, %cond3A_10 : i32
    scf.if %cond3A_11 {
      "tpu.region"() ({
        %run_scoped3A = tpu.sem_alloc : memref<!tpu.dma_semaphore, #tpu.memory_space<semaphore_mem>>
        %dma_start3A_230 = arith.constant 0 : i32
        %dma_start3A_231 = tpu.memref_slice %arg2[%dma_start3A_230, %mul3A_2] : memref<2x320000xi32, #tpu.memory_space<hbm>> -> memref<2x80xi32, #tpu.memory_space<hbm>>
        %dma_start3A_232 = arith.constant 0 : i32
        %dma_start3A_233 = tpu.memref_slice %arg2[%dma_start3A_232, %mul3A_2] : memref<2x320000xi32, #tpu.memory_space<hbm>> -> memref<2x80xi32, #tpu.memory_space<hbm>>
        tpu.enqueue_dma source(%dma_start3A_233 : memref<2x80xi32, #tpu.memory_space<hbm>>) target(%arg14 : memref<2x80xi32, #tpu.memory_space<vmem>>) target_semaphore(%run_scoped3A : memref<!tpu.dma_semaphore, #tpu.memory_space<semaphore_mem>>)
        %dma_wait3A_234 = arith.constant 0 : i32
        %dma_wait3A_235 = tpu.memref_slice %arg2[%dma_wait3A_234, %mul3A_2] : memref<2x320000xi32, #tpu.memory_space<hbm>> -> memref<2x80xi32, #tpu.memory_space<hbm>>
        %dma_wait3A_236 = arith.constant 0 : i32
        %dma_wait3A_237 = tpu.memref_slice %arg2[%dma_wait3A_236, %mul3A_2] : memref<2x320000xi32, #tpu.memory_space<hbm>> -> memref<2x80xi32, #tpu.memory_space<hbm>>
        tpu.wait_dma2 semaphore(%run_scoped3A : memref<!tpu.dma_semaphore, #tpu.memory_space<semaphore_mem>>) src(%dma_wait3A_237 : memref<2x80xi32, #tpu.memory_space<hbm>>) dst(%arg14 : memref<2x80xi32, #tpu.memory_space<vmem>>)
        tpu.yield
      }) : () -> ()
      %dma_start3A = arith.constant 0 : i32
      %dma_start3A_13 = arith.constant 0 : i32
      %dma_start3A_14 = tpu.memref_slice %arg14[%dma_start3A, %dma_start3A_13] : memref<2x80xi32, #tpu.memory_space<vmem>> -> memref<1x80xi32, #tpu.memory_space<vmem>>
      %dma_start3A_15 = tpu.memref_squeeze %dma_start3A_14 : memref<1x80xi32, #tpu.memory_space<vmem>> -> memref<80xi32, #tpu.memory_space<vmem>>
      %dma_start3A_16 = arith.constant 0 : i32
      %dma_start3A_17 = arith.constant 0 : i32
      %dma_start3A_18 = tpu.memref_slice %arg4[%dma_start3A_16, %dma_start3A_17] : memref<10000x144xf32, #tpu.memory_space<hbm>> -> memref<10000x144xf32, #tpu.memory_space<hbm>>
      tpu.enqueue_indirect_dma source(%dma_start3A_18 : memref<10000x144xf32, #tpu.memory_space<hbm>>) target(%arg8 : memref<80x144xf32, #tpu.memory_space<vmem>>) offsets(%dma_start3A_15 : memref<80xi32, #tpu.memory_space<vmem>>) semaphore(%arg18 : memref<!tpu.dma_semaphore, #tpu.memory_space<semaphore_mem>>)
      %dma_start3A_19 = arith.constant 1 : i32
      %dma_start3A_20 = arith.constant 0 : i32
      %dma_start3A_21 = tpu.memref_slice %arg14[%dma_start3A_19, %dma_start3A_20] : memref<2x80xi32, #tpu.memory_space<vmem>> -> memref<1x80xi32, #tpu.memory_space<vmem>>
      %dma_start3A_22 = tpu.memref_squeeze %dma_start3A_21 : memref<1x80xi32, #tpu.memory_space<vmem>> -> memref<80xi32, #tpu.memory_space<vmem>>
      %dma_start3A_23 = arith.constant 0 : i32
      %dma_start3A_24 = arith.constant 0 : i32
      %dma_start3A_25 = tpu.memref_slice %arg5[%dma_start3A_23, %dma_start3A_24] : memref<10000x16xf32, #tpu.memory_space<hbm>> -> memref<10000x16xf32, #tpu.memory_space<hbm>>
      tpu.enqueue_indirect_dma source(%dma_start3A_25 : memref<10000x16xf32, #tpu.memory_space<hbm>>) target(%arg11 : memref<80x16xf32, #tpu.memory_space<vmem>>) offsets(%dma_start3A_22 : memref<80xi32, #tpu.memory_space<vmem>>) semaphore(%arg21 : memref<!tpu.dma_semaphore, #tpu.memory_space<semaphore_mem>>)
      %add3A = arith.constant 80 : i32
      %add3A_26 = arith.addi %mul3A_2, %add3A : i32
      %dma_start3A_27 = arith.constant 0 : i32
      %dma_start3A_28 = tpu.memref_slice %arg2[%dma_start3A_27, %add3A_26] : memref<2x320000xi32, #tpu.memory_space<hbm>> -> memref<2x80xi32, #tpu.memory_space<hbm>>
      %dma_start3A_29 = arith.constant 0 : i32
      %dma_start3A_30 = tpu.memref_slice %arg2[%dma_start3A_29, %add3A_26] : memref<2x320000xi32, #tpu.memory_space<hbm>> -> memref<2x80xi32, #tpu.memory_space<hbm>>
      tpu.enqueue_dma source(%dma_start3A_30 : memref<2x80xi32, #tpu.memory_space<hbm>>) target(%arg15 : memref<2x80xi32, #tpu.memory_space<vmem>>) target_semaphore(%arg25 : memref<!tpu.dma_semaphore, #tpu.memory_space<semaphore_mem>>)
      %dma_wait3A = arith.constant 0 : i32
      %dma_wait3A_31 = arith.constant 0 : i32
      %dma_wait3A_32 = tpu.memref_slice %arg14[%dma_wait3A, %dma_wait3A_31] : memref<2x80xi32, #tpu.memory_space<vmem>> -> memref<1x80xi32, #tpu.memory_space<vmem>>
      %dma_wait3A_33 = tpu.memref_squeeze %dma_wait3A_32 : memref<1x80xi32, #tpu.memory_space<vmem>> -> memref<80xi32, #tpu.memory_space<vmem>>
      %dma_wait3A_34 = arith.constant 0 : i32
      %dma_wait3A_35 = arith.constant 0 : i32
      %dma_wait3A_36 = tpu.memref_slice %arg4[%dma_wait3A_34, %dma_wait3A_35] : memref<10000x144xf32, #tpu.memory_space<hbm>> -> memref<10000x144xf32, #tpu.memory_space<hbm>>
      tpu.wait_indirect_dma semaphore(%arg18 : memref<!tpu.dma_semaphore, #tpu.memory_space<semaphore_mem>>) src(%dma_wait3A_36 : memref<10000x144xf32, #tpu.memory_space<hbm>>) dst(%arg8 : memref<80x144xf32, #tpu.memory_space<vmem>>)
      %dma_wait3A_37 = arith.constant 1 : i32
      %dma_wait3A_38 = arith.constant 0 : i32
      %dma_wait3A_39 = tpu.memref_slice %arg14[%dma_wait3A_37, %dma_wait3A_38] : memref<2x80xi32, #tpu.memory_space<vmem>> -> memref<1x80xi32, #tpu.memory_space<vmem>>
      %dma_wait3A_40 = tpu.memref_squeeze %dma_wait3A_39 : memref<1x80xi32, #tpu.memory_space<vmem>> -> memref<80xi32, #tpu.memory_space<vmem>>
      %dma_wait3A_41 = arith.constant 0 : i32
      %dma_wait3A_42 = arith.constant 0 : i32
      %dma_wait3A_43 = tpu.memref_slice %arg5[%dma_wait3A_41, %dma_wait3A_42] : memref<10000x16xf32, #tpu.memory_space<hbm>> -> memref<10000x16xf32, #tpu.memory_space<hbm>>
      tpu.wait_indirect_dma semaphore(%arg21 : memref<!tpu.dma_semaphore, #tpu.memory_space<semaphore_mem>>) src(%dma_wait3A_43 : memref<10000x16xf32, #tpu.memory_space<hbm>>) dst(%arg11 : memref<80x16xf32, #tpu.memory_space<vmem>>)
      %dma_wait3A_44 = arith.constant 0 : i32
      %dma_wait3A_45 = arith.constant 0 : i32
      %dma_wait3A_46 = tpu.memref_slice %arg2[%dma_wait3A_44, %dma_wait3A_45] : memref<2x320000xi32, #tpu.memory_space<hbm>> -> memref<2x80xi32, #tpu.memory_space<hbm>>
      %dma_wait3A_47 = arith.constant 0 : i32
      %dma_wait3A_48 = arith.constant 0 : i32
      %dma_wait3A_49 = tpu.memref_slice %arg2[%dma_wait3A_47, %dma_wait3A_48] : memref<2x320000xi32, #tpu.memory_space<hbm>> -> memref<2x80xi32, #tpu.memory_space<hbm>>
      tpu.wait_dma2 semaphore(%arg25 : memref<!tpu.dma_semaphore, #tpu.memory_space<semaphore_mem>>) src(%dma_wait3A_49 : memref<2x80xi32, #tpu.memory_space<hbm>>) dst(%arg15 : memref<2x80xi32, #tpu.memory_space<vmem>>)
      %dma_start3A_50 = arith.constant 0 : i32
      %dma_start3A_51 = arith.constant 0 : i32
      %dma_start3A_52 = tpu.memref_slice %arg15[%dma_start3A_50, %dma_start3A_51] : memref<2x80xi32, #tpu.memory_space<vmem>> -> memref<1x80xi32, #tpu.memory_space<vmem>>
      %dma_start3A_53 = tpu.memref_squeeze %dma_start3A_52 : memref<1x80xi32, #tpu.memory_space<vmem>> -> memref<80xi32, #tpu.memory_space<vmem>>
      %dma_start3A_54 = arith.constant 0 : i32
      %dma_start3A_55 = arith.constant 0 : i32
      %dma_start3A_56 = tpu.memref_slice %arg4[%dma_start3A_54, %dma_start3A_55] : memref<10000x144xf32, #tpu.memory_space<hbm>> -> memref<10000x144xf32, #tpu.memory_space<hbm>>
      tpu.enqueue_indirect_dma source(%dma_start3A_56 : memref<10000x144xf32, #tpu.memory_space<hbm>>) target(%arg9 : memref<80x144xf32, #tpu.memory_space<vmem>>) offsets(%dma_start3A_53 : memref<80xi32, #tpu.memory_space<vmem>>) semaphore(%arg19 : memref<!tpu.dma_semaphore, #tpu.memory_space<semaphore_mem>>)
      %dma_start3A_57 = arith.constant 1 : i32
      %dma_start3A_58 = arith.constant 0 : i32
      %dma_start3A_59 = tpu.memref_slice %arg15[%dma_start3A_57, %dma_start3A_58] : memref<2x80xi32, #tpu.memory_space<vmem>> -> memref<1x80xi32, #tpu.memory_space<vmem>>
      %dma_start3A_60 = tpu.memref_squeeze %dma_start3A_59 : memref<1x80xi32, #tpu.memory_space<vmem>> -> memref<80xi32, #tpu.memory_space<vmem>>
      %dma_start3A_61 = arith.constant 0 : i32
      %dma_start3A_62 = arith.constant 0 : i32
      %dma_start3A_63 = tpu.memref_slice %arg5[%dma_start3A_61, %dma_start3A_62] : memref<10000x16xf32, #tpu.memory_space<hbm>> -> memref<10000x16xf32, #tpu.memory_space<hbm>>
      tpu.enqueue_indirect_dma source(%dma_start3A_63 : memref<10000x16xf32, #tpu.memory_space<hbm>>) target(%arg12 : memref<80x16xf32, #tpu.memory_space<vmem>>) offsets(%dma_start3A_60 : memref<80xi32, #tpu.memory_space<vmem>>) semaphore(%arg22 : memref<!tpu.dma_semaphore, #tpu.memory_space<semaphore_mem>>)
      %parallel_loop3A = arith.constant 0 : i32
      %parallel_loop3A_64 = arith.constant 80 : i32
      %parallel_loop3A_65 = arith.constant 1 : i32
      scf.for %parallel_loop3A_230 = %parallel_loop3A to %parallel_loop3A_64 step %parallel_loop3A_65  : i32 {
        %parallel_loop3A_231 = arith.index_cast %parallel_loop3A_230 : i32 to index
        %parallel_loop3A_232 = arith.constant 128 : index
        %parallel_loop3A_233 = tpu.vector_load %arg8[%parallel_loop3A_231, %parallel_loop3A_232] {strides = array<i32>} : memref<80x144xf32, #tpu.memory_space<vmem>>, vector<16xf32>,
        %parallel_loop3A_234 = arith.index_cast %parallel_loop3A_230 : i32 to index
        %parallel_loop3A_235 = arith.constant 0 : index
        %parallel_loop3A_236 = tpu.vector_load %arg11[%parallel_loop3A_234, %parallel_loop3A_235] {strides = array<i32>} : memref<80x16xf32, #tpu.memory_space<vmem>>, vector<16xf32>,
        %parallel_loop3A_237 = arith.constant 8 : i32
        %parallel_loop3A_238 = vector.broadcast %parallel_loop3A_237 : i32 to vector<16xi32>
        %parallel_loop3A_239 = arith.addi %parallel_loop3A_238, %and3A_4 : vector<16xi32>
        %parallel_loop3A_240 = vector.shape_cast %parallel_loop3A_239 : vector<16xi32> to vector<16x1xi32>
        %parallel_loop3A_241 = vector.shape_cast %parallel_loop3A_240 : vector<16x1xi32> to vector<16xi32>
        %parallel_loop3A_242 = tpu.dynamic_gather %parallel_loop3A_236[%parallel_loop3A_241] in [0] : vector<16xf32>, vector<16xi32> -> vector<16xf32>
        %parallel_loop3A_243 = arith.constant 12 : i32
        %parallel_loop3A_244 = vector.broadcast %parallel_loop3A_243 : i32 to vector<16xi32>
        %parallel_loop3A_245 = arith.addi %parallel_loop3A_244, %and3A_4 : vector<16xi32>
        %parallel_loop3A_246 = vector.shape_cast %parallel_loop3A_245 : vector<16xi32> to vector<16x1xi32>
        %parallel_loop3A_247 = vector.shape_cast %parallel_loop3A_246 : vector<16x1xi32> to vector<16xi32>
        %parallel_loop3A_248 = tpu.dynamic_gather %parallel_loop3A_236[%parallel_loop3A_247] in [0] : vector<16xf32>, vector<16xi32> -> vector<16xf32>
        %parallel_loop3A_249 = arith.addf %parallel_loop3A_233, %parallel_loop3A_242 : vector<16xf32>
        %parallel_loop3A_250 = arith.constant 0.000000e+00 : f32
        %parallel_loop3A_251 = vector.broadcast %parallel_loop3A_250 : f32 to vector<16xf32>
        %parallel_loop3A_252 = arith.cmpf ogt, %parallel_loop3A_249, %parallel_loop3A_251 : vector<16xf32>
        %parallel_loop3A_253 = arith.constant 2.000000e-01 : f32
        %parallel_loop3A_254 = vector.broadcast %parallel_loop3A_253 : f32 to vector<16xf32>
        %parallel_loop3A_255 = arith.mulf %parallel_loop3A_254, %parallel_loop3A_249 : vector<16xf32>
        %parallel_loop3A_256 = arith.select %parallel_loop3A_252, %parallel_loop3A_249, %parallel_loop3A_255 : vector<16xi1>, vector<16xf32>
        %parallel_loop3A_257 = arith.subf %parallel_loop3A_256, %parallel_loop3A_248 : vector<16xf32>
        %parallel_loop3A_258 = math.exp %parallel_loop3A_257 : vector<16xf32>
        %parallel_loop3A_259 = arith.index_cast %parallel_loop3A_230 : i32 to index
        %parallel_loop3A_260 = arith.constant 128 : index
        %parallel_loop3A_261 = tpu.vector_load %arg8[%parallel_loop3A_259, %parallel_loop3A_260] {strides = array<i32>} : memref<80x144xf32, #tpu.memory_space<vmem>>, vector<16xf32>,
        tpu.vector_store %arg8[%parallel_loop3A_259, %parallel_loop3A_260], %parallel_loop3A_258 {strides = array<i32>} : memref<80x144xf32, #tpu.memory_space<vmem>>, vector<16xf32>,
        %parallel_loop3A_262 = arith.index_cast %parallel_loop3A_230 : i32 to index
        %parallel_loop3A_263 = arith.constant 0 : index
        %parallel_loop3A_264 = tpu.vector_load %arg8[%parallel_loop3A_262, %parallel_loop3A_263] {strides = array<i32>} : memref<80x144xf32, #tpu.memory_space<vmem>>, vector<16xf32>,
        %parallel_loop3A_265 = arith.mulf %parallel_loop3A_264, %parallel_loop3A_258 : vector<16xf32>
        %parallel_loop3A_266 = arith.index_cast %parallel_loop3A_230 : i32 to index
        %parallel_loop3A_267 = arith.constant 0 : index
        %parallel_loop3A_268 = tpu.vector_load %arg8[%parallel_loop3A_266, %parallel_loop3A_267] {strides = array<i32>} : memref<80x144xf32, #tpu.memory_space<vmem>>, vector<16xf32>,
        tpu.vector_store %arg8[%parallel_loop3A_266, %parallel_loop3A_267], %parallel_loop3A_265 {strides = array<i32>} : memref<80x144xf32, #tpu.memory_space<vmem>>, vector<16xf32>,
        %parallel_loop3A_269 = arith.index_cast %parallel_loop3A_230 : i32 to index
        %parallel_loop3A_270 = arith.constant 16 : index
        %parallel_loop3A_271 = tpu.vector_load %arg8[%parallel_loop3A_269, %parallel_loop3A_270] {strides = array<i32>} : memref<80x144xf32, #tpu.memory_space<vmem>>, vector<16xf32>,
        %parallel_loop3A_272 = arith.mulf %parallel_loop3A_271, %parallel_loop3A_258 : vector<16xf32>
        %parallel_loop3A_273 = arith.index_cast %parallel_loop3A_230 : i32 to index
        %parallel_loop3A_274 = arith.constant 16 : index
        %parallel_loop3A_275 = tpu.vector_load %arg8[%parallel_loop3A_273, %parallel_loop3A_274] {strides = array<i32>} : memref<80x144xf32, #tpu.memory_space<vmem>>, vector<16xf32>,
        tpu.vector_store %arg8[%parallel_loop3A_273, %parallel_loop3A_274], %parallel_loop3A_272 {strides = array<i32>} : memref<80x144xf32, #tpu.memory_space<vmem>>, vector<16xf32>,
        %parallel_loop3A_276 = arith.index_cast %parallel_loop3A_230 : i32 to index
        %parallel_loop3A_277 = arith.constant 32 : index
        %parallel_loop3A_278 = tpu.vector_load %arg8[%parallel_loop3A_276, %parallel_loop3A_277] {strides = array<i32>} : memref<80x144xf32, #tpu.memory_space<vmem>>, vector<16xf32>,
        %parallel_loop3A_279 = arith.mulf %parallel_loop3A_278, %parallel_loop3A_258 : vector<16xf32>
        %parallel_loop3A_280 = arith.index_cast %parallel_loop3A_230 : i32 to index
        %parallel_loop3A_281 = arith.constant 32 : index
        %parallel_loop3A_282 = tpu.vector_load %arg8[%parallel_loop3A_280, %parallel_loop3A_281] {strides = array<i32>} : memref<80x144xf32, #tpu.memory_space<vmem>>, vector<16xf32>,
        tpu.vector_store %arg8[%parallel_loop3A_280, %parallel_loop3A_281], %parallel_loop3A_279 {strides = array<i32>} : memref<80x144xf32, #tpu.memory_space<vmem>>, vector<16xf32>,
        %parallel_loop3A_283 = arith.index_cast %parallel_loop3A_230 : i32 to index
        %parallel_loop3A_284 = arith.constant 48 : index
        %parallel_loop3A_285 = tpu.vector_load %arg8[%parallel_loop3A_283, %parallel_loop3A_284] {strides = array<i32>} : memref<80x144xf32, #tpu.memory_space<vmem>>, vector<16xf32>,
        %parallel_loop3A_286 = arith.mulf %parallel_loop3A_285, %parallel_loop3A_258 : vector<16xf32>
        %parallel_loop3A_287 = arith.index_cast %parallel_loop3A_230 : i32 to index
        %parallel_loop3A_288 = arith.constant 48 : index
        %parallel_loop3A_289 = tpu.vector_load %arg8[%parallel_loop3A_287, %parallel_loop3A_288] {strides = array<i32>} : memref<80x144xf32, #tpu.memory_space<vmem>>, vector<16xf32>,
        tpu.vector_store %arg8[%parallel_loop3A_287, %parallel_loop3A_288], %parallel_loop3A_286 {strides = array<i32>} : memref<80x144xf32, #tpu.memory_space<vmem>>, vector<16xf32>,
        %parallel_loop3A_290 = arith.index_cast %parallel_loop3A_230 : i32 to index
        %parallel_loop3A_291 = arith.constant 64 : index
        %parallel_loop3A_292 = tpu.vector_load %arg8[%parallel_loop3A_290, %parallel_loop3A_291] {strides = array<i32>} : memref<80x144xf32, #tpu.memory_space<vmem>>, vector<16xf32>,
        %parallel_loop3A_293 = arith.mulf %parallel_loop3A_292, %parallel_loop3A_258 : vector<16xf32>
        %parallel_loop3A_294 = arith.index_cast %parallel_loop3A_230 : i32 to index
        %parallel_loop3A_295 = arith.constant 64 : index
        %parallel_loop3A_296 = tpu.vector_load %arg8[%parallel_loop3A_294, %parallel_loop3A_295] {strides = array<i32>} : memref<80x144xf32, #tpu.memory_space<vmem>>, vector<16xf32>,
        tpu.vector_store %arg8[%parallel_loop3A_294, %parallel_loop3A_295], %parallel_loop3A_293 {strides = array<i32>} : memref<80x144xf32, #tpu.memory_space<vmem>>, vector<16xf32>,
        %parallel_loop3A_297 = arith.index_cast %parallel_loop3A_230 : i32 to index
        %parallel_loop3A_298 = arith.constant 80 : index
        %parallel_loop3A_299 = tpu.vector_load %arg8[%parallel_loop3A_297, %parallel_loop3A_298] {strides = array<i32>} : memref<80x144xf32, #tpu.memory_space<vmem>>, vector<16xf32>,
        %parallel_loop3A_300 = arith.mulf %parallel_loop3A_299, %parallel_loop3A_258 : vector<16xf32>
        %parallel_loop3A_301 = arith.index_cast %parallel_loop3A_230 : i32 to index
        %parallel_loop3A_302 = arith.constant 80 : index
        %parallel_loop3A_303 = tpu.vector_load %arg8[%parallel_loop3A_301, %parallel_loop3A_302] {strides = array<i32>} : memref<80x144xf32, #tpu.memory_space<vmem>>, vector<16xf32>,
        tpu.vector_store %arg8[%parallel_loop3A_301, %parallel_loop3A_302], %parallel_loop3A_300 {strides = array<i32>} : memref<80x144xf32, #tpu.memory_space<vmem>>, vector<16xf32>,
        %parallel_loop3A_304 = arith.index_cast %parallel_loop3A_230 : i32 to index
        %parallel_loop3A_305 = arith.constant 96 : index
        %parallel_loop3A_306 = tpu.vector_load %arg8[%parallel_loop3A_304, %parallel_loop3A_305] {strides = array<i32>} : memref<80x144xf32, #tpu.memory_space<vmem>>, vector<16xf32>,
        %parallel_loop3A_307 = arith.mulf %parallel_loop3A_306, %parallel_loop3A_258 : vector<16xf32>
        %parallel_loop3A_308 = arith.index_cast %parallel_loop3A_230 : i32 to index
        %parallel_loop3A_309 = arith.constant 96 : index
        %parallel_loop3A_310 = tpu.vector_load %arg8[%parallel_loop3A_308, %parallel_loop3A_309] {strides = array<i32>} : memref<80x144xf32, #tpu.memory_space<vmem>>, vector<16xf32>,
        tpu.vector_store %arg8[%parallel_loop3A_308, %parallel_loop3A_309], %parallel_loop3A_307 {strides = array<i32>} : memref<80x144xf32, #tpu.memory_space<vmem>>, vector<16xf32>,
        %parallel_loop3A_311 = arith.index_cast %parallel_loop3A_230 : i32 to index
        %parallel_loop3A_312 = arith.constant 112 : index
        %parallel_loop3A_313 = tpu.vector_load %arg8[%parallel_loop3A_311, %parallel_loop3A_312] {strides = array<i32>} : memref<80x144xf32, #tpu.memory_space<vmem>>, vector<16xf32>,
        %parallel_loop3A_314 = arith.mulf %parallel_loop3A_313, %parallel_loop3A_258 : vector<16xf32>
        %parallel_loop3A_315 = arith.index_cast %parallel_loop3A_230 : i32 to index
        %parallel_loop3A_316 = arith.constant 112 : index
        %parallel_loop3A_317 = tpu.vector_load %arg8[%parallel_loop3A_315, %parallel_loop3A_316] {strides = array<i32>} : memref<80x144xf32, #tpu.memory_space<vmem>>, vector<16xf32>,
        tpu.vector_store %arg8[%parallel_loop3A_315, %parallel_loop3A_316], %parallel_loop3A_314 {strides = array<i32>} : memref<80x144xf32, #tpu.memory_space<vmem>>, vector<16xf32>,
      } {sc.loop_unroll_factor = 4 : i64, sc.parallel_access}
      %dma_start3A_66 = arith.constant 1 : i32
      %dma_start3A_67 = arith.constant 0 : i32
      %dma_start3A_68 = tpu.memref_slice %arg14[%dma_start3A_66, %dma_start3A_67] : memref<2x80xi32, #tpu.memory_space<vmem>> -> memref<1x80xi32, #tpu.memory_space<vmem>>
      %dma_start3A_69 = tpu.memref_squeeze %dma_start3A_68 : memref<1x80xi32, #tpu.memory_space<vmem>> -> memref<80xi32, #tpu.memory_space<vmem>>
      %dma_start3A_70 = arith.constant 0 : i32
      %dma_start3A_71 = arith.constant 0 : i32
      %dma_start3A_72 = tpu.memref_slice %arg17[%dma_start3A_70, %dma_start3A_71] : memref<10000x144xf32, #tpu.memory_space<vmem_shared>> -> memref<10000x144xf32, #tpu.memory_space<vmem_shared>>
      tpu.enqueue_indirect_dma source(%arg8 : memref<80x144xf32, #tpu.memory_space<vmem>>) target(%dma_start3A_72 : memref<10000x144xf32, #tpu.memory_space<vmem_shared>>) offsets(%dma_start3A_69 : memref<80xi32, #tpu.memory_space<vmem>>) semaphore(%arg27 : memref<!tpu.dma_semaphore, #tpu.memory_space<semaphore_mem>>) {add = true}
      %add3A_73 = arith.constant 160 : i32
      %add3A_74 = arith.addi %mul3A_2, %add3A_73 : i32
      %dma_start3A_75 = arith.constant 0 : i32
      %dma_start3A_76 = tpu.memref_slice %arg2[%dma_start3A_75, %add3A_74] : memref<2x320000xi32, #tpu.memory_space<hbm>> -> memref<2x80xi32, #tpu.memory_space<hbm>>
      %dma_start3A_77 = arith.constant 0 : i32
      %dma_start3A_78 = tpu.memref_slice %arg2[%dma_start3A_77, %add3A_74] : memref<2x320000xi32, #tpu.memory_space<hbm>> -> memref<2x80xi32, #tpu.memory_space<hbm>>
      tpu.enqueue_dma source(%dma_start3A_78 : memref<2x80xi32, #tpu.memory_space<hbm>>) target(%arg16 : memref<2x80xi32, #tpu.memory_space<vmem>>) target_semaphore(%arg26 : memref<!tpu.dma_semaphore, #tpu.memory_space<semaphore_mem>>)
      %dma_wait3A_79 = arith.constant 0 : i32
      %dma_wait3A_80 = arith.constant 0 : i32
      %dma_wait3A_81 = tpu.memref_slice %arg15[%dma_wait3A_79, %dma_wait3A_80] : memref<2x80xi32, #tpu.memory_space<vmem>> -> memref<1x80xi32, #tpu.memory_space<vmem>>
      %dma_wait3A_82 = tpu.memref_squeeze %dma_wait3A_81 : memref<1x80xi32, #tpu.memory_space<vmem>> -> memref<80xi32, #tpu.memory_space<vmem>>
      %dma_wait3A_83 = arith.constant 0 : i32
      %dma_wait3A_84 = arith.constant 0 : i32
      %dma_wait3A_85 = tpu.memref_slice %arg4[%dma_wait3A_83, %dma_wait3A_84] : memref<10000x144xf32, #tpu.memory_space<hbm>> -> memref<10000x144xf32, #tpu.memory_space<hbm>>
      tpu.wait_indirect_dma semaphore(%arg19 : memref<!tpu.dma_semaphore, #tpu.memory_space<semaphore_mem>>) src(%dma_wait3A_85 : memref<10000x144xf32, #tpu.memory_space<hbm>>) dst(%arg9 : memref<80x144xf32, #tpu.memory_space<vmem>>)
      %dma_wait3A_86 = arith.constant 1 : i32
      %dma_wait3A_87 = arith.constant 0 : i32
      %dma_wait3A_88 = tpu.memref_slice %arg15[%dma_wait3A_86, %dma_wait3A_87] : memref<2x80xi32, #tpu.memory_space<vmem>> -> memref<1x80xi32, #tpu.memory_space<vmem>>
      %dma_wait3A_89 = tpu.memref_squeeze %dma_wait3A_88 : memref<1x80xi32, #tpu.memory_space<vmem>> -> memref<80xi32, #tpu.memory_space<vmem>>
      %dma_wait3A_90 = arith.constant 0 : i32
      %dma_wait3A_91 = arith.constant 0 : i32
      %dma_wait3A_92 = tpu.memref_slice %arg5[%dma_wait3A_90, %dma_wait3A_91] : memref<10000x16xf32, #tpu.memory_space<hbm>> -> memref<10000x16xf32, #tpu.memory_space<hbm>>
      tpu.wait_indirect_dma semaphore(%arg22 : memref<!tpu.dma_semaphore, #tpu.memory_space<semaphore_mem>>) src(%dma_wait3A_92 : memref<10000x16xf32, #tpu.memory_space<hbm>>) dst(%arg12 : memref<80x16xf32, #tpu.memory_space<vmem>>)
      %dma_wait3A_93 = arith.constant 0 : i32
      %dma_wait3A_94 = arith.constant 0 : i32
      %dma_wait3A_95 = tpu.memref_slice %arg2[%dma_wait3A_93, %dma_wait3A_94] : memref<2x320000xi32, #tpu.memory_space<hbm>> -> memref<2x80xi32, #tpu.memory_space<hbm>>
      %dma_wait3A_96 = arith.constant 0 : i32
      %dma_wait3A_97 = arith.constant 0 : i32
      %dma_wait3A_98 = tpu.memref_slice %arg2[%dma_wait3A_96, %dma_wait3A_97] : memref<2x320000xi32, #tpu.memory_space<hbm>> -> memref<2x80xi32, #tpu.memory_space<hbm>>
      tpu.wait_dma2 semaphore(%arg26 : memref<!tpu.dma_semaphore, #tpu.memory_space<semaphore_mem>>) src(%dma_wait3A_98 : memref<2x80xi32, #tpu.memory_space<hbm>>) dst(%arg16 : memref<2x80xi32, #tpu.memory_space<vmem>>)
      %dma_start3A_99 = arith.constant 0 : i32
      %dma_start3A_100 = arith.constant 0 : i32
      %dma_start3A_101 = tpu.memref_slice %arg16[%dma_start3A_99, %dma_start3A_100] : memref<2x80xi32, #tpu.memory_space<vmem>> -> memref<1x80xi32, #tpu.memory_space<vmem>>
      %dma_start3A_102 = tpu.memref_squeeze %dma_start3A_101 : memref<1x80xi32, #tpu.memory_space<vmem>> -> memref<80xi32, #tpu.memory_space<vmem>>
      %dma_start3A_103 = arith.constant 0 : i32
      %dma_start3A_104 = arith.constant 0 : i32
      %dma_start3A_105 = tpu.memref_slice %arg4[%dma_start3A_103, %dma_start3A_104] : memref<10000x144xf32, #tpu.memory_space<hbm>> -> memref<10000x144xf32, #tpu.memory_space<hbm>>
      tpu.enqueue_indirect_dma source(%dma_start3A_105 : memref<10000x144xf32, #tpu.memory_space<hbm>>) target(%arg10 : memref<80x144xf32, #tpu.memory_space<vmem>>) offsets(%dma_start3A_102 : memref<80xi32, #tpu.memory_space<vmem>>) semaphore(%arg20 : memref<!tpu.dma_semaphore, #tpu.memory_space<semaphore_mem>>)
      %dma_start3A_106 = arith.constant 1 : i32
      %dma_start3A_107 = arith.constant 0 : i32
      %dma_start3A_108 = tpu.memref_slice %arg16[%dma_start3A_106, %dma_start3A_107] : memref<2x80xi32, #tpu.memory_space<vmem>> -> memref<1x80xi32, #tpu.memory_space<vmem>>
      %dma_start3A_109 = tpu.memref_squeeze %dma_start3A_108 : memref<1x80xi32, #tpu.memory_space<vmem>> -> memref<80xi32, #tpu.memory_space<vmem>>
      %dma_start3A_110 = arith.constant 0 : i32
      %dma_start3A_111 = arith.constant 0 : i32
      %dma_start3A_112 = tpu.memref_slice %arg5[%dma_start3A_110, %dma_start3A_111] : memref<10000x16xf32, #tpu.memory_space<hbm>> -> memref<10000x16xf32, #tpu.memory_space<hbm>>
      tpu.enqueue_indirect_dma source(%dma_start3A_112 : memref<10000x16xf32, #tpu.memory_space<hbm>>) target(%arg13 : memref<80x16xf32, #tpu.memory_space<vmem>>) offsets(%dma_start3A_109 : memref<80xi32, #tpu.memory_space<vmem>>) semaphore(%arg23 : memref<!tpu.dma_semaphore, #tpu.memory_space<semaphore_mem>>)
      %parallel_loop3A_113 = arith.constant 0 : i32
      %parallel_loop3A_114 = arith.constant 80 : i32
      %parallel_loop3A_115 = arith.constant 1 : i32
      scf.for %parallel_loop3A_230 = %parallel_loop3A_113 to %parallel_loop3A_114 step %parallel_loop3A_115  : i32 {
        %parallel_loop3A_231 = arith.index_cast %parallel_loop3A_230 : i32 to index
        %parallel_loop3A_232 = arith.constant 128 : index
        %parallel_loop3A_233 = tpu.vector_load %arg9[%parallel_loop3A_231, %parallel_loop3A_232] {strides = array<i32>} : memref<80x144xf32, #tpu.memory_space<vmem>>, vector<16xf32>,
        %parallel_loop3A_234 = arith.index_cast %parallel_loop3A_230 : i32 to index
        %parallel_loop3A_235 = arith.constant 0 : index
        %parallel_loop3A_236 = tpu.vector_load %arg12[%parallel_loop3A_234, %parallel_loop3A_235] {strides = array<i32>} : memref<80x16xf32, #tpu.memory_space<vmem>>, vector<16xf32>,
        %parallel_loop3A_237 = arith.constant 8 : i32
        %parallel_loop3A_238 = vector.broadcast %parallel_loop3A_237 : i32 to vector<16xi32>
        %parallel_loop3A_239 = arith.addi %parallel_loop3A_238, %and3A_4 : vector<16xi32>
        %parallel_loop3A_240 = vector.shape_cast %parallel_loop3A_239 : vector<16xi32> to vector<16x1xi32>
        %parallel_loop3A_241 = vector.shape_cast %parallel_loop3A_240 : vector<16x1xi32> to vector<16xi32>
        %parallel_loop3A_242 = tpu.dynamic_gather %parallel_loop3A_236[%parallel_loop3A_241] in [0] : vector<16xf32>, vector<16xi32> -> vector<16xf32>
        %parallel_loop3A_243 = arith.constant 12 : i32
        %parallel_loop3A_244 = vector.broadcast %parallel_loop3A_243 : i32 to vector<16xi32>
        %parallel_loop3A_245 = arith.addi %parallel_loop3A_244, %and3A_4 : vector<16xi32>
        %parallel_loop3A_246 = vector.shape_cast %parallel_loop3A_245 : vector<16xi32> to vector<16x1xi32>
        %parallel_loop3A_247 = vector.shape_cast %parallel_loop3A_246 : vector<16x1xi32> to vector<16xi32>
        %parallel_loop3A_248 = tpu.dynamic_gather %parallel_loop3A_236[%parallel_loop3A_247] in [0] : vector<16xf32>, vector<16xi32> -> vector<16xf32>
        %parallel_loop3A_249 = arith.addf %parallel_loop3A_233, %parallel_loop3A_242 : vector<16xf32>
        %parallel_loop3A_250 = arith.constant 0.000000e+00 : f32
        %parallel_loop3A_251 = vector.broadcast %parallel_loop3A_250 : f32 to vector<16xf32>
        %parallel_loop3A_252 = arith.cmpf ogt, %parallel_loop3A_249, %parallel_loop3A_251 : vector<16xf32>
        %parallel_loop3A_253 = arith.constant 2.000000e-01 : f32
        %parallel_loop3A_254 = vector.broadcast %parallel_loop3A_253 : f32 to vector<16xf32>
        %parallel_loop3A_255 = arith.mulf %parallel_loop3A_254, %parallel_loop3A_249 : vector<16xf32>
        %parallel_loop3A_256 = arith.select %parallel_loop3A_252, %parallel_loop3A_249, %parallel_loop3A_255 : vector<16xi1>, vector<16xf32>
        %parallel_loop3A_257 = arith.subf %parallel_loop3A_256, %parallel_loop3A_248 : vector<16xf32>
        %parallel_loop3A_258 = math.exp %parallel_loop3A_257 : vector<16xf32>
        %parallel_loop3A_259 = arith.index_cast %parallel_loop3A_230 : i32 to index
        %parallel_loop3A_260 = arith.constant 128 : index
        %parallel_loop3A_261 = tpu.vector_load %arg9[%parallel_loop3A_259, %parallel_loop3A_260] {strides = array<i32>} : memref<80x144xf32, #tpu.memory_space<vmem>>, vector<16xf32>,
        tpu.vector_store %arg9[%parallel_loop3A_259, %parallel_loop3A_260], %parallel_loop3A_258 {strides = array<i32>} : memref<80x144xf32, #tpu.memory_space<vmem>>, vector<16xf32>,
        %parallel_loop3A_262 = arith.index_cast %parallel_loop3A_230 : i32 to index
        %parallel_loop3A_263 = arith.constant 0 : index
        %parallel_loop3A_264 = tpu.vector_load %arg9[%parallel_loop3A_262, %parallel_loop3A_263] {strides = array<i32>} : memref<80x144xf32, #tpu.memory_space<vmem>>, vector<16xf32>,
        %parallel_loop3A_265 = arith.mulf %parallel_loop3A_264, %parallel_loop3A_258 : vector<16xf32>
        %parallel_loop3A_266 = arith.index_cast %parallel_loop3A_230 : i32 to index
        %parallel_loop3A_267 = arith.constant 0 : index
        %parallel_loop3A_268 = tpu.vector_load %arg9[%parallel_loop3A_266, %parallel_loop3A_267] {strides = array<i32>} : memref<80x144xf32, #tpu.memory_space<vmem>>, vector<16xf32>,
        tpu.vector_store %arg9[%parallel_loop3A_266, %parallel_loop3A_267], %parallel_loop3A_265 {strides = array<i32>} : memref<80x144xf32, #tpu.memory_space<vmem>>, vector<16xf32>,
        %parallel_loop3A_269 = arith.index_cast %parallel_loop3A_230 : i32 to index
        %parallel_loop3A_270 = arith.constant 16 : index
        %parallel_loop3A_271 = tpu.vector_load %arg9[%parallel_loop3A_269, %parallel_loop3A_270] {strides = array<i32>} : memref<80x144xf32, #tpu.memory_space<vmem>>, vector<16xf32>,
        %parallel_loop3A_272 = arith.mulf %parallel_loop3A_271, %parallel_loop3A_258 : vector<16xf32>
        %parallel_loop3A_273 = arith.index_cast %parallel_loop3A_230 : i32 to index
        %parallel_loop3A_274 = arith.constant 16 : index
        %parallel_loop3A_275 = tpu.vector_load %arg9[%parallel_loop3A_273, %parallel_loop3A_274] {strides = array<i32>} : memref<80x144xf32, #tpu.memory_space<vmem>>, vector<16xf32>,
        tpu.vector_store %arg9[%parallel_loop3A_273, %parallel_loop3A_274], %parallel_loop3A_272 {strides = array<i32>} : memref<80x144xf32, #tpu.memory_space<vmem>>, vector<16xf32>,
        %parallel_loop3A_276 = arith.index_cast %parallel_loop3A_230 : i32 to index
        %parallel_loop3A_277 = arith.constant 32 : index
        %parallel_loop3A_278 = tpu.vector_load %arg9[%parallel_loop3A_276, %parallel_loop3A_277] {strides = array<i32>} : memref<80x144xf32, #tpu.memory_space<vmem>>, vector<16xf32>,
        %parallel_loop3A_279 = arith.mulf %parallel_loop3A_278, %parallel_loop3A_258 : vector<16xf32>
        %parallel_loop3A_280 = arith.index_cast %parallel_loop3A_230 : i32 to index
        %parallel_loop3A_281 = arith.constant 32 : index
        %parallel_loop3A_282 = tpu.vector_load %arg9[%parallel_loop3A_280, %parallel_loop3A_281] {strides = array<i32>} : memref<80x144xf32, #tpu.memory_space<vmem>>, vector<16xf32>,
        tpu.vector_store %arg9[%parallel_loop3A_280, %parallel_loop3A_281], %parallel_loop3A_279 {strides = array<i32>} : memref<80x144xf32, #tpu.memory_space<vmem>>, vector<16xf32>,
        %parallel_loop3A_283 = arith.index_cast %parallel_loop3A_230 : i32 to index
        %parallel_loop3A_284 = arith.constant 48 : index
        %parallel_loop3A_285 = tpu.vector_load %arg9[%parallel_loop3A_283, %parallel_loop3A_284] {strides = array<i32>} : memref<80x144xf32, #tpu.memory_space<vmem>>, vector<16xf32>,
        %parallel_loop3A_286 = arith.mulf %parallel_loop3A_285, %parallel_loop3A_258 : vector<16xf32>
        %parallel_loop3A_287 = arith.index_cast %parallel_loop3A_230 : i32 to index
        %parallel_loop3A_288 = arith.constant 48 : index
        %parallel_loop3A_289 = tpu.vector_load %arg9[%parallel_loop3A_287, %parallel_loop3A_288] {strides = array<i32>} : memref<80x144xf32, #tpu.memory_space<vmem>>, vector<16xf32>,
        tpu.vector_store %arg9[%parallel_loop3A_287, %parallel_loop3A_288], %parallel_loop3A_286 {strides = array<i32>} : memref<80x144xf32, #tpu.memory_space<vmem>>, vector<16xf32>,
        %parallel_loop3A_290 = arith.index_cast %parallel_loop3A_230 : i32 to index
        %parallel_loop3A_291 = arith.constant 64 : index
        %parallel_loop3A_292 = tpu.vector_load %arg9[%parallel_loop3A_290, %parallel_loop3A_291] {strides = array<i32>} : memref<80x144xf32, #tpu.memory_space<vmem>>, vector<16xf32>,
        %parallel_loop3A_293 = arith.mulf %parallel_loop3A_292, %parallel_loop3A_258 : vector<16xf32>
        %parallel_loop3A_294 = arith.index_cast %parallel_loop3A_230 : i32 to index
        %parallel_loop3A_295 = arith.constant 64 : index
        %parallel_loop3A_296 = tpu.vector_load %arg9[%parallel_loop3A_294, %parallel_loop3A_295] {strides = array<i32>} : memref<80x144xf32, #tpu.memory_space<vmem>>, vector<16xf32>,
        tpu.vector_store %arg9[%parallel_loop3A_294, %parallel_loop3A_295], %parallel_loop3A_293 {strides = array<i32>} : memref<80x144xf32, #tpu.memory_space<vmem>>, vector<16xf32>,
        %parallel_loop3A_297 = arith.index_cast %parallel_loop3A_230 : i32 to index
        %parallel_loop3A_298 = arith.constant 80 : index
        %parallel_loop3A_299 = tpu.vector_load %arg9[%parallel_loop3A_297, %parallel_loop3A_298] {strides = array<i32>} : memref<80x144xf32, #tpu.memory_space<vmem>>, vector<16xf32>,
        %parallel_loop3A_300 = arith.mulf %parallel_loop3A_299, %parallel_loop3A_258 : vector<16xf32>
        %parallel_loop3A_301 = arith.index_cast %parallel_loop3A_230 : i32 to index
        %parallel_loop3A_302 = arith.constant 80 : index
        %parallel_loop3A_303 = tpu.vector_load %arg9[%parallel_loop3A_301, %parallel_loop3A_302] {strides = array<i32>} : memref<80x144xf32, #tpu.memory_space<vmem>>, vector<16xf32>,
        tpu.vector_store %arg9[%parallel_loop3A_301, %parallel_loop3A_302], %parallel_loop3A_300 {strides = array<i32>} : memref<80x144xf32, #tpu.memory_space<vmem>>, vector<16xf32>,
        %parallel_loop3A_304 = arith.index_cast %parallel_loop3A_230 : i32 to index
        %parallel_loop3A_305 = arith.constant 96 : index
        %parallel_loop3A_306 = tpu.vector_load %arg9[%parallel_loop3A_304, %parallel_loop3A_305] {strides = array<i32>} : memref<80x144xf32, #tpu.memory_space<vmem>>, vector<16xf32>,
        %parallel_loop3A_307 = arith.mulf %parallel_loop3A_306, %parallel_loop3A_258 : vector<16xf32>
        %parallel_loop3A_308 = arith.index_cast %parallel_loop3A_230 : i32 to index
        %parallel_loop3A_309 = arith.constant 96 : index
        %parallel_loop3A_310 = tpu.vector_load %arg9[%parallel_loop3A_308, %parallel_loop3A_309] {strides = array<i32>} : memref<80x144xf32, #tpu.memory_space<vmem>>, vector<16xf32>,
        tpu.vector_store %arg9[%parallel_loop3A_308, %parallel_loop3A_309], %parallel_loop3A_307 {strides = array<i32>} : memref<80x144xf32, #tpu.memory_space<vmem>>, vector<16xf32>,
        %parallel_loop3A_311 = arith.index_cast %parallel_loop3A_230 : i32 to index
        %parallel_loop3A_312 = arith.constant 112 : index
        %parallel_loop3A_313 = tpu.vector_load %arg9[%parallel_loop3A_311, %parallel_loop3A_312] {strides = array<i32>} : memref<80x144xf32, #tpu.memory_space<vmem>>, vector<16xf32>,
        %parallel_loop3A_314 = arith.mulf %parallel_loop3A_313, %parallel_loop3A_258 : vector<16xf32>
        %parallel_loop3A_315 = arith.index_cast %parallel_loop3A_230 : i32 to index
        %parallel_loop3A_316 = arith.constant 112 : index
        %parallel_loop3A_317 = tpu.vector_load %arg9[%parallel_loop3A_315, %parallel_loop3A_316] {strides = array<i32>} : memref<80x144xf32, #tpu.memory_space<vmem>>, vector<16xf32>,
        tpu.vector_store %arg9[%parallel_loop3A_315, %parallel_loop3A_316], %parallel_loop3A_314 {strides = array<i32>} : memref<80x144xf32, #tpu.memory_space<vmem>>, vector<16xf32>,
      } {sc.loop_unroll_factor = 4 : i64, sc.parallel_access}
      %dma_start3A_116 = arith.constant 1 : i32
      %dma_start3A_117 = arith.constant 0 : i32
      %dma_start3A_118 = tpu.memref_slice %arg15[%dma_start3A_116, %dma_start3A_117] : memref<2x80xi32, #tpu.memory_space<vmem>> -> memref<1x80xi32, #tpu.memory_space<vmem>>
      %dma_start3A_119 = tpu.memref_squeeze %dma_start3A_118 : memref<1x80xi32, #tpu.memory_space<vmem>> -> memref<80xi32, #tpu.memory_space<vmem>>
      %dma_start3A_120 = arith.constant 0 : i32
      %dma_start3A_121 = arith.constant 0 : i32
      %dma_start3A_122 = tpu.memref_slice %arg17[%dma_start3A_120, %dma_start3A_121] : memref<10000x144xf32, #tpu.memory_space<vmem_shared>> -> memref<10000x144xf32, #tpu.memory_space<vmem_shared>>
      tpu.enqueue_indirect_dma source(%arg9 : memref<80x144xf32, #tpu.memory_space<vmem>>) target(%dma_start3A_122 : memref<10000x144xf32, #tpu.memory_space<vmem_shared>>) offsets(%dma_start3A_119 : memref<80xi32, #tpu.memory_space<vmem>>) semaphore(%arg28 : memref<!tpu.dma_semaphore, #tpu.memory_space<semaphore_mem>>) {add = true}
      %dma_wait3A_123 = arith.constant 1 : i32
      %dma_wait3A_124 = arith.constant 0 : i32
      %dma_wait3A_125 = tpu.memref_slice %arg14[%dma_wait3A_123, %dma_wait3A_124] : memref<2x80xi32, #tpu.memory_space<vmem>> -> memref<1x80xi32, #tpu.memory_space<vmem>>
      %dma_wait3A_126 = tpu.memref_squeeze %dma_wait3A_125 : memref<1x80xi32, #tpu.memory_space<vmem>> -> memref<80xi32, #tpu.memory_space<vmem>>
      %dma_wait3A_127 = arith.constant 0 : i32
      %dma_wait3A_128 = arith.constant 0 : i32
      %dma_wait3A_129 = tpu.memref_slice %arg17[%dma_wait3A_127, %dma_wait3A_128] : memref<10000x144xf32, #tpu.memory_space<vmem_shared>> -> memref<10000x144xf32, #tpu.memory_space<vmem_shared>>
      tpu.wait_indirect_dma semaphore(%arg27 : memref<!tpu.dma_semaphore, #tpu.memory_space<semaphore_mem>>) src(%arg8 : memref<80x144xf32, #tpu.memory_space<vmem>>) dst(%dma_wait3A_129 : memref<10000x144xf32, #tpu.memory_space<vmem_shared>>)
      %add3A_130 = arith.constant 240 : i32
      %add3A_131 = arith.addi %mul3A_2, %add3A_130 : i32
      %dma_start3A_132 = arith.constant 0 : i32
      %dma_start3A_133 = tpu.memref_slice %arg2[%dma_start3A_132, %add3A_131] : memref<2x320000xi32, #tpu.memory_space<hbm>> -> memref<2x80xi32, #tpu.memory_space<hbm>>
      %dma_start3A_134 = arith.constant 0 : i32
      %dma_start3A_135 = tpu.memref_slice %arg2[%dma_start3A_134, %add3A_131] : memref<2x320000xi32, #tpu.memory_space<hbm>> -> memref<2x80xi32, #tpu.memory_space<hbm>>
      tpu.enqueue_dma source(%dma_start3A_135 : memref<2x80xi32, #tpu.memory_space<hbm>>) target(%arg14 : memref<2x80xi32, #tpu.memory_space<vmem>>) target_semaphore(%arg24 : memref<!tpu.dma_semaphore, #tpu.memory_space<semaphore_mem>>)
      %scan3A = arith.constant 0 : i32
      %scan3A_136 = arith.constant 0 : i32
      %scan3A_137 = arith.constant 82 : i32
      %scan3A_138 = arith.addi %scan3A_136, %scan3A_137 : i32
      %scan3A_139 = arith.constant 1 : i32
      scf.for %scan3A_230 = %scan3A_136 to %scan3A_138 step %scan3A_139  : i32 {
        %mul3A_231 = arith.constant 3 : i32
        %mul3A_232 = arith.muli %mul3A_231, %scan3A_230 : i32
        %add3A_233 = arith.constant 2 : i32
        %add3A_234 = arith.addi %add3A_233, %mul3A_232 : i32
        %dma_wait3A_235 = arith.constant 0 : i32
        %dma_wait3A_236 = arith.constant 0 : i32
        %dma_wait3A_237 = tpu.memref_slice %arg16[%dma_wait3A_235, %dma_wait3A_236] : memref<2x80xi32, #tpu.memory_space<vmem>> -> memref<1x80xi32, #tpu.memory_space<vmem>>
        %dma_wait3A_238 = tpu.memref_squeeze %dma_wait3A_237 : memref<1x80xi32, #tpu.memory_space<vmem>> -> memref<80xi32, #tpu.memory_space<vmem>>
        %dma_wait3A_239 = arith.constant 0 : i32
        %dma_wait3A_240 = arith.constant 0 : i32
        %dma_wait3A_241 = tpu.memref_slice %arg4[%dma_wait3A_239, %dma_wait3A_240] : memref<10000x144xf32, #tpu.memory_space<hbm>> -> memref<10000x144xf32, #tpu.memory_space<hbm>>
        tpu.wait_indirect_dma semaphore(%arg20 : memref<!tpu.dma_semaphore, #tpu.memory_space<semaphore_mem>>) src(%dma_wait3A_241 : memref<10000x144xf32, #tpu.memory_space<hbm>>) dst(%arg10 : memref<80x144xf32, #tpu.memory_space<vmem>>)
        %dma_wait3A_242 = arith.constant 1 : i32
        %dma_wait3A_243 = arith.constant 0 : i32
        %dma_wait3A_244 = tpu.memref_slice %arg16[%dma_wait3A_242, %dma_wait3A_243] : memref<2x80xi32, #tpu.memory_space<vmem>> -> memref<1x80xi32, #tpu.memory_space<vmem>>
        %dma_wait3A_245 = tpu.memref_squeeze %dma_wait3A_244 : memref<1x80xi32, #tpu.memory_space<vmem>> -> memref<80xi32, #tpu.memory_space<vmem>>
        %dma_wait3A_246 = arith.constant 0 : i32
        %dma_wait3A_247 = arith.constant 0 : i32
        %dma_wait3A_248 = tpu.memref_slice %arg5[%dma_wait3A_246, %dma_wait3A_247] : memref<10000x16xf32, #tpu.memory_space<hbm>> -> memref<10000x16xf32, #tpu.memory_space<hbm>>
        tpu.wait_indirect_dma semaphore(%arg23 : memref<!tpu.dma_semaphore, #tpu.memory_space<semaphore_mem>>) src(%dma_wait3A_248 : memref<10000x16xf32, #tpu.memory_space<hbm>>) dst(%arg13 : memref<80x16xf32, #tpu.memory_space<vmem>>)
        %dma_wait3A_249 = arith.constant 0 : i32
        %dma_wait3A_250 = arith.constant 0 : i32
        %dma_wait3A_251 = tpu.memref_slice %arg2[%dma_wait3A_249, %dma_wait3A_250] : memref<2x320000xi32, #tpu.memory_space<hbm>> -> memref<2x80xi32, #tpu.memory_space<hbm>>
        %dma_wait3A_252 = arith.constant 0 : i32
        %dma_wait3A_253 = arith.constant 0 : i32
        %dma_wait3A_254 = tpu.memref_slice %arg2[%dma_wait3A_252, %dma_wait3A_253] : memref<2x320000xi32, #tpu.memory_space<hbm>> -> memref<2x80xi32, #tpu.memory_space<hbm>>
        tpu.wait_dma2 semaphore(%arg24 : memref<!tpu.dma_semaphore, #tpu.memory_space<semaphore_mem>>) src(%dma_wait3A_254 : memref<2x80xi32, #tpu.memory_space<hbm>>) dst(%arg14 : memref<2x80xi32, #tpu.memory_space<vmem>>)
        %dma_start3A_255 = arith.constant 0 : i32
        %dma_start3A_256 = arith.constant 0 : i32
        %dma_start3A_257 = tpu.memref_slice %arg14[%dma_start3A_255, %dma_start3A_256] : memref<2x80xi32, #tpu.memory_space<vmem>> -> memref<1x80xi32, #tpu.memory_space<vmem>>
        %dma_start3A_258 = tpu.memref_squeeze %dma_start3A_257 : memref<1x80xi32, #tpu.memory_space<vmem>> -> memref<80xi32, #tpu.memory_space<vmem>>
        %dma_start3A_259 = arith.constant 0 : i32
        %dma_start3A_260 = arith.constant 0 : i32
        %dma_start3A_261 = tpu.memref_slice %arg4[%dma_start3A_259, %dma_start3A_260] : memref<10000x144xf32, #tpu.memory_space<hbm>> -> memref<10000x144xf32, #tpu.memory_space<hbm>>
        tpu.enqueue_indirect_dma source(%dma_start3A_261 : memref<10000x144xf32, #tpu.memory_space<hbm>>) target(%arg8 : memref<80x144xf32, #tpu.memory_space<vmem>>) offsets(%dma_start3A_258 : memref<80xi32, #tpu.memory_space<vmem>>) semaphore(%arg18 : memref<!tpu.dma_semaphore, #tpu.memory_space<semaphore_mem>>)
        %dma_start3A_262 = arith.constant 1 : i32
        %dma_start3A_263 = arith.constant 0 : i32
        %dma_start3A_264 = tpu.memref_slice %arg14[%dma_start3A_262, %dma_start3A_263] : memref<2x80xi32, #tpu.memory_space<vmem>> -> memref<1x80xi32, #tpu.memory_space<vmem>>
        %dma_start3A_265 = tpu.memref_squeeze %dma_start3A_264 : memref<1x80xi32, #tpu.memory_space<vmem>> -> memref<80xi32, #tpu.memory_space<vmem>>
        %dma_start3A_266 = arith.constant 0 : i32
        %dma_start3A_267 = arith.constant 0 : i32
        %dma_start3A_268 = tpu.memref_slice %arg5[%dma_start3A_266, %dma_start3A_267] : memref<10000x16xf32, #tpu.memory_space<hbm>> -> memref<10000x16xf32, #tpu.memory_space<hbm>>
        tpu.enqueue_indirect_dma source(%dma_start3A_268 : memref<10000x16xf32, #tpu.memory_space<hbm>>) target(%arg11 : memref<80x16xf32, #tpu.memory_space<vmem>>) offsets(%dma_start3A_265 : memref<80xi32, #tpu.memory_space<vmem>>) semaphore(%arg21 : memref<!tpu.dma_semaphore, #tpu.memory_space<semaphore_mem>>)
        %parallel_loop3A_269 = arith.constant 0 : i32
        %parallel_loop3A_270 = arith.constant 80 : i32
        %parallel_loop3A_271 = arith.constant 1 : i32
        scf.for %parallel_loop3A_419 = %parallel_loop3A_269 to %parallel_loop3A_270 step %parallel_loop3A_271  : i32 {
          %parallel_loop3A_420 = arith.index_cast %parallel_loop3A_419 : i32 to index
          %parallel_loop3A_421 = arith.constant 128 : index
          %parallel_loop3A_422 = tpu.vector_load %arg10[%parallel_loop3A_420, %parallel_loop3A_421] {strides = array<i32>} : memref<80x144xf32, #tpu.memory_space<vmem>>, vector<16xf32>,
          %parallel_loop3A_423 = arith.index_cast %parallel_loop3A_419 : i32 to index
          %parallel_loop3A_424 = arith.constant 0 : index
          %parallel_loop3A_425 = tpu.vector_load %arg13[%parallel_loop3A_423, %parallel_loop3A_424] {strides = array<i32>} : memref<80x16xf32, #tpu.memory_space<vmem>>, vector<16xf32>,
          %parallel_loop3A_426 = arith.constant 8 : i32
          %parallel_loop3A_427 = vector.broadcast %parallel_loop3A_426 : i32 to vector<16xi32>
          %parallel_loop3A_428 = arith.addi %parallel_loop3A_427, %and3A_4 : vector<16xi32>
          %parallel_loop3A_429 = vector.shape_cast %parallel_loop3A_428 : vector<16xi32> to vector<16x1xi32>
          %parallel_loop3A_430 = vector.shape_cast %parallel_loop3A_429 : vector<16x1xi32> to vector<16xi32>
          %parallel_loop3A_431 = tpu.dynamic_gather %parallel_loop3A_425[%parallel_loop3A_430] in [0] : vector<16xf32>, vector<16xi32> -> vector<16xf32>
          %parallel_loop3A_432 = arith.constant 12 : i32
          %parallel_loop3A_433 = vector.broadcast %parallel_loop3A_432 : i32 to vector<16xi32>
          %parallel_loop3A_434 = arith.addi %parallel_loop3A_433, %and3A_4 : vector<16xi32>
          %parallel_loop3A_435 = vector.shape_cast %parallel_loop3A_434 : vector<16xi32> to vector<16x1xi32>
          %parallel_loop3A_436 = vector.shape_cast %parallel_loop3A_435 : vector<16x1xi32> to vector<16xi32>
          %parallel_loop3A_437 = tpu.dynamic_gather %parallel_loop3A_425[%parallel_loop3A_436] in [0] : vector<16xf32>, vector<16xi32> -> vector<16xf32>
          %parallel_loop3A_438 = arith.addf %parallel_loop3A_422, %parallel_loop3A_431 : vector<16xf32>
          %parallel_loop3A_439 = arith.constant 0.000000e+00 : f32
          %parallel_loop3A_440 = vector.broadcast %parallel_loop3A_439 : f32 to vector<16xf32>
          %parallel_loop3A_441 = arith.cmpf ogt, %parallel_loop3A_438, %parallel_loop3A_440 : vector<16xf32>
          %parallel_loop3A_442 = arith.constant 2.000000e-01 : f32
          %parallel_loop3A_443 = vector.broadcast %parallel_loop3A_442 : f32 to vector<16xf32>
          %parallel_loop3A_444 = arith.mulf %parallel_loop3A_443, %parallel_loop3A_438 : vector<16xf32>
          %parallel_loop3A_445 = arith.select %parallel_loop3A_441, %parallel_loop3A_438, %parallel_loop3A_444 : vector<16xi1>, vector<16xf32>
          %parallel_loop3A_446 = arith.subf %parallel_loop3A_445, %parallel_loop3A_437 : vector<16xf32>
          %parallel_loop3A_447 = math.exp %parallel_loop3A_446 : vector<16xf32>
          %parallel_loop3A_448 = arith.index_cast %parallel_loop3A_419 : i32 to index
          %parallel_loop3A_449 = arith.constant 128 : index
          %parallel_loop3A_450 = tpu.vector_load %arg10[%parallel_loop3A_448, %parallel_loop3A_449] {strides = array<i32>} : memref<80x144xf32, #tpu.memory_space<vmem>>, vector<16xf32>,
          tpu.vector_store %arg10[%parallel_loop3A_448, %parallel_loop3A_449], %parallel_loop3A_447 {strides = array<i32>} : memref<80x144xf32, #tpu.memory_space<vmem>>, vector<16xf32>,
          %parallel_loop3A_451 = arith.index_cast %parallel_loop3A_419 : i32 to index
          %parallel_loop3A_452 = arith.constant 0 : index
          %parallel_loop3A_453 = tpu.vector_load %arg10[%parallel_loop3A_451, %parallel_loop3A_452] {strides = array<i32>} : memref<80x144xf32, #tpu.memory_space<vmem>>, vector<16xf32>,
          %parallel_loop3A_454 = arith.mulf %parallel_loop3A_453, %parallel_loop3A_447 : vector<16xf32>
          %parallel_loop3A_455 = arith.index_cast %parallel_loop3A_419 : i32 to index
          %parallel_loop3A_456 = arith.constant 0 : index
          %parallel_loop3A_457 = tpu.vector_load %arg10[%parallel_loop3A_455, %parallel_loop3A_456] {strides = array<i32>} : memref<80x144xf32, #tpu.memory_space<vmem>>, vector<16xf32>,
          tpu.vector_store %arg10[%parallel_loop3A_455, %parallel_loop3A_456], %parallel_loop3A_454 {strides = array<i32>} : memref<80x144xf32, #tpu.memory_space<vmem>>, vector<16xf32>,
          %parallel_loop3A_458 = arith.index_cast %parallel_loop3A_419 : i32 to index
          %parallel_loop3A_459 = arith.constant 16 : index
          %parallel_loop3A_460 = tpu.vector_load %arg10[%parallel_loop3A_458, %parallel_loop3A_459] {strides = array<i32>} : memref<80x144xf32, #tpu.memory_space<vmem>>, vector<16xf32>,
          %parallel_loop3A_461 = arith.mulf %parallel_loop3A_460, %parallel_loop3A_447 : vector<16xf32>
          %parallel_loop3A_462 = arith.index_cast %parallel_loop3A_419 : i32 to index
          %parallel_loop3A_463 = arith.constant 16 : index
          %parallel_loop3A_464 = tpu.vector_load %arg10[%parallel_loop3A_462, %parallel_loop3A_463] {strides = array<i32>} : memref<80x144xf32, #tpu.memory_space<vmem>>, vector<16xf32>,
          tpu.vector_store %arg10[%parallel_loop3A_462, %parallel_loop3A_463], %parallel_loop3A_461 {strides = array<i32>} : memref<80x144xf32, #tpu.memory_space<vmem>>, vector<16xf32>,
          %parallel_loop3A_465 = arith.index_cast %parallel_loop3A_419 : i32 to index
          %parallel_loop3A_466 = arith.constant 32 : index
          %parallel_loop3A_467 = tpu.vector_load %arg10[%parallel_loop3A_465, %parallel_loop3A_466] {strides = array<i32>} : memref<80x144xf32, #tpu.memory_space<vmem>>, vector<16xf32>,
          %parallel_loop3A_468 = arith.mulf %parallel_loop3A_467, %parallel_loop3A_447 : vector<16xf32>
          %parallel_loop3A_469 = arith.index_cast %parallel_loop3A_419 : i32 to index
          %parallel_loop3A_470 = arith.constant 32 : index
          %parallel_loop3A_471 = tpu.vector_load %arg10[%parallel_loop3A_469, %parallel_loop3A_470] {strides = array<i32>} : memref<80x144xf32, #tpu.memory_space<vmem>>, vector<16xf32>,
          tpu.vector_store %arg10[%parallel_loop3A_469, %parallel_loop3A_470], %parallel_loop3A_468 {strides = array<i32>} : memref<80x144xf32, #tpu.memory_space<vmem>>, vector<16xf32>,
          %parallel_loop3A_472 = arith.index_cast %parallel_loop3A_419 : i32 to index
          %parallel_loop3A_473 = arith.constant 48 : index
          %parallel_loop3A_474 = tpu.vector_load %arg10[%parallel_loop3A_472, %parallel_loop3A_473] {strides = array<i32>} : memref<80x144xf32, #tpu.memory_space<vmem>>, vector<16xf32>,
          %parallel_loop3A_475 = arith.mulf %parallel_loop3A_474, %parallel_loop3A_447 : vector<16xf32>
          %parallel_loop3A_476 = arith.index_cast %parallel_loop3A_419 : i32 to index
          %parallel_loop3A_477 = arith.constant 48 : index
          %parallel_loop3A_478 = tpu.vector_load %arg10[%parallel_loop3A_476, %parallel_loop3A_477] {strides = array<i32>} : memref<80x144xf32, #tpu.memory_space<vmem>>, vector<16xf32>,
          tpu.vector_store %arg10[%parallel_loop3A_476, %parallel_loop3A_477], %parallel_loop3A_475 {strides = array<i32>} : memref<80x144xf32, #tpu.memory_space<vmem>>, vector<16xf32>,
          %parallel_loop3A_479 = arith.index_cast %parallel_loop3A_419 : i32 to index
          %parallel_loop3A_480 = arith.constant 64 : index
          %parallel_loop3A_481 = tpu.vector_load %arg10[%parallel_loop3A_479, %parallel_loop3A_480] {strides = array<i32>} : memref<80x144xf32, #tpu.memory_space<vmem>>, vector<16xf32>,
          %parallel_loop3A_482 = arith.mulf %parallel_loop3A_481, %parallel_loop3A_447 : vector<16xf32>
          %parallel_loop3A_483 = arith.index_cast %parallel_loop3A_419 : i32 to index
          %parallel_loop3A_484 = arith.constant 64 : index
          %parallel_loop3A_485 = tpu.vector_load %arg10[%parallel_loop3A_483, %parallel_loop3A_484] {strides = array<i32>} : memref<80x144xf32, #tpu.memory_space<vmem>>, vector<16xf32>,
          tpu.vector_store %arg10[%parallel_loop3A_483, %parallel_loop3A_484], %parallel_loop3A_482 {strides = array<i32>} : memref<80x144xf32, #tpu.memory_space<vmem>>, vector<16xf32>,
          %parallel_loop3A_486 = arith.index_cast %parallel_loop3A_419 : i32 to index
          %parallel_loop3A_487 = arith.constant 80 : index
          %parallel_loop3A_488 = tpu.vector_load %arg10[%parallel_loop3A_486, %parallel_loop3A_487] {strides = array<i32>} : memref<80x144xf32, #tpu.memory_space<vmem>>, vector<16xf32>,
          %parallel_loop3A_489 = arith.mulf %parallel_loop3A_488, %parallel_loop3A_447 : vector<16xf32>
          %parallel_loop3A_490 = arith.index_cast %parallel_loop3A_419 : i32 to index
          %parallel_loop3A_491 = arith.constant 80 : index
          %parallel_loop3A_492 = tpu.vector_load %arg10[%parallel_loop3A_490, %parallel_loop3A_491] {strides = array<i32>} : memref<80x144xf32, #tpu.memory_space<vmem>>, vector<16xf32>,
          tpu.vector_store %arg10[%parallel_loop3A_490, %parallel_loop3A_491], %parallel_loop3A_489 {strides = array<i32>} : memref<80x144xf32, #tpu.memory_space<vmem>>, vector<16xf32>,
          %parallel_loop3A_493 = arith.index_cast %parallel_loop3A_419 : i32 to index
          %parallel_loop3A_494 = arith.constant 96 : index
          %parallel_loop3A_495 = tpu.vector_load %arg10[%parallel_loop3A_493, %parallel_loop3A_494] {strides = array<i32>} : memref<80x144xf32, #tpu.memory_space<vmem>>, vector<16xf32>,
          %parallel_loop3A_496 = arith.mulf %parallel_loop3A_495, %parallel_loop3A_447 : vector<16xf32>
          %parallel_loop3A_497 = arith.index_cast %parallel_loop3A_419 : i32 to index
          %parallel_loop3A_498 = arith.constant 96 : index
          %parallel_loop3A_499 = tpu.vector_load %arg10[%parallel_loop3A_497, %parallel_loop3A_498] {strides = array<i32>} : memref<80x144xf32, #tpu.memory_space<vmem>>, vector<16xf32>,
          tpu.vector_store %arg10[%parallel_loop3A_497, %parallel_loop3A_498], %parallel_loop3A_496 {strides = array<i32>} : memref<80x144xf32, #tpu.memory_space<vmem>>, vector<16xf32>,
          %parallel_loop3A_500 = arith.index_cast %parallel_loop3A_419 : i32 to index
          %parallel_loop3A_501 = arith.constant 112 : index
          %parallel_loop3A_502 = tpu.vector_load %arg10[%parallel_loop3A_500, %parallel_loop3A_501] {strides = array<i32>} : memref<80x144xf32, #tpu.memory_space<vmem>>, vector<16xf32>,
          %parallel_loop3A_503 = arith.mulf %parallel_loop3A_502, %parallel_loop3A_447 : vector<16xf32>
          %parallel_loop3A_504 = arith.index_cast %parallel_loop3A_419 : i32 to index
          %parallel_loop3A_505 = arith.constant 112 : index
          %parallel_loop3A_506 = tpu.vector_load %arg10[%parallel_loop3A_504, %parallel_loop3A_505] {strides = array<i32>} : memref<80x144xf32, #tpu.memory_space<vmem>>, vector<16xf32>,
          tpu.vector_store %arg10[%parallel_loop3A_504, %parallel_loop3A_505], %parallel_loop3A_503 {strides = array<i32>} : memref<80x144xf32, #tpu.memory_space<vmem>>, vector<16xf32>,
        } {sc.loop_unroll_factor = 4 : i64, sc.parallel_access}
        %dma_start3A_272 = arith.constant 1 : i32
        %dma_start3A_273 = arith.constant 0 : i32
        %dma_start3A_274 = tpu.memref_slice %arg16[%dma_start3A_272, %dma_start3A_273] : memref<2x80xi32, #tpu.memory_space<vmem>> -> memref<1x80xi32, #tpu.memory_space<vmem>>
        %dma_start3A_275 = tpu.memref_squeeze %dma_start3A_274 : memref<1x80xi32, #tpu.memory_space<vmem>> -> memref<80xi32, #tpu.memory_space<vmem>>
        %dma_start3A_276 = arith.constant 0 : i32
        %dma_start3A_277 = arith.constant 0 : i32
        %dma_start3A_278 = tpu.memref_slice %arg17[%dma_start3A_276, %dma_start3A_277] : memref<10000x144xf32, #tpu.memory_space<vmem_shared>> -> memref<10000x144xf32, #tpu.memory_space<vmem_shared>>
        tpu.enqueue_indirect_dma source(%arg10 : memref<80x144xf32, #tpu.memory_space<vmem>>) target(%dma_start3A_278 : memref<10000x144xf32, #tpu.memory_space<vmem_shared>>) offsets(%dma_start3A_275 : memref<80xi32, #tpu.memory_space<vmem>>) semaphore(%arg29 : memref<!tpu.dma_semaphore, #tpu.memory_space<semaphore_mem>>) {add = true}
        %dma_wait3A_279 = arith.constant 1 : i32
        %dma_wait3A_280 = arith.constant 0 : i32
        %dma_wait3A_281 = tpu.memref_slice %arg15[%dma_wait3A_279, %dma_wait3A_280] : memref<2x80xi32, #tpu.memory_space<vmem>> -> memref<1x80xi32, #tpu.memory_space<vmem>>
        %dma_wait3A_282 = tpu.memref_squeeze %dma_wait3A_281 : memref<1x80xi32, #tpu.memory_space<vmem>> -> memref<80xi32, #tpu.memory_space<vmem>>
        %dma_wait3A_283 = arith.constant 0 : i32
        %dma_wait3A_284 = arith.constant 0 : i32
        %dma_wait3A_285 = tpu.memref_slice %arg17[%dma_wait3A_283, %dma_wait3A_284] : memref<10000x144xf32, #tpu.memory_space<vmem_shared>> -> memref<10000x144xf32, #tpu.memory_space<vmem_shared>>
        tpu.wait_indirect_dma semaphore(%arg28 : memref<!tpu.dma_semaphore, #tpu.memory_space<semaphore_mem>>) src(%arg9 : memref<80x144xf32, #tpu.memory_space<vmem>>) dst(%dma_wait3A_285 : memref<10000x144xf32, #tpu.memory_space<vmem_shared>>)
        %add3A_286 = arith.constant 2 : i32
        %add3A_287 = arith.addi %add3A_234, %add3A_286 : i32
        %mul3A_288 = arith.constant 80 : i32
        %mul3A_289 = arith.muli %add3A_287, %mul3A_288 : i32
        %add3A_290 = arith.addi %mul3A_2, %mul3A_289 : i32
        %dma_start3A_291 = arith.constant 0 : i32
        %dma_start3A_292 = tpu.memref_slice %arg2[%dma_start3A_291, %add3A_290] : memref<2x320000xi32, #tpu.memory_space<hbm>> -> memref<2x80xi32, #tpu.memory_space<hbm>>
        %dma_start3A_293 = arith.constant 0 : i32
        %dma_start3A_294 = tpu.memref_slice %arg2[%dma_start3A_293, %add3A_290] : memref<2x320000xi32, #tpu.memory_space<hbm>> -> memref<2x80xi32, #tpu.memory_space<hbm>>
        tpu.enqueue_dma source(%dma_start3A_294 : memref<2x80xi32, #tpu.memory_space<hbm>>) target(%arg15 : memref<2x80xi32, #tpu.memory_space<vmem>>) target_semaphore(%arg25 : memref<!tpu.dma_semaphore, #tpu.memory_space<semaphore_mem>>)
        %add3A_295 = arith.constant 1 : i32
        %add3A_296 = arith.addi %add3A_234, %add3A_295 : i32
        %dma_wait3A_297 = arith.constant 0 : i32
        %dma_wait3A_298 = arith.constant 0 : i32
        %dma_wait3A_299 = tpu.memref_slice %arg14[%dma_wait3A_297, %dma_wait3A_298] : memref<2x80xi32, #tpu.memory_space<vmem>> -> memref<1x80xi32, #tpu.memory_space<vmem>>
        %dma_wait3A_300 = tpu.memref_squeeze %dma_wait3A_299 : memref<1x80xi32, #tpu.memory_space<vmem>> -> memref<80xi32, #tpu.memory_space<vmem>>
        %dma_wait3A_301 = arith.constant 0 : i32
        %dma_wait3A_302 = arith.constant 0 : i32
        %dma_wait3A_303 = tpu.memref_slice %arg4[%dma_wait3A_301, %dma_wait3A_302] : memref<10000x144xf32, #tpu.memory_space<hbm>> -> memref<10000x144xf32, #tpu.memory_space<hbm>>
        tpu.wait_indirect_dma semaphore(%arg18 : memref<!tpu.dma_semaphore, #tpu.memory_space<semaphore_mem>>) src(%dma_wait3A_303 : memref<10000x144xf32, #tpu.memory_space<hbm>>) dst(%arg8 : memref<80x144xf32, #tpu.memory_space<vmem>>)
        %dma_wait3A_304 = arith.constant 1 : i32
        %dma_wait3A_305 = arith.constant 0 : i32
        %dma_wait3A_306 = tpu.memref_slice %arg14[%dma_wait3A_304, %dma_wait3A_305] : memref<2x80xi32, #tpu.memory_space<vmem>> -> memref<1x80xi32, #tpu.memory_space<vmem>>
        %dma_wait3A_307 = tpu.memref_squeeze %dma_wait3A_306 : memref<1x80xi32, #tpu.memory_space<vmem>> -> memref<80xi32, #tpu.memory_space<vmem>>
        %dma_wait3A_308 = arith.constant 0 : i32
        %dma_wait3A_309 = arith.constant 0 : i32
        %dma_wait3A_310 = tpu.memref_slice %arg5[%dma_wait3A_308, %dma_wait3A_309] : memref<10000x16xf32, #tpu.memory_space<hbm>> -> memref<10000x16xf32, #tpu.memory_space<hbm>>
        tpu.wait_indirect_dma semaphore(%arg21 : memref<!tpu.dma_semaphore, #tpu.memory_space<semaphore_mem>>) src(%dma_wait3A_310 : memref<10000x16xf32, #tpu.memory_space<hbm>>) dst(%arg11 : memref<80x16xf32, #tpu.memory_space<vmem>>)
        %dma_wait3A_311 = arith.constant 0 : i32
        %dma_wait3A_312 = arith.constant 0 : i32
        %dma_wait3A_313 = tpu.memref_slice %arg2[%dma_wait3A_311, %dma_wait3A_312] : memref<2x320000xi32, #tpu.memory_space<hbm>> -> memref<2x80xi32, #tpu.memory_space<hbm>>
        %dma_wait3A_314 = arith.constant 0 : i32
        %dma_wait3A_315 = arith.constant 0 : i32
        %dma_wait3A_316 = tpu.memref_slice %arg2[%dma_wait3A_314, %dma_wait3A_315] : memref<2x320000xi32, #tpu.memory_space<hbm>> -> memref<2x80xi32, #tpu.memory_space<hbm>>
        tpu.wait_dma2 semaphore(%arg25 : memref<!tpu.dma_semaphore, #tpu.memory_space<semaphore_mem>>) src(%dma_wait3A_316 : memref<2x80xi32, #tpu.memory_space<hbm>>) dst(%arg15 : memref<2x80xi32, #tpu.memory_space<vmem>>)
        %dma_start3A_317 = arith.constant 0 : i32
        %dma_start3A_318 = arith.constant 0 : i32
        %dma_start3A_319 = tpu.memref_slice %arg15[%dma_start3A_317, %dma_start3A_318] : memref<2x80xi32, #tpu.memory_space<vmem>> -> memref<1x80xi32, #tpu.memory_space<vmem>>
        %dma_start3A_320 = tpu.memref_squeeze %dma_start3A_319 : memref<1x80xi32, #tpu.memory_space<vmem>> -> memref<80xi32, #tpu.memory_space<vmem>>
        %dma_start3A_321 = arith.constant 0 : i32
        %dma_start3A_322 = arith.constant 0 : i32
        %dma_start3A_323 = tpu.memref_slice %arg4[%dma_start3A_321, %dma_start3A_322] : memref<10000x144xf32, #tpu.memory_space<hbm>> -> memref<10000x144xf32, #tpu.memory_space<hbm>>
        tpu.enqueue_indirect_dma source(%dma_start3A_323 : memref<10000x144xf32, #tpu.memory_space<hbm>>) target(%arg9 : memref<80x144xf32, #tpu.memory_space<vmem>>) offsets(%dma_start3A_320 : memref<80xi32, #tpu.memory_space<vmem>>) semaphore(%arg19 : memref<!tpu.dma_semaphore, #tpu.memory_space<semaphore_mem>>)
        %dma_start3A_324 = arith.constant 1 : i32
        %dma_start3A_325 = arith.constant 0 : i32
        %dma_start3A_326 = tpu.memref_slice %arg15[%dma_start3A_324, %dma_start3A_325] : memref<2x80xi32, #tpu.memory_space<vmem>> -> memref<1x80xi32, #tpu.memory_space<vmem>>
        %dma_start3A_327 = tpu.memref_squeeze %dma_start3A_326 : memref<1x80xi32, #tpu.memory_space<vmem>> -> memref<80xi32, #tpu.memory_space<vmem>>
        %dma_start3A_328 = arith.constant 0 : i32
        %dma_start3A_329 = arith.constant 0 : i32
        %dma_start3A_330 = tpu.memref_slice %arg5[%dma_start3A_328, %dma_start3A_329] : memref<10000x16xf32, #tpu.memory_space<hbm>> -> memref<10000x16xf32, #tpu.memory_space<hbm>>
        tpu.enqueue_indirect_dma source(%dma_start3A_330 : memref<10000x16xf32, #tpu.memory_space<hbm>>) target(%arg12 : memref<80x16xf32, #tpu.memory_space<vmem>>) offsets(%dma_start3A_327 : memref<80xi32, #tpu.memory_space<vmem>>) semaphore(%arg22 : memref<!tpu.dma_semaphore, #tpu.memory_space<semaphore_mem>>)
        %parallel_loop3A_331 = arith.constant 0 : i32
        %parallel_loop3A_332 = arith.constant 80 : i32
        %parallel_loop3A_333 = arith.constant 1 : i32
        scf.for %parallel_loop3A_419 = %parallel_loop3A_331 to %parallel_loop3A_332 step %parallel_loop3A_333  : i32 {
          %parallel_loop3A_420 = arith.index_cast %parallel_loop3A_419 : i32 to index
          %parallel_loop3A_421 = arith.constant 128 : index
          %parallel_loop3A_422 = tpu.vector_load %arg8[%parallel_loop3A_420, %parallel_loop3A_421] {strides = array<i32>} : memref<80x144xf32, #tpu.memory_space<vmem>>, vector<16xf32>,
          %parallel_loop3A_423 = arith.index_cast %parallel_loop3A_419 : i32 to index
          %parallel_loop3A_424 = arith.constant 0 : index
          %parallel_loop3A_425 = tpu.vector_load %arg11[%parallel_loop3A_423, %parallel_loop3A_424] {strides = array<i32>} : memref<80x16xf32, #tpu.memory_space<vmem>>, vector<16xf32>,
          %parallel_loop3A_426 = arith.constant 8 : i32
          %parallel_loop3A_427 = vector.broadcast %parallel_loop3A_426 : i32 to vector<16xi32>
          %parallel_loop3A_428 = arith.addi %parallel_loop3A_427, %and3A_4 : vector<16xi32>
          %parallel_loop3A_429 = vector.shape_cast %parallel_loop3A_428 : vector<16xi32> to vector<16x1xi32>
          %parallel_loop3A_430 = vector.shape_cast %parallel_loop3A_429 : vector<16x1xi32> to vector<16xi32>
          %parallel_loop3A_431 = tpu.dynamic_gather %parallel_loop3A_425[%parallel_loop3A_430] in [0] : vector<16xf32>, vector<16xi32> -> vector<16xf32>
          %parallel_loop3A_432 = arith.constant 12 : i32
          %parallel_loop3A_433 = vector.broadcast %parallel_loop3A_432 : i32 to vector<16xi32>
          %parallel_loop3A_434 = arith.addi %parallel_loop3A_433, %and3A_4 : vector<16xi32>
          %parallel_loop3A_435 = vector.shape_cast %parallel_loop3A_434 : vector<16xi32> to vector<16x1xi32>
          %parallel_loop3A_436 = vector.shape_cast %parallel_loop3A_435 : vector<16x1xi32> to vector<16xi32>
          %parallel_loop3A_437 = tpu.dynamic_gather %parallel_loop3A_425[%parallel_loop3A_436] in [0] : vector<16xf32>, vector<16xi32> -> vector<16xf32>
          %parallel_loop3A_438 = arith.addf %parallel_loop3A_422, %parallel_loop3A_431 : vector<16xf32>
          %parallel_loop3A_439 = arith.constant 0.000000e+00 : f32
          %parallel_loop3A_440 = vector.broadcast %parallel_loop3A_439 : f32 to vector<16xf32>
          %parallel_loop3A_441 = arith.cmpf ogt, %parallel_loop3A_438, %parallel_loop3A_440 : vector<16xf32>
          %parallel_loop3A_442 = arith.constant 2.000000e-01 : f32
          %parallel_loop3A_443 = vector.broadcast %parallel_loop3A_442 : f32 to vector<16xf32>
          %parallel_loop3A_444 = arith.mulf %parallel_loop3A_443, %parallel_loop3A_438 : vector<16xf32>
          %parallel_loop3A_445 = arith.select %parallel_loop3A_441, %parallel_loop3A_438, %parallel_loop3A_444 : vector<16xi1>, vector<16xf32>
          %parallel_loop3A_446 = arith.subf %parallel_loop3A_445, %parallel_loop3A_437 : vector<16xf32>
          %parallel_loop3A_447 = math.exp %parallel_loop3A_446 : vector<16xf32>
          %parallel_loop3A_448 = arith.index_cast %parallel_loop3A_419 : i32 to index
          %parallel_loop3A_449 = arith.constant 128 : index
          %parallel_loop3A_450 = tpu.vector_load %arg8[%parallel_loop3A_448, %parallel_loop3A_449] {strides = array<i32>} : memref<80x144xf32, #tpu.memory_space<vmem>>, vector<16xf32>,
          tpu.vector_store %arg8[%parallel_loop3A_448, %parallel_loop3A_449], %parallel_loop3A_447 {strides = array<i32>} : memref<80x144xf32, #tpu.memory_space<vmem>>, vector<16xf32>,
          %parallel_loop3A_451 = arith.index_cast %parallel_loop3A_419 : i32 to index
          %parallel_loop3A_452 = arith.constant 0 : index
          %parallel_loop3A_453 = tpu.vector_load %arg8[%parallel_loop3A_451, %parallel_loop3A_452] {strides = array<i32>} : memref<80x144xf32, #tpu.memory_space<vmem>>, vector<16xf32>,
          %parallel_loop3A_454 = arith.mulf %parallel_loop3A_453, %parallel_loop3A_447 : vector<16xf32>
          %parallel_loop3A_455 = arith.index_cast %parallel_loop3A_419 : i32 to index
          %parallel_loop3A_456 = arith.constant 0 : index
          %parallel_loop3A_457 = tpu.vector_load %arg8[%parallel_loop3A_455, %parallel_loop3A_456] {strides = array<i32>} : memref<80x144xf32, #tpu.memory_space<vmem>>, vector<16xf32>,
          tpu.vector_store %arg8[%parallel_loop3A_455, %parallel_loop3A_456], %parallel_loop3A_454 {strides = array<i32>} : memref<80x144xf32, #tpu.memory_space<vmem>>, vector<16xf32>,
          %parallel_loop3A_458 = arith.index_cast %parallel_loop3A_419 : i32 to index
          %parallel_loop3A_459 = arith.constant 16 : index
          %parallel_loop3A_460 = tpu.vector_load %arg8[%parallel_loop3A_458, %parallel_loop3A_459] {strides = array<i32>} : memref<80x144xf32, #tpu.memory_space<vmem>>, vector<16xf32>,
          %parallel_loop3A_461 = arith.mulf %parallel_loop3A_460, %parallel_loop3A_447 : vector<16xf32>
          %parallel_loop3A_462 = arith.index_cast %parallel_loop3A_419 : i32 to index
          %parallel_loop3A_463 = arith.constant 16 : index
          %parallel_loop3A_464 = tpu.vector_load %arg8[%parallel_loop3A_462, %parallel_loop3A_463] {strides = array<i32>} : memref<80x144xf32, #tpu.memory_space<vmem>>, vector<16xf32>,
          tpu.vector_store %arg8[%parallel_loop3A_462, %parallel_loop3A_463], %parallel_loop3A_461 {strides = array<i32>} : memref<80x144xf32, #tpu.memory_space<vmem>>, vector<16xf32>,
          %parallel_loop3A_465 = arith.index_cast %parallel_loop3A_419 : i32 to index
          %parallel_loop3A_466 = arith.constant 32 : index
          %parallel_loop3A_467 = tpu.vector_load %arg8[%parallel_loop3A_465, %parallel_loop3A_466] {strides = array<i32>} : memref<80x144xf32, #tpu.memory_space<vmem>>, vector<16xf32>,
          %parallel_loop3A_468 = arith.mulf %parallel_loop3A_467, %parallel_loop3A_447 : vector<16xf32>
          %parallel_loop3A_469 = arith.index_cast %parallel_loop3A_419 : i32 to index
          %parallel_loop3A_470 = arith.constant 32 : index
          %parallel_loop3A_471 = tpu.vector_load %arg8[%parallel_loop3A_469, %parallel_loop3A_470] {strides = array<i32>} : memref<80x144xf32, #tpu.memory_space<vmem>>, vector<16xf32>,
          tpu.vector_store %arg8[%parallel_loop3A_469, %parallel_loop3A_470], %parallel_loop3A_468 {strides = array<i32>} : memref<80x144xf32, #tpu.memory_space<vmem>>, vector<16xf32>,
          %parallel_loop3A_472 = arith.index_cast %parallel_loop3A_419 : i32 to index
          %parallel_loop3A_473 = arith.constant 48 : index
          %parallel_loop3A_474 = tpu.vector_load %arg8[%parallel_loop3A_472, %parallel_loop3A_473] {strides = array<i32>} : memref<80x144xf32, #tpu.memory_space<vmem>>, vector<16xf32>,
          %parallel_loop3A_475 = arith.mulf %parallel_loop3A_474, %parallel_loop3A_447 : vector<16xf32>
          %parallel_loop3A_476 = arith.index_cast %parallel_loop3A_419 : i32 to index
          %parallel_loop3A_477 = arith.constant 48 : index
          %parallel_loop3A_478 = tpu.vector_load %arg8[%parallel_loop3A_476, %parallel_loop3A_477] {strides = array<i32>} : memref<80x144xf32, #tpu.memory_space<vmem>>, vector<16xf32>,
          tpu.vector_store %arg8[%parallel_loop3A_476, %parallel_loop3A_477], %parallel_loop3A_475 {strides = array<i32>} : memref<80x144xf32, #tpu.memory_space<vmem>>, vector<16xf32>,
          %parallel_loop3A_479 = arith.index_cast %parallel_loop3A_419 : i32 to index
          %parallel_loop3A_480 = arith.constant 64 : index
          %parallel_loop3A_481 = tpu.vector_load %arg8[%parallel_loop3A_479, %parallel_loop3A_480] {strides = array<i32>} : memref<80x144xf32, #tpu.memory_space<vmem>>, vector<16xf32>,
          %parallel_loop3A_482 = arith.mulf %parallel_loop3A_481, %parallel_loop3A_447 : vector<16xf32>
          %parallel_loop3A_483 = arith.index_cast %parallel_loop3A_419 : i32 to index
          %parallel_loop3A_484 = arith.constant 64 : index
          %parallel_loop3A_485 = tpu.vector_load %arg8[%parallel_loop3A_483, %parallel_loop3A_484] {strides = array<i32>} : memref<80x144xf32, #tpu.memory_space<vmem>>, vector<16xf32>,
          tpu.vector_store %arg8[%parallel_loop3A_483, %parallel_loop3A_484], %parallel_loop3A_482 {strides = array<i32>} : memref<80x144xf32, #tpu.memory_space<vmem>>, vector<16xf32>,
          %parallel_loop3A_486 = arith.index_cast %parallel_loop3A_419 : i32 to index
          %parallel_loop3A_487 = arith.constant 80 : index
          %parallel_loop3A_488 = tpu.vector_load %arg8[%parallel_loop3A_486, %parallel_loop3A_487] {strides = array<i32>} : memref<80x144xf32, #tpu.memory_space<vmem>>, vector<16xf32>,
          %parallel_loop3A_489 = arith.mulf %parallel_loop3A_488, %parallel_loop3A_447 : vector<16xf32>
          %parallel_loop3A_490 = arith.index_cast %parallel_loop3A_419 : i32 to index
          %parallel_loop3A_491 = arith.constant 80 : index
          %parallel_loop3A_492 = tpu.vector_load %arg8[%parallel_loop3A_490, %parallel_loop3A_491] {strides = array<i32>} : memref<80x144xf32, #tpu.memory_space<vmem>>, vector<16xf32>,
          tpu.vector_store %arg8[%parallel_loop3A_490, %parallel_loop3A_491], %parallel_loop3A_489 {strides = array<i32>} : memref<80x144xf32, #tpu.memory_space<vmem>>, vector<16xf32>,
          %parallel_loop3A_493 = arith.index_cast %parallel_loop3A_419 : i32 to index
          %parallel_loop3A_494 = arith.constant 96 : index
          %parallel_loop3A_495 = tpu.vector_load %arg8[%parallel_loop3A_493, %parallel_loop3A_494] {strides = array<i32>} : memref<80x144xf32, #tpu.memory_space<vmem>>, vector<16xf32>,
          %parallel_loop3A_496 = arith.mulf %parallel_loop3A_495, %parallel_loop3A_447 : vector<16xf32>
          %parallel_loop3A_497 = arith.index_cast %parallel_loop3A_419 : i32 to index
          %parallel_loop3A_498 = arith.constant 96 : index
          %parallel_loop3A_499 = tpu.vector_load %arg8[%parallel_loop3A_497, %parallel_loop3A_498] {strides = array<i32>} : memref<80x144xf32, #tpu.memory_space<vmem>>, vector<16xf32>,
          tpu.vector_store %arg8[%parallel_loop3A_497, %parallel_loop3A_498], %parallel_loop3A_496 {strides = array<i32>} : memref<80x144xf32, #tpu.memory_space<vmem>>, vector<16xf32>,
          %parallel_loop3A_500 = arith.index_cast %parallel_loop3A_419 : i32 to index
          %parallel_loop3A_501 = arith.constant 112 : index
          %parallel_loop3A_502 = tpu.vector_load %arg8[%parallel_loop3A_500, %parallel_loop3A_501] {strides = array<i32>} : memref<80x144xf32, #tpu.memory_space<vmem>>, vector<16xf32>,
          %parallel_loop3A_503 = arith.mulf %parallel_loop3A_502, %parallel_loop3A_447 : vector<16xf32>
          %parallel_loop3A_504 = arith.index_cast %parallel_loop3A_419 : i32 to index
          %parallel_loop3A_505 = arith.constant 112 : index
          %parallel_loop3A_506 = tpu.vector_load %arg8[%parallel_loop3A_504, %parallel_loop3A_505] {strides = array<i32>} : memref<80x144xf32, #tpu.memory_space<vmem>>, vector<16xf32>,
          tpu.vector_store %arg8[%parallel_loop3A_504, %parallel_loop3A_505], %parallel_loop3A_503 {strides = array<i32>} : memref<80x144xf32, #tpu.memory_space<vmem>>, vector<16xf32>,
        } {sc.loop_unroll_factor = 4 : i64, sc.parallel_access}
        %dma_start3A_334 = arith.constant 1 : i32
        %dma_start3A_335 = arith.constant 0 : i32
        %dma_start3A_336 = tpu.memref_slice %arg14[%dma_start3A_334, %dma_start3A_335] : memref<2x80xi32, #tpu.memory_space<vmem>> -> memref<1x80xi32, #tpu.memory_space<vmem>>
        %dma_start3A_337 = tpu.memref_squeeze %dma_start3A_336 : memref<1x80xi32, #tpu.memory_space<vmem>> -> memref<80xi32, #tpu.memory_space<vmem>>
        %dma_start3A_338 = arith.constant 0 : i32
        %dma_start3A_339 = arith.constant 0 : i32
        %dma_start3A_340 = tpu.memref_slice %arg17[%dma_start3A_338, %dma_start3A_339] : memref<10000x144xf32, #tpu.memory_space<vmem_shared>> -> memref<10000x144xf32, #tpu.memory_space<vmem_shared>>
        tpu.enqueue_indirect_dma source(%arg8 : memref<80x144xf32, #tpu.memory_space<vmem>>) target(%dma_start3A_340 : memref<10000x144xf32, #tpu.memory_space<vmem_shared>>) offsets(%dma_start3A_337 : memref<80xi32, #tpu.memory_space<vmem>>) semaphore(%arg27 : memref<!tpu.dma_semaphore, #tpu.memory_space<semaphore_mem>>) {add = true}
        %dma_wait3A_341 = arith.constant 1 : i32
        %dma_wait3A_342 = arith.constant 0 : i32
        %dma_wait3A_343 = tpu.memref_slice %arg16[%dma_wait3A_341, %dma_wait3A_342] : memref<2x80xi32, #tpu.memory_space<vmem>> -> memref<1x80xi32, #tpu.memory_space<vmem>>
        %dma_wait3A_344 = tpu.memref_squeeze %dma_wait3A_343 : memref<1x80xi32, #tpu.memory_space<vmem>> -> memref<80xi32, #tpu.memory_space<vmem>>
        %dma_wait3A_345 = arith.constant 0 : i32
        %dma_wait3A_346 = arith.constant 0 : i32
        %dma_wait3A_347 = tpu.memref_slice %arg17[%dma_wait3A_345, %dma_wait3A_346] : memref<10000x144xf32, #tpu.memory_space<vmem_shared>> -> memref<10000x144xf32, #tpu.memory_space<vmem_shared>>
        tpu.wait_indirect_dma semaphore(%arg29 : memref<!tpu.dma_semaphore, #tpu.memory_space<semaphore_mem>>) src(%arg10 : memref<80x144xf32, #tpu.memory_space<vmem>>) dst(%dma_wait3A_347 : memref<10000x144xf32, #tpu.memory_space<vmem_shared>>)
        %add3A_348 = arith.constant 2 : i32
        %add3A_349 = arith.addi %add3A_296, %add3A_348 : i32
        %mul3A_350 = arith.constant 80 : i32
        %mul3A_351 = arith.muli %add3A_349, %mul3A_350 : i32
        %add3A_352 = arith.addi %mul3A_2, %mul3A_351 : i32
        %dma_start3A_353 = arith.constant 0 : i32
        %dma_start3A_354 = tpu.memref_slice %arg2[%dma_start3A_353, %add3A_352] : memref<2x320000xi32, #tpu.memory_space<hbm>> -> memref<2x80xi32, #tpu.memory_space<hbm>>
        %dma_start3A_355 = arith.constant 0 : i32
        %dma_start3A_356 = tpu.memref_slice %arg2[%dma_start3A_355, %add3A_352] : memref<2x320000xi32, #tpu.memory_space<hbm>> -> memref<2x80xi32, #tpu.memory_space<hbm>>
        tpu.enqueue_dma source(%dma_start3A_356 : memref<2x80xi32, #tpu.memory_space<hbm>>) target(%arg16 : memref<2x80xi32, #tpu.memory_space<vmem>>) target_semaphore(%arg26 : memref<!tpu.dma_semaphore, #tpu.memory_space<semaphore_mem>>)
        %add3A_357 = arith.constant 2 : i32
        %add3A_358 = arith.addi %add3A_234, %add3A_357 : i32
        %dma_wait3A_359 = arith.constant 0 : i32
        %dma_wait3A_360 = arith.constant 0 : i32
        %dma_wait3A_361 = tpu.memref_slice %arg15[%dma_wait3A_359, %dma_wait3A_360] : memref<2x80xi32, #tpu.memory_space<vmem>> -> memref<1x80xi32, #tpu.memory_space<vmem>>
        %dma_wait3A_362 = tpu.memref_squeeze %dma_wait3A_361 : memref<1x80xi32, #tpu.memory_space<vmem>> -> memref<80xi32, #tpu.memory_space<vmem>>
        %dma_wait3A_363 = arith.constant 0 : i32
        %dma_wait3A_364 = arith.constant 0 : i32
        %dma_wait3A_365 = tpu.memref_slice %arg4[%dma_wait3A_363, %dma_wait3A_364] : memref<10000x144xf32, #tpu.memory_space<hbm>> -> memref<10000x144xf32, #tpu.memory_space<hbm>>
        tpu.wait_indirect_dma semaphore(%arg19 : memref<!tpu.dma_semaphore, #tpu.memory_space<semaphore_mem>>) src(%dma_wait3A_365 : memref<10000x144xf32, #tpu.memory_space<hbm>>) dst(%arg9 : memref<80x144xf32, #tpu.memory_space<vmem>>)
        %dma_wait3A_366 = arith.constant 1 : i32
        %dma_wait3A_367 = arith.constant 0 : i32
        %dma_wait3A_368 = tpu.memref_slice %arg15[%dma_wait3A_366, %dma_wait3A_367] : memref<2x80xi32, #tpu.memory_space<vmem>> -> memref<1x80xi32, #tpu.memory_space<vmem>>
        %dma_wait3A_369 = tpu.memref_squeeze %dma_wait3A_368 : memref<1x80xi32, #tpu.memory_space<vmem>> -> memref<80xi32, #tpu.memory_space<vmem>>
        %dma_wait3A_370 = arith.constant 0 : i32
        %dma_wait3A_371 = arith.constant 0 : i32
        %dma_wait3A_372 = tpu.memref_slice %arg5[%dma_wait3A_370, %dma_wait3A_371] : memref<10000x16xf32, #tpu.memory_space<hbm>> -> memref<10000x16xf32, #tpu.memory_space<hbm>>
        tpu.wait_indirect_dma semaphore(%arg22 : memref<!tpu.dma_semaphore, #tpu.memory_space<semaphore_mem>>) src(%dma_wait3A_372 : memref<10000x16xf32, #tpu.memory_space<hbm>>) dst(%arg12 : memref<80x16xf32, #tpu.memory_space<vmem>>)
        %dma_wait3A_373 = arith.constant 0 : i32
        %dma_wait3A_374 = arith.constant 0 : i32
        %dma_wait3A_375 = tpu.memref_slice %arg2[%dma_wait3A_373, %dma_wait3A_374] : memref<2x320000xi32, #tpu.memory_space<hbm>> -> memref<2x80xi32, #tpu.memory_space<hbm>>
        %dma_wait3A_376 = arith.constant 0 : i32
        %dma_wait3A_377 = arith.constant 0 : i32
        %dma_wait3A_378 = tpu.memref_slice %arg2[%dma_wait3A_376, %dma_wait3A_377] : memref<2x320000xi32, #tpu.memory_space<hbm>> -> memref<2x80xi32, #tpu.memory_space<hbm>>
        tpu.wait_dma2 semaphore(%arg26 : memref<!tpu.dma_semaphore, #tpu.memory_space<semaphore_mem>>) src(%dma_wait3A_378 : memref<2x80xi32, #tpu.memory_space<hbm>>) dst(%arg16 : memref<2x80xi32, #tpu.memory_space<vmem>>)
        %dma_start3A_379 = arith.constant 0 : i32
        %dma_start3A_380 = arith.constant 0 : i32
        %dma_start3A_381 = tpu.memref_slice %arg16[%dma_start3A_379, %dma_start3A_380] : memref<2x80xi32, #tpu.memory_space<vmem>> -> memref<1x80xi32, #tpu.memory_space<vmem>>
        %dma_start3A_382 = tpu.memref_squeeze %dma_start3A_381 : memref<1x80xi32, #tpu.memory_space<vmem>> -> memref<80xi32, #tpu.memory_space<vmem>>
        %dma_start3A_383 = arith.constant 0 : i32
        %dma_start3A_384 = arith.constant 0 : i32
        %dma_start3A_385 = tpu.memref_slice %arg4[%dma_start3A_383, %dma_start3A_384] : memref<10000x144xf32, #tpu.memory_space<hbm>> -> memref<10000x144xf32, #tpu.memory_space<hbm>>
        tpu.enqueue_indirect_dma source(%dma_start3A_385 : memref<10000x144xf32, #tpu.memory_space<hbm>>) target(%arg10 : memref<80x144xf32, #tpu.memory_space<vmem>>) offsets(%dma_start3A_382 : memref<80xi32, #tpu.memory_space<vmem>>) semaphore(%arg20 : memref<!tpu.dma_semaphore, #tpu.memory_space<semaphore_mem>>)
        %dma_start3A_386 = arith.constant 1 : i32
        %dma_start3A_387 = arith.constant 0 : i32
        %dma_start3A_388 = tpu.memref_slice %arg16[%dma_start3A_386, %dma_start3A_387] : memref<2x80xi32, #tpu.memory_space<vmem>> -> memref<1x80xi32, #tpu.memory_space<vmem>>
        %dma_start3A_389 = tpu.memref_squeeze %dma_start3A_388 : memref<1x80xi32, #tpu.memory_space<vmem>> -> memref<80xi32, #tpu.memory_space<vmem>>
        %dma_start3A_390 = arith.constant 0 : i32
        %dma_start3A_391 = arith.constant 0 : i32
        %dma_start3A_392 = tpu.memref_slice %arg5[%dma_start3A_390, %dma_start3A_391] : memref<10000x16xf32, #tpu.memory_space<hbm>> -> memref<10000x16xf32, #tpu.memory_space<hbm>>
        tpu.enqueue_indirect_dma source(%dma_start3A_392 : memref<10000x16xf32, #tpu.memory_space<hbm>>) target(%arg13 : memref<80x16xf32, #tpu.memory_space<vmem>>) offsets(%dma_start3A_389 : memref<80xi32, #tpu.memory_space<vmem>>) semaphore(%arg23 : memref<!tpu.dma_semaphore, #tpu.memory_space<semaphore_mem>>)
        %parallel_loop3A_393 = arith.constant 0 : i32
        %parallel_loop3A_394 = arith.constant 80 : i32
        %parallel_loop3A_395 = arith.constant 1 : i32
        scf.for %parallel_loop3A_419 = %parallel_loop3A_393 to %parallel_loop3A_394 step %parallel_loop3A_395  : i32 {
          %parallel_loop3A_420 = arith.index_cast %parallel_loop3A_419 : i32 to index
          %parallel_loop3A_421 = arith.constant 128 : index
          %parallel_loop3A_422 = tpu.vector_load %arg9[%parallel_loop3A_420, %parallel_loop3A_421] {strides = array<i32>} : memref<80x144xf32, #tpu.memory_space<vmem>>, vector<16xf32>,
          %parallel_loop3A_423 = arith.index_cast %parallel_loop3A_419 : i32 to index
          %parallel_loop3A_424 = arith.constant 0 : index
          %parallel_loop3A_425 = tpu.vector_load %arg12[%parallel_loop3A_423, %parallel_loop3A_424] {strides = array<i32>} : memref<80x16xf32, #tpu.memory_space<vmem>>, vector<16xf32>,
          %parallel_loop3A_426 = arith.constant 8 : i32
          %parallel_loop3A_427 = vector.broadcast %parallel_loop3A_426 : i32 to vector<16xi32>
          %parallel_loop3A_428 = arith.addi %parallel_loop3A_427, %and3A_4 : vector<16xi32>
          %parallel_loop3A_429 = vector.shape_cast %parallel_loop3A_428 : vector<16xi32> to vector<16x1xi32>
          %parallel_loop3A_430 = vector.shape_cast %parallel_loop3A_429 : vector<16x1xi32> to vector<16xi32>
          %parallel_loop3A_431 = tpu.dynamic_gather %parallel_loop3A_425[%parallel_loop3A_430] in [0] : vector<16xf32>, vector<16xi32> -> vector<16xf32>
          %parallel_loop3A_432 = arith.constant 12 : i32
          %parallel_loop3A_433 = vector.broadcast %parallel_loop3A_432 : i32 to vector<16xi32>
          %parallel_loop3A_434 = arith.addi %parallel_loop3A_433, %and3A_4 : vector<16xi32>
          %parallel_loop3A_435 = vector.shape_cast %parallel_loop3A_434 : vector<16xi32> to vector<16x1xi32>
          %parallel_loop3A_436 = vector.shape_cast %parallel_loop3A_435 : vector<16x1xi32> to vector<16xi32>
          %parallel_loop3A_437 = tpu.dynamic_gather %parallel_loop3A_425[%parallel_loop3A_436] in [0] : vector<16xf32>, vector<16xi32> -> vector<16xf32>
          %parallel_loop3A_438 = arith.addf %parallel_loop3A_422, %parallel_loop3A_431 : vector<16xf32>
          %parallel_loop3A_439 = arith.constant 0.000000e+00 : f32
          %parallel_loop3A_440 = vector.broadcast %parallel_loop3A_439 : f32 to vector<16xf32>
          %parallel_loop3A_441 = arith.cmpf ogt, %parallel_loop3A_438, %parallel_loop3A_440 : vector<16xf32>
          %parallel_loop3A_442 = arith.constant 2.000000e-01 : f32
          %parallel_loop3A_443 = vector.broadcast %parallel_loop3A_442 : f32 to vector<16xf32>
          %parallel_loop3A_444 = arith.mulf %parallel_loop3A_443, %parallel_loop3A_438 : vector<16xf32>
          %parallel_loop3A_445 = arith.select %parallel_loop3A_441, %parallel_loop3A_438, %parallel_loop3A_444 : vector<16xi1>, vector<16xf32>
          %parallel_loop3A_446 = arith.subf %parallel_loop3A_445, %parallel_loop3A_437 : vector<16xf32>
          %parallel_loop3A_447 = math.exp %parallel_loop3A_446 : vector<16xf32>
          %parallel_loop3A_448 = arith.index_cast %parallel_loop3A_419 : i32 to index
          %parallel_loop3A_449 = arith.constant 128 : index
          %parallel_loop3A_450 = tpu.vector_load %arg9[%parallel_loop3A_448, %parallel_loop3A_449] {strides = array<i32>} : memref<80x144xf32, #tpu.memory_space<vmem>>, vector<16xf32>,
          tpu.vector_store %arg9[%parallel_loop3A_448, %parallel_loop3A_449], %parallel_loop3A_447 {strides = array<i32>} : memref<80x144xf32, #tpu.memory_space<vmem>>, vector<16xf32>,
          %parallel_loop3A_451 = arith.index_cast %parallel_loop3A_419 : i32 to index
          %parallel_loop3A_452 = arith.constant 0 : index
          %parallel_loop3A_453 = tpu.vector_load %arg9[%parallel_loop3A_451, %parallel_loop3A_452] {strides = array<i32>} : memref<80x144xf32, #tpu.memory_space<vmem>>, vector<16xf32>,
          %parallel_loop3A_454 = arith.mulf %parallel_loop3A_453, %parallel_loop3A_447 : vector<16xf32>
          %parallel_loop3A_455 = arith.index_cast %parallel_loop3A_419 : i32 to index
          %parallel_loop3A_456 = arith.constant 0 : index
          %parallel_loop3A_457 = tpu.vector_load %arg9[%parallel_loop3A_455, %parallel_loop3A_456] {strides = array<i32>} : memref<80x144xf32, #tpu.memory_space<vmem>>, vector<16xf32>,
          tpu.vector_store %arg9[%parallel_loop3A_455, %parallel_loop3A_456], %parallel_loop3A_454 {strides = array<i32>} : memref<80x144xf32, #tpu.memory_space<vmem>>, vector<16xf32>,
          %parallel_loop3A_458 = arith.index_cast %parallel_loop3A_419 : i32 to index
          %parallel_loop3A_459 = arith.constant 16 : index
          %parallel_loop3A_460 = tpu.vector_load %arg9[%parallel_loop3A_458, %parallel_loop3A_459] {strides = array<i32>} : memref<80x144xf32, #tpu.memory_space<vmem>>, vector<16xf32>,
          %parallel_loop3A_461 = arith.mulf %parallel_loop3A_460, %parallel_loop3A_447 : vector<16xf32>
          %parallel_loop3A_462 = arith.index_cast %parallel_loop3A_419 : i32 to index
          %parallel_loop3A_463 = arith.constant 16 : index
          %parallel_loop3A_464 = tpu.vector_load %arg9[%parallel_loop3A_462, %parallel_loop3A_463] {strides = array<i32>} : memref<80x144xf32, #tpu.memory_space<vmem>>, vector<16xf32>,
          tpu.vector_store %arg9[%parallel_loop3A_462, %parallel_loop3A_463], %parallel_loop3A_461 {strides = array<i32>} : memref<80x144xf32, #tpu.memory_space<vmem>>, vector<16xf32>,
          %parallel_loop3A_465 = arith.index_cast %parallel_loop3A_419 : i32 to index
          %parallel_loop3A_466 = arith.constant 32 : index
          %parallel_loop3A_467 = tpu.vector_load %arg9[%parallel_loop3A_465, %parallel_loop3A_466] {strides = array<i32>} : memref<80x144xf32, #tpu.memory_space<vmem>>, vector<16xf32>,
          %parallel_loop3A_468 = arith.mulf %parallel_loop3A_467, %parallel_loop3A_447 : vector<16xf32>
          %parallel_loop3A_469 = arith.index_cast %parallel_loop3A_419 : i32 to index
          %parallel_loop3A_470 = arith.constant 32 : index
          %parallel_loop3A_471 = tpu.vector_load %arg9[%parallel_loop3A_469, %parallel_loop3A_470] {strides = array<i32>} : memref<80x144xf32, #tpu.memory_space<vmem>>, vector<16xf32>,
          tpu.vector_store %arg9[%parallel_loop3A_469, %parallel_loop3A_470], %parallel_loop3A_468 {strides = array<i32>} : memref<80x144xf32, #tpu.memory_space<vmem>>, vector<16xf32>,
          %parallel_loop3A_472 = arith.index_cast %parallel_loop3A_419 : i32 to index
          %parallel_loop3A_473 = arith.constant 48 : index
          %parallel_loop3A_474 = tpu.vector_load %arg9[%parallel_loop3A_472, %parallel_loop3A_473] {strides = array<i32>} : memref<80x144xf32, #tpu.memory_space<vmem>>, vector<16xf32>,
          %parallel_loop3A_475 = arith.mulf %parallel_loop3A_474, %parallel_loop3A_447 : vector<16xf32>
          %parallel_loop3A_476 = arith.index_cast %parallel_loop3A_419 : i32 to index
          %parallel_loop3A_477 = arith.constant 48 : index
          %parallel_loop3A_478 = tpu.vector_load %arg9[%parallel_loop3A_476, %parallel_loop3A_477] {strides = array<i32>} : memref<80x144xf32, #tpu.memory_space<vmem>>, vector<16xf32>,
          tpu.vector_store %arg9[%parallel_loop3A_476, %parallel_loop3A_477], %parallel_loop3A_475 {strides = array<i32>} : memref<80x144xf32, #tpu.memory_space<vmem>>, vector<16xf32>,
          %parallel_loop3A_479 = arith.index_cast %parallel_loop3A_419 : i32 to index
          %parallel_loop3A_480 = arith.constant 64 : index
          %parallel_loop3A_481 = tpu.vector_load %arg9[%parallel_loop3A_479, %parallel_loop3A_480] {strides = array<i32>} : memref<80x144xf32, #tpu.memory_space<vmem>>, vector<16xf32>,
          %parallel_loop3A_482 = arith.mulf %parallel_loop3A_481, %parallel_loop3A_447 : vector<16xf32>
          %parallel_loop3A_483 = arith.index_cast %parallel_loop3A_419 : i32 to index
          %parallel_loop3A_484 = arith.constant 64 : index
          %parallel_loop3A_485 = tpu.vector_load %arg9[%parallel_loop3A_483, %parallel_loop3A_484] {strides = array<i32>} : memref<80x144xf32, #tpu.memory_space<vmem>>, vector<16xf32>,
          tpu.vector_store %arg9[%parallel_loop3A_483, %parallel_loop3A_484], %parallel_loop3A_482 {strides = array<i32>} : memref<80x144xf32, #tpu.memory_space<vmem>>, vector<16xf32>,
          %parallel_loop3A_486 = arith.index_cast %parallel_loop3A_419 : i32 to index
          %parallel_loop3A_487 = arith.constant 80 : index
          %parallel_loop3A_488 = tpu.vector_load %arg9[%parallel_loop3A_486, %parallel_loop3A_487] {strides = array<i32>} : memref<80x144xf32, #tpu.memory_space<vmem>>, vector<16xf32>,
          %parallel_loop3A_489 = arith.mulf %parallel_loop3A_488, %parallel_loop3A_447 : vector<16xf32>
          %parallel_loop3A_490 = arith.index_cast %parallel_loop3A_419 : i32 to index
          %parallel_loop3A_491 = arith.constant 80 : index
          %parallel_loop3A_492 = tpu.vector_load %arg9[%parallel_loop3A_490, %parallel_loop3A_491] {strides = array<i32>} : memref<80x144xf32, #tpu.memory_space<vmem>>, vector<16xf32>,
          tpu.vector_store %arg9[%parallel_loop3A_490, %parallel_loop3A_491], %parallel_loop3A_489 {strides = array<i32>} : memref<80x144xf32, #tpu.memory_space<vmem>>, vector<16xf32>,
          %parallel_loop3A_493 = arith.index_cast %parallel_loop3A_419 : i32 to index
          %parallel_loop3A_494 = arith.constant 96 : index
          %parallel_loop3A_495 = tpu.vector_load %arg9[%parallel_loop3A_493, %parallel_loop3A_494] {strides = array<i32>} : memref<80x144xf32, #tpu.memory_space<vmem>>, vector<16xf32>,
          %parallel_loop3A_496 = arith.mulf %parallel_loop3A_495, %parallel_loop3A_447 : vector<16xf32>
          %parallel_loop3A_497 = arith.index_cast %parallel_loop3A_419 : i32 to index
          %parallel_loop3A_498 = arith.constant 96 : index
          %parallel_loop3A_499 = tpu.vector_load %arg9[%parallel_loop3A_497, %parallel_loop3A_498] {strides = array<i32>} : memref<80x144xf32, #tpu.memory_space<vmem>>, vector<16xf32>,
          tpu.vector_store %arg9[%parallel_loop3A_497, %parallel_loop3A_498], %parallel_loop3A_496 {strides = array<i32>} : memref<80x144xf32, #tpu.memory_space<vmem>>, vector<16xf32>,
          %parallel_loop3A_500 = arith.index_cast %parallel_loop3A_419 : i32 to index
          %parallel_loop3A_501 = arith.constant 112 : index
          %parallel_loop3A_502 = tpu.vector_load %arg9[%parallel_loop3A_500, %parallel_loop3A_501] {strides = array<i32>} : memref<80x144xf32, #tpu.memory_space<vmem>>, vector<16xf32>,
          %parallel_loop3A_503 = arith.mulf %parallel_loop3A_502, %parallel_loop3A_447 : vector<16xf32>
          %parallel_loop3A_504 = arith.index_cast %parallel_loop3A_419 : i32 to index
          %parallel_loop3A_505 = arith.constant 112 : index
          %parallel_loop3A_506 = tpu.vector_load %arg9[%parallel_loop3A_504, %parallel_loop3A_505] {strides = array<i32>} : memref<80x144xf32, #tpu.memory_space<vmem>>, vector<16xf32>,
          tpu.vector_store %arg9[%parallel_loop3A_504, %parallel_loop3A_505], %parallel_loop3A_503 {strides = array<i32>} : memref<80x144xf32, #tpu.memory_space<vmem>>, vector<16xf32>,
        } {sc.loop_unroll_factor = 4 : i64, sc.parallel_access}
        %dma_start3A_396 = arith.constant 1 : i32
        %dma_start3A_397 = arith.constant 0 : i32
        %dma_start3A_398 = tpu.memref_slice %arg15[%dma_start3A_396, %dma_start3A_397] : memref<2x80xi32, #tpu.memory_space<vmem>> -> memref<1x80xi32, #tpu.memory_space<vmem>>
        %dma_start3A_399 = tpu.memref_squeeze %dma_start3A_398 : memref<1x80xi32, #tpu.memory_space<vmem>> -> memref<80xi32, #tpu.memory_space<vmem>>
        %dma_start3A_400 = arith.constant 0 : i32
        %dma_start3A_401 = arith.constant 0 : i32
        %dma_start3A_402 = tpu.memref_slice %arg17[%dma_start3A_400, %dma_start3A_401] : memref<10000x144xf32, #tpu.memory_space<vmem_shared>> -> memref<10000x144xf32, #tpu.memory_space<vmem_shared>>
        tpu.enqueue_indirect_dma source(%arg9 : memref<80x144xf32, #tpu.memory_space<vmem>>) target(%dma_start3A_402 : memref<10000x144xf32, #tpu.memory_space<vmem_shared>>) offsets(%dma_start3A_399 : memref<80xi32, #tpu.memory_space<vmem>>) semaphore(%arg28 : memref<!tpu.dma_semaphore, #tpu.memory_space<semaphore_mem>>) {add = true}
        %dma_wait3A_403 = arith.constant 1 : i32
        %dma_wait3A_404 = arith.constant 0 : i32
        %dma_wait3A_405 = tpu.memref_slice %arg14[%dma_wait3A_403, %dma_wait3A_404] : memref<2x80xi32, #tpu.memory_space<vmem>> -> memref<1x80xi32, #tpu.memory_space<vmem>>
        %dma_wait3A_406 = tpu.memref_squeeze %dma_wait3A_405 : memref<1x80xi32, #tpu.memory_space<vmem>> -> memref<80xi32, #tpu.memory_space<vmem>>
        %dma_wait3A_407 = arith.constant 0 : i32
        %dma_wait3A_408 = arith.constant 0 : i32
        %dma_wait3A_409 = tpu.memref_slice %arg17[%dma_wait3A_407, %dma_wait3A_408] : memref<10000x144xf32, #tpu.memory_space<vmem_shared>> -> memref<10000x144xf32, #tpu.memory_space<vmem_shared>>
        tpu.wait_indirect_dma semaphore(%arg27 : memref<!tpu.dma_semaphore, #tpu.memory_space<semaphore_mem>>) src(%arg8 : memref<80x144xf32, #tpu.memory_space<vmem>>) dst(%dma_wait3A_409 : memref<10000x144xf32, #tpu.memory_space<vmem_shared>>)
        %add3A_410 = arith.constant 2 : i32
        %add3A_411 = arith.addi %add3A_358, %add3A_410 : i32
        %mul3A_412 = arith.constant 80 : i32
        %mul3A_413 = arith.muli %add3A_411, %mul3A_412 : i32
        %add3A_414 = arith.addi %mul3A_2, %mul3A_413 : i32
        %dma_start3A_415 = arith.constant 0 : i32
        %dma_start3A_416 = tpu.memref_slice %arg2[%dma_start3A_415, %add3A_414] : memref<2x320000xi32, #tpu.memory_space<hbm>> -> memref<2x80xi32, #tpu.memory_space<hbm>>
        %dma_start3A_417 = arith.constant 0 : i32
        %dma_start3A_418 = tpu.memref_slice %arg2[%dma_start3A_417, %add3A_414] : memref<2x320000xi32, #tpu.memory_space<hbm>> -> memref<2x80xi32, #tpu.memory_space<hbm>>
        tpu.enqueue_dma source(%dma_start3A_418 : memref<2x80xi32, #tpu.memory_space<hbm>>) target(%arg14 : memref<2x80xi32, #tpu.memory_space<vmem>>) target_semaphore(%arg24 : memref<!tpu.dma_semaphore, #tpu.memory_space<semaphore_mem>>)
      }
      %scan3A_140 = arith.constant 82 : i32
      %dma_wait3A_141 = arith.constant 0 : i32
      %dma_wait3A_142 = arith.constant 0 : i32
      %dma_wait3A_143 = tpu.memref_slice %arg16[%dma_wait3A_141, %dma_wait3A_142] : memref<2x80xi32, #tpu.memory_space<vmem>> -> memref<1x80xi32, #tpu.memory_space<vmem>>
      %dma_wait3A_144 = tpu.memref_squeeze %dma_wait3A_143 : memref<1x80xi32, #tpu.memory_space<vmem>> -> memref<80xi32, #tpu.memory_space<vmem>>
      %dma_wait3A_145 = arith.constant 0 : i32
      %dma_wait3A_146 = arith.constant 0 : i32
      %dma_wait3A_147 = tpu.memref_slice %arg4[%dma_wait3A_145, %dma_wait3A_146] : memref<10000x144xf32, #tpu.memory_space<hbm>> -> memref<10000x144xf32, #tpu.memory_space<hbm>>
      tpu.wait_indirect_dma semaphore(%arg20 : memref<!tpu.dma_semaphore, #tpu.memory_space<semaphore_mem>>) src(%dma_wait3A_147 : memref<10000x144xf32, #tpu.memory_space<hbm>>) dst(%arg10 : memref<80x144xf32, #tpu.memory_space<vmem>>)
      %dma_wait3A_148 = arith.constant 1 : i32
      %dma_wait3A_149 = arith.constant 0 : i32
      %dma_wait3A_150 = tpu.memref_slice %arg16[%dma_wait3A_148, %dma_wait3A_149] : memref<2x80xi32, #tpu.memory_space<vmem>> -> memref<1x80xi32, #tpu.memory_space<vmem>>
      %dma_wait3A_151 = tpu.memref_squeeze %dma_wait3A_150 : memref<1x80xi32, #tpu.memory_space<vmem>> -> memref<80xi32, #tpu.memory_space<vmem>>
      %dma_wait3A_152 = arith.constant 0 : i32
      %dma_wait3A_153 = arith.constant 0 : i32
      %dma_wait3A_154 = tpu.memref_slice %arg5[%dma_wait3A_152, %dma_wait3A_153] : memref<10000x16xf32, #tpu.memory_space<hbm>> -> memref<10000x16xf32, #tpu.memory_space<hbm>>
      tpu.wait_indirect_dma semaphore(%arg23 : memref<!tpu.dma_semaphore, #tpu.memory_space<semaphore_mem>>) src(%dma_wait3A_154 : memref<10000x16xf32, #tpu.memory_space<hbm>>) dst(%arg13 : memref<80x16xf32, #tpu.memory_space<vmem>>)
      %dma_wait3A_155 = arith.constant 0 : i32
      %dma_wait3A_156 = arith.constant 0 : i32
      %dma_wait3A_157 = tpu.memref_slice %arg2[%dma_wait3A_155, %dma_wait3A_156] : memref<2x320000xi32, #tpu.memory_space<hbm>> -> memref<2x80xi32, #tpu.memory_space<hbm>>
      %dma_wait3A_158 = arith.constant 0 : i32
      %dma_wait3A_159 = arith.constant 0 : i32
      %dma_wait3A_160 = tpu.memref_slice %arg2[%dma_wait3A_158, %dma_wait3A_159] : memref<2x320000xi32, #tpu.memory_space<hbm>> -> memref<2x80xi32, #tpu.memory_space<hbm>>
      tpu.wait_dma2 semaphore(%arg24 : memref<!tpu.dma_semaphore, #tpu.memory_space<semaphore_mem>>) src(%dma_wait3A_160 : memref<2x80xi32, #tpu.memory_space<hbm>>) dst(%arg14 : memref<2x80xi32, #tpu.memory_space<vmem>>)
      %dma_start3A_161 = arith.constant 0 : i32
      %dma_start3A_162 = arith.constant 0 : i32
      %dma_start3A_163 = tpu.memref_slice %arg14[%dma_start3A_161, %dma_start3A_162] : memref<2x80xi32, #tpu.memory_space<vmem>> -> memref<1x80xi32, #tpu.memory_space<vmem>>
      %dma_start3A_164 = tpu.memref_squeeze %dma_start3A_163 : memref<1x80xi32, #tpu.memory_space<vmem>> -> memref<80xi32, #tpu.memory_space<vmem>>
      %dma_start3A_165 = arith.constant 0 : i32
      %dma_start3A_166 = arith.constant 0 : i32
      %dma_start3A_167 = tpu.memref_slice %arg4[%dma_start3A_165, %dma_start3A_166] : memref<10000x144xf32, #tpu.memory_space<hbm>> -> memref<10000x144xf32, #tpu.memory_space<hbm>>
      tpu.enqueue_indirect_dma source(%dma_start3A_167 : memref<10000x144xf32, #tpu.memory_space<hbm>>) target(%arg8 : memref<80x144xf32, #tpu.memory_space<vmem>>) offsets(%dma_start3A_164 : memref<80xi32, #tpu.memory_space<vmem>>) semaphore(%arg18 : memref<!tpu.dma_semaphore, #tpu.memory_space<semaphore_mem>>)
      %dma_start3A_168 = arith.constant 1 : i32
      %dma_start3A_169 = arith.constant 0 : i32
      %dma_start3A_170 = tpu.memref_slice %arg14[%dma_start3A_168, %dma_start3A_169] : memref<2x80xi32, #tpu.memory_space<vmem>> -> memref<1x80xi32, #tpu.memory_space<vmem>>
      %dma_start3A_171 = tpu.memref_squeeze %dma_start3A_170 : memref<1x80xi32, #tpu.memory_space<vmem>> -> memref<80xi32, #tpu.memory_space<vmem>>
      %dma_start3A_172 = arith.constant 0 : i32
      %dma_start3A_173 = arith.constant 0 : i32
      %dma_start3A_174 = tpu.memref_slice %arg5[%dma_start3A_172, %dma_start3A_173] : memref<10000x16xf32, #tpu.memory_space<hbm>> -> memref<10000x16xf32, #tpu.memory_space<hbm>>
      tpu.enqueue_indirect_dma source(%dma_start3A_174 : memref<10000x16xf32, #tpu.memory_space<hbm>>) target(%arg11 : memref<80x16xf32, #tpu.memory_space<vmem>>) offsets(%dma_start3A_171 : memref<80xi32, #tpu.memory_space<vmem>>) semaphore(%arg21 : memref<!tpu.dma_semaphore, #tpu.memory_space<semaphore_mem>>)
      %parallel_loop3A_175 = arith.constant 0 : i32
      %parallel_loop3A_176 = arith.constant 80 : i32
      %parallel_loop3A_177 = arith.constant 1 : i32
      scf.for %parallel_loop3A_230 = %parallel_loop3A_175 to %parallel_loop3A_176 step %parallel_loop3A_177  : i32 {
        %parallel_loop3A_231 = arith.index_cast %parallel_loop3A_230 : i32 to index
        %parallel_loop3A_232 = arith.constant 128 : index
        %parallel_loop3A_233 = tpu.vector_load %arg10[%parallel_loop3A_231, %parallel_loop3A_232] {strides = array<i32>} : memref<80x144xf32, #tpu.memory_space<vmem>>, vector<16xf32>,
        %parallel_loop3A_234 = arith.index_cast %parallel_loop3A_230 : i32 to index
        %parallel_loop3A_235 = arith.constant 0 : index
        %parallel_loop3A_236 = tpu.vector_load %arg13[%parallel_loop3A_234, %parallel_loop3A_235] {strides = array<i32>} : memref<80x16xf32, #tpu.memory_space<vmem>>, vector<16xf32>,
        %parallel_loop3A_237 = arith.constant 8 : i32
        %parallel_loop3A_238 = vector.broadcast %parallel_loop3A_237 : i32 to vector<16xi32>
        %parallel_loop3A_239 = arith.addi %parallel_loop3A_238, %and3A_4 : vector<16xi32>
        %parallel_loop3A_240 = vector.shape_cast %parallel_loop3A_239 : vector<16xi32> to vector<16x1xi32>
        %parallel_loop3A_241 = vector.shape_cast %parallel_loop3A_240 : vector<16x1xi32> to vector<16xi32>
        %parallel_loop3A_242 = tpu.dynamic_gather %parallel_loop3A_236[%parallel_loop3A_241] in [0] : vector<16xf32>, vector<16xi32> -> vector<16xf32>
        %parallel_loop3A_243 = arith.constant 12 : i32
        %parallel_loop3A_244 = vector.broadcast %parallel_loop3A_243 : i32 to vector<16xi32>
        %parallel_loop3A_245 = arith.addi %parallel_loop3A_244, %and3A_4 : vector<16xi32>
        %parallel_loop3A_246 = vector.shape_cast %parallel_loop3A_245 : vector<16xi32> to vector<16x1xi32>
        %parallel_loop3A_247 = vector.shape_cast %parallel_loop3A_246 : vector<16x1xi32> to vector<16xi32>
        %parallel_loop3A_248 = tpu.dynamic_gather %parallel_loop3A_236[%parallel_loop3A_247] in [0] : vector<16xf32>, vector<16xi32> -> vector<16xf32>
        %parallel_loop3A_249 = arith.addf %parallel_loop3A_233, %parallel_loop3A_242 : vector<16xf32>
        %parallel_loop3A_250 = arith.constant 0.000000e+00 : f32
        %parallel_loop3A_251 = vector.broadcast %parallel_loop3A_250 : f32 to vector<16xf32>
        %parallel_loop3A_252 = arith.cmpf ogt, %parallel_loop3A_249, %parallel_loop3A_251 : vector<16xf32>
        %parallel_loop3A_253 = arith.constant 2.000000e-01 : f32
        %parallel_loop3A_254 = vector.broadcast %parallel_loop3A_253 : f32 to vector<16xf32>
        %parallel_loop3A_255 = arith.mulf %parallel_loop3A_254, %parallel_loop3A_249 : vector<16xf32>
        %parallel_loop3A_256 = arith.select %parallel_loop3A_252, %parallel_loop3A_249, %parallel_loop3A_255 : vector<16xi1>, vector<16xf32>
        %parallel_loop3A_257 = arith.subf %parallel_loop3A_256, %parallel_loop3A_248 : vector<16xf32>
        %parallel_loop3A_258 = math.exp %parallel_loop3A_257 : vector<16xf32>
        %parallel_loop3A_259 = arith.index_cast %parallel_loop3A_230 : i32 to index
        %parallel_loop3A_260 = arith.constant 128 : index
        %parallel_loop3A_261 = tpu.vector_load %arg10[%parallel_loop3A_259, %parallel_loop3A_260] {strides = array<i32>} : memref<80x144xf32, #tpu.memory_space<vmem>>, vector<16xf32>,
        tpu.vector_store %arg10[%parallel_loop3A_259, %parallel_loop3A_260], %parallel_loop3A_258 {strides = array<i32>} : memref<80x144xf32, #tpu.memory_space<vmem>>, vector<16xf32>,
        %parallel_loop3A_262 = arith.index_cast %parallel_loop3A_230 : i32 to index
        %parallel_loop3A_263 = arith.constant 0 : index
        %parallel_loop3A_264 = tpu.vector_load %arg10[%parallel_loop3A_262, %parallel_loop3A_263] {strides = array<i32>} : memref<80x144xf32, #tpu.memory_space<vmem>>, vector<16xf32>,
        %parallel_loop3A_265 = arith.mulf %parallel_loop3A_264, %parallel_loop3A_258 : vector<16xf32>
        %parallel_loop3A_266 = arith.index_cast %parallel_loop3A_230 : i32 to index
        %parallel_loop3A_267 = arith.constant 0 : index
        %parallel_loop3A_268 = tpu.vector_load %arg10[%parallel_loop3A_266, %parallel_loop3A_267] {strides = array<i32>} : memref<80x144xf32, #tpu.memory_space<vmem>>, vector<16xf32>,
        tpu.vector_store %arg10[%parallel_loop3A_266, %parallel_loop3A_267], %parallel_loop3A_265 {strides = array<i32>} : memref<80x144xf32, #tpu.memory_space<vmem>>, vector<16xf32>,
        %parallel_loop3A_269 = arith.index_cast %parallel_loop3A_230 : i32 to index
        %parallel_loop3A_270 = arith.constant 16 : index
        %parallel_loop3A_271 = tpu.vector_load %arg10[%parallel_loop3A_269, %parallel_loop3A_270] {strides = array<i32>} : memref<80x144xf32, #tpu.memory_space<vmem>>, vector<16xf32>,
        %parallel_loop3A_272 = arith.mulf %parallel_loop3A_271, %parallel_loop3A_258 : vector<16xf32>
        %parallel_loop3A_273 = arith.index_cast %parallel_loop3A_230 : i32 to index
        %parallel_loop3A_274 = arith.constant 16 : index
        %parallel_loop3A_275 = tpu.vector_load %arg10[%parallel_loop3A_273, %parallel_loop3A_274] {strides = array<i32>} : memref<80x144xf32, #tpu.memory_space<vmem>>, vector<16xf32>,
        tpu.vector_store %arg10[%parallel_loop3A_273, %parallel_loop3A_274], %parallel_loop3A_272 {strides = array<i32>} : memref<80x144xf32, #tpu.memory_space<vmem>>, vector<16xf32>,
        %parallel_loop3A_276 = arith.index_cast %parallel_loop3A_230 : i32 to index
        %parallel_loop3A_277 = arith.constant 32 : index
        %parallel_loop3A_278 = tpu.vector_load %arg10[%parallel_loop3A_276, %parallel_loop3A_277] {strides = array<i32>} : memref<80x144xf32, #tpu.memory_space<vmem>>, vector<16xf32>,
        %parallel_loop3A_279 = arith.mulf %parallel_loop3A_278, %parallel_loop3A_258 : vector<16xf32>
        %parallel_loop3A_280 = arith.index_cast %parallel_loop3A_230 : i32 to index
        %parallel_loop3A_281 = arith.constant 32 : index
        %parallel_loop3A_282 = tpu.vector_load %arg10[%parallel_loop3A_280, %parallel_loop3A_281] {strides = array<i32>} : memref<80x144xf32, #tpu.memory_space<vmem>>, vector<16xf32>,
        tpu.vector_store %arg10[%parallel_loop3A_280, %parallel_loop3A_281], %parallel_loop3A_279 {strides = array<i32>} : memref<80x144xf32, #tpu.memory_space<vmem>>, vector<16xf32>,
        %parallel_loop3A_283 = arith.index_cast %parallel_loop3A_230 : i32 to index
        %parallel_loop3A_284 = arith.constant 48 : index
        %parallel_loop3A_285 = tpu.vector_load %arg10[%parallel_loop3A_283, %parallel_loop3A_284] {strides = array<i32>} : memref<80x144xf32, #tpu.memory_space<vmem>>, vector<16xf32>,
        %parallel_loop3A_286 = arith.mulf %parallel_loop3A_285, %parallel_loop3A_258 : vector<16xf32>
        %parallel_loop3A_287 = arith.index_cast %parallel_loop3A_230 : i32 to index
        %parallel_loop3A_288 = arith.constant 48 : index
        %parallel_loop3A_289 = tpu.vector_load %arg10[%parallel_loop3A_287, %parallel_loop3A_288] {strides = array<i32>} : memref<80x144xf32, #tpu.memory_space<vmem>>, vector<16xf32>,
        tpu.vector_store %arg10[%parallel_loop3A_287, %parallel_loop3A_288], %parallel_loop3A_286 {strides = array<i32>} : memref<80x144xf32, #tpu.memory_space<vmem>>, vector<16xf32>,
        %parallel_loop3A_290 = arith.index_cast %parallel_loop3A_230 : i32 to index
        %parallel_loop3A_291 = arith.constant 64 : index
        %parallel_loop3A_292 = tpu.vector_load %arg10[%parallel_loop3A_290, %parallel_loop3A_291] {strides = array<i32>} : memref<80x144xf32, #tpu.memory_space<vmem>>, vector<16xf32>,
        %parallel_loop3A_293 = arith.mulf %parallel_loop3A_292, %parallel_loop3A_258 : vector<16xf32>
        %parallel_loop3A_294 = arith.index_cast %parallel_loop3A_230 : i32 to index
        %parallel_loop3A_295 = arith.constant 64 : index
        %parallel_loop3A_296 = tpu.vector_load %arg10[%parallel_loop3A_294, %parallel_loop3A_295] {strides = array<i32>} : memref<80x144xf32, #tpu.memory_space<vmem>>, vector<16xf32>,
        tpu.vector_store %arg10[%parallel_loop3A_294, %parallel_loop3A_295], %parallel_loop3A_293 {strides = array<i32>} : memref<80x144xf32, #tpu.memory_space<vmem>>, vector<16xf32>,
        %parallel_loop3A_297 = arith.index_cast %parallel_loop3A_230 : i32 to index
        %parallel_loop3A_298 = arith.constant 80 : index
        %parallel_loop3A_299 = tpu.vector_load %arg10[%parallel_loop3A_297, %parallel_loop3A_298] {strides = array<i32>} : memref<80x144xf32, #tpu.memory_space<vmem>>, vector<16xf32>,
        %parallel_loop3A_300 = arith.mulf %parallel_loop3A_299, %parallel_loop3A_258 : vector<16xf32>
        %parallel_loop3A_301 = arith.index_cast %parallel_loop3A_230 : i32 to index
        %parallel_loop3A_302 = arith.constant 80 : index
        %parallel_loop3A_303 = tpu.vector_load %arg10[%parallel_loop3A_301, %parallel_loop3A_302] {strides = array<i32>} : memref<80x144xf32, #tpu.memory_space<vmem>>, vector<16xf32>,
        tpu.vector_store %arg10[%parallel_loop3A_301, %parallel_loop3A_302], %parallel_loop3A_300 {strides = array<i32>} : memref<80x144xf32, #tpu.memory_space<vmem>>, vector<16xf32>,
        %parallel_loop3A_304 = arith.index_cast %parallel_loop3A_230 : i32 to index
        %parallel_loop3A_305 = arith.constant 96 : index
        %parallel_loop3A_306 = tpu.vector_load %arg10[%parallel_loop3A_304, %parallel_loop3A_305] {strides = array<i32>} : memref<80x144xf32, #tpu.memory_space<vmem>>, vector<16xf32>,
        %parallel_loop3A_307 = arith.mulf %parallel_loop3A_306, %parallel_loop3A_258 : vector<16xf32>
        %parallel_loop3A_308 = arith.index_cast %parallel_loop3A_230 : i32 to index
        %parallel_loop3A_309 = arith.constant 96 : index
        %parallel_loop3A_310 = tpu.vector_load %arg10[%parallel_loop3A_308, %parallel_loop3A_309] {strides = array<i32>} : memref<80x144xf32, #tpu.memory_space<vmem>>, vector<16xf32>,
        tpu.vector_store %arg10[%parallel_loop3A_308, %parallel_loop3A_309], %parallel_loop3A_307 {strides = array<i32>} : memref<80x144xf32, #tpu.memory_space<vmem>>, vector<16xf32>,
        %parallel_loop3A_311 = arith.index_cast %parallel_loop3A_230 : i32 to index
        %parallel_loop3A_312 = arith.constant 112 : index
        %parallel_loop3A_313 = tpu.vector_load %arg10[%parallel_loop3A_311, %parallel_loop3A_312] {strides = array<i32>} : memref<80x144xf32, #tpu.memory_space<vmem>>, vector<16xf32>,
        %parallel_loop3A_314 = arith.mulf %parallel_loop3A_313, %parallel_loop3A_258 : vector<16xf32>
        %parallel_loop3A_315 = arith.index_cast %parallel_loop3A_230 : i32 to index
        %parallel_loop3A_316 = arith.constant 112 : index
        %parallel_loop3A_317 = tpu.vector_load %arg10[%parallel_loop3A_315, %parallel_loop3A_316] {strides = array<i32>} : memref<80x144xf32, #tpu.memory_space<vmem>>, vector<16xf32>,
        tpu.vector_store %arg10[%parallel_loop3A_315, %parallel_loop3A_316], %parallel_loop3A_314 {strides = array<i32>} : memref<80x144xf32, #tpu.memory_space<vmem>>, vector<16xf32>,
      } {sc.loop_unroll_factor = 4 : i64, sc.parallel_access}
      %dma_start3A_178 = arith.constant 1 : i32
      %dma_start3A_179 = arith.constant 0 : i32
      %dma_start3A_180 = tpu.memref_slice %arg16[%dma_start3A_178, %dma_start3A_179] : memref<2x80xi32, #tpu.memory_space<vmem>> -> memref<1x80xi32, #tpu.memory_space<vmem>>
      %dma_start3A_181 = tpu.memref_squeeze %dma_start3A_180 : memref<1x80xi32, #tpu.memory_space<vmem>> -> memref<80xi32, #tpu.memory_space<vmem>>
      %dma_start3A_182 = arith.constant 0 : i32
      %dma_start3A_183 = arith.constant 0 : i32
      %dma_start3A_184 = tpu.memref_slice %arg17[%dma_start3A_182, %dma_start3A_183] : memref<10000x144xf32, #tpu.memory_space<vmem_shared>> -> memref<10000x144xf32, #tpu.memory_space<vmem_shared>>
      tpu.enqueue_indirect_dma source(%arg10 : memref<80x144xf32, #tpu.memory_space<vmem>>) target(%dma_start3A_184 : memref<10000x144xf32, #tpu.memory_space<vmem_shared>>) offsets(%dma_start3A_181 : memref<80xi32, #tpu.memory_space<vmem>>) semaphore(%arg29 : memref<!tpu.dma_semaphore, #tpu.memory_space<semaphore_mem>>) {add = true}
      %dma_wait3A_185 = arith.constant 0 : i32
      %dma_wait3A_186 = arith.constant 0 : i32
      %dma_wait3A_187 = tpu.memref_slice %arg14[%dma_wait3A_185, %dma_wait3A_186] : memref<2x80xi32, #tpu.memory_space<vmem>> -> memref<1x80xi32, #tpu.memory_space<vmem>>
      %dma_wait3A_188 = tpu.memref_squeeze %dma_wait3A_187 : memref<1x80xi32, #tpu.memory_space<vmem>> -> memref<80xi32, #tpu.memory_space<vmem>>
      %dma_wait3A_189 = arith.constant 0 : i32
      %dma_wait3A_190 = arith.constant 0 : i32
      %dma_wait3A_191 = tpu.memref_slice %arg4[%dma_wait3A_189, %dma_wait3A_190] : memref<10000x144xf32, #tpu.memory_space<hbm>> -> memref<10000x144xf32, #tpu.memory_space<hbm>>
      tpu.wait_indirect_dma semaphore(%arg18 : memref<!tpu.dma_semaphore, #tpu.memory_space<semaphore_mem>>) src(%dma_wait3A_191 : memref<10000x144xf32, #tpu.memory_space<hbm>>) dst(%arg8 : memref<80x144xf32, #tpu.memory_space<vmem>>)
      %dma_wait3A_192 = arith.constant 1 : i32
      %dma_wait3A_193 = arith.constant 0 : i32
      %dma_wait3A_194 = tpu.memref_slice %arg14[%dma_wait3A_192, %dma_wait3A_193] : memref<2x80xi32, #tpu.memory_space<vmem>> -> memref<1x80xi32, #tpu.memory_space<vmem>>
      %dma_wait3A_195 = tpu.memref_squeeze %dma_wait3A_194 : memref<1x80xi32, #tpu.memory_space<vmem>> -> memref<80xi32, #tpu.memory_space<vmem>>
      %dma_wait3A_196 = arith.constant 0 : i32
      %dma_wait3A_197 = arith.constant 0 : i32
      %dma_wait3A_198 = tpu.memref_slice %arg5[%dma_wait3A_196, %dma_wait3A_197] : memref<10000x16xf32, #tpu.memory_space<hbm>> -> memref<10000x16xf32, #tpu.memory_space<hbm>>
      tpu.wait_indirect_dma semaphore(%arg21 : memref<!tpu.dma_semaphore, #tpu.memory_space<semaphore_mem>>) src(%dma_wait3A_198 : memref<10000x16xf32, #tpu.memory_space<hbm>>) dst(%arg11 : memref<80x16xf32, #tpu.memory_space<vmem>>)
      %parallel_loop3A_199 = arith.constant 0 : i32
      %parallel_loop3A_200 = arith.constant 80 : i32
      %parallel_loop3A_201 = arith.constant 1 : i32
      scf.for %parallel_loop3A_230 = %parallel_loop3A_199 to %parallel_loop3A_200 step %parallel_loop3A_201  : i32 {
        %parallel_loop3A_231 = arith.index_cast %parallel_loop3A_230 : i32 to index
        %parallel_loop3A_232 = arith.constant 128 : index
        %parallel_loop3A_233 = tpu.vector_load %arg8[%parallel_loop3A_231, %parallel_loop3A_232] {strides = array<i32>} : memref<80x144xf32, #tpu.memory_space<vmem>>, vector<16xf32>,
        %parallel_loop3A_234 = arith.index_cast %parallel_loop3A_230 : i32 to index
        %parallel_loop3A_235 = arith.constant 0 : index
        %parallel_loop3A_236 = tpu.vector_load %arg11[%parallel_loop3A_234, %parallel_loop3A_235] {strides = array<i32>} : memref<80x16xf32, #tpu.memory_space<vmem>>, vector<16xf32>,
        %parallel_loop3A_237 = arith.constant 8 : i32
        %parallel_loop3A_238 = vector.broadcast %parallel_loop3A_237 : i32 to vector<16xi32>
        %parallel_loop3A_239 = arith.addi %parallel_loop3A_238, %and3A_4 : vector<16xi32>
        %parallel_loop3A_240 = vector.shape_cast %parallel_loop3A_239 : vector<16xi32> to vector<16x1xi32>
        %parallel_loop3A_241 = vector.shape_cast %parallel_loop3A_240 : vector<16x1xi32> to vector<16xi32>
        %parallel_loop3A_242 = tpu.dynamic_gather %parallel_loop3A_236[%parallel_loop3A_241] in [0] : vector<16xf32>, vector<16xi32> -> vector<16xf32>
        %parallel_loop3A_243 = arith.constant 12 : i32
        %parallel_loop3A_244 = vector.broadcast %parallel_loop3A_243 : i32 to vector<16xi32>
        %parallel_loop3A_245 = arith.addi %parallel_loop3A_244, %and3A_4 : vector<16xi32>
        %parallel_loop3A_246 = vector.shape_cast %parallel_loop3A_245 : vector<16xi32> to vector<16x1xi32>
        %parallel_loop3A_247 = vector.shape_cast %parallel_loop3A_246 : vector<16x1xi32> to vector<16xi32>
        %parallel_loop3A_248 = tpu.dynamic_gather %parallel_loop3A_236[%parallel_loop3A_247] in [0] : vector<16xf32>, vector<16xi32> -> vector<16xf32>
        %parallel_loop3A_249 = arith.addf %parallel_loop3A_233, %parallel_loop3A_242 : vector<16xf32>
        %parallel_loop3A_250 = arith.constant 0.000000e+00 : f32
        %parallel_loop3A_251 = vector.broadcast %parallel_loop3A_250 : f32 to vector<16xf32>
        %parallel_loop3A_252 = arith.cmpf ogt, %parallel_loop3A_249, %parallel_loop3A_251 : vector<16xf32>
        %parallel_loop3A_253 = arith.constant 2.000000e-01 : f32
        %parallel_loop3A_254 = vector.broadcast %parallel_loop3A_253 : f32 to vector<16xf32>
        %parallel_loop3A_255 = arith.mulf %parallel_loop3A_254, %parallel_loop3A_249 : vector<16xf32>
        %parallel_loop3A_256 = arith.select %parallel_loop3A_252, %parallel_loop3A_249, %parallel_loop3A_255 : vector<16xi1>, vector<16xf32>
        %parallel_loop3A_257 = arith.subf %parallel_loop3A_256, %parallel_loop3A_248 : vector<16xf32>
        %parallel_loop3A_258 = math.exp %parallel_loop3A_257 : vector<16xf32>
        %parallel_loop3A_259 = arith.index_cast %parallel_loop3A_230 : i32 to index
        %parallel_loop3A_260 = arith.constant 128 : index
        %parallel_loop3A_261 = tpu.vector_load %arg8[%parallel_loop3A_259, %parallel_loop3A_260] {strides = array<i32>} : memref<80x144xf32, #tpu.memory_space<vmem>>, vector<16xf32>,
        tpu.vector_store %arg8[%parallel_loop3A_259, %parallel_loop3A_260], %parallel_loop3A_258 {strides = array<i32>} : memref<80x144xf32, #tpu.memory_space<vmem>>, vector<16xf32>,
        %parallel_loop3A_262 = arith.index_cast %parallel_loop3A_230 : i32 to index
        %parallel_loop3A_263 = arith.constant 0 : index
        %parallel_loop3A_264 = tpu.vector_load %arg8[%parallel_loop3A_262, %parallel_loop3A_263] {strides = array<i32>} : memref<80x144xf32, #tpu.memory_space<vmem>>, vector<16xf32>,
        %parallel_loop3A_265 = arith.mulf %parallel_loop3A_264, %parallel_loop3A_258 : vector<16xf32>
        %parallel_loop3A_266 = arith.index_cast %parallel_loop3A_230 : i32 to index
        %parallel_loop3A_267 = arith.constant 0 : index
        %parallel_loop3A_268 = tpu.vector_load %arg8[%parallel_loop3A_266, %parallel_loop3A_267] {strides = array<i32>} : memref<80x144xf32, #tpu.memory_space<vmem>>, vector<16xf32>,
        tpu.vector_store %arg8[%parallel_loop3A_266, %parallel_loop3A_267], %parallel_loop3A_265 {strides = array<i32>} : memref<80x144xf32, #tpu.memory_space<vmem>>, vector<16xf32>,
        %parallel_loop3A_269 = arith.index_cast %parallel_loop3A_230 : i32 to index
        %parallel_loop3A_270 = arith.constant 16 : index
        %parallel_loop3A_271 = tpu.vector_load %arg8[%parallel_loop3A_269, %parallel_loop3A_270] {strides = array<i32>} : memref<80x144xf32, #tpu.memory_space<vmem>>, vector<16xf32>,
        %parallel_loop3A_272 = arith.mulf %parallel_loop3A_271, %parallel_loop3A_258 : vector<16xf32>
        %parallel_loop3A_273 = arith.index_cast %parallel_loop3A_230 : i32 to index
        %parallel_loop3A_274 = arith.constant 16 : index
        %parallel_loop3A_275 = tpu.vector_load %arg8[%parallel_loop3A_273, %parallel_loop3A_274] {strides = array<i32>} : memref<80x144xf32, #tpu.memory_space<vmem>>, vector<16xf32>,
        tpu.vector_store %arg8[%parallel_loop3A_273, %parallel_loop3A_274], %parallel_loop3A_272 {strides = array<i32>} : memref<80x144xf32, #tpu.memory_space<vmem>>, vector<16xf32>,
        %parallel_loop3A_276 = arith.index_cast %parallel_loop3A_230 : i32 to index
        %parallel_loop3A_277 = arith.constant 32 : index
        %parallel_loop3A_278 = tpu.vector_load %arg8[%parallel_loop3A_276, %parallel_loop3A_277] {strides = array<i32>} : memref<80x144xf32, #tpu.memory_space<vmem>>, vector<16xf32>,
        %parallel_loop3A_279 = arith.mulf %parallel_loop3A_278, %parallel_loop3A_258 : vector<16xf32>
        %parallel_loop3A_280 = arith.index_cast %parallel_loop3A_230 : i32 to index
        %parallel_loop3A_281 = arith.constant 32 : index
        %parallel_loop3A_282 = tpu.vector_load %arg8[%parallel_loop3A_280, %parallel_loop3A_281] {strides = array<i32>} : memref<80x144xf32, #tpu.memory_space<vmem>>, vector<16xf32>,
        tpu.vector_store %arg8[%parallel_loop3A_280, %parallel_loop3A_281], %parallel_loop3A_279 {strides = array<i32>} : memref<80x144xf32, #tpu.memory_space<vmem>>, vector<16xf32>,
        %parallel_loop3A_283 = arith.index_cast %parallel_loop3A_230 : i32 to index
        %parallel_loop3A_284 = arith.constant 48 : index
        %parallel_loop3A_285 = tpu.vector_load %arg8[%parallel_loop3A_283, %parallel_loop3A_284] {strides = array<i32>} : memref<80x144xf32, #tpu.memory_space<vmem>>, vector<16xf32>,
        %parallel_loop3A_286 = arith.mulf %parallel_loop3A_285, %parallel_loop3A_258 : vector<16xf32>
        %parallel_loop3A_287 = arith.index_cast %parallel_loop3A_230 : i32 to index
        %parallel_loop3A_288 = arith.constant 48 : index
        %parallel_loop3A_289 = tpu.vector_load %arg8[%parallel_loop3A_287, %parallel_loop3A_288] {strides = array<i32>} : memref<80x144xf32, #tpu.memory_space<vmem>>, vector<16xf32>,
        tpu.vector_store %arg8[%parallel_loop3A_287, %parallel_loop3A_288], %parallel_loop3A_286 {strides = array<i32>} : memref<80x144xf32, #tpu.memory_space<vmem>>, vector<16xf32>,
        %parallel_loop3A_290 = arith.index_cast %parallel_loop3A_230 : i32 to index
        %parallel_loop3A_291 = arith.constant 64 : index
        %parallel_loop3A_292 = tpu.vector_load %arg8[%parallel_loop3A_290, %parallel_loop3A_291] {strides = array<i32>} : memref<80x144xf32, #tpu.memory_space<vmem>>, vector<16xf32>,
        %parallel_loop3A_293 = arith.mulf %parallel_loop3A_292, %parallel_loop3A_258 : vector<16xf32>
        %parallel_loop3A_294 = arith.index_cast %parallel_loop3A_230 : i32 to index
        %parallel_loop3A_295 = arith.constant 64 : index
        %parallel_loop3A_296 = tpu.vector_load %arg8[%parallel_loop3A_294, %parallel_loop3A_295] {strides = array<i32>} : memref<80x144xf32, #tpu.memory_space<vmem>>, vector<16xf32>,
        tpu.vector_store %arg8[%parallel_loop3A_294, %parallel_loop3A_295], %parallel_loop3A_293 {strides = array<i32>} : memref<80x144xf32, #tpu.memory_space<vmem>>, vector<16xf32>,
        %parallel_loop3A_297 = arith.index_cast %parallel_loop3A_230 : i32 to index
        %parallel_loop3A_298 = arith.constant 80 : index
        %parallel_loop3A_299 = tpu.vector_load %arg8[%parallel_loop3A_297, %parallel_loop3A_298] {strides = array<i32>} : memref<80x144xf32, #tpu.memory_space<vmem>>, vector<16xf32>,
        %parallel_loop3A_300 = arith.mulf %parallel_loop3A_299, %parallel_loop3A_258 : vector<16xf32>
        %parallel_loop3A_301 = arith.index_cast %parallel_loop3A_230 : i32 to index
        %parallel_loop3A_302 = arith.constant 80 : index
        %parallel_loop3A_303 = tpu.vector_load %arg8[%parallel_loop3A_301, %parallel_loop3A_302] {strides = array<i32>} : memref<80x144xf32, #tpu.memory_space<vmem>>, vector<16xf32>,
        tpu.vector_store %arg8[%parallel_loop3A_301, %parallel_loop3A_302], %parallel_loop3A_300 {strides = array<i32>} : memref<80x144xf32, #tpu.memory_space<vmem>>, vector<16xf32>,
        %parallel_loop3A_304 = arith.index_cast %parallel_loop3A_230 : i32 to index
        %parallel_loop3A_305 = arith.constant 96 : index
        %parallel_loop3A_306 = tpu.vector_load %arg8[%parallel_loop3A_304, %parallel_loop3A_305] {strides = array<i32>} : memref<80x144xf32, #tpu.memory_space<vmem>>, vector<16xf32>,
        %parallel_loop3A_307 = arith.mulf %parallel_loop3A_306, %parallel_loop3A_258 : vector<16xf32>
        %parallel_loop3A_308 = arith.index_cast %parallel_loop3A_230 : i32 to index
        %parallel_loop3A_309 = arith.constant 96 : index
        %parallel_loop3A_310 = tpu.vector_load %arg8[%parallel_loop3A_308, %parallel_loop3A_309] {strides = array<i32>} : memref<80x144xf32, #tpu.memory_space<vmem>>, vector<16xf32>,
        tpu.vector_store %arg8[%parallel_loop3A_308, %parallel_loop3A_309], %parallel_loop3A_307 {strides = array<i32>} : memref<80x144xf32, #tpu.memory_space<vmem>>, vector<16xf32>,
        %parallel_loop3A_311 = arith.index_cast %parallel_loop3A_230 : i32 to index
        %parallel_loop3A_312 = arith.constant 112 : index
        %parallel_loop3A_313 = tpu.vector_load %arg8[%parallel_loop3A_311, %parallel_loop3A_312] {strides = array<i32>} : memref<80x144xf32, #tpu.memory_space<vmem>>, vector<16xf32>,
        %parallel_loop3A_314 = arith.mulf %parallel_loop3A_313, %parallel_loop3A_258 : vector<16xf32>
        %parallel_loop3A_315 = arith.index_cast %parallel_loop3A_230 : i32 to index
        %parallel_loop3A_316 = arith.constant 112 : index
        %parallel_loop3A_317 = tpu.vector_load %arg8[%parallel_loop3A_315, %parallel_loop3A_316] {strides = array<i32>} : memref<80x144xf32, #tpu.memory_space<vmem>>, vector<16xf32>,
        tpu.vector_store %arg8[%parallel_loop3A_315, %parallel_loop3A_316], %parallel_loop3A_314 {strides = array<i32>} : memref<80x144xf32, #tpu.memory_space<vmem>>, vector<16xf32>,
      } {sc.loop_unroll_factor = 4 : i64, sc.parallel_access}
      %dma_start3A_202 = arith.constant 1 : i32
      %dma_start3A_203 = arith.constant 0 : i32
      %dma_start3A_204 = tpu.memref_slice %arg14[%dma_start3A_202, %dma_start3A_203] : memref<2x80xi32, #tpu.memory_space<vmem>> -> memref<1x80xi32, #tpu.memory_space<vmem>>
      %dma_start3A_205 = tpu.memref_squeeze %dma_start3A_204 : memref<1x80xi32, #tpu.memory_space<vmem>> -> memref<80xi32, #tpu.memory_space<vmem>>
      %dma_start3A_206 = arith.constant 0 : i32
      %dma_start3A_207 = arith.constant 0 : i32
      %dma_start3A_208 = tpu.memref_slice %arg17[%dma_start3A_206, %dma_start3A_207] : memref<10000x144xf32, #tpu.memory_space<vmem_shared>> -> memref<10000x144xf32, #tpu.memory_space<vmem_shared>>
      tpu.enqueue_indirect_dma source(%arg8 : memref<80x144xf32, #tpu.memory_space<vmem>>) target(%dma_start3A_208 : memref<10000x144xf32, #tpu.memory_space<vmem_shared>>) offsets(%dma_start3A_205 : memref<80xi32, #tpu.memory_space<vmem>>) semaphore(%arg27 : memref<!tpu.dma_semaphore, #tpu.memory_space<semaphore_mem>>) {add = true}
      %dma_wait3A_209 = arith.constant 1 : i32
      %dma_wait3A_210 = arith.constant 0 : i32
      %dma_wait3A_211 = tpu.memref_slice %arg15[%dma_wait3A_209, %dma_wait3A_210] : memref<2x80xi32, #tpu.memory_space<vmem>> -> memref<1x80xi32, #tpu.memory_space<vmem>>
      %dma_wait3A_212 = tpu.memref_squeeze %dma_wait3A_211 : memref<1x80xi32, #tpu.memory_space<vmem>> -> memref<80xi32, #tpu.memory_space<vmem>>
      %dma_wait3A_213 = arith.constant 0 : i32
      %dma_wait3A_214 = arith.constant 0 : i32
      %dma_wait3A_215 = tpu.memref_slice %arg17[%dma_wait3A_213, %dma_wait3A_214] : memref<10000x144xf32, #tpu.memory_space<vmem_shared>> -> memref<10000x144xf32, #tpu.memory_space<vmem_shared>>
      tpu.wait_indirect_dma semaphore(%arg28 : memref<!tpu.dma_semaphore, #tpu.memory_space<semaphore_mem>>) src(%arg9 : memref<80x144xf32, #tpu.memory_space<vmem>>) dst(%dma_wait3A_215 : memref<10000x144xf32, #tpu.memory_space<vmem_shared>>)
      %dma_wait3A_216 = arith.constant 1 : i32
      %dma_wait3A_217 = arith.constant 0 : i32
      %dma_wait3A_218 = tpu.memref_slice %arg16[%dma_wait3A_216, %dma_wait3A_217] : memref<2x80xi32, #tpu.memory_space<vmem>> -> memref<1x80xi32, #tpu.memory_space<vmem>>
      %dma_wait3A_219 = tpu.memref_squeeze %dma_wait3A_218 : memref<1x80xi32, #tpu.memory_space<vmem>> -> memref<80xi32, #tpu.memory_space<vmem>>
      %dma_wait3A_220 = arith.constant 0 : i32
      %dma_wait3A_221 = arith.constant 0 : i32
      %dma_wait3A_222 = tpu.memref_slice %arg17[%dma_wait3A_220, %dma_wait3A_221] : memref<10000x144xf32, #tpu.memory_space<vmem_shared>> -> memref<10000x144xf32, #tpu.memory_space<vmem_shared>>
      tpu.wait_indirect_dma semaphore(%arg29 : memref<!tpu.dma_semaphore, #tpu.memory_space<semaphore_mem>>) src(%arg10 : memref<80x144xf32, #tpu.memory_space<vmem>>) dst(%dma_wait3A_222 : memref<10000x144xf32, #tpu.memory_space<vmem_shared>>)
      %dma_wait3A_223 = arith.constant 1 : i32
      %dma_wait3A_224 = arith.constant 0 : i32
      %dma_wait3A_225 = tpu.memref_slice %arg14[%dma_wait3A_223, %dma_wait3A_224] : memref<2x80xi32, #tpu.memory_space<vmem>> -> memref<1x80xi32, #tpu.memory_space<vmem>>
      %dma_wait3A_226 = tpu.memref_squeeze %dma_wait3A_225 : memref<1x80xi32, #tpu.memory_space<vmem>> -> memref<80xi32, #tpu.memory_space<vmem>>
      %dma_wait3A_227 = arith.constant 0 : i32
      %dma_wait3A_228 = arith.constant 0 : i32
      %dma_wait3A_229 = tpu.memref_slice %arg17[%dma_wait3A_227, %dma_wait3A_228] : memref<10000x144xf32, #tpu.memory_space<vmem_shared>> -> memref<10000x144xf32, #tpu.memory_space<vmem_shared>>
      tpu.wait_indirect_dma semaphore(%arg27 : memref<!tpu.dma_semaphore, #tpu.memory_space<semaphore_mem>>) src(%arg8 : memref<80x144xf32, #tpu.memory_space<vmem>>) dst(%dma_wait3A_229 : memref<10000x144xf32, #tpu.memory_space<vmem_shared>>)
    } else {
    }
    %barrier3A_12 = arith.constant 0 : index
    tpu.barrier barrier_id(%barrier3A_12)
    "tpu.region"() ({
      %run_scoped3A = tpu.sem_alloc : memref<!tpu.dma_semaphore, #tpu.memory_space<semaphore_mem>>
      %dma_start3A = arith.constant 0 : i32
      %dma_start3A_13 = tpu.memref_slice %arg7[%arg0, %mul3A_0, %dma_start3A] : memref<2x10000x144xf32, #tpu.memory_space<hbm>> -> memref<1x625x144xf32, #tpu.memory_space<hbm>>
      %dma_start3A_14 = tpu.memref_squeeze %dma_start3A_13 : memref<1x625x144xf32, #tpu.memory_space<hbm>> -> memref<625x144xf32, #tpu.memory_space<hbm>>
      %dma_start3A_15 = arith.constant 0 : i32
      %dma_start3A_16 = tpu.memref_slice %arg17[%mul3A_0, %dma_start3A_15] : memref<10000x144xf32, #tpu.memory_space<vmem_shared>> -> memref<625x144xf32, #tpu.memory_space<vmem_shared>>
      tpu.enqueue_dma source(%dma_start3A_16 : memref<625x144xf32, #tpu.memory_space<vmem_shared>>) target(%dma_start3A_14 : memref<625x144xf32, #tpu.memory_space<hbm>>) target_semaphore(%run_scoped3A : memref<!tpu.dma_semaphore, #tpu.memory_space<semaphore_mem>>)
      %dma_wait3A = arith.constant 0 : i32
      %dma_wait3A_17 = tpu.memref_slice %arg7[%arg0, %mul3A_0, %dma_wait3A] : memref<2x10000x144xf32, #tpu.memory_space<hbm>> -> memref<1x625x144xf32, #tpu.memory_space<hbm>>
      %dma_wait3A_18 = tpu.memref_squeeze %dma_wait3A_17 : memref<1x625x144xf32, #tpu.memory_space<hbm>> -> memref<625x144xf32, #tpu.memory_space<hbm>>
      %dma_wait3A_19 = arith.constant 0 : i32
      %dma_wait3A_20 = tpu.memref_slice %arg17[%mul3A_0, %dma_wait3A_19] : memref<10000x144xf32, #tpu.memory_space<vmem_shared>> -> memref<625x144xf32, #tpu.memory_space<vmem_shared>>
      tpu.wait_dma2 semaphore(%run_scoped3A : memref<!tpu.dma_semaphore, #tpu.memory_space<semaphore_mem>>) src(%dma_wait3A_20 : memref<625x144xf32, #tpu.memory_space<vmem_shared>>) dst(%dma_wait3A_18 : memref<625x144xf32, #tpu.memory_space<hbm>>)
      tpu.yield
    }) : () -> ()
    return
  }
}

module attributes {stable_mosaic.version = 14 : i64} {
  func.func @_pre_body(%arg0: memref<10000x128xf32, #tpu.memory_space<vmem>>, %arg1: memref<10000x32xf32, #tpu.memory_space<vmem>>, %arg2: memref<128x128xf32, #tpu.memory_space<vmem>>, %arg3: memref<32x128xf32, #tpu.memory_space<vmem>>, %arg4: memref<128x16xf32, #tpu.memory_space<vmem>>, %arg5: memref<128x16xf32, #tpu.memory_space<vmem>>, %arg6: memref<128x4xf32, #tpu.memory_space<vmem>>, %arg7: memref<128x4xf32, #tpu.memory_space<vmem>>, %arg8: memref<10000x144xf32, #tpu.memory_space<vmem>>, %arg9: memref<10000x144xf32, #tpu.memory_space<vmem>>, %arg10: memref<10000x16xf32, #tpu.memory_space<vmem>>) attributes {dimension_semantics = [], scalar_prefetch = 0 : i64, scratch_operands = 0 : i64, tpu.core_type = #tpu.core_type<tc>} {
    %get3A = arith.constant 0 : index
    %get3A_0 = arith.constant 0 : index
    %get3A_1 = vector.load %arg0[%get3A, %get3A_0] : memref<10000x128xf32, #tpu.memory_space<vmem>>, vector<10000x128xf32>
    %get3A_2 = arith.constant 0 : index
    %get3A_3 = arith.constant 0 : index
    %get3A_4 = vector.load %arg2[%get3A_2, %get3A_3] : memref<128x128xf32, #tpu.memory_space<vmem>>, vector<128x128xf32>
    %dot_general3A = arith.constant dense<0.000000e+00> : vector<10000x128xf32>
    %dot_general3A_5 = tpu.matmul %get3A_1, %get3A_4, %dot_general3A {dimension_numbers = #tpu.dot_dimension_numbers<[1], [0], [0], [1], [0, 0, 1, 1], [], []>, transpose_lhs_hint = false} : vector<10000x128xf32>, vector<128x128xf32>, vector<10000x128xf32> -> vector<10000x128xf32>
    %get3A_6 = arith.constant 0 : index
    %get3A_7 = arith.constant 0 : index
    %get3A_8 = vector.load %arg1[%get3A_6, %get3A_7] : memref<10000x32xf32, #tpu.memory_space<vmem>>, vector<10000x32xf32>
    %get3A_9 = arith.constant 0 : index
    %get3A_10 = arith.constant 0 : index
    %get3A_11 = vector.load %arg3[%get3A_9, %get3A_10] : memref<32x128xf32, #tpu.memory_space<vmem>>, vector<32x128xf32>
    %dot_general3A_12 = arith.constant dense<0.000000e+00> : vector<10000x128xf32>
    %dot_general3A_13 = tpu.matmul %get3A_8, %get3A_11, %dot_general3A_12 {dimension_numbers = #tpu.dot_dimension_numbers<[1], [0], [0], [1], [0, 0, 1, 1], [], []>, transpose_lhs_hint = false} : vector<10000x32xf32>, vector<32x128xf32>, vector<10000x128xf32> -> vector<10000x128xf32>
    %get3A_14 = arith.constant 0 : index
    %get3A_15 = arith.constant 0 : index
    %get3A_16 = vector.load %arg4[%get3A_14, %get3A_15] : memref<128x16xf32, #tpu.memory_space<vmem>>, vector<128x16xf32>
    %dot_general3A_17 = arith.constant dense<0.000000e+00> : vector<10000x16xf32>
    %dot_general3A_18 = tpu.matmul %dot_general3A_5, %get3A_16, %dot_general3A_17 {dimension_numbers = #tpu.dot_dimension_numbers<[1], [0], [0], [1], [0, 0, 1, 1], [], []>, transpose_lhs_hint = false} : vector<10000x128xf32>, vector<128x16xf32>, vector<10000x16xf32> -> vector<10000x16xf32>
    %get3A_19 = arith.constant 0 : index
    %get3A_20 = arith.constant 0 : index
    %get3A_21 = vector.load %arg5[%get3A_19, %get3A_20] : memref<128x16xf32, #tpu.memory_space<vmem>>, vector<128x16xf32>
    %dot_general3A_22 = arith.constant dense<0.000000e+00> : vector<10000x16xf32>
    %dot_general3A_23 = tpu.matmul %dot_general3A_13, %get3A_21, %dot_general3A_22 {dimension_numbers = #tpu.dot_dimension_numbers<[1], [0], [0], [1], [0, 0, 1, 1], [], []>, transpose_lhs_hint = false} : vector<10000x128xf32>, vector<128x16xf32>, vector<10000x16xf32> -> vector<10000x16xf32>
    %get3A_24 = arith.constant 0 : index
    %get3A_25 = arith.constant 0 : index
    %get3A_26 = vector.load %arg6[%get3A_24, %get3A_25] : memref<128x4xf32, #tpu.memory_space<vmem>>, vector<128x4xf32>
    %dot_general3A_27 = arith.constant dense<0.000000e+00> : vector<10000x4xf32>
    %dot_general3A_28 = tpu.matmul %dot_general3A_5, %get3A_26, %dot_general3A_27 {dimension_numbers = #tpu.dot_dimension_numbers<[1], [0], [0], [1], [0, 0, 1, 1], [], []>, transpose_lhs_hint = false} : vector<10000x128xf32>, vector<128x4xf32>, vector<10000x4xf32> -> vector<10000x4xf32>
    %get3A_29 = arith.constant 0 : index
    %get3A_30 = arith.constant 0 : index
    %get3A_31 = vector.load %arg7[%get3A_29, %get3A_30] : memref<128x4xf32, #tpu.memory_space<vmem>>, vector<128x4xf32>
    %dot_general3A_32 = arith.constant dense<0.000000e+00> : vector<10000x4xf32>
    %dot_general3A_33 = tpu.matmul %dot_general3A_13, %get3A_31, %dot_general3A_32 {dimension_numbers = #tpu.dot_dimension_numbers<[1], [0], [0], [1], [0, 0, 1, 1], [], []>, transpose_lhs_hint = false} : vector<10000x128xf32>, vector<128x4xf32>, vector<10000x4xf32> -> vector<10000x4xf32>
    %slice3A = vector.extract_strided_slice %dot_general3A_18 {offsets = [0, 0], sizes = [10000, 4], strides = [1, 1]} : vector<10000x16xf32> to vector<10000x4xf32>
    %reduce_max3A = arith.constant dense<0xFF800000> : vector<4xf32>
    %reduce_max3A_34 = vector.multi_reduction <maximumf>, %slice3A, %reduce_max3A [0] : vector<10000x4xf32> to vector<4xf32>
    %broadcast_in_dim3A = vector.shape_cast %reduce_max3A_34 : vector<4xf32> to vector<1x4xf32>
    %slice3A_35 = vector.extract_strided_slice %dot_general3A_23 {offsets = [0, 0], sizes = [10000, 4], strides = [1, 1]} : vector<10000x16xf32> to vector<10000x4xf32>
    %reduce_max3A_36 = arith.constant dense<0xFF800000> : vector<4xf32>
    %reduce_max3A_37 = vector.multi_reduction <maximumf>, %slice3A_35, %reduce_max3A_36 [0] : vector<10000x4xf32> to vector<4xf32>
    %broadcast_in_dim3A_38 = vector.shape_cast %reduce_max3A_37 : vector<4xf32> to vector<1x4xf32>
    %add3A = vector.broadcast %broadcast_in_dim3A : vector<1x4xf32> to vector<10000x4xf32>
    %add3A_39 = arith.addf %add3A, %dot_general3A_28 : vector<10000x4xf32>
    %gt3A = arith.constant 0.000000e+00 : f32
    %gt3A_40 = vector.broadcast %gt3A : f32 to vector<10000x4xf32>
    %gt3A_41 = arith.cmpf ogt, %add3A_39, %gt3A_40 : vector<10000x4xf32>
    %mul3A = arith.constant 2.000000e-01 : f32
    %mul3A_42 = vector.broadcast %mul3A : f32 to vector<10000x4xf32>
    %mul3A_43 = arith.mulf %mul3A_42, %add3A_39 : vector<10000x4xf32>
    %select_n3A = arith.select %gt3A_41, %add3A_39, %mul3A_43 : vector<10000x4xi1>, vector<10000x4xf32>
    %add3A_44 = vector.broadcast %broadcast_in_dim3A_38 : vector<1x4xf32> to vector<10000x4xf32>
    %add3A_45 = arith.addf %add3A_44, %dot_general3A_33 : vector<10000x4xf32>
    %gt3A_46 = arith.constant 0.000000e+00 : f32
    %gt3A_47 = vector.broadcast %gt3A_46 : f32 to vector<10000x4xf32>
    %gt3A_48 = arith.cmpf ogt, %add3A_45, %gt3A_47 : vector<10000x4xf32>
    %mul3A_49 = arith.constant 2.000000e-01 : f32
    %mul3A_50 = vector.broadcast %mul3A_49 : f32 to vector<10000x4xf32>
    %mul3A_51 = arith.mulf %mul3A_50, %add3A_45 : vector<10000x4xf32>
    %select_n3A_52 = arith.select %gt3A_48, %add3A_45, %mul3A_51 : vector<10000x4xi1>, vector<10000x4xf32>
    %concatenate3A = tpu.concatenate %dot_general3A_5, %dot_general3A_18 in 1 : vector<10000x128xf32>, vector<10000x16xf32> -> vector<10000x144xf32>
    %swap3A = arith.constant 0 : index
    %swap3A_53 = arith.constant 0 : index
    %swap3A_54 = vector.load %arg8[%swap3A, %swap3A_53] : memref<10000x144xf32, #tpu.memory_space<vmem>>, vector<10000x144xf32>
    tpu.vector_store %arg8[%swap3A, %swap3A_53], %concatenate3A {strides = array<i32>} : memref<10000x144xf32, #tpu.memory_space<vmem>>, vector<10000x144xf32>,
    %concatenate3A_55 = tpu.concatenate %dot_general3A_13, %dot_general3A_23 in 1 : vector<10000x128xf32>, vector<10000x16xf32> -> vector<10000x144xf32>
    %swap3A_56 = arith.constant 0 : index
    %swap3A_57 = arith.constant 0 : index
    %swap3A_58 = vector.load %arg9[%swap3A_56, %swap3A_57] : memref<10000x144xf32, #tpu.memory_space<vmem>>, vector<10000x144xf32>
    tpu.vector_store %arg9[%swap3A_56, %swap3A_57], %concatenate3A_55 {strides = array<i32>} : memref<10000x144xf32, #tpu.memory_space<vmem>>, vector<10000x144xf32>,
    %concatenate3A_59 = tpu.concatenate %dot_general3A_28, %select_n3A, %dot_general3A_33, %select_n3A_52 in 1 : vector<10000x4xf32>, vector<10000x4xf32>, vector<10000x4xf32>, vector<10000x4xf32> -> vector<10000x16xf32>
    %swap3A_60 = arith.constant 0 : index
    %swap3A_61 = arith.constant 0 : index
    %swap3A_62 = vector.load %arg10[%swap3A_60, %swap3A_61] : memref<10000x16xf32, #tpu.memory_space<vmem>>, vector<10000x16xf32>
    tpu.vector_store %arg10[%swap3A_60, %swap3A_61], %concatenate3A_59 {strides = array<i32>} : memref<10000x16xf32, #tpu.memory_space<vmem>>, vector<10000x16xf32>,
    return
  }
}

module attributes {stable_mosaic.version = 14 : i64} {
  func.func @_post_body(%arg0: i32, %arg1: memref<2000x144xf32, #tpu.memory_space<vmem>>, %arg2: memref<2000x144xf32, #tpu.memory_space<vmem>>, %arg3: memref<4x128xf32, #tpu.memory_space<vmem>>, %arg4: memref<1x128xf32, #tpu.memory_space<vmem>>, %arg5: memref<1x128xf32, #tpu.memory_space<vmem>>, %arg6: memref<128x128xf32, #tpu.memory_space<vmem>>, %arg7: memref<128x128xf32, #tpu.memory_space<vmem>>, %arg8: memref<1x128xf32, #tpu.memory_space<vmem>>, %arg9: memref<128x128xf32, #tpu.memory_space<vmem>>, %arg10: memref<1x128xf32, #tpu.memory_space<vmem>>, %arg11: memref<128x17xf32, #tpu.memory_space<vmem>>, %arg12: memref<1x17xf32, #tpu.memory_space<vmem>>, %arg13: memref<2000x17xf32, #tpu.memory_space<vmem>>) attributes {dimension_semantics = [#tpu.dimension_semantics<arbitrary>], iteration_bounds = array<i64: 5>, scalar_prefetch = 0 : i64, scratch_operands = 0 : i64, tpu.core_type = #tpu.core_type<tc>, window_params = [{transform_indices = @transform_0, window_bounds = array<i64: 2000, 144>}, {transform_indices = @transform_1, window_bounds = array<i64: 2000, 144>}, {pipeline_mode = #tpu.pipeline_mode<synchronous>, transform_indices = @transform_2, window_bounds = array<i64: 4, 128>}, {pipeline_mode = #tpu.pipeline_mode<synchronous>, transform_indices = @transform_3, window_bounds = array<i64: 1, 128>}, {pipeline_mode = #tpu.pipeline_mode<synchronous>, transform_indices = @transform_4, window_bounds = array<i64: 1, 128>}, {pipeline_mode = #tpu.pipeline_mode<synchronous>, transform_indices = @transform_5, window_bounds = array<i64: 128, 128>}, {pipeline_mode = #tpu.pipeline_mode<synchronous>, transform_indices = @transform_6, window_bounds = array<i64: 128, 128>}, {pipeline_mode = #tpu.pipeline_mode<synchronous>, transform_indices = @transform_7, window_bounds = array<i64: 1, 128>}, {pipeline_mode = #tpu.pipeline_mode<synchronous>, transform_indices = @transform_8, window_bounds = array<i64: 128, 128>}, {pipeline_mode = #tpu.pipeline_mode<synchronous>, transform_indices = @transform_9, window_bounds = array<i64: 1, 128>}, {pipeline_mode = #tpu.pipeline_mode<synchronous>, transform_indices = @transform_10, window_bounds = array<i64: 128, 17>}, {pipeline_mode = #tpu.pipeline_mode<synchronous>, transform_indices = @transform_11, window_bounds = array<i64: 1, 17>}, {transform_indices = @transform_12, window_bounds = array<i64: 2000, 17>}]} {
    %get3A = arith.constant 0 : index
    %get3A_0 = arith.constant 0 : index
    %get3A_1 = vector.load %arg3[%get3A, %get3A_0] : memref<4x128xf32, #tpu.memory_space<vmem>>, vector<4x128xf32>
    %get3A_2 = arith.constant 0 : index
    %get3A_3 = arith.constant 0 : index
    %get3A_4 = vector.load %arg1[%get3A_2, %get3A_3] : memref<2000x144xf32, #tpu.memory_space<vmem>>, vector<2000x144xf32>
    %slice3A = vector.extract_strided_slice %get3A_4 {offsets = [0, 0], sizes = [2000, 128], strides = [1, 1]} : vector<2000x144xf32> to vector<2000x128xf32>
    %slice3A_5 = vector.extract_strided_slice %get3A_4 {offsets = [0, 128], sizes = [2000, 4], strides = [1, 1]} : vector<2000x144xf32> to vector<2000x4xf32>
    %dot_general3A = arith.constant dense<0.000000e+00> : vector<2000x128xf32>
    %dot_general3A_6 = tpu.matmul %slice3A_5, %get3A_1, %dot_general3A {dimension_numbers = #tpu.dot_dimension_numbers<[1], [0], [0], [1], [0, 0, 1, 1], [], []>, transpose_lhs_hint = false} : vector<2000x4xf32>, vector<4x128xf32>, vector<2000x128xf32> -> vector<2000x128xf32>
    %add3A = arith.constant 1.000000e-16 : f32
    %add3A_7 = vector.broadcast %add3A : f32 to vector<2000x128xf32>
    %add3A_8 = arith.addf %dot_general3A_6, %add3A_7 : vector<2000x128xf32>
    %div3A = arith.divf %slice3A, %add3A_8 : vector<2000x128xf32>
    %get3A_9 = arith.constant 0 : index
    %get3A_10 = arith.constant 0 : index
    %get3A_11 = vector.load %arg4[%get3A_9, %get3A_10] : memref<1x128xf32, #tpu.memory_space<vmem>>, vector<1x128xf32>
    %add3A_12 = vector.broadcast %get3A_11 : vector<1x128xf32> to vector<2000x128xf32>
    %add3A_13 = arith.addf %div3A, %add3A_12 : vector<2000x128xf32>
    %gt3A = arith.constant 0.000000e+00 : f32
    %gt3A_14 = vector.broadcast %gt3A : f32 to vector<2000x128xf32>
    %gt3A_15 = arith.cmpf ogt, %add3A_13, %gt3A_14 : vector<2000x128xf32>
    %min3A = arith.constant 0.000000e+00 : f32
    %min3A_16 = vector.broadcast %min3A : f32 to vector<2000x128xf32>
    %min3A_17 = arith.minimumf %add3A_13, %min3A_16 : vector<2000x128xf32>
    %exp3A = math.exp %min3A_17 : vector<2000x128xf32>
    %sub3A = arith.constant 1.000000e+00 : f32
    %sub3A_18 = vector.broadcast %sub3A : f32 to vector<2000x128xf32>
    %sub3A_19 = arith.subf %exp3A, %sub3A_18 : vector<2000x128xf32>
    %select_n3A = arith.select %gt3A_15, %add3A_13, %sub3A_19 : vector<2000x128xi1>, vector<2000x128xf32>
    %get3A_20 = arith.constant 0 : index
    %get3A_21 = arith.constant 0 : index
    %get3A_22 = vector.load %arg2[%get3A_20, %get3A_21] : memref<2000x144xf32, #tpu.memory_space<vmem>>, vector<2000x144xf32>
    %slice3A_23 = vector.extract_strided_slice %get3A_22 {offsets = [0, 0], sizes = [2000, 128], strides = [1, 1]} : vector<2000x144xf32> to vector<2000x128xf32>
    %slice3A_24 = vector.extract_strided_slice %get3A_22 {offsets = [0, 128], sizes = [2000, 4], strides = [1, 1]} : vector<2000x144xf32> to vector<2000x4xf32>
    %dot_general3A_25 = arith.constant dense<0.000000e+00> : vector<2000x128xf32>
    %dot_general3A_26 = tpu.matmul %slice3A_24, %get3A_1, %dot_general3A_25 {dimension_numbers = #tpu.dot_dimension_numbers<[1], [0], [0], [1], [0, 0, 1, 1], [], []>, transpose_lhs_hint = false} : vector<2000x4xf32>, vector<4x128xf32>, vector<2000x128xf32> -> vector<2000x128xf32>
    %add3A_27 = arith.constant 1.000000e-16 : f32
    %add3A_28 = vector.broadcast %add3A_27 : f32 to vector<2000x128xf32>
    %add3A_29 = arith.addf %dot_general3A_26, %add3A_28 : vector<2000x128xf32>
    %div3A_30 = arith.divf %slice3A_23, %add3A_29 : vector<2000x128xf32>
    %get3A_31 = arith.constant 0 : index
    %get3A_32 = arith.constant 0 : index
    %get3A_33 = vector.load %arg5[%get3A_31, %get3A_32] : memref<1x128xf32, #tpu.memory_space<vmem>>, vector<1x128xf32>
    %add3A_34 = vector.broadcast %get3A_33 : vector<1x128xf32> to vector<2000x128xf32>
    %add3A_35 = arith.addf %div3A_30, %add3A_34 : vector<2000x128xf32>
    %gt3A_36 = arith.constant 0.000000e+00 : f32
    %gt3A_37 = vector.broadcast %gt3A_36 : f32 to vector<2000x128xf32>
    %gt3A_38 = arith.cmpf ogt, %add3A_35, %gt3A_37 : vector<2000x128xf32>
    %min3A_39 = arith.constant 0.000000e+00 : f32
    %min3A_40 = vector.broadcast %min3A_39 : f32 to vector<2000x128xf32>
    %min3A_41 = arith.minimumf %add3A_35, %min3A_40 : vector<2000x128xf32>
    %exp3A_42 = math.exp %min3A_41 : vector<2000x128xf32>
    %sub3A_43 = arith.constant 1.000000e+00 : f32
    %sub3A_44 = vector.broadcast %sub3A_43 : f32 to vector<2000x128xf32>
    %sub3A_45 = arith.subf %exp3A_42, %sub3A_44 : vector<2000x128xf32>
    %select_n3A_46 = arith.select %gt3A_38, %add3A_35, %sub3A_45 : vector<2000x128xi1>, vector<2000x128xf32>
    %get3A_47 = arith.constant 0 : index
    %get3A_48 = arith.constant 0 : index
    %get3A_49 = vector.load %arg6[%get3A_47, %get3A_48] : memref<128x128xf32, #tpu.memory_space<vmem>>, vector<128x128xf32>
    %dot_general3A_50 = arith.constant dense<0.000000e+00> : vector<2000x128xf32>
    %dot_general3A_51 = tpu.matmul %select_n3A, %get3A_49, %dot_general3A_50 {dimension_numbers = #tpu.dot_dimension_numbers<[1], [0], [0], [1], [0, 0, 1, 1], [], []>, transpose_lhs_hint = false} : vector<2000x128xf32>, vector<128x128xf32>, vector<2000x128xf32> -> vector<2000x128xf32>
    %get3A_52 = arith.constant 0 : index
    %get3A_53 = arith.constant 0 : index
    %get3A_54 = vector.load %arg7[%get3A_52, %get3A_53] : memref<128x128xf32, #tpu.memory_space<vmem>>, vector<128x128xf32>
    %dot_general3A_55 = arith.constant dense<0.000000e+00> : vector<2000x128xf32>
    %dot_general3A_56 = tpu.matmul %select_n3A_46, %get3A_54, %dot_general3A_55 {dimension_numbers = #tpu.dot_dimension_numbers<[1], [0], [0], [1], [0, 0, 1, 1], [], []>, transpose_lhs_hint = false} : vector<2000x128xf32>, vector<128x128xf32>, vector<2000x128xf32> -> vector<2000x128xf32>
    %add3A_57 = arith.addf %dot_general3A_51, %dot_general3A_56 : vector<2000x128xf32>
    %get3A_58 = arith.constant 0 : index
    %get3A_59 = arith.constant 0 : index
    %get3A_60 = vector.load %arg8[%get3A_58, %get3A_59] : memref<1x128xf32, #tpu.memory_space<vmem>>, vector<1x128xf32>
    %add3A_61 = vector.broadcast %get3A_60 : vector<1x128xf32> to vector<2000x128xf32>
    %add3A_62 = arith.addf %add3A_57, %add3A_61 : vector<2000x128xf32>
    %neg3A = arith.constant 0.000000e+00 : f32
    %neg3A_63 = vector.broadcast %neg3A : f32 to vector<2000x128xf32>
    %neg3A_64 = arith.subf %neg3A_63, %add3A_62 : vector<2000x128xf32>
    %exp3A_65 = math.exp %neg3A_64 : vector<2000x128xf32>
    %add3A_66 = arith.constant 1.000000e+00 : f32
    %add3A_67 = vector.broadcast %add3A_66 : f32 to vector<2000x128xf32>
    %add3A_68 = arith.addf %add3A_67, %exp3A_65 : vector<2000x128xf32>
    %div3A_69 = arith.constant 1.000000e+00 : f32
    %div3A_70 = vector.broadcast %div3A_69 : f32 to vector<2000x128xf32>
    %div3A_71 = arith.divf %div3A_70, %add3A_68 : vector<2000x128xf32>
    %mul3A = arith.mulf %div3A_71, %select_n3A : vector<2000x128xf32>
    %sub3A_72 = arith.constant 1.000000e+00 : f32
    %sub3A_73 = vector.broadcast %sub3A_72 : f32 to vector<2000x128xf32>
    %sub3A_74 = arith.subf %sub3A_73, %div3A_71 : vector<2000x128xf32>
    %mul3A_75 = arith.mulf %sub3A_74, %select_n3A_46 : vector<2000x128xf32>
    %add3A_76 = arith.addf %mul3A, %mul3A_75 : vector<2000x128xf32>
    %get3A_77 = arith.constant 0 : index
    %get3A_78 = arith.constant 0 : index
    %get3A_79 = vector.load %arg9[%get3A_77, %get3A_78] : memref<128x128xf32, #tpu.memory_space<vmem>>, vector<128x128xf32>
    %dot_general3A_80 = arith.constant dense<0.000000e+00> : vector<2000x128xf32>
    %dot_general3A_81 = tpu.matmul %add3A_76, %get3A_79, %dot_general3A_80 {dimension_numbers = #tpu.dot_dimension_numbers<[1], [0], [0], [1], [0, 0, 1, 1], [], []>, transpose_lhs_hint = false} : vector<2000x128xf32>, vector<128x128xf32>, vector<2000x128xf32> -> vector<2000x128xf32>
    %get3A_82 = arith.constant 0 : index
    %get3A_83 = arith.constant 0 : index
    %get3A_84 = vector.load %arg10[%get3A_82, %get3A_83] : memref<1x128xf32, #tpu.memory_space<vmem>>, vector<1x128xf32>
    %add3A_85 = vector.broadcast %get3A_84 : vector<1x128xf32> to vector<2000x128xf32>
    %add3A_86 = arith.addf %dot_general3A_81, %add3A_85 : vector<2000x128xf32>
    %max3A = arith.constant 0.000000e+00 : f32
    %max3A_87 = vector.broadcast %max3A : f32 to vector<2000x128xf32>
    %max3A_88 = arith.maximumf %add3A_86, %max3A_87 : vector<2000x128xf32>
    %get3A_89 = arith.constant 0 : index
    %get3A_90 = arith.constant 0 : index
    %get3A_91 = vector.load %arg11[%get3A_89, %get3A_90] : memref<128x17xf32, #tpu.memory_space<vmem>>, vector<128x17xf32>
    %dot_general3A_92 = arith.constant dense<0.000000e+00> : vector<2000x17xf32>
    %dot_general3A_93 = tpu.matmul %max3A_88, %get3A_91, %dot_general3A_92 {dimension_numbers = #tpu.dot_dimension_numbers<[1], [0], [0], [1], [0, 0, 1, 1], [], []>, transpose_lhs_hint = false} : vector<2000x128xf32>, vector<128x17xf32>, vector<2000x17xf32> -> vector<2000x17xf32>
    %get3A_94 = arith.constant 0 : index
    %get3A_95 = arith.constant 0 : index
    %get3A_96 = vector.load %arg12[%get3A_94, %get3A_95] : memref<1x17xf32, #tpu.memory_space<vmem>>, vector<1x17xf32>
    %add3A_97 = vector.broadcast %get3A_96 : vector<1x17xf32> to vector<2000x17xf32>
    %add3A_98 = arith.addf %dot_general3A_93, %add3A_97 : vector<2000x17xf32>
    %swap3A = arith.constant 0 : index
    %swap3A_99 = arith.constant 0 : index
    %swap3A_100 = vector.load %arg13[%swap3A, %swap3A_99] : memref<2000x17xf32, #tpu.memory_space<vmem>>, vector<2000x17xf32>
    tpu.vector_store %arg13[%swap3A, %swap3A_99], %add3A_98 {strides = array<i32>} : memref<2000x17xf32, #tpu.memory_space<vmem>>, vector<2000x17xf32>,
    return
  }
  func.func @transform_0(%arg0: i32) -> (i32, i32) {
    %c0_i32 = arith.constant 0 : i32
    %c0_i32_0 = arith.constant 0 : i32
    return %arg0, %c0_i32 : i32, i32
  }
  func.func @transform_1(%arg0: i32) -> (i32, i32) {
    %c0_i32 = arith.constant 0 : i32
    %c0_i32_0 = arith.constant 0 : i32
    return %arg0, %c0_i32 : i32, i32
  }
  func.func @transform_2(%arg0: i32) -> (i32, i32) {
    %c0_i32 = arith.constant 0 : i32
    %c0_i32_0 = arith.constant 0 : i32
    %c0_i32_1 = arith.constant 0 : i32
    return %c0_i32, %c0_i32_0 : i32, i32
  }
  func.func @transform_3(%arg0: i32) -> (i32, i32) {
    %c0_i32 = arith.constant 0 : i32
    %c0_i32_0 = arith.constant 0 : i32
    %c0_i32_1 = arith.constant 0 : i32
    return %c0_i32, %c0_i32_0 : i32, i32
  }
  func.func @transform_4(%arg0: i32) -> (i32, i32) {
    %c0_i32 = arith.constant 0 : i32
    %c0_i32_0 = arith.constant 0 : i32
    %c0_i32_1 = arith.constant 0 : i32
    return %c0_i32, %c0_i32_0 : i32, i32
  }
  func.func @transform_5(%arg0: i32) -> (i32, i32) {
    %c0_i32 = arith.constant 0 : i32
    %c0_i32_0 = arith.constant 0 : i32
    %c0_i32_1 = arith.constant 0 : i32
    return %c0_i32, %c0_i32_0 : i32, i32
  }
  func.func @transform_6(%arg0: i32) -> (i32, i32) {
    %c0_i32 = arith.constant 0 : i32
    %c0_i32_0 = arith.constant 0 : i32
    %c0_i32_1 = arith.constant 0 : i32
    return %c0_i32, %c0_i32_0 : i32, i32
  }
  func.func @transform_7(%arg0: i32) -> (i32, i32) {
    %c0_i32 = arith.constant 0 : i32
    %c0_i32_0 = arith.constant 0 : i32
    %c0_i32_1 = arith.constant 0 : i32
    return %c0_i32, %c0_i32_0 : i32, i32
  }
  func.func @transform_8(%arg0: i32) -> (i32, i32) {
    %c0_i32 = arith.constant 0 : i32
    %c0_i32_0 = arith.constant 0 : i32
    %c0_i32_1 = arith.constant 0 : i32
    return %c0_i32, %c0_i32_0 : i32, i32
  }
  func.func @transform_9(%arg0: i32) -> (i32, i32) {
    %c0_i32 = arith.constant 0 : i32
    %c0_i32_0 = arith.constant 0 : i32
    %c0_i32_1 = arith.constant 0 : i32
    return %c0_i32, %c0_i32_0 : i32, i32
  }
  func.func @transform_10(%arg0: i32) -> (i32, i32) {
    %c0_i32 = arith.constant 0 : i32
    %c0_i32_0 = arith.constant 0 : i32
    %c0_i32_1 = arith.constant 0 : i32
    return %c0_i32, %c0_i32_0 : i32, i32
  }
  func.func @transform_11(%arg0: i32) -> (i32, i32) {
    %c0_i32 = arith.constant 0 : i32
    %c0_i32_0 = arith.constant 0 : i32
    %c0_i32_1 = arith.constant 0 : i32
    return %c0_i32, %c0_i32_0 : i32, i32
  }
  func.func @transform_12(%arg0: i32) -> (i32, i32) {
    %c0_i32 = arith.constant 0 : i32
    %c0_i32_0 = arith.constant 0 : i32
    return %arg0, %c0_i32 : i32, i32
  }
}

</mosaic_0001>

<sc_bundles>
// kernel: kernel.5.cloned.1.call-start
scs
__scs_entry_jumppad:
0x0: {  	(pc) =	sbr.rel $0x88, $3  }
0x1: {  	(tag) =	ssettag $0x0;
	lr =	simm.s32 $0x1  }
0x2: {  	[smem:$0x3F90] =	sst lr;
	_ =	strace $0xD0000000  }
0x3: {  	_ = 	snop  }
0x4: {  	_ = 	snop  }
0x5: {  	_ = 	snop  }
0x6: {  	_ = 	snop  }
0x7: {  	_ = 	snop  }
__scs_overlays_trampoline_lowered:
0x8: {  	[smem:$0x3F9F] =	sst s0  }
0x9: {  	[smem:$0x3FA0] =	sst s1  }
0xa: {  	[smem:$0x3FA1] =	sst s2  }
0xb: {  	[smem:$0x3FA2] =	sst s3  }
0xc: {  	[smem:$0x3FA3] =	sst s4  }
0xd: {  	[smem:$0x3FA4] =	sst s5  }
0xe: {  	[smem:$0x3FA5] =	sst s6  }
0xf: {  	[smem:$0x3FA6] =	sst s7  }
0x10: {  	[smem:$0x3FA7] =	sst s8  }
0x11: {  	[smem:$0x3FA8] =	sst s9;
	s0 =	simm.s32 @!p0 $0x0  }
0x12: {  	s1 =	sld [smem:$0x3F8E];
	s0 =	simm.s32 @p0 $0x1  }
0x13: {  	[smem:$0x3FA9] =	sst s0;
	s0 =	simm.s32 @!p1 $0x0  }
0x14: {  	s2 =	sld [smem:$0x3F8D];
	s0 =	simm.s32 @p1 $0x1  }
0x15: {  	[smem:$0x3FAA] =	sst s0;
	s0 =	simm.s32 @!p2 $0x0  }
0x16: {  	s3 =	sld [smem:$0x3FDB];
	s0 =	simm.s32 @p2 $0x1  }
0x17: {  	s4 =	simm.s32 $0x1BF5;
	[smem:$0x3FAC] =	sst s0  }
0x18: {  	s0 =	sld [smem:$0x3F8F];
	_ =	swait.ge [sflag:s4], $0x0  }
0x19: {  	s7 =	sld [smem:$0x3F90]  }
0x1a: {  	s8 =	sadd.s32 $0xFFFFE003, lr  }
0x1b: {  	s9 =	sadd.s32 $0xFFFFFEF7, lr;
	s5 =	simm.s32 $0xFFFFFFFF;
	p2 =	slt.u32 s8, $0xFFFFF086  }
0x1c: {  	p1 =	slt.u32 s9, $0xF7A;
	s5 =	simm.s32 @!p2 $0x0  }
0x1d: {  	s5 =	simm.s32 @p1 $0x1;
	p0 =	seq.s32 s7, s2  }
0x1e: {  	s7 =	smul.u32 @!p0 $0xF7A, s2;
	p2 =	seq.s32 @!p0 s5, $0x0  }
0x1f: {  	s9 =	smul.u32 $0xF7A, s1;
	s8 =	simm.s32 @!p0 $0x1BF5;
	p2 =	por !p2, p0  }
0x20: {  	[sflag:s8] =	ssyncset.s32 @!p0 $0xFFFFF086;
	s6 =	sadd.s32 @!p0 s3, s7;
	s7 =	simm.s32 @!p0 $0x108  }
0x21: {  	s3 =	sadd.s32 s3, s9;
	s6 =	sadd.s32 @!p0 $0x88, s6;
	s7 =	simm.s32 @p2 $0x1082  }
0x22: {  	[simem:s7], [sflag:s8] =	dma.local @!p0 [hbm:s6], $0xF7A  }
0x23: {  	s9 =	sor.u32 $0xD0000000, s2;
	s6 =	simm.s32 $0x108;
	_ =	swait.ge @!p0 [sflag:s8], $0x0  }
0x24: {  	s3 =	sadd.s32 $0x88, s3;
	s6 =	simm.s32 @!p1 $0x1082;
	[sflag:s4] =	ssyncset.s32 $0xFFFFF086  }
0x25: {  	[simem:s6], [sflag:s4] =	dma.local [hbm:s3], $0xF7A  }
0x26: {  	[smem:$0x3F90] =	sst s1;
	(tag) =	ssettag s2;
	_ =	strace s9  }
0x27: {  	s1 =	sld [smem:$0x3FA0]  }
0x28: {  	s2 =	sld [smem:$0x3FA1]  }
0x29: {  	s4 =	sld [smem:$0x3FA3]  }
0x2a: {  	p0 =	seq.s32 s5, $0x0;
	s5 =	sld [smem:$0x3FA4]  }
0x2b: {  	s6 =	sld [smem:$0x3FA5]  }
0x2c: {  	s7 =	sld [smem:$0x3FA6]  }
0x2d: {  	s3 =	simm.s32 $0x108;
	s8 =	sld [smem:$0x3FA7]  }
0x2e: {  	s3 =	simm.s32 @!p0 $0x1082;
	s9 =	sld [smem:$0x3FA8]  }
0x2f: {  	lr =	sadd.s32 s0, s3;
	s0 =	sld [smem:$0x3F9F]  }
0x30: {  	s3 =	sld [smem:$0x3FA2]  }
0x31: {  	[smem:$0x3FAB] =	sst s10  }
0x32: {  	s10 =	sld [smem:$0x3FA9];
	_ =	sdelay $0x3  }
0x33: {  	p0 =	seq.s32 s10, $0x1;
	s10 =	sld [smem:$0x3FAB];
	_ =	sdelay $0x3  }
0x34: {  	[smem:$0x3FAB] =	sst s10  }
0x35: {  	s10 =	sld [smem:$0x3FAA];
	_ =	sdelay $0x3  }
0x36: {  	p1 =	seq.s32 s10, $0x1;
	s10 =	sld [smem:$0x3FAB];
	_ =	sdelay $0x3  }
0x37: {  	[smem:$0x3FAB] =	sst s10  }
0x38: {  	s10 =	sld [smem:$0x3FAC]  }
0x39: {  	_ = 	snop;
	(pc) =	sbr.ind lr, $3  }
0x3a: {  	_ = 	snop  }
0x3b: {  	_ = 	snop  }
0x3c: {  	p2 =	seq.s32 s10, $0x1;
	s10 =	sld [smem:$0x3FAB]  }
0x3d: {  	_ =	shalt  }
0x3e: {  	_ =	shalt  }
0x3f: {  	_ =	shalt  }
0x40: {  	_ =	shalt  }
0x41: {  	_ =	shalt  }
0x42: {  	_ =	shalt  }
0x43: {  	_ =	shalt  }
0x44: {  	_ =	shalt  }
0x45: {  	_ =	shalt  }
0x46: {  	_ =	shalt  }
0x47: {  	_ =	shalt  }
0x48: {  	_ =	shalt  }
0x49: {  	_ =	shalt  }
0x4a: {  	_ =	shalt  }
0x4b: {  	_ =	shalt  }
0x4c: {  	_ =	shalt  }
0x4d: {  	_ =	shalt  }
0x4e: {  	_ =	shalt  }
0x4f: {  	_ =	shalt  }
0x50: {  	_ =	shalt  }
0x51: {  	_ =	shalt  }
0x52: {  	_ =	shalt  }
0x53: {  	_ =	shalt  }
0x54: {  	_ =	shalt  }
0x55: {  	_ =	shalt  }
0x56: {  	_ =	shalt  }
0x57: {  	_ =	shalt  }
0x58: {  	_ =	shalt  }
0x59: {  	_ =	shalt  }
0x5a: {  	_ =	shalt  }
0x5b: {  	_ =	shalt  }
0x5c: {  	_ =	shalt  }
0x5d: {  	_ =	shalt  }
0x5e: {  	_ =	shalt  }
0x5f: {  	_ =	shalt  }
0x60: {  	_ =	shalt  }
0x61: {  	_ =	shalt  }
0x62: {  	_ =	shalt  }
0x63: {  	_ =	shalt  }
0x64: {  	_ =	shalt  }
0x65: {  	_ =	shalt  }
0x66: {  	_ =	shalt  }
0x67: {  	_ =	shalt  }
0x68: {  	_ =	shalt  }
0x69: {  	_ =	shalt  }
0x6a: {  	_ =	shalt  }
0x6b: {  	_ =	shalt  }
0x6c: {  	_ =	shalt  }
0x6d: {  	_ =	shalt  }
0x6e: {  	_ =	shalt  }
0x6f: {  	_ =	shalt  }
0x70: {  	_ =	shalt  }
0x71: {  	_ =	shalt  }
0x72: {  	_ =	shalt  }
0x73: {  	_ =	shalt  }
0x74: {  	_ =	shalt  }
0x75: {  	_ =	shalt  }
0x76: {  	_ =	shalt  }
0x77: {  	_ =	shalt  }
0x78: {  	_ =	shalt  }
0x79: {  	_ =	shalt  }
0x7a: {  	_ =	shalt  }
0x7b: {  	_ =	shalt  }
0x7c: {  	_ =	shalt  }
0x7d: {  	_ =	shalt  }
0x7e: {  	_ =	shalt  }
0x7f: {  	_ =	shalt  }
0x80: {  	_ =	shalt  }
0x81: {  	_ =	shalt  }
0x82: {  	_ =	shalt  }
0x83: {  	_ =	shalt  }
0x84: {  	_ =	shalt  }
0x85: {  	_ =	shalt  }
0x86: {  	_ =	shalt  }
0x87: {  	_ =	shalt  }
.Lfunc_end0:
.L_simem_size_0:
called_computation_lowered:
.L_overlay_start_0:
0x88: {  	s2 =	sld [smem:$0x3FD9]  }
0x89: {  	s3 =	sld [smem:$0x3FFE];
	_ =	sdelay $0x1  }
0x8a: {  	s1 =	srdreg.scid  }
0x8b: {  	s0 =	sand.u32 $0x1, s1  }
0x8c: {  	s17 =	sshll.u32 s0, $0xA;
	s2 =	sadd.s32 s3, s2  }
0x8d: {  	s2 =	sadd.s32 s2, s17  }
0x8e: {  	[smem:$0x3FB7] =	sst s2  }
0x8f: {  	_ = 	snop  }
0x90: {  	s2 =	sld [smem:$0x3FD0];
	(tm) =	ssettm $0x1  }
0x91: {  	s18 =	sld [smem:$0x3FFB];
	_ =	sdelay $0x3  }
0x92: {  	_ =	strace s18  }
0x93: {  	s3 =	sld [smem:$0x3FFC];
	_ =	sdelay $0x3  }
0x94: {  	_ =	strace s3  }
0x95: {  	s3 =	sld [smem:$0x3FFD];
	_ =	sdelay $0x3  }
0x96: {  	_ =	strace s3  }
0x97: {  	_ =	strace $0x8FFFFFFF  }
0x98: {  	s19 =	sld [smem:$0x3FDB];
	_ =	sdelay $0x1  }
0x99: {  	s4 =	simm.s32 $_scs_section_size  }
0x9a: {  	s5 =	simm.s32 $_size__tile_overlayer_lowered;
	s6 =	simm.s32 $_tile_overlayer_lowered  }
0x9b: {  	s22 =	simm.s32 $0x1BFF;
	s21 =	sshll.u32 s6, $0x1;
	s3 =	sadd.s32 s4, s19  }
0x9c: {  	s7 =	simm.s32 $0x0;
	s20 =	sshll.u32 s5, $0x1;
	s5 =	sadd.s32 s21, s3  }
0x9d: {  	[timem:s7], [sflag:s22] =	dma.local [hbm:s5], s20  }
0x9e: {  	_ =	swait.ge [sflag:s22], s20  }
0x9f: {  	s4 =	ssub.s32 $0x0, s20;
	[sflag:s22] =	ssyncset.done $0x0  }
0xa0: {  	[sflag:s22] =	ssyncadd.s32 s4;
	_ =	sdelay $0x1  }
0xa1: {  	s23 =	simm.s32 $0x1B8B  }
0xa2: {  	_ =	swait.ge [sflag:s23], $0x1  }
0xa3: {  	[sflag:s23] =	ssyncset.done $0x0  }
0xa4: {  	s25 =	simm.s32 $0x1B8E;
	s24 =	sld [smem:$0x3FFE];
	[sflag:s23] =	ssyncadd.s32 $0xFFFFFFFF  }
0xa5: {  	s26 =	simm.s32 $execute0_lowered;
	[smem:$0x3FD2] =	sst s25  }
0xa6: {  	s5 =	sshll.u32 s26, $0x1;
	_ =	strace $0x80000046;
	[dreg:$0x1] =	wrdreg $0xFFFFFFFF  }
0xa7: {  	s28 =	simm.s32 $_size_execute0_lowered;
	s3 =	sadd.s32 s3, s5;
	[dreg:$0x0] =	wrdreg $0x0  }
0xa8: {  	s5 =	sshll.u32 s28, $0x1;
	[dreg:$0x2] =	wrdreg s3  }
0xa9: {  	[dreg:$0x3] =	wrdreg s5  }
0xaa: {  	[dreg:$0x4] =	wrdreg $0xC0  }
0xab: {  	_ =	task [dreg:s7], $0x5FFFF  }
0xac: {  	[dreg:$0x1] =	wrdreg $0xFFFFFFFF  }
0xad: {  	[dreg:$0x0] =	wrdreg $0x60  }
0xae: {  	[dreg:$0x2] =	wrdreg s24  }
0xaf: {  	[dreg:$0x3] =	wrdreg s2  }
0xb0: {  	[dreg:$0x4] =	wrdreg $0x97E00  }
0xb1: {  	[dreg:$0x5] =	wrdreg $0x9  }
0xb2: {  	_ =	task.clear_ibuf [dreg:s7], $0x6FFFF;
	_ =	strace $0x90000046  }
0xb3: {  	s29 =	simm.s32 $0x9;
	_ =	strace $0x80000048  }
0xb4: {  	_ =	swait.ge [sflag:s29], $0x1  }
0xb5: {  	[sflag:s29] =	ssyncadd.s32 $0xFFFFFFFF  }
0xb6: {  	_ =	strace $0x90000048  }
0xb7: {  	_ =	sfence  }
0xb8: {  	s30 =	sld [smem:$0x0];
	_ =	sdelay $0x2  }
0xb9: {  	s31 =	sshll.u32 s1, $0xD;
	s1 =	sshrl.u32 s1, $0x2  }
0xba: {  	s3 =	sand.u32 $0x4000, s31;
	s1 =	sadd.s32 s1, s30  }
0xbb: {  	s0 =	sor.u32 s3, s0;
	s1 =	sshll.u32 s1, $0x11  }
0xbc: {  	s0 =	sor.u32 s1, s0  }
0xbd: {  	s0 =	sadd.s32 $0x8F2B, s0  }
0xbe: {  	[sflag:s0] =	ssyncadd.remote.s32 $0x1  }
0xbf: {  	_ =	sfence.sel $0xFFFF  }
0xc0: {  	[dreg:$0x0] =	wrdreg $0xFFFFFFFF;
	(pc) =	sbr.abs _section_cstart, $3  }
0xc1: {  	[dreg:$0x1] =	wrdreg $0xFFFFFFFF  }
0xc2: {  	_ =	task.clear_ibuf [dreg:s7], $0x2FFFF;
	_ =	strace $0x9FFFFFFF  }
0xc3: {  	(tm) =	ssettm $0x7FFFFFFF  }
tec
execute0_lowered:
.L_overlay_start_1:
0x0: {  	(tag) =	ssettag $0x1  }
0x1: {  	s0 =	rddreg [dreg:$0x0]  }
0x2: {  	s1 =	rddreg [dreg:$0x1]  }
0x3: {  	s3 =	rddreg [dreg:$0x2];
	s4 =	simm.s32 $0x0  }
0x4: {  	s14 =	stileid.u32;
	s2 =	srdreg.scid;
	s16 =	simm.s32 $0xD  }
0x5: {  	s28 =	simm.s32 $0x1;
	s29 =	simm.s32 $0x4;
	s30 =	simm.s32 $0x8  }
0x6: {  	s17 =	simm.s32 $0x5A00;
	[smem:$0x7FF] =	sst s4;
	s8 =	smul.u32 $0x15F90, s14  }
0x7: {  	s2 =	sand.u32 $0x1, s2;
	s5 =	sadd.s32 $0x2EC00, s0;
	s6 =	sadd.s32 $0x2C00, s0  }
0x8: {  	s7 =	sadd.s32 $0x9F000, s0;
	s13 =	smul.u32 $0x4E20, s14;
	s19 =	sshll.u32 s14, $0x6  }
0x9: {  	_ =	strace $0x80000047;
	s9 =	smul.u32 $0x15F900, s2;
	s11 =	ssub.s32 $0x2, s2  }
0xa: {  	s14 =	sor.u32 $0x1C0D, s19;
	p0 =	seq.s32 s2, $0x1;
	s19 =	simm.s32 $0x3  }
0xb: {  	s10 =	sshrl.u32 s8, $0x3;
	s12 =	sshrl.u32 s11, $0x1;
	s20 =	sshrl.u32 s13, $0x3  }
0xc: {  	s24 =	sadd.s32 $0x140, s13;
	s25 =	sadd.s32 $0x190, s13;
	s26 =	sadd.s32 $0x1E0, s13  }
0xd: {  	s13 =	simm.s32 $0x9;
	[dreg:$0x5] =	wrdreg s14;
	s10 =	sadd.s32 s10, s0  }
0xe: {  	s9 =	sadd.s32 s8, s9;
	s18 =	ssub.s32 s11, s12;
	[dreg:$0xa] =	wrdreg s24  }
0xf: {  	s8 =	sadd.s32 s8, s3;
	s21 =	sadd.s32 s5, s20;
	[dreg:$0xb] =	wrdreg s25  }
0x10: {  	[dreg:$0xc] =	wrdreg s26;
	s24 =	simm.s32 $0x9650;
	s11 =	simm.s32 $0x2  }
0x11: {  	s12 =	simm.s32 $0x5;
	s20 =	simm.s32 $0x6;
	s25 =	simm.s32 $0xC  }
0x12: {  	s26 =	simm.s32 $0x0;
	s9 =	sshrl.u32 s9, $0x3;
	s10 =	sadd.s32 $0x42600, s10  }
0x13: {  	s22 =	sadd.s32 $0xA, s21;
	s23 =	sadd.s32 $0x14, s21;
	[dreg:$0x6] =	wrdreg s21  }
0x14: {  	s2 =	sadd.s32 $0x1E, s21;
	s31 =	smax.u32 s18, $0x1;
	[dreg:$0x4] =	wrdreg s10  }
0x15: {  	s15 =	sshrl.u32 s8, $0x3;
	s21 =	simm.s32 $0x50;
	[dreg:$0x7] =	wrdreg s22  }
.Ltmp0:
0x16: {  	s8 =	simm.s32 $0x9740;
	[dreg:$0x8] =	wrdreg s23;
	(pc) =	sbr.rel .LBB2_1-.Ltmp0, $4  }
0x17: {  	s18 =	simm.s32 $0x9790;
	s0 =	sadd.s32 s9, s0;
	[dreg:$0x9] =	wrdreg s2  }
0x18: {  	v2 =	vlaneseq.u32;
	[dreg:$0xe] =	wrdreg s31;
	s22 =	simm.s32 $0x4E200;
	s23 =	simm.s32 $0x9600  }
0x19: {  	v0 =	vand.u32 $0x3, v2;
	s9 =	simm.s32 $0xA;
	[dreg:$0xf] =	wrdreg s15;
	s0 =	sadd.s32 $0xCB000, s0  }
0x1a: {  	v2 =	vor.u32 $0xC, v2;
	v1 =	vor.u32 $0x8, v0;
	s2 =	simm.s32 $0x7;
	s10 =	simm.s32 $0xB;
	[dreg:$0xd] =	wrdreg s0  }
.LBB2_36:
0x1b: {  	[spmem:s3] =	stream.indirect.scatter.add.f32 [tilespmem:s4], [sflag:$0xA], $0x90, s24, s21, $0xb8;
	[tilespmem:$0x1F770] =	vst v63  }
0x1c: {  	_ =	swait.ge [sflag:s10], $0x2D00  }
0x1d: {  	[sflag:s10] =	ssyncset.done $0x0  }
0x1e: {  	[sflag:s10] =	ssyncadd.s32 $0xFFFFD300  }
0x1f: {  	_ =	swait.ge [sflag:s25], $0x2D00  }
0x20: {  	[sflag:s25] =	ssyncset.done $0x0  }
0x21: {  	[sflag:s25] =	ssyncadd.s32 $0xFFFFD300  }
0x22: {  	_ =	swait.ge [sflag:s9], $0x2D00  }
0x23: {  	[sflag:s9] =	ssyncset.done $0x0  }
0x24: {  	[sflag:s9] =	ssyncadd.s32 $0xFFFFD300  }
0x25: {  	[bflag:$0x0] =	sbarrier.arrive $0xFFFF  }
0x26: {  	s14 =	rddreg [dreg:$0x5]  }
0x27: {  	s0 =	rddreg [dreg:$0xd]  }
0x28: {  	s16 =	simm.s32 $0xD;
	s15 =	rddreg [dreg:$0xf]  }
0x29: {  	[hbm:s0], [sflag:s14] =	dma.local [spmem:s15], $0x2BF2  }
0x2a: {  	_ =	swait.ge [sflag:s16], $0x2BF2  }
0x2b: {  	s26 =	sadd.s32 $0x1, s26;
	s31 =	rddreg [dreg:$0xe]  }
0x2c: {  	p1 =	sne.s32 s26, s31  }
.Ltmp1:
0x2d: {  	_ = 	snop;
	(pc) =	sbr.rel @!p1 .LBB2_37-.Ltmp1, $3  }
0x2e: {  	_ =	sdelay $0x1  }
0x2f: {  	[sflag:s16] =	ssyncset.done $0x0  }
0x30: {  	[sflag:s16] =	ssyncadd.s32 $0xFFFFD40E  }
.LBB2_1:
0x31: {  	s0 =	rddreg [dreg:$0x4]  }
0x32: {  	[spmem:s15], [sflag:s14] =	dma.local [hbm:s0], $0x2BF2  }
0x33: {  	_ =	swait.ge [sflag:s16], $0x2BF2  }
0x34: {  	[sflag:s16] =	ssyncset.done $0x0  }
0x35: {  	[sflag:s16] =	ssyncadd.s32 $0xFFFFD40E  }
0x36: {  	[bflag:$0x0] =	sbarrier.arrive $0xFFFF  }
.Ltmp2:
0x37: {  	s31 =	rddreg [dreg:$0x6];
	(pc) =	sbr.rel @!p0 .LBB2_2-.Ltmp2, $4  }
0x38: {  	[tilespmem:s23], [sflag:$0xD] =	stream.strided.gather [hbm4b:s31+s21], $0xA0, s22, s21, $0x38;
	[tilespmem:$0x1F770] =	vst v63  }
0x39: {  	_ =	swait.ge [sflag:s16], $0xA0  }
0x3a: {  	[sflag:s16] =	ssyncset.done $0x0  }
0x3b: {  	[dreg:$0x10] =	wrdreg s26;
	[sflag:s16] =	ssyncadd.s32 $0xFFFFFF60  }
0x3c: {  	[tilespmem:s4], [sflag:$0x1] =	stream.indirect.gather [hbm4b:s7+s21], $0x90, s23, s21, $0xb8;
	[tilespmem:$0x1F770] =	vst v63  }
0x3d: {  	s0 =	simm.s32 $0x8700  }
0x3e: {  	[tilespmem:s0], [sflag:$0x4] =	stream.indirect.gather [hbm4b:s1+s21], $0x10, s24, s21, $0xb8;
	[tilespmem:$0x1F770] =	vst v63  }
0x3f: {  	s31 =	rddreg [dreg:$0x7];
	s14 =	simm.s32 $0x96A0  }
0x40: {  	[tilespmem:s14], [sflag:$0x8] =	stream.strided.gather [hbm4b:s31+s21], $0xA0, s22, s21, $0x38;
	[tilespmem:$0x1F770] =	vst v63  }
0x41: {  	_ =	swait.ge [sflag:s28], $0x2D00  }
0x42: {  	[sflag:s28] =	ssyncset.done $0x0  }
0x43: {  	[sflag:s28] =	ssyncadd.s32 $0xFFFFD300  }
0x44: {  	_ =	swait.ge [sflag:s29], $0x500  }
0x45: {  	[sflag:s29] =	ssyncset.done $0x0  }
0x46: {  	[sflag:s29] =	ssyncadd.s32 $0xFFFFFB00  }
0x47: {  	_ =	swait.ge [sflag:s30], $0xA0  }
0x48: {  	[sflag:s30] =	ssyncset.done $0x0  }
0x49: {  	s15 =	simm.s32 $0x2D00;
	[sflag:s30] =	ssyncadd.s32 $0xFFFFFF60  }
0x4a: {  	[tilespmem:s15], [sflag:$0x2] =	stream.indirect.gather [hbm4b:s7+s21], $0x90, s14, s21, $0xb8;
	[tilespmem:$0x1F770] =	vst v63  }
0x4b: {  	s16 =	simm.s32 $0x96F0;
	s26 =	simm.s32 $0x8C00;
	s31 =	simm.s32 $0x8720  }
0x4c: {  	[tilespmem:s26], [sflag:$0x5] =	stream.indirect.gather [hbm4b:s1+s21], $0x10, s16, s21, $0xb8;
	[tilespmem:$0x1F770] =	vst v63  }
0x4d: {  	v3 =	vld [tilespmem:s31+$0x10]  }
0x4e: {  	s14 =	simm.s32 $0x120;
	v4 =	vld [tilespmem:s31+$0xFFFFFFE0]  }
0x4f: {  	v5 =	vld [tilespmem:s14+$0x110]  }
0x50: {  	v6 =	vld [tilespmem:s31+$0xFFFFFFF0]  }
0x51: {  	v7 =	vld [tilespmem:s31+$0x0]  }
0x52: {  	v8 =	vld [tilespmem:s14+$0xFFFFFFF0]  }
0x53: {  	v10 =	vld [tilespmem:s14+$0x80];
	v9 =	vperm.xlane v3, v1  }
0x54: {  	v11 =	vld [tilespmem:s14+$0xFFFFFF60]  }
0x55: {  	v13 =	vld [tilespmem:s14+$0xFFFFFEF0];
	v5 =	vadd.f32 v9, v5  }
0x56: {  	v16 =	vld [tilespmem:s14+$0xFFFFFF00];
	v12 =	vperm.xlane v6, v1  }
0x57: {  	v17 =	vld [tilespmem:s14+$0xFFFFFF30];
	v14 =	vperm.xlane v4, v1;
	v15 =	vmul.f32 $2.000000030e-01, v5  }
0x58: {  	v18 =	vld [tilespmem:s14+$0xFFFFFF40];
	v3 =	vperm.xlane v3, v2;
	v8 =	vadd.f32 v12, v8;
	vm0 =	vgt.f32 v5, $0.0e+00  }
0x59: {  	v19 =	vld [tilespmem:s14+$0xFFFFFF50];
	v11 =	vadd.f32 v14, v11;
	v5 =	vsel vm0, v5, v15  }
0x5a: {  	v20 =	vld [tilespmem:s14+$0xFFFFFFA0];
	v4 =	vperm.xlane v4, v2;
	v15 =	vmul.f32 $2.000000030e-01, v8;
	v3 =	vsub.f32 v5, v3  }
0x5b: {  	v21 =	vld [tilespmem:s14+$0xFFFFFFB0];
	vm14 =	vgt.f32 v8, $0.0e+00;
	v5 =	vperm.xlane v6, v2;
	v6 =	vmul.f32 $2.000000030e-01, v11  }
0x5c: {  	v22 =	vld [tilespmem:s14+$0xFFFFFFC0];
	vm1 =	vgt.f32 v11, $0.0e+00;
	v8 =	vsel vm14, v8, v15;
	v3 =	vmul.f32 $1.442695020e+00, v3  }
0x5d: {  	v25 =	vld [tilespmem:s14+$0xFFFFFFD0];
	v6 =	vsel vm1, v11, v6;
	v5 =	vsub.f32 v8, v5  }
0x5e: {  	v28 =	vld [tilespmem:s14+$0xFFFFFFE0];
	v11 =	vperm.xlane v7, v1;
	(erf) = vpow2.f32 v3;
	v3 =	vsub.f32 v6, v4  }
0x5f: {  	v29 =	vld [tilespmem:s14+$0x0];
	v4 =	vmul.f32 $1.442695020e+00, v5  }
0x60: {  	v30 =	vld [tilespmem:s14+$0x10];
	v5 =	vadd.f32 v11, v10;
	v3 =	vmul.f32 $1.442695020e+00, v3  }
0x61: {  	v31 =	vld [tilespmem:s14+$0x20];
	(erf) = vpow2.f32 v4  }
0x62: {  	v32 =	vld [tilespmem:s14+$0x30];
	v4 =	vmul.f32 $2.000000030e-01, v5;
	(erf) = vpow2.f32 v3  }
0x63: {  	v10 =	vld [tilespmem:s14+$0x100];
	vm15 =	vgt.f32 v5, $0.0e+00;
	v3 =	vperm.xlane v7, v2  }
0x64: {  	v9 =	vld [tilespmem:s14+$0xFFFFFEE0];
	v4 =	vsel vm15, v5, v4  }
0x65: {  	v8 =	vld [tilespmem:s14+$0xFFFFFF70];
	v3 =	vsub.f32 v4, v3  }
0x66: {  	v6 =	vld [tilespmem:s14+$0xFFFFFF80]  }
0x67: {  	v12 =	vld [tilespmem:s14+$0xFFFFFF10];
	v3 =	vmul.f32 $1.442695020e+00, v3;
	v4 =	vpop (erf)  }
0x68: {  	v14 =	vld [tilespmem:s14+$0xFFFFFF20];
	v5 =	vmul.f32 v10, v4  }
0x69: {  	v15 =	vld [tilespmem:s14+$0xFFFFFF90];
	(erf) = vpow2.f32 v3;
	[tilespmem:s14+$0x110] =	vst v4  }
0x6a: {  	v7 =	vld [tilespmem:s14+$0x60];
	v33 =	vpop (erf);
	[tilespmem:s14+$0x100] =	vst v5  }
0x6b: {  	v5 =	vld [tilespmem:s14+$0x40];
	[tilespmem:s14+$0xFFFFFFF0] =	vst v33;
	v3 =	vmul.f32 v33, v8;
	v8 =	vmul.f32 v33, v6;
	v11 =	vpop (erf)  }
0x6c: {  	v6 =	vld [tilespmem:s14+$0x50];
	v23 =	vmul.f32 v20, v33;
	[tilespmem:s14+$0xFFFFFF60] =	vst v11;
	v10 =	vmul.f32 v11, v9  }
0x6d: {  	v20 =	vmul.f32 v22, v33;
	v22 =	vld [tilespmem:s14+$0xE0];
	v13 =	vmul.f32 v11, v13;
	[tilespmem:s14+$0xFFFFFF70] =	vst v3  }
0x6e: {  	v26 =	vmul.f32 v15, v33;
	v16 =	vmul.f32 v16, v11;
	v9 =	vld [tilespmem:s14+$0x70];
	[tilespmem:s14+$0xFFFFFEE0] =	vst v10  }
0x6f: {  	v24 =	vmul.f32 v12, v11;
	v34 =	vmul.f32 v14, v11;
	v12 =	vld [tilespmem:s14+$0xB0];
	[tilespmem:s14+$0xFFFFFEF0] =	vst v13  }
0x70: {  	v35 =	vmul.f32 v17, v11;
	v27 =	vmul.f32 v19, v11;
	v14 =	vld [tilespmem:s14+$0xC0];
	[tilespmem:s14+$0xFFFFFF00] =	vst v16  }
0x71: {  	v10 =	vld [tilespmem:s14+$0x90];
	v13 =	vmul.f32 v18, v11;
	[tilespmem:s14+$0xFFFFFF10] =	vst v24;
	v24 =	vmul.f32 v21, v33  }
0x72: {  	v11 =	vld [tilespmem:s14+$0xA0];
	[tilespmem:s14+$0xFFFFFF20] =	vst v34;
	v21 =	vmul.f32 v25, v33;
	v18 =	vmul.f32 v28, v33;
	v3 =	vpop (erf)  }
0x73: {  	v17 =	vld [tilespmem:s14+$0xD0];
	[tilespmem:s14+$0xFFFFFF30] =	vst v35;
	v19 =	vmul.f32 v3, v29;
	v15 =	vmul.f32 v3, v30  }
0x74: {  	s0 =	simm.s32 $0x8760;
	s15 =	simm.s32 $0x120;
	s16 =	simm.s32 $0x0;
	v25 =	vld [tilespmem:s14+$0xF0];
	[tilespmem:s14+$0xFFFFFF40] =	vst v13;
	v16 =	vmul.f32 v31, v3;
	v13 =	vmul.f32 v32, v3  }
.LBB2_20:
0x75: {  	v28 =	vld [tilespmem:s0+$0x10];
	s16 =	sadd.s32 $0x4, s16;
	[tilespmem:s14+$0xFFFFFF50] =	vst v27;
	v5 =	vmul.f32 v5, v3;
	v6 =	vmul.f32 v6, v3  }
0x76: {  	v7 =	vmul.f32 v7, v3;
	s14 =	sadd.s32 $0x240, s14;
	v27 =	vld [tilespmem:s0+$0xFFFFFFE0];
	p1 =	slt.u32 s16, $0x4C;
	[tilespmem:s15+$0xFFFFFF80] =	vst v8;
	v8 =	vmul.f32 v9, v3  }
0x77: {  	v10 =	vmul.f32 v4, v10;
	v11 =	vmul.f32 v4, v11;
	v9 =	vld [tilespmem:s14+$0x110];
	[tilespmem:s15+$0xFFFFFF90] =	vst v26  }
0x78: {  	v12 =	vmul.f32 v12, v4;
	v14 =	vmul.f32 v14, v4;
	v26 =	vld [tilespmem:s0+$0xFFFFFFF0];
	[tilespmem:s15+$0xFFFFFFA0] =	vst v23  }
0x79: {  	v17 =	vmul.f32 v17, v4;
	v22 =	vmul.f32 v22, v4;
	v23 =	vld [tilespmem:s0+$0x0];
	[tilespmem:s15+$0xFFFFFFB0] =	vst v24  }
0x7a: {  	v4 =	vmul.f32 v25, v4;
	v24 =	vld [tilespmem:s14+$0xFFFFFFF0];
	v29 =	vperm.xlane v28, v1;
	[tilespmem:s15+$0xFFFFFFC0] =	vst v20  }
0x7b: {  	v20 =	vperm.xlane v27, v1;
	v25 =	vperm.xlane v27, v2;
	v27 =	vld [tilespmem:s14+$0x80];
	[tilespmem:s15+$0xFFFFFFD0] =	vst v21  }
0x7c: {  	v21 =	vld [tilespmem:s14+$0xFFFFFF60];
	v9 =	vadd.f32 v29, v9;
	[tilespmem:s15+$0xFFFFFFE0] =	vst v18  }
0x7d: {  	v18 =	vld [tilespmem:s14+$0xFFFFFEE0];
	v29 =	vperm.xlane v26, v1;
	v26 =	vperm.xlane v26, v2;
	[tilespmem:s15+$0x0] =	vst v19  }
0x7e: {  	v19 =	vld [tilespmem:s14+$0xFFFFFEF0];
	v30 =	vperm.xlane v23, v1;
	v31 =	vmul.f32 $2.000000030e-01, v9;
	[tilespmem:s15+$0x10] =	vst v15  }
0x7f: {  	v28 =	vperm.xlane v28, v2;
	vm0 =	vgt.f32 v9, $0.0e+00;
	v15 =	vld [tilespmem:s14+$0xFFFFFF00];
	v24 =	vadd.f32 v29, v24;
	[tilespmem:s15+$0x20] =	vst v16  }
0x80: {  	v23 =	vperm.xlane v23, v2;
	v16 =	vld [tilespmem:s14+$0xFFFFFF10];
	v27 =	vadd.f32 v30, v27;
	v9 =	vsel vm0, v9, v31;
	[tilespmem:s15+$0x30] =	vst v13  }
0x81: {  	v13 =	vadd.f32 v20, v21;
	v20 =	vld [tilespmem:s14+$0xFFFFFF20];
	v21 =	vmul.f32 $2.000000030e-01, v24;
	v9 =	vsub.f32 v9, v28;
	[tilespmem:s15+$0x40] =	vst v5  }
0x82: {  	vm0 =	vgt.f32 v24, $0.0e+00;
	v28 =	vld [tilespmem:s14+$0xFFFFFF30];
	vm1 =	vgt.f32 v27, $0.0e+00;
	v5 =	vmul.f32 $2.000000030e-01, v27;
	[tilespmem:s15+$0x50] =	vst v6  }
0x83: {  	vm2 =	vgt.f32 v13, $0.0e+00;
	v6 =	vmul.f32 $2.000000030e-01, v13;
	v29 =	vld [tilespmem:s14+$0xFFFFFF40];
	v9 =	vmul.f32 $1.442695020e+00, v9;
	[tilespmem:s15+$0x60] =	vst v7  }
0x84: {  	v7 =	vsel vm0, v24, v21;
	v30 =	vld [tilespmem:s14+$0xFFFFFF50];
	v5 =	vsel vm1, v27, v5;
	[tilespmem:s15+$0x70] =	vst v8  }
0x85: {  	v7 =	vsub.f32 v7, v26;
	v6 =	vsel vm2, v13, v6;
	v8 =	vld [tilespmem:s14+$0xFFFFFF70];
	(erf) = vpow2.f32 v9;
	[tilespmem:s15+$0x90] =	vst v10  }
0x86: {  	v5 =	vsub.f32 v5, v23;
	v6 =	vsub.f32 v6, v25;
	v9 =	vld [tilespmem:s14+$0xFFFFFF80];
	[tilespmem:s15+$0xA0] =	vst v11  }
0x87: {  	v7 =	vmul.f32 $1.442695020e+00, v7;
	v13 =	vld [tilespmem:s14+$0xFFFFFF90];
	[tilespmem:s15+$0xB0] =	vst v12  }
0x88: {  	v5 =	vmul.f32 $1.442695020e+00, v5;
	v6 =	vmul.f32 $1.442695020e+00, v6;
	v12 =	vld [tilespmem:s14+$0xFFFFFFA0];
	[tilespmem:s15+$0xC0] =	vst v14  }
0x89: {  	v14 =	vld [tilespmem:s14+$0xFFFFFFB0];
	(erf) = vpow2.f32 v7;
	[tilespmem:s15+$0xD0] =	vst v17  }
0x8a: {  	v7 =	vld [tilespmem:s14+$0x100];
	(erf) = vpow2.f32 v6;
	[tilespmem:s15+$0xE0] =	vst v22  }
0x8b: {  	v17 =	vld [tilespmem:s14+$0xFFFFFFC0];
	(erf) = vpow2.f32 v5;
	[tilespmem:s15+$0xF0] =	vst v4  }
0x8c: {  	v21 =	vld [tilespmem:s14+$0xFFFFFFD0];
	[tilespmem:s15+$0x80] =	vst v3;
	s15 =	smov.u32 s14  }
0x8d: {  	v22 =	vld [tilespmem:s14+$0xFFFFFFE0]  }
0x8e: {  	v25 =	vld [tilespmem:s14+$0x0];
	v4 =	vpop (erf)  }
0x8f: {  	v31 =	vld [tilespmem:s14+$0x10];
	[tilespmem:s14+$0x110] =	vst v4;
	v3 =	vmul.f32 v7, v4  }
0x90: {  	v32 =	vld [tilespmem:s14+$0x20]  }
0x91: {  	v33 =	vld [tilespmem:s14+$0x30];
	[tilespmem:s14+$0x100] =	vst v3  }
0x92: {  	v5 =	vld [tilespmem:s14+$0x40];
	v34 =	vpop (erf)  }
0x93: {  	[tilespmem:s14+$0xFFFFFFF0] =	vst v34;
	v10 =	vmul.f32 v34, v8;
	v8 =	vmul.f32 v34, v9;
	v6 =	vld [tilespmem:s14+$0x50];
	v11 =	vpop (erf)  }
0x94: {  	[tilespmem:s14+$0xFFFFFF60] =	vst v11;
	v18 =	vmul.f32 v11, v18;
	v19 =	vmul.f32 v11, v19;
	v7 =	vld [tilespmem:s14+$0x60];
	v3 =	vpop (erf)  }
0x95: {  	v15 =	vmul.f32 v15, v11;
	v16 =	vmul.f32 v16, v11;
	[tilespmem:s14+$0xFFFFFF70] =	vst v10;
	v9 =	vld [tilespmem:s14+$0x70]  }
0x96: {  	v28 =	vmul.f32 v28, v11;
	[tilespmem:s14+$0xFFFFFEE0] =	vst v18;
	v18 =	vmul.f32 v20, v11;
	v10 =	vld [tilespmem:s14+$0x90]  }
0x97: {  	v29 =	vmul.f32 v29, v11;
	v27 =	vmul.f32 v30, v11;
	[tilespmem:s14+$0xFFFFFEF0] =	vst v19;
	v11 =	vld [tilespmem:s14+$0xA0]  }
.Ltmp3:
0x98: {  	v26 =	vmul.f32 v13, v34;
	v23 =	vmul.f32 v12, v34;
	[tilespmem:s14+$0xFFFFFF00] =	vst v15;
	v12 =	vld [tilespmem:s14+$0xB0];
	(pc) =	sbr.rel @p1 .LBB2_20-.Ltmp3, $4  }
0x99: {  	v24 =	vmul.f32 v14, v34;
	v20 =	vmul.f32 v17, v34;
	[tilespmem:s14+$0xFFFFFF10] =	vst v16;
	v14 =	vld [tilespmem:s14+$0xC0]  }
0x9a: {  	v21 =	vmul.f32 v21, v34;
	[tilespmem:s14+$0xFFFFFF20] =	vst v18;
	v18 =	vmul.f32 v22, v34;
	v17 =	vld [tilespmem:s14+$0xD0]  }
0x9b: {  	v19 =	vmul.f32 v3, v25;
	v15 =	vmul.f32 v3, v31;
	[tilespmem:s14+$0xFFFFFF30] =	vst v28;
	v22 =	vld [tilespmem:s14+$0xE0]  }
0x9c: {  	s0 =	sadd.s32 $0x40, s0;
	v13 =	vmul.f32 v33, v3;
	v16 =	vmul.f32 v32, v3;
	[tilespmem:s14+$0xFFFFFF40] =	vst v29;
	v25 =	vld [tilespmem:s14+$0xF0]  }
0x9d: {  	[tilespmem:s14+$0xFFFFFF50] =	vst v27  }
0x9e: {  	[tilespmem:s15+$0xFFFFFF80] =	vst v8  }
0x9f: {  	[tilespmem:s15+$0xFFFFFF90] =	vst v26  }
0xa0: {  	[tilespmem:s15+$0xFFFFFFA0] =	vst v23  }
0xa1: {  	[tilespmem:s15+$0xFFFFFFB0] =	vst v24  }
0xa2: {  	[tilespmem:s15+$0xFFFFFFC0] =	vst v20  }
0xa3: {  	[tilespmem:s15+$0xFFFFFFD0] =	vst v21  }
0xa4: {  	[tilespmem:s15+$0xFFFFFFE0] =	vst v18  }
0xa5: {  	[tilespmem:s15+$0x0] =	vst v19  }
0xa6: {  	[tilespmem:s15+$0x10] =	vst v15  }
0xa7: {  	[tilespmem:s15+$0x80] =	vst v3  }
0xa8: {  	v5 =	vmul.f32 v5, v3;
	[tilespmem:s15+$0x20] =	vst v16  }
0xa9: {  	v6 =	vmul.f32 v6, v3;
	[tilespmem:s15+$0x30] =	vst v13  }
0xaa: {  	v7 =	vmul.f32 v7, v3;
	[tilespmem:s15+$0x40] =	vst v5  }
0xab: {  	v5 =	vmul.f32 v9, v3;
	[tilespmem:s15+$0x50] =	vst v6  }
0xac: {  	v6 =	vmul.f32 v4, v10;
	[tilespmem:s15+$0x60] =	vst v7  }
0xad: {  	v7 =	vmul.f32 v4, v11;
	[tilespmem:s15+$0x70] =	vst v5  }
0xae: {  	v5 =	vmul.f32 v12, v4;
	[tilespmem:s15+$0x90] =	vst v6  }
0xaf: {  	v6 =	vmul.f32 v14, v4;
	[tilespmem:s15+$0xA0] =	vst v7  }
0xb0: {  	v7 =	vmul.f32 v17, v4;
	[tilespmem:s15+$0xB0] =	vst v5  }
0xb1: {  	v5 =	vmul.f32 v22, v4;
	[tilespmem:s15+$0xC0] =	vst v6  }
0xb2: {  	v4 =	vmul.f32 v25, v4;
	[tilespmem:s15+$0xD0] =	vst v7  }
0xb3: {  	[tilespmem:s15+$0xE0] =	vst v5  }
0xb4: {  	[tilespmem:s15+$0xF0] =	vst v4  }
0xb5: {  	[spmem:s3] =	stream.indirect.scatter.add.f32 [tilespmem:s4], [sflag:$0xA], $0x90, s24, s21, $0xb8;
	[tilespmem:$0x1F770] =	vst v63  }
0xb6: {  	s0 =	rddreg [dreg:$0x8]  }
0xb7: {  	[tilespmem:s8], [sflag:$0x9] =	stream.strided.gather [hbm4b:s0+s21], $0xA0, s22, s21, $0x38;
	[tilespmem:$0x1F770] =	vst v63  }
0xb8: {  	_ =	swait.ge [sflag:s11], $0x2D00  }
0xb9: {  	[sflag:s11] =	ssyncset.done $0x0  }
0xba: {  	[sflag:s11] =	ssyncadd.s32 $0xFFFFD300  }
0xbb: {  	_ =	swait.ge [sflag:s12], $0x500  }
0xbc: {  	[sflag:s12] =	ssyncset.done $0x0  }
0xbd: {  	[sflag:s12] =	ssyncadd.s32 $0xFFFFFB00  }
0xbe: {  	_ =	swait.ge [sflag:s13], $0xA0  }
0xbf: {  	[sflag:s13] =	ssyncset.done $0x0  }
0xc0: {  	[sflag:s13] =	ssyncadd.s32 $0xFFFFFF60  }
0xc1: {  	[tilespmem:s17], [sflag:$0x3] =	stream.indirect.gather [hbm4b:s7+s21], $0x90, s8, s21, $0xb8;
	[tilespmem:$0x1F770] =	vst v63  }
0xc2: {  	s26 =	simm.s32 $0x9100;
	s31 =	simm.s32 $0x8C20  }
0xc3: {  	[tilespmem:s26], [sflag:$0x6] =	stream.indirect.gather [hbm4b:s1+s21], $0x10, s18, s21, $0xb8;
	[tilespmem:$0x1F770] =	vst v63  }
0xc4: {  	v3 =	vld [tilespmem:s31+$0x10]  }
0xc5: {  	s14 =	simm.s32 $0x2E20;
	v4 =	vld [tilespmem:s31+$0xFFFFFFE0]  }
0xc6: {  	v5 =	vld [tilespmem:s14+$0x110]  }
0xc7: {  	v6 =	vld [tilespmem:s31+$0xFFFFFFF0]  }
0xc8: {  	v7 =	vld [tilespmem:s31+$0x0]  }
0xc9: {  	v8 =	vld [tilespmem:s14+$0xFFFFFFF0]  }
0xca: {  	v10 =	vld [tilespmem:s14+$0x80];
	v9 =	vperm.xlane v3, v1  }
0xcb: {  	v11 =	vld [tilespmem:s14+$0xFFFFFF60]  }
0xcc: {  	v13 =	vld [tilespmem:s14+$0xFFFFFEF0];
	v5 =	vadd.f32 v9, v5  }
0xcd: {  	v16 =	vld [tilespmem:s14+$0xFFFFFF00];
	v12 =	vperm.xlane v6, v1  }
0xce: {  	v17 =	vld [tilespmem:s14+$0xFFFFFF30];
	v14 =	vperm.xlane v4, v1;
	v15 =	vmul.f32 $2.000000030e-01, v5  }
0xcf: {  	v18 =	vld [tilespmem:s14+$0xFFFFFF40];
	v3 =	vperm.xlane v3, v2;
	v8 =	vadd.f32 v12, v8;
	vm0 =	vgt.f32 v5, $0.0e+00  }
0xd0: {  	v19 =	vld [tilespmem:s14+$0xFFFFFF50];
	v11 =	vadd.f32 v14, v11;
	v5 =	vsel vm0, v5, v15  }
0xd1: {  	v20 =	vld [tilespmem:s14+$0xFFFFFFA0];
	v4 =	vperm.xlane v4, v2;
	v15 =	vmul.f32 $2.000000030e-01, v8;
	v3 =	vsub.f32 v5, v3  }
0xd2: {  	v21 =	vld [tilespmem:s14+$0xFFFFFFB0];
	vm14 =	vgt.f32 v8, $0.0e+00;
	v5 =	vperm.xlane v6, v2;
	v6 =	vmul.f32 $2.000000030e-01, v11  }
0xd3: {  	v22 =	vld [tilespmem:s14+$0xFFFFFFC0];
	vm1 =	vgt.f32 v11, $0.0e+00;
	v8 =	vsel vm14, v8, v15;
	v3 =	vmul.f32 $1.442695020e+00, v3  }
0xd4: {  	v25 =	vld [tilespmem:s14+$0xFFFFFFD0];
	v6 =	vsel vm1, v11, v6;
	v5 =	vsub.f32 v8, v5  }
0xd5: {  	v28 =	vld [tilespmem:s14+$0xFFFFFFE0];
	v11 =	vperm.xlane v7, v1;
	(erf) = vpow2.f32 v3;
	v3 =	vsub.f32 v6, v4  }
0xd6: {  	v29 =	vld [tilespmem:s14+$0x0];
	v4 =	vmul.f32 $1.442695020e+00, v5  }
0xd7: {  	v30 =	vld [tilespmem:s14+$0x10];
	v5 =	vadd.f32 v11, v10;
	v3 =	vmul.f32 $1.442695020e+00, v3  }
0xd8: {  	v31 =	vld [tilespmem:s14+$0x20];
	(erf) = vpow2.f32 v4  }
0xd9: {  	v32 =	vld [tilespmem:s14+$0x30];
	v4 =	vmul.f32 $2.000000030e-01, v5;
	(erf) = vpow2.f32 v3  }
0xda: {  	v10 =	vld [tilespmem:s14+$0x100];
	vm15 =	vgt.f32 v5, $0.0e+00;
	v3 =	vperm.xlane v7, v2  }
0xdb: {  	v9 =	vld [tilespmem:s14+$0xFFFFFEE0];
	v4 =	vsel vm15, v5, v4  }
0xdc: {  	v8 =	vld [tilespmem:s14+$0xFFFFFF70];
	v3 =	vsub.f32 v4, v3  }
0xdd: {  	v6 =	vld [tilespmem:s14+$0xFFFFFF80]  }
0xde: {  	v12 =	vld [tilespmem:s14+$0xFFFFFF10];
	v3 =	vmul.f32 $1.442695020e+00, v3;
	v4 =	vpop (erf)  }
0xdf: {  	v14 =	vld [tilespmem:s14+$0xFFFFFF20];
	v5 =	vmul.f32 v10, v4  }
0xe0: {  	v15 =	vld [tilespmem:s14+$0xFFFFFF90];
	(erf) = vpow2.f32 v3;
	[tilespmem:s14+$0x110] =	vst v4  }
0xe1: {  	v7 =	vld [tilespmem:s14+$0x60];
	v33 =	vpop (erf);
	[tilespmem:s14+$0x100] =	vst v5  }
0xe2: {  	v5 =	vld [tilespmem:s14+$0x40];
	[tilespmem:s14+$0xFFFFFFF0] =	vst v33;
	v3 =	vmul.f32 v33, v8;
	v8 =	vmul.f32 v33, v6;
	v11 =	vpop (erf)  }
0xe3: {  	v6 =	vld [tilespmem:s14+$0x50];
	v23 =	vmul.f32 v20, v33;
	[tilespmem:s14+$0xFFFFFF60] =	vst v11;
	v10 =	vmul.f32 v11, v9  }
0xe4: {  	v20 =	vmul.f32 v22, v33;
	v22 =	vld [tilespmem:s14+$0xE0];
	v13 =	vmul.f32 v11, v13;
	[tilespmem:s14+$0xFFFFFF70] =	vst v3  }
0xe5: {  	v26 =	vmul.f32 v15, v33;
	v16 =	vmul.f32 v16, v11;
	v9 =	vld [tilespmem:s14+$0x70];
	[tilespmem:s14+$0xFFFFFEE0] =	vst v10  }
0xe6: {  	v24 =	vmul.f32 v12, v11;
	v34 =	vmul.f32 v14, v11;
	v12 =	vld [tilespmem:s14+$0xB0];
	[tilespmem:s14+$0xFFFFFEF0] =	vst v13  }
0xe7: {  	v35 =	vmul.f32 v17, v11;
	v27 =	vmul.f32 v19, v11;
	v14 =	vld [tilespmem:s14+$0xC0];
	[tilespmem:s14+$0xFFFFFF00] =	vst v16  }
0xe8: {  	v10 =	vld [tilespmem:s14+$0x90];
	v13 =	vmul.f32 v18, v11;
	[tilespmem:s14+$0xFFFFFF10] =	vst v24;
	v24 =	vmul.f32 v21, v33  }
0xe9: {  	v11 =	vld [tilespmem:s14+$0xA0];
	[tilespmem:s14+$0xFFFFFF20] =	vst v34;
	v21 =	vmul.f32 v25, v33;
	v18 =	vmul.f32 v28, v33;
	v3 =	vpop (erf)  }
0xea: {  	v17 =	vld [tilespmem:s14+$0xD0];
	[tilespmem:s14+$0xFFFFFF30] =	vst v35;
	v19 =	vmul.f32 v3, v29;
	v15 =	vmul.f32 v3, v30  }
0xeb: {  	s16 =	simm.s32 $0x0;
	s15 =	simm.s32 $0x2E20;
	s0 =	simm.s32 $0x8C60;
	v25 =	vld [tilespmem:s14+$0xF0];
	[tilespmem:s14+$0xFFFFFF40] =	vst v13;
	v16 =	vmul.f32 v31, v3;
	v13 =	vmul.f32 v32, v3  }
.LBB2_22:
0xec: {  	v28 =	vld [tilespmem:s0+$0x10];
	s16 =	sadd.s32 $0x4, s16;
	[tilespmem:s14+$0xFFFFFF50] =	vst v27;
	v5 =	vmul.f32 v5, v3;
	v6 =	vmul.f32 v6, v3  }
0xed: {  	v7 =	vmul.f32 v7, v3;
	s14 =	sadd.s32 $0x240, s14;
	v27 =	vld [tilespmem:s0+$0xFFFFFFE0];
	p1 =	slt.u32 s16, $0x4C;
	[tilespmem:s15+$0xFFFFFF80] =	vst v8;
	v8 =	vmul.f32 v9, v3  }
0xee: {  	v10 =	vmul.f32 v4, v10;
	v11 =	vmul.f32 v4, v11;
	v9 =	vld [tilespmem:s14+$0x110];
	[tilespmem:s15+$0xFFFFFF90] =	vst v26  }
0xef: {  	v12 =	vmul.f32 v12, v4;
	v14 =	vmul.f32 v14, v4;
	v26 =	vld [tilespmem:s0+$0xFFFFFFF0];
	[tilespmem:s15+$0xFFFFFFA0] =	vst v23  }
0xf0: {  	v17 =	vmul.f32 v17, v4;
	v22 =	vmul.f32 v22, v4;
	v23 =	vld [tilespmem:s0+$0x0];
	[tilespmem:s15+$0xFFFFFFB0] =	vst v24  }
0xf1: {  	v4 =	vmul.f32 v25, v4;
	v24 =	vld [tilespmem:s14+$0xFFFFFFF0];
	v29 =	vperm.xlane v28, v1;
	[tilespmem:s15+$0xFFFFFFC0] =	vst v20  }
0xf2: {  	v20 =	vperm.xlane v27, v1;
	v25 =	vperm.xlane v27, v2;
	v27 =	vld [tilespmem:s14+$0x80];
	[tilespmem:s15+$0xFFFFFFD0] =	vst v21  }
0xf3: {  	v21 =	vld [tilespmem:s14+$0xFFFFFF60];
	v9 =	vadd.f32 v29, v9;
	[tilespmem:s15+$0xFFFFFFE0] =	vst v18  }
0xf4: {  	v18 =	vld [tilespmem:s14+$0xFFFFFEE0];
	v29 =	vperm.xlane v26, v1;
	v26 =	vperm.xlane v26, v2;
	[tilespmem:s15+$0x0] =	vst v19  }
0xf5: {  	v19 =	vld [tilespmem:s14+$0xFFFFFEF0];
	v30 =	vperm.xlane v23, v1;
	v31 =	vmul.f32 $2.000000030e-01, v9;
	[tilespmem:s15+$0x10] =	vst v15  }
0xf6: {  	v28 =	vperm.xlane v28, v2;
	vm0 =	vgt.f32 v9, $0.0e+00;
	v15 =	vld [tilespmem:s14+$0xFFFFFF00];
	v24 =	vadd.f32 v29, v24;
	[tilespmem:s15+$0x20] =	vst v16  }
0xf7: {  	v23 =	vperm.xlane v23, v2;
	v16 =	vld [tilespmem:s14+$0xFFFFFF10];
	v27 =	vadd.f32 v30, v27;
	v9 =	vsel vm0, v9, v31;
	[tilespmem:s15+$0x30] =	vst v13  }
0xf8: {  	v13 =	vadd.f32 v20, v21;
	v20 =	vld [tilespmem:s14+$0xFFFFFF20];
	v21 =	vmul.f32 $2.000000030e-01, v24;
	v9 =	vsub.f32 v9, v28;
	[tilespmem:s15+$0x40] =	vst v5  }
0xf9: {  	vm0 =	vgt.f32 v24, $0.0e+00;
	v28 =	vld [tilespmem:s14+$0xFFFFFF30];
	vm1 =	vgt.f32 v27, $0.0e+00;
	v5 =	vmul.f32 $2.000000030e-01, v27;
	[tilespmem:s15+$0x50] =	vst v6  }
0xfa: {  	vm2 =	vgt.f32 v13, $0.0e+00;
	v6 =	vmul.f32 $2.000000030e-01, v13;
	v29 =	vld [tilespmem:s14+$0xFFFFFF40];
	v9 =	vmul.f32 $1.442695020e+00, v9;
	[tilespmem:s15+$0x60] =	vst v7  }
0xfb: {  	v7 =	vsel vm0, v24, v21;
	v30 =	vld [tilespmem:s14+$0xFFFFFF50];
	v5 =	vsel vm1, v27, v5;
	[tilespmem:s15+$0x70] =	vst v8  }
0xfc: {  	v7 =	vsub.f32 v7, v26;
	v6 =	vsel vm2, v13, v6;
	v8 =	vld [tilespmem:s14+$0xFFFFFF70];
	(erf) = vpow2.f32 v9;
	[tilespmem:s15+$0x90] =	vst v10  }
0xfd: {  	v5 =	vsub.f32 v5, v23;
	v6 =	vsub.f32 v6, v25;
	v9 =	vld [tilespmem:s14+$0xFFFFFF80];
	[tilespmem:s15+$0xA0] =	vst v11  }
0xfe: {  	v7 =	vmul.f32 $1.442695020e+00, v7;
	v13 =	vld [tilespmem:s14+$0xFFFFFF90];
	[tilespmem:s15+$0xB0] =	vst v12  }
0xff: {  	v5 =	vmul.f32 $1.442695020e+00, v5;
	v6 =	vmul.f32 $1.442695020e+00, v6;
	v12 =	vld [tilespmem:s14+$0xFFFFFFA0];
	[tilespmem:s15+$0xC0] =	vst v14  }
0x100: {  	v14 =	vld [tilespmem:s14+$0xFFFFFFB0];
	(erf) = vpow2.f32 v7;
	[tilespmem:s15+$0xD0] =	vst v17  }
0x101: {  	v7 =	vld [tilespmem:s14+$0x100];
	(erf) = vpow2.f32 v6;
	[tilespmem:s15+$0xE0] =	vst v22  }
0x102: {  	v17 =	vld [tilespmem:s14+$0xFFFFFFC0];
	(erf) = vpow2.f32 v5;
	[tilespmem:s15+$0xF0] =	vst v4  }
0x103: {  	v21 =	vld [tilespmem:s14+$0xFFFFFFD0];
	[tilespmem:s15+$0x80] =	vst v3;
	s15 =	smov.u32 s14  }
0x104: {  	v22 =	vld [tilespmem:s14+$0xFFFFFFE0]  }
0x105: {  	v25 =	vld [tilespmem:s14+$0x0];
	v4 =	vpop (erf)  }
0x106: {  	v31 =	vld [tilespmem:s14+$0x10];
	[tilespmem:s14+$0x110] =	vst v4;
	v3 =	vmul.f32 v7, v4  }
0x107: {  	v32 =	vld [tilespmem:s14+$0x20]  }
0x108: {  	v33 =	vld [tilespmem:s14+$0x30];
	[tilespmem:s14+$0x100] =	vst v3  }
0x109: {  	v5 =	vld [tilespmem:s14+$0x40];
	v34 =	vpop (erf)  }
0x10a: {  	[tilespmem:s14+$0xFFFFFFF0] =	vst v34;
	v10 =	vmul.f32 v34, v8;
	v8 =	vmul.f32 v34, v9;
	v6 =	vld [tilespmem:s14+$0x50];
	v11 =	vpop (erf)  }
0x10b: {  	[tilespmem:s14+$0xFFFFFF60] =	vst v11;
	v18 =	vmul.f32 v11, v18;
	v19 =	vmul.f32 v11, v19;
	v7 =	vld [tilespmem:s14+$0x60];
	v3 =	vpop (erf)  }
0x10c: {  	v15 =	vmul.f32 v15, v11;
	v16 =	vmul.f32 v16, v11;
	[tilespmem:s14+$0xFFFFFF70] =	vst v10;
	v9 =	vld [tilespmem:s14+$0x70]  }
0x10d: {  	v28 =	vmul.f32 v28, v11;
	[tilespmem:s14+$0xFFFFFEE0] =	vst v18;
	v18 =	vmul.f32 v20, v11;
	v10 =	vld [tilespmem:s14+$0x90]  }
0x10e: {  	v29 =	vmul.f32 v29, v11;
	v27 =	vmul.f32 v30, v11;
	[tilespmem:s14+$0xFFFFFEF0] =	vst v19;
	v11 =	vld [tilespmem:s14+$0xA0]  }
.Ltmp4:
0x10f: {  	v26 =	vmul.f32 v13, v34;
	v23 =	vmul.f32 v12, v34;
	[tilespmem:s14+$0xFFFFFF00] =	vst v15;
	v12 =	vld [tilespmem:s14+$0xB0];
	(pc) =	sbr.rel @p1 .LBB2_22-.Ltmp4, $4  }
0x110: {  	v24 =	vmul.f32 v14, v34;
	v20 =	vmul.f32 v17, v34;
	[tilespmem:s14+$0xFFFFFF10] =	vst v16;
	v14 =	vld [tilespmem:s14+$0xC0]  }
0x111: {  	v21 =	vmul.f32 v21, v34;
	[tilespmem:s14+$0xFFFFFF20] =	vst v18;
	v18 =	vmul.f32 v22, v34;
	v17 =	vld [tilespmem:s14+$0xD0]  }
0x112: {  	v19 =	vmul.f32 v3, v25;
	v15 =	vmul.f32 v3, v31;
	[tilespmem:s14+$0xFFFFFF30] =	vst v28;
	v22 =	vld [tilespmem:s14+$0xE0]  }
0x113: {  	s0 =	sadd.s32 $0x40, s0;
	v13 =	vmul.f32 v33, v3;
	v16 =	vmul.f32 v32, v3;
	[tilespmem:s14+$0xFFFFFF40] =	vst v29;
	v25 =	vld [tilespmem:s14+$0xF0]  }
0x114: {  	[tilespmem:s14+$0xFFFFFF50] =	vst v27  }
0x115: {  	[tilespmem:s15+$0xFFFFFF80] =	vst v8  }
0x116: {  	[tilespmem:s15+$0xFFFFFF90] =	vst v26  }
0x117: {  	[tilespmem:s15+$0xFFFFFFA0] =	vst v23  }
0x118: {  	[tilespmem:s15+$0xFFFFFFB0] =	vst v24  }
0x119: {  	[tilespmem:s15+$0xFFFFFFC0] =	vst v20  }
0x11a: {  	[tilespmem:s15+$0xFFFFFFD0] =	vst v21  }
0x11b: {  	[tilespmem:s15+$0xFFFFFFE0] =	vst v18  }
0x11c: {  	[tilespmem:s15+$0x0] =	vst v19  }
0x11d: {  	[tilespmem:s15+$0x10] =	vst v15  }
0x11e: {  	[tilespmem:s15+$0x80] =	vst v3  }
0x11f: {  	v5 =	vmul.f32 v5, v3;
	[tilespmem:s15+$0x20] =	vst v16  }
0x120: {  	v6 =	vmul.f32 v6, v3;
	[tilespmem:s15+$0x30] =	vst v13  }
0x121: {  	v7 =	vmul.f32 v7, v3;
	[tilespmem:s15+$0x40] =	vst v5  }
0x122: {  	v56 =	vmul.f32 v9, v3;
	[tilespmem:s15+$0x50] =	vst v6  }
0x123: {  	v57 =	vmul.f32 v4, v10;
	[tilespmem:s15+$0x60] =	vst v7  }
0x124: {  	v58 =	vmul.f32 v4, v11;
	[tilespmem:s15+$0x70] =	vst v56  }
0x125: {  	v59 =	vmul.f32 v12, v4;
	[tilespmem:s15+$0x90] =	vst v57  }
0x126: {  	v60 =	vmul.f32 v14, v4;
	[tilespmem:s15+$0xA0] =	vst v58  }
0x127: {  	v61 =	vmul.f32 v17, v4;
	[tilespmem:s15+$0xB0] =	vst v59  }
0x128: {  	v62 =	vmul.f32 v22, v4;
	[tilespmem:s15+$0xC0] =	vst v60  }
0x129: {  	v63 =	vmul.f32 v25, v4;
	[tilespmem:s15+$0xD0] =	vst v61  }
0x12a: {  	[tilespmem:s15+$0xE0] =	vst v62  }
0x12b: {  	s0 =	simm.s32 $0x2D00;
	s26 =	simm.s32 $0x96F0;
	[tilespmem:s15+$0xF0] =	vst v63  }
0x12c: {  	[spmem:s3] =	stream.indirect.scatter.add.f32 [tilespmem:s0], [sflag:$0xB], $0x90, s26, s21, $0xb8;
	[tilespmem:$0x1F770] =	vst v63  }
0x12d: {  	_ =	swait.ge [sflag:s9], $0x2D00  }
0x12e: {  	[sflag:s9] =	ssyncset.done $0x0  }
0x12f: {  	s14 =	simm.s32 $0x0;
	s31 =	rddreg [dreg:$0x9];
	[sflag:s9] =	ssyncadd.s32 $0xFFFFD300  }
0x130: {  	[tilespmem:s23], [sflag:$0x7] =	stream.strided.gather [hbm4b:s31+s21], $0xA0, s22, s21, $0x38;
	[tilespmem:$0x1F770] =	vst v63  }
.LBB2_24:
0x131: {  	_ =	swait.ge [sflag:s19], $0x2D00  }
0x132: {  	[sflag:s19] =	ssyncset.done $0x0  }
0x133: {  	[sflag:s19] =	ssyncadd.s32 $0xFFFFD300  }
0x134: {  	_ =	swait.ge [sflag:s20], $0x500  }
0x135: {  	[sflag:s20] =	ssyncset.done $0x0  }
0x136: {  	[sflag:s20] =	ssyncadd.s32 $0xFFFFFB00  }
0x137: {  	_ =	swait.ge [sflag:s2], $0xA0  }
0x138: {  	[sflag:s2] =	ssyncset.done $0x0  }
0x139: {  	[sflag:s2] =	ssyncadd.s32 $0xFFFFFF60  }
0x13a: {  	[tilespmem:s4], [sflag:$0x1] =	stream.indirect.gather [hbm4b:s7+s21], $0x90, s23, s21, $0xb8;
	[tilespmem:$0x1F770] =	vst v63  }
0x13b: {  	s0 =	simm.s32 $0x8700;
	s31 =	simm.s32 $0x9120  }
0x13c: {  	[tilespmem:s0], [sflag:$0x4] =	stream.indirect.gather [hbm4b:s1+s21], $0x10, s24, s21, $0xb8;
	[tilespmem:$0x1F770] =	vst v63  }
0x13d: {  	v3 =	vld [tilespmem:s31+$0x10]  }
0x13e: {  	s15 =	simm.s32 $0x5B20;
	v4 =	vld [tilespmem:s31+$0xFFFFFFE0]  }
0x13f: {  	v5 =	vld [tilespmem:s15+$0x110]  }
0x140: {  	v6 =	vld [tilespmem:s31+$0xFFFFFFF0]  }
0x141: {  	v7 =	vld [tilespmem:s31+$0x0]  }
0x142: {  	v8 =	vld [tilespmem:s15+$0xFFFFFFF0]  }
0x143: {  	v10 =	vld [tilespmem:s15+$0x80];
	v9 =	vperm.xlane v3, v1  }
0x144: {  	v11 =	vld [tilespmem:s15+$0xFFFFFF60]  }
0x145: {  	v13 =	vld [tilespmem:s15+$0xFFFFFEF0];
	v5 =	vadd.f32 v9, v5  }
0x146: {  	v16 =	vld [tilespmem:s15+$0xFFFFFF00];
	v12 =	vperm.xlane v6, v1  }
0x147: {  	v17 =	vld [tilespmem:s15+$0xFFFFFF30];
	v14 =	vperm.xlane v4, v1;
	v15 =	vmul.f32 $2.000000030e-01, v5  }
0x148: {  	v18 =	vld [tilespmem:s15+$0xFFFFFF40];
	v3 =	vperm.xlane v3, v2;
	v8 =	vadd.f32 v12, v8;
	vm0 =	vgt.f32 v5, $0.0e+00  }
0x149: {  	v19 =	vld [tilespmem:s15+$0xFFFFFF50];
	v11 =	vadd.f32 v14, v11;
	v5 =	vsel vm0, v5, v15  }
0x14a: {  	v20 =	vld [tilespmem:s15+$0xFFFFFFA0];
	v4 =	vperm.xlane v4, v2;
	v15 =	vmul.f32 $2.000000030e-01, v8;
	v3 =	vsub.f32 v5, v3  }
0x14b: {  	v21 =	vld [tilespmem:s15+$0xFFFFFFB0];
	vm14 =	vgt.f32 v8, $0.0e+00;
	v5 =	vperm.xlane v6, v2;
	v6 =	vmul.f32 $2.000000030e-01, v11  }
0x14c: {  	v22 =	vld [tilespmem:s15+$0xFFFFFFC0];
	vm1 =	vgt.f32 v11, $0.0e+00;
	v8 =	vsel vm14, v8, v15;
	v3 =	vmul.f32 $1.442695020e+00, v3  }
0x14d: {  	v25 =	vld [tilespmem:s15+$0xFFFFFFD0];
	v6 =	vsel vm1, v11, v6;
	v5 =	vsub.f32 v8, v5  }
0x14e: {  	v28 =	vld [tilespmem:s15+$0xFFFFFFE0];
	v11 =	vperm.xlane v7, v1;
	(erf) = vpow2.f32 v3;
	v3 =	vsub.f32 v6, v4  }
0x14f: {  	v29 =	vld [tilespmem:s15+$0x0];
	v4 =	vmul.f32 $1.442695020e+00, v5  }
0x150: {  	v30 =	vld [tilespmem:s15+$0x10];
	v5 =	vadd.f32 v11, v10;
	v3 =	vmul.f32 $1.442695020e+00, v3  }
0x151: {  	v31 =	vld [tilespmem:s15+$0x20];
	(erf) = vpow2.f32 v4  }
0x152: {  	v32 =	vld [tilespmem:s15+$0x30];
	v4 =	vmul.f32 $2.000000030e-01, v5;
	(erf) = vpow2.f32 v3  }
0x153: {  	v10 =	vld [tilespmem:s15+$0x100];
	vm15 =	vgt.f32 v5, $0.0e+00;
	v3 =	vperm.xlane v7, v2  }
0x154: {  	v9 =	vld [tilespmem:s15+$0xFFFFFEE0];
	v4 =	vsel vm15, v5, v4  }
0x155: {  	v8 =	vld [tilespmem:s15+$0xFFFFFF70];
	v3 =	vsub.f32 v4, v3  }
0x156: {  	v6 =	vld [tilespmem:s15+$0xFFFFFF80]  }
0x157: {  	v12 =	vld [tilespmem:s15+$0xFFFFFF10];
	v3 =	vmul.f32 $1.442695020e+00, v3;
	v4 =	vpop (erf)  }
0x158: {  	v14 =	vld [tilespmem:s15+$0xFFFFFF20];
	v5 =	vmul.f32 v10, v4  }
0x159: {  	v15 =	vld [tilespmem:s15+$0xFFFFFF90];
	(erf) = vpow2.f32 v3;
	[tilespmem:s15+$0x110] =	vst v4  }
0x15a: {  	v7 =	vld [tilespmem:s15+$0x60];
	v33 =	vpop (erf);
	[tilespmem:s15+$0x100] =	vst v5  }
0x15b: {  	v5 =	vld [tilespmem:s15+$0x40];
	[tilespmem:s15+$0xFFFFFFF0] =	vst v33;
	v3 =	vmul.f32 v33, v8;
	v8 =	vmul.f32 v33, v6;
	v11 =	vpop (erf)  }
0x15c: {  	v6 =	vld [tilespmem:s15+$0x50];
	v23 =	vmul.f32 v20, v33;
	[tilespmem:s15+$0xFFFFFF60] =	vst v11;
	v10 =	vmul.f32 v11, v9  }
0x15d: {  	v20 =	vmul.f32 v22, v33;
	v22 =	vld [tilespmem:s15+$0xE0];
	v13 =	vmul.f32 v11, v13;
	[tilespmem:s15+$0xFFFFFF70] =	vst v3  }
0x15e: {  	v26 =	vmul.f32 v15, v33;
	v16 =	vmul.f32 v16, v11;
	v9 =	vld [tilespmem:s15+$0x70];
	[tilespmem:s15+$0xFFFFFEE0] =	vst v10  }
0x15f: {  	v24 =	vmul.f32 v12, v11;
	v34 =	vmul.f32 v14, v11;
	v12 =	vld [tilespmem:s15+$0xB0];
	[tilespmem:s15+$0xFFFFFEF0] =	vst v13  }
0x160: {  	v35 =	vmul.f32 v17, v11;
	v27 =	vmul.f32 v19, v11;
	v14 =	vld [tilespmem:s15+$0xC0];
	[tilespmem:s15+$0xFFFFFF00] =	vst v16  }
0x161: {  	v10 =	vld [tilespmem:s15+$0x90];
	v13 =	vmul.f32 v18, v11;
	[tilespmem:s15+$0xFFFFFF10] =	vst v24;
	v24 =	vmul.f32 v21, v33  }
0x162: {  	v11 =	vld [tilespmem:s15+$0xA0];
	[tilespmem:s15+$0xFFFFFF20] =	vst v34;
	v21 =	vmul.f32 v25, v33;
	v18 =	vmul.f32 v28, v33;
	v3 =	vpop (erf)  }
0x163: {  	v17 =	vld [tilespmem:s15+$0xD0];
	[tilespmem:s15+$0xFFFFFF30] =	vst v35;
	v19 =	vmul.f32 v3, v29;
	v15 =	vmul.f32 v3, v30  }
0x164: {  	s26 =	simm.s32 $0x0;
	s16 =	simm.s32 $0x5B20;
	s0 =	simm.s32 $0x9160;
	v25 =	vld [tilespmem:s15+$0xF0];
	[tilespmem:s15+$0xFFFFFF40] =	vst v13;
	v16 =	vmul.f32 v31, v3;
	v13 =	vmul.f32 v32, v3  }
.LBB2_25:
0x165: {  	v28 =	vld [tilespmem:s0+$0x10];
	s26 =	sadd.s32 $0x4, s26;
	[tilespmem:s15+$0xFFFFFF50] =	vst v27;
	v5 =	vmul.f32 v5, v3;
	v6 =	vmul.f32 v6, v3  }
0x166: {  	v7 =	vmul.f32 v7, v3;
	s15 =	sadd.s32 $0x240, s15;
	v27 =	vld [tilespmem:s0+$0xFFFFFFE0];
	p1 =	slt.u32 s26, $0x4C;
	[tilespmem:s16+$0xFFFFFF80] =	vst v8;
	v8 =	vmul.f32 v9, v3  }
0x167: {  	v10 =	vmul.f32 v4, v10;
	v11 =	vmul.f32 v4, v11;
	v9 =	vld [tilespmem:s15+$0x110];
	[tilespmem:s16+$0xFFFFFF90] =	vst v26  }
0x168: {  	v12 =	vmul.f32 v12, v4;
	v14 =	vmul.f32 v14, v4;
	v26 =	vld [tilespmem:s0+$0xFFFFFFF0];
	[tilespmem:s16+$0xFFFFFFA0] =	vst v23  }
0x169: {  	v17 =	vmul.f32 v17, v4;
	v22 =	vmul.f32 v22, v4;
	v23 =	vld [tilespmem:s0+$0x0];
	[tilespmem:s16+$0xFFFFFFB0] =	vst v24  }
0x16a: {  	v4 =	vmul.f32 v25, v4;
	v24 =	vld [tilespmem:s15+$0xFFFFFFF0];
	v29 =	vperm.xlane v28, v1;
	[tilespmem:s16+$0xFFFFFFC0] =	vst v20  }
0x16b: {  	v20 =	vperm.xlane v27, v1;
	v25 =	vperm.xlane v27, v2;
	v27 =	vld [tilespmem:s15+$0x80];
	[tilespmem:s16+$0xFFFFFFD0] =	vst v21  }
0x16c: {  	v21 =	vld [tilespmem:s15+$0xFFFFFF60];
	v9 =	vadd.f32 v29, v9;
	[tilespmem:s16+$0xFFFFFFE0] =	vst v18  }
0x16d: {  	v18 =	vld [tilespmem:s15+$0xFFFFFEE0];
	v29 =	vperm.xlane v26, v1;
	v26 =	vperm.xlane v26, v2;
	[tilespmem:s16+$0x0] =	vst v19  }
0x16e: {  	v19 =	vld [tilespmem:s15+$0xFFFFFEF0];
	v30 =	vperm.xlane v23, v1;
	v31 =	vmul.f32 $2.000000030e-01, v9;
	[tilespmem:s16+$0x10] =	vst v15  }
0x16f: {  	v28 =	vperm.xlane v28, v2;
	vm0 =	vgt.f32 v9, $0.0e+00;
	v15 =	vld [tilespmem:s15+$0xFFFFFF00];
	v24 =	vadd.f32 v29, v24;
	[tilespmem:s16+$0x20] =	vst v16  }
0x170: {  	v23 =	vperm.xlane v23, v2;
	v16 =	vld [tilespmem:s15+$0xFFFFFF10];
	v27 =	vadd.f32 v30, v27;
	v9 =	vsel vm0, v9, v31;
	[tilespmem:s16+$0x30] =	vst v13  }
0x171: {  	v13 =	vadd.f32 v20, v21;
	v20 =	vld [tilespmem:s15+$0xFFFFFF20];
	v21 =	vmul.f32 $2.000000030e-01, v24;
	v9 =	vsub.f32 v9, v28;
	[tilespmem:s16+$0x40] =	vst v5  }
0x172: {  	vm0 =	vgt.f32 v24, $0.0e+00;
	v28 =	vld [tilespmem:s15+$0xFFFFFF30];
	vm1 =	vgt.f32 v27, $0.0e+00;
	v5 =	vmul.f32 $2.000000030e-01, v27;
	[tilespmem:s16+$0x50] =	vst v6  }
0x173: {  	vm2 =	vgt.f32 v13, $0.0e+00;
	v6 =	vmul.f32 $2.000000030e-01, v13;
	v29 =	vld [tilespmem:s15+$0xFFFFFF40];
	v9 =	vmul.f32 $1.442695020e+00, v9;
	[tilespmem:s16+$0x60] =	vst v7  }
0x174: {  	v7 =	vsel vm0, v24, v21;
	v30 =	vld [tilespmem:s15+$0xFFFFFF50];
	v5 =	vsel vm1, v27, v5;
	[tilespmem:s16+$0x70] =	vst v8  }
0x175: {  	v7 =	vsub.f32 v7, v26;
	v6 =	vsel vm2, v13, v6;
	v8 =	vld [tilespmem:s15+$0xFFFFFF70];
	(erf) = vpow2.f32 v9;
	[tilespmem:s16+$0x90] =	vst v10  }
0x176: {  	v5 =	vsub.f32 v5, v23;
	v6 =	vsub.f32 v6, v25;
	v9 =	vld [tilespmem:s15+$0xFFFFFF80];
	[tilespmem:s16+$0xA0] =	vst v11  }
0x177: {  	v7 =	vmul.f32 $1.442695020e+00, v7;
	v13 =	vld [tilespmem:s15+$0xFFFFFF90];
	[tilespmem:s16+$0xB0] =	vst v12  }
0x178: {  	v5 =	vmul.f32 $1.442695020e+00, v5;
	v6 =	vmul.f32 $1.442695020e+00, v6;
	v12 =	vld [tilespmem:s15+$0xFFFFFFA0];
	[tilespmem:s16+$0xC0] =	vst v14  }
0x179: {  	v14 =	vld [tilespmem:s15+$0xFFFFFFB0];
	(erf) = vpow2.f32 v7;
	[tilespmem:s16+$0xD0] =	vst v17  }
0x17a: {  	v7 =	vld [tilespmem:s15+$0x100];
	(erf) = vpow2.f32 v6;
	[tilespmem:s16+$0xE0] =	vst v22  }
0x17b: {  	v17 =	vld [tilespmem:s15+$0xFFFFFFC0];
	(erf) = vpow2.f32 v5;
	[tilespmem:s16+$0xF0] =	vst v4  }
0x17c: {  	v21 =	vld [tilespmem:s15+$0xFFFFFFD0];
	[tilespmem:s16+$0x80] =	vst v3;
	s16 =	smov.u32 s15  }
0x17d: {  	v22 =	vld [tilespmem:s15+$0xFFFFFFE0]  }
0x17e: {  	v25 =	vld [tilespmem:s15+$0x0];
	v4 =	vpop (erf)  }
0x17f: {  	v31 =	vld [tilespmem:s15+$0x10];
	[tilespmem:s15+$0x110] =	vst v4;
	v3 =	vmul.f32 v7, v4  }
0x180: {  	v32 =	vld [tilespmem:s15+$0x20]  }
0x181: {  	v33 =	vld [tilespmem:s15+$0x30];
	[tilespmem:s15+$0x100] =	vst v3  }
0x182: {  	v5 =	vld [tilespmem:s15+$0x40];
	v34 =	vpop (erf)  }
0x183: {  	[tilespmem:s15+$0xFFFFFFF0] =	vst v34;
	v10 =	vmul.f32 v34, v8;
	v8 =	vmul.f32 v34, v9;
	v6 =	vld [tilespmem:s15+$0x50];
	v11 =	vpop (erf)  }
0x184: {  	[tilespmem:s15+$0xFFFFFF60] =	vst v11;
	v18 =	vmul.f32 v11, v18;
	v19 =	vmul.f32 v11, v19;
	v7 =	vld [tilespmem:s15+$0x60];
	v3 =	vpop (erf)  }
0x185: {  	v15 =	vmul.f32 v15, v11;
	v16 =	vmul.f32 v16, v11;
	[tilespmem:s15+$0xFFFFFF70] =	vst v10;
	v9 =	vld [tilespmem:s15+$0x70]  }
0x186: {  	v28 =	vmul.f32 v28, v11;
	[tilespmem:s15+$0xFFFFFEE0] =	vst v18;
	v18 =	vmul.f32 v20, v11;
	v10 =	vld [tilespmem:s15+$0x90]  }
0x187: {  	v29 =	vmul.f32 v29, v11;
	v27 =	vmul.f32 v30, v11;
	[tilespmem:s15+$0xFFFFFEF0] =	vst v19;
	v11 =	vld [tilespmem:s15+$0xA0]  }
.Ltmp5:
0x188: {  	v26 =	vmul.f32 v13, v34;
	v23 =	vmul.f32 v12, v34;
	[tilespmem:s15+$0xFFFFFF00] =	vst v15;
	v12 =	vld [tilespmem:s15+$0xB0];
	(pc) =	sbr.rel @p1 .LBB2_25-.Ltmp5, $4  }
0x189: {  	v24 =	vmul.f32 v14, v34;
	v20 =	vmul.f32 v17, v34;
	[tilespmem:s15+$0xFFFFFF10] =	vst v16;
	v14 =	vld [tilespmem:s15+$0xC0]  }
0x18a: {  	v21 =	vmul.f32 v21, v34;
	[tilespmem:s15+$0xFFFFFF20] =	vst v18;
	v18 =	vmul.f32 v22, v34;
	v17 =	vld [tilespmem:s15+$0xD0]  }
0x18b: {  	v19 =	vmul.f32 v3, v25;
	v15 =	vmul.f32 v3, v31;
	[tilespmem:s15+$0xFFFFFF30] =	vst v28;
	v22 =	vld [tilespmem:s15+$0xE0]  }
0x18c: {  	s0 =	sadd.s32 $0x40, s0;
	v13 =	vmul.f32 v33, v3;
	v16 =	vmul.f32 v32, v3;
	[tilespmem:s15+$0xFFFFFF40] =	vst v29;
	v25 =	vld [tilespmem:s15+$0xF0]  }
0x18d: {  	[tilespmem:s15+$0xFFFFFF50] =	vst v27  }
0x18e: {  	[tilespmem:s16+$0xFFFFFF80] =	vst v8  }
0x18f: {  	[tilespmem:s16+$0xFFFFFF90] =	vst v26  }
0x190: {  	[tilespmem:s16+$0xFFFFFFA0] =	vst v23  }
0x191: {  	[tilespmem:s16+$0xFFFFFFB0] =	vst v24  }
0x192: {  	[tilespmem:s16+$0xFFFFFFC0] =	vst v20  }
0x193: {  	[tilespmem:s16+$0xFFFFFFD0] =	vst v21  }
0x194: {  	[tilespmem:s16+$0xFFFFFFE0] =	vst v18  }
0x195: {  	[tilespmem:s16+$0x0] =	vst v19  }
0x196: {  	[tilespmem:s16+$0x10] =	vst v15  }
0x197: {  	[tilespmem:s16+$0x80] =	vst v3  }
0x198: {  	v5 =	vmul.f32 v5, v3;
	[tilespmem:s16+$0x20] =	vst v16  }
0x199: {  	v6 =	vmul.f32 v6, v3;
	[tilespmem:s16+$0x30] =	vst v13  }
0x19a: {  	v7 =	vmul.f32 v7, v3;
	[tilespmem:s16+$0x40] =	vst v5  }
0x19b: {  	v5 =	vmul.f32 v9, v3;
	[tilespmem:s16+$0x50] =	vst v6  }
0x19c: {  	v6 =	vmul.f32 v4, v10;
	[tilespmem:s16+$0x60] =	vst v7  }
0x19d: {  	v7 =	vmul.f32 v4, v11;
	[tilespmem:s16+$0x70] =	vst v5  }
0x19e: {  	v5 =	vmul.f32 v12, v4;
	[tilespmem:s16+$0x90] =	vst v6  }
0x19f: {  	v6 =	vmul.f32 v14, v4;
	[tilespmem:s16+$0xA0] =	vst v7  }
0x1a0: {  	v7 =	vmul.f32 v17, v4;
	[tilespmem:s16+$0xB0] =	vst v5  }
0x1a1: {  	v5 =	vmul.f32 v22, v4;
	[tilespmem:s16+$0xC0] =	vst v6  }
0x1a2: {  	v4 =	vmul.f32 v25, v4;
	[tilespmem:s16+$0xD0] =	vst v7  }
0x1a3: {  	[tilespmem:s16+$0xE0] =	vst v5  }
0x1a4: {  	[tilespmem:s16+$0xF0] =	vst v4  }
0x1a5: {  	[spmem:s3] =	stream.indirect.scatter.add.f32 [tilespmem:s17], [sflag:$0xC], $0x90, s18, s21, $0xb8;
	[tilespmem:$0x1F770] =	vst v63  }
0x1a6: {  	s15 =	smul.u32 $0xF0, s14;
	_ =	swait.ge [sflag:s10], $0x2D00  }
0x1a7: {  	s0 =	rddreg [dreg:$0xa]  }
0x1a8: {  	s0 =	sadd.s32 s15, s0  }
0x1a9: {  	[sflag:s10] =	ssyncset.done $0x0;
	s0 =	sshrl.u32 s0, $0x3  }
0x1aa: {  	s16 =	simm.s32 $0x96A0;
	[sflag:s10] =	ssyncadd.s32 $0xFFFFD300;
	s0 =	sadd.s32 s5, s0  }
0x1ab: {  	[tilespmem:s16], [sflag:$0x8] =	stream.strided.gather [hbm4b:s0+s21], $0xA0, s22, s21, $0x38;
	[tilespmem:$0x1F770] =	vst v63  }
0x1ac: {  	_ =	swait.ge [sflag:s28], $0x2D00  }
0x1ad: {  	[sflag:s28] =	ssyncset.done $0x0  }
0x1ae: {  	[sflag:s28] =	ssyncadd.s32 $0xFFFFD300  }
0x1af: {  	_ =	swait.ge [sflag:s29], $0x500  }
0x1b0: {  	[sflag:s29] =	ssyncset.done $0x0  }
0x1b1: {  	[sflag:s29] =	ssyncadd.s32 $0xFFFFFB00  }
0x1b2: {  	_ =	swait.ge [sflag:s30], $0xA0  }
0x1b3: {  	[sflag:s30] =	ssyncset.done $0x0  }
0x1b4: {  	s26 =	simm.s32 $0x2D00;
	[sflag:s30] =	ssyncadd.s32 $0xFFFFFF60  }
0x1b5: {  	[tilespmem:s26], [sflag:$0x2] =	stream.indirect.gather [hbm4b:s7+s21], $0x90, s16, s21, $0xb8;
	[tilespmem:$0x1F770] =	vst v63  }
0x1b6: {  	s16 =	simm.s32 $0x96F0;
	s26 =	simm.s32 $0x8C00  }
0x1b7: {  	[tilespmem:s26], [sflag:$0x5] =	stream.indirect.gather [hbm4b:s1+s21], $0x10, s16, s21, $0xb8;
	[tilespmem:$0x1F770] =	vst v63  }
0x1b8: {  	s26 =	simm.s32 $0x8720  }
0x1b9: {  	v3 =	vld [tilespmem:s26+$0x10]  }
0x1ba: {  	s16 =	simm.s32 $0x120;
	v4 =	vld [tilespmem:s26+$0xFFFFFFE0]  }
0x1bb: {  	v5 =	vld [tilespmem:s16+$0x110]  }
0x1bc: {  	v6 =	vld [tilespmem:s26+$0xFFFFFFF0]  }
0x1bd: {  	v7 =	vld [tilespmem:s26+$0x0]  }
0x1be: {  	v8 =	vld [tilespmem:s16+$0xFFFFFFF0]  }
0x1bf: {  	v10 =	vld [tilespmem:s16+$0x80];
	v9 =	vperm.xlane v3, v1  }
0x1c0: {  	v11 =	vld [tilespmem:s16+$0xFFFFFF60]  }
0x1c1: {  	v13 =	vld [tilespmem:s16+$0xFFFFFEF0];
	v5 =	vadd.f32 v9, v5  }
0x1c2: {  	v16 =	vld [tilespmem:s16+$0xFFFFFF00];
	v12 =	vperm.xlane v6, v1  }
0x1c3: {  	v17 =	vld [tilespmem:s16+$0xFFFFFF30];
	v14 =	vperm.xlane v4, v1;
	v15 =	vmul.f32 $2.000000030e-01, v5  }
0x1c4: {  	v18 =	vld [tilespmem:s16+$0xFFFFFF40];
	v3 =	vperm.xlane v3, v2;
	v8 =	vadd.f32 v12, v8;
	vm0 =	vgt.f32 v5, $0.0e+00  }
0x1c5: {  	v19 =	vld [tilespmem:s16+$0xFFFFFF50];
	v11 =	vadd.f32 v14, v11;
	v5 =	vsel vm0, v5, v15  }
0x1c6: {  	v20 =	vld [tilespmem:s16+$0xFFFFFFA0];
	v4 =	vperm.xlane v4, v2;
	v15 =	vmul.f32 $2.000000030e-01, v8;
	v3 =	vsub.f32 v5, v3  }
0x1c7: {  	v21 =	vld [tilespmem:s16+$0xFFFFFFB0];
	vm14 =	vgt.f32 v8, $0.0e+00;
	v5 =	vperm.xlane v6, v2;
	v6 =	vmul.f32 $2.000000030e-01, v11  }
0x1c8: {  	v22 =	vld [tilespmem:s16+$0xFFFFFFC0];
	vm1 =	vgt.f32 v11, $0.0e+00;
	v8 =	vsel vm14, v8, v15;
	v3 =	vmul.f32 $1.442695020e+00, v3  }
0x1c9: {  	v25 =	vld [tilespmem:s16+$0xFFFFFFD0];
	v6 =	vsel vm1, v11, v6;
	v5 =	vsub.f32 v8, v5  }
0x1ca: {  	v28 =	vld [tilespmem:s16+$0xFFFFFFE0];
	v11 =	vperm.xlane v7, v1;
	(erf) = vpow2.f32 v3;
	v3 =	vsub.f32 v6, v4  }
0x1cb: {  	v29 =	vld [tilespmem:s16+$0x0];
	v4 =	vmul.f32 $1.442695020e+00, v5  }
0x1cc: {  	v30 =	vld [tilespmem:s16+$0x10];
	v5 =	vadd.f32 v11, v10;
	v3 =	vmul.f32 $1.442695020e+00, v3  }
0x1cd: {  	v31 =	vld [tilespmem:s16+$0x20];
	(erf) = vpow2.f32 v4  }
0x1ce: {  	v32 =	vld [tilespmem:s16+$0x30];
	v4 =	vmul.f32 $2.000000030e-01, v5;
	(erf) = vpow2.f32 v3  }
0x1cf: {  	v10 =	vld [tilespmem:s16+$0x100];
	vm15 =	vgt.f32 v5, $0.0e+00;
	v3 =	vperm.xlane v7, v2  }
0x1d0: {  	v9 =	vld [tilespmem:s16+$0xFFFFFEE0];
	v4 =	vsel vm15, v5, v4  }
0x1d1: {  	v8 =	vld [tilespmem:s16+$0xFFFFFF70];
	v3 =	vsub.f32 v4, v3  }
0x1d2: {  	v6 =	vld [tilespmem:s16+$0xFFFFFF80]  }
0x1d3: {  	v12 =	vld [tilespmem:s16+$0xFFFFFF10];
	v3 =	vmul.f32 $1.442695020e+00, v3;
	v4 =	vpop (erf)  }
0x1d4: {  	v14 =	vld [tilespmem:s16+$0xFFFFFF20];
	v5 =	vmul.f32 v10, v4  }
0x1d5: {  	v15 =	vld [tilespmem:s16+$0xFFFFFF90];
	(erf) = vpow2.f32 v3;
	[tilespmem:s16+$0x110] =	vst v4  }
0x1d6: {  	v7 =	vld [tilespmem:s16+$0x60];
	v33 =	vpop (erf);
	[tilespmem:s16+$0x100] =	vst v5  }
0x1d7: {  	v5 =	vld [tilespmem:s16+$0x40];
	[tilespmem:s16+$0xFFFFFFF0] =	vst v33;
	v3 =	vmul.f32 v33, v8;
	v8 =	vmul.f32 v33, v6;
	v11 =	vpop (erf)  }
0x1d8: {  	v6 =	vld [tilespmem:s16+$0x50];
	v23 =	vmul.f32 v20, v33;
	[tilespmem:s16+$0xFFFFFF60] =	vst v11;
	v10 =	vmul.f32 v11, v9  }
0x1d9: {  	v20 =	vmul.f32 v22, v33;
	v22 =	vld [tilespmem:s16+$0xE0];
	v13 =	vmul.f32 v11, v13;
	[tilespmem:s16+$0xFFFFFF70] =	vst v3  }
0x1da: {  	v26 =	vmul.f32 v15, v33;
	v16 =	vmul.f32 v16, v11;
	v9 =	vld [tilespmem:s16+$0x70];
	[tilespmem:s16+$0xFFFFFEE0] =	vst v10  }
0x1db: {  	v24 =	vmul.f32 v12, v11;
	v34 =	vmul.f32 v14, v11;
	v12 =	vld [tilespmem:s16+$0xB0];
	[tilespmem:s16+$0xFFFFFEF0] =	vst v13  }
0x1dc: {  	v35 =	vmul.f32 v17, v11;
	v27 =	vmul.f32 v19, v11;
	v14 =	vld [tilespmem:s16+$0xC0];
	[tilespmem:s16+$0xFFFFFF00] =	vst v16  }
0x1dd: {  	v10 =	vld [tilespmem:s16+$0x90];
	v13 =	vmul.f32 v18, v11;
	[tilespmem:s16+$0xFFFFFF10] =	vst v24;
	v24 =	vmul.f32 v21, v33  }
0x1de: {  	v11 =	vld [tilespmem:s16+$0xA0];
	[tilespmem:s16+$0xFFFFFF20] =	vst v34;
	v21 =	vmul.f32 v25, v33;
	v18 =	vmul.f32 v28, v33;
	v3 =	vpop (erf)  }
0x1df: {  	v17 =	vld [tilespmem:s16+$0xD0];
	[tilespmem:s16+$0xFFFFFF30] =	vst v35;
	v19 =	vmul.f32 v3, v29;
	v15 =	vmul.f32 v3, v30  }
0x1e0: {  	s31 =	simm.s32 $0x0;
	s0 =	simm.s32 $0x8760;
	s26 =	simm.s32 $0x120;
	v25 =	vld [tilespmem:s16+$0xF0];
	[tilespmem:s16+$0xFFFFFF40] =	vst v13;
	v16 =	vmul.f32 v31, v3;
	v13 =	vmul.f32 v32, v3  }
.LBB2_27:
0x1e1: {  	v28 =	vld [tilespmem:s0+$0x10];
	s31 =	sadd.s32 $0x4, s31;
	[tilespmem:s16+$0xFFFFFF50] =	vst v27;
	v5 =	vmul.f32 v5, v3;
	v6 =	vmul.f32 v6, v3  }
0x1e2: {  	v7 =	vmul.f32 v7, v3;
	s16 =	sadd.s32 $0x240, s16;
	v27 =	vld [tilespmem:s0+$0xFFFFFFE0];
	p1 =	slt.u32 s31, $0x4C;
	[tilespmem:s26+$0xFFFFFF80] =	vst v8;
	v8 =	vmul.f32 v9, v3  }
0x1e3: {  	v10 =	vmul.f32 v4, v10;
	v11 =	vmul.f32 v4, v11;
	v9 =	vld [tilespmem:s16+$0x110];
	[tilespmem:s26+$0xFFFFFF90] =	vst v26  }
0x1e4: {  	v12 =	vmul.f32 v12, v4;
	v14 =	vmul.f32 v14, v4;
	v26 =	vld [tilespmem:s0+$0xFFFFFFF0];
	[tilespmem:s26+$0xFFFFFFA0] =	vst v23  }
0x1e5: {  	v17 =	vmul.f32 v17, v4;
	v22 =	vmul.f32 v22, v4;
	v23 =	vld [tilespmem:s0+$0x0];
	[tilespmem:s26+$0xFFFFFFB0] =	vst v24  }
0x1e6: {  	v4 =	vmul.f32 v25, v4;
	v24 =	vld [tilespmem:s16+$0xFFFFFFF0];
	v29 =	vperm.xlane v28, v1;
	[tilespmem:s26+$0xFFFFFFC0] =	vst v20  }
0x1e7: {  	v20 =	vperm.xlane v27, v1;
	v25 =	vperm.xlane v27, v2;
	v27 =	vld [tilespmem:s16+$0x80];
	[tilespmem:s26+$0xFFFFFFD0] =	vst v21  }
0x1e8: {  	v21 =	vld [tilespmem:s16+$0xFFFFFF60];
	v9 =	vadd.f32 v29, v9;
	[tilespmem:s26+$0xFFFFFFE0] =	vst v18  }
0x1e9: {  	v18 =	vld [tilespmem:s16+$0xFFFFFEE0];
	v29 =	vperm.xlane v26, v1;
	v26 =	vperm.xlane v26, v2;
	[tilespmem:s26+$0x0] =	vst v19  }
0x1ea: {  	v19 =	vld [tilespmem:s16+$0xFFFFFEF0];
	v30 =	vperm.xlane v23, v1;
	v31 =	vmul.f32 $2.000000030e-01, v9;
	[tilespmem:s26+$0x10] =	vst v15  }
0x1eb: {  	v28 =	vperm.xlane v28, v2;
	vm0 =	vgt.f32 v9, $0.0e+00;
	v15 =	vld [tilespmem:s16+$0xFFFFFF00];
	v24 =	vadd.f32 v29, v24;
	[tilespmem:s26+$0x20] =	vst v16  }
0x1ec: {  	v23 =	vperm.xlane v23, v2;
	v16 =	vld [tilespmem:s16+$0xFFFFFF10];
	v27 =	vadd.f32 v30, v27;
	v9 =	vsel vm0, v9, v31;
	[tilespmem:s26+$0x30] =	vst v13  }
0x1ed: {  	v13 =	vadd.f32 v20, v21;
	v20 =	vld [tilespmem:s16+$0xFFFFFF20];
	v21 =	vmul.f32 $2.000000030e-01, v24;
	v9 =	vsub.f32 v9, v28;
	[tilespmem:s26+$0x40] =	vst v5  }
0x1ee: {  	vm0 =	vgt.f32 v24, $0.0e+00;
	v28 =	vld [tilespmem:s16+$0xFFFFFF30];
	vm1 =	vgt.f32 v27, $0.0e+00;
	v5 =	vmul.f32 $2.000000030e-01, v27;
	[tilespmem:s26+$0x50] =	vst v6  }
0x1ef: {  	vm2 =	vgt.f32 v13, $0.0e+00;
	v6 =	vmul.f32 $2.000000030e-01, v13;
	v29 =	vld [tilespmem:s16+$0xFFFFFF40];
	v9 =	vmul.f32 $1.442695020e+00, v9;
	[tilespmem:s26+$0x60] =	vst v7  }
0x1f0: {  	v7 =	vsel vm0, v24, v21;
	v30 =	vld [tilespmem:s16+$0xFFFFFF50];
	v5 =	vsel vm1, v27, v5;
	[tilespmem:s26+$0x70] =	vst v8  }
0x1f1: {  	v7 =	vsub.f32 v7, v26;
	v6 =	vsel vm2, v13, v6;
	v8 =	vld [tilespmem:s16+$0xFFFFFF70];
	(erf) = vpow2.f32 v9;
	[tilespmem:s26+$0x90] =	vst v10  }
0x1f2: {  	v5 =	vsub.f32 v5, v23;
	v6 =	vsub.f32 v6, v25;
	v9 =	vld [tilespmem:s16+$0xFFFFFF80];
	[tilespmem:s26+$0xA0] =	vst v11  }
0x1f3: {  	v7 =	vmul.f32 $1.442695020e+00, v7;
	v13 =	vld [tilespmem:s16+$0xFFFFFF90];
	[tilespmem:s26+$0xB0] =	vst v12  }
0x1f4: {  	v5 =	vmul.f32 $1.442695020e+00, v5;
	v6 =	vmul.f32 $1.442695020e+00, v6;
	v12 =	vld [tilespmem:s16+$0xFFFFFFA0];
	[tilespmem:s26+$0xC0] =	vst v14  }
0x1f5: {  	v14 =	vld [tilespmem:s16+$0xFFFFFFB0];
	(erf) = vpow2.f32 v7;
	[tilespmem:s26+$0xD0] =	vst v17  }
0x1f6: {  	v7 =	vld [tilespmem:s16+$0x100];
	(erf) = vpow2.f32 v6;
	[tilespmem:s26+$0xE0] =	vst v22  }
0x1f7: {  	v17 =	vld [tilespmem:s16+$0xFFFFFFC0];
	(erf) = vpow2.f32 v5;
	[tilespmem:s26+$0xF0] =	vst v4  }
0x1f8: {  	v21 =	vld [tilespmem:s16+$0xFFFFFFD0];
	[tilespmem:s26+$0x80] =	vst v3;
	s26 =	smov.u32 s16  }
0x1f9: {  	v22 =	vld [tilespmem:s16+$0xFFFFFFE0]  }
0x1fa: {  	v25 =	vld [tilespmem:s16+$0x0];
	v4 =	vpop (erf)  }
0x1fb: {  	v31 =	vld [tilespmem:s16+$0x10];
	[tilespmem:s16+$0x110] =	vst v4;
	v3 =	vmul.f32 v7, v4  }
0x1fc: {  	v32 =	vld [tilespmem:s16+$0x20]  }
0x1fd: {  	v33 =	vld [tilespmem:s16+$0x30];
	[tilespmem:s16+$0x100] =	vst v3  }
0x1fe: {  	v5 =	vld [tilespmem:s16+$0x40];
	v34 =	vpop (erf)  }
0x1ff: {  	[tilespmem:s16+$0xFFFFFFF0] =	vst v34;
	v10 =	vmul.f32 v34, v8;
	v8 =	vmul.f32 v34, v9;
	v6 =	vld [tilespmem:s16+$0x50];
	v11 =	vpop (erf)  }
0x200: {  	[tilespmem:s16+$0xFFFFFF60] =	vst v11;
	v18 =	vmul.f32 v11, v18;
	v19 =	vmul.f32 v11, v19;
	v7 =	vld [tilespmem:s16+$0x60];
	v3 =	vpop (erf)  }
0x201: {  	v15 =	vmul.f32 v15, v11;
	v16 =	vmul.f32 v16, v11;
	[tilespmem:s16+$0xFFFFFF70] =	vst v10;
	v9 =	vld [tilespmem:s16+$0x70]  }
0x202: {  	v28 =	vmul.f32 v28, v11;
	[tilespmem:s16+$0xFFFFFEE0] =	vst v18;
	v18 =	vmul.f32 v20, v11;
	v10 =	vld [tilespmem:s16+$0x90]  }
0x203: {  	v29 =	vmul.f32 v29, v11;
	v27 =	vmul.f32 v30, v11;
	[tilespmem:s16+$0xFFFFFEF0] =	vst v19;
	v11 =	vld [tilespmem:s16+$0xA0]  }
.Ltmp6:
0x204: {  	v26 =	vmul.f32 v13, v34;
	v23 =	vmul.f32 v12, v34;
	[tilespmem:s16+$0xFFFFFF00] =	vst v15;
	v12 =	vld [tilespmem:s16+$0xB0];
	(pc) =	sbr.rel @p1 .LBB2_27-.Ltmp6, $4  }
0x205: {  	v24 =	vmul.f32 v14, v34;
	v20 =	vmul.f32 v17, v34;
	[tilespmem:s16+$0xFFFFFF10] =	vst v16;
	v14 =	vld [tilespmem:s16+$0xC0]  }
0x206: {  	v21 =	vmul.f32 v21, v34;
	[tilespmem:s16+$0xFFFFFF20] =	vst v18;
	v18 =	vmul.f32 v22, v34;
	v17 =	vld [tilespmem:s16+$0xD0]  }
0x207: {  	v19 =	vmul.f32 v3, v25;
	v15 =	vmul.f32 v3, v31;
	[tilespmem:s16+$0xFFFFFF30] =	vst v28;
	v22 =	vld [tilespmem:s16+$0xE0]  }
0x208: {  	s0 =	sadd.s32 $0x40, s0;
	v13 =	vmul.f32 v33, v3;
	v16 =	vmul.f32 v32, v3;
	[tilespmem:s16+$0xFFFFFF40] =	vst v29;
	v25 =	vld [tilespmem:s16+$0xF0]  }
0x209: {  	[tilespmem:s16+$0xFFFFFF50] =	vst v27  }
0x20a: {  	[tilespmem:s26+$0xFFFFFF80] =	vst v8  }
0x20b: {  	[tilespmem:s26+$0xFFFFFF90] =	vst v26  }
0x20c: {  	[tilespmem:s26+$0xFFFFFFA0] =	vst v23  }
0x20d: {  	[tilespmem:s26+$0xFFFFFFB0] =	vst v24  }
0x20e: {  	[tilespmem:s26+$0xFFFFFFC0] =	vst v20  }
0x20f: {  	[tilespmem:s26+$0xFFFFFFD0] =	vst v21  }
0x210: {  	[tilespmem:s26+$0xFFFFFFE0] =	vst v18  }
0x211: {  	[tilespmem:s26+$0x0] =	vst v19  }
0x212: {  	[tilespmem:s26+$0x10] =	vst v15  }
0x213: {  	[tilespmem:s26+$0x80] =	vst v3  }
0x214: {  	v5 =	vmul.f32 v5, v3;
	[tilespmem:s26+$0x20] =	vst v16  }
0x215: {  	v6 =	vmul.f32 v6, v3;
	[tilespmem:s26+$0x30] =	vst v13  }
0x216: {  	v7 =	vmul.f32 v7, v3;
	[tilespmem:s26+$0x40] =	vst v5  }
0x217: {  	v5 =	vmul.f32 v9, v3;
	[tilespmem:s26+$0x50] =	vst v6  }
0x218: {  	v6 =	vmul.f32 v4, v10;
	[tilespmem:s26+$0x60] =	vst v7  }
0x219: {  	v7 =	vmul.f32 v4, v11;
	[tilespmem:s26+$0x70] =	vst v5  }
0x21a: {  	v5 =	vmul.f32 v12, v4;
	[tilespmem:s26+$0x90] =	vst v6  }
0x21b: {  	v6 =	vmul.f32 v14, v4;
	[tilespmem:s26+$0xA0] =	vst v7  }
0x21c: {  	v7 =	vmul.f32 v17, v4;
	[tilespmem:s26+$0xB0] =	vst v5  }
0x21d: {  	v5 =	vmul.f32 v22, v4;
	[tilespmem:s26+$0xC0] =	vst v6  }
0x21e: {  	v4 =	vmul.f32 v25, v4;
	[tilespmem:s26+$0xD0] =	vst v7  }
0x21f: {  	[tilespmem:s26+$0xE0] =	vst v5  }
0x220: {  	[tilespmem:s26+$0xF0] =	vst v4  }
0x221: {  	[spmem:s3] =	stream.indirect.scatter.add.f32 [tilespmem:s4], [sflag:$0xA], $0x90, s24, s21, $0xb8;
	[tilespmem:$0x1F770] =	vst v63  }
0x222: {  	_ =	swait.ge [sflag:s25], $0x2D00  }
0x223: {  	s0 =	rddreg [dreg:$0xb]  }
0x224: {  	s0 =	sadd.s32 s15, s0  }
0x225: {  	[sflag:s25] =	ssyncset.done $0x0;
	s0 =	sshrl.u32 s0, $0x3  }
0x226: {  	[sflag:s25] =	ssyncadd.s32 $0xFFFFD300;
	s0 =	sadd.s32 s5, s0  }
0x227: {  	[tilespmem:s8], [sflag:$0x9] =	stream.strided.gather [hbm4b:s0+s21], $0xA0, s22, s21, $0x38;
	[tilespmem:$0x1F770] =	vst v63  }
0x228: {  	_ =	swait.ge [sflag:s11], $0x2D00  }
0x229: {  	[sflag:s11] =	ssyncset.done $0x0  }
0x22a: {  	[sflag:s11] =	ssyncadd.s32 $0xFFFFD300  }
0x22b: {  	_ =	swait.ge [sflag:s12], $0x500  }
0x22c: {  	[sflag:s12] =	ssyncset.done $0x0  }
0x22d: {  	[sflag:s12] =	ssyncadd.s32 $0xFFFFFB00  }
0x22e: {  	_ =	swait.ge [sflag:s13], $0xA0  }
0x22f: {  	[sflag:s13] =	ssyncset.done $0x0  }
0x230: {  	[sflag:s13] =	ssyncadd.s32 $0xFFFFFF60  }
0x231: {  	[tilespmem:s17], [sflag:$0x3] =	stream.indirect.gather [hbm4b:s7+s21], $0x90, s8, s21, $0xb8;
	[tilespmem:$0x1F770] =	vst v63  }
0x232: {  	s16 =	simm.s32 $0x9100;
	s26 =	simm.s32 $0x8C20  }
0x233: {  	[tilespmem:s16], [sflag:$0x6] =	stream.indirect.gather [hbm4b:s1+s21], $0x10, s18, s21, $0xb8;
	[tilespmem:$0x1F770] =	vst v63  }
0x234: {  	v3 =	vld [tilespmem:s26+$0x10]  }
0x235: {  	s16 =	simm.s32 $0x2E20;
	v4 =	vld [tilespmem:s26+$0xFFFFFFE0]  }
0x236: {  	v5 =	vld [tilespmem:s16+$0x110]  }
0x237: {  	v6 =	vld [tilespmem:s26+$0xFFFFFFF0]  }
0x238: {  	v7 =	vld [tilespmem:s26+$0x0]  }
0x239: {  	v8 =	vld [tilespmem:s16+$0xFFFFFFF0]  }
0x23a: {  	v10 =	vld [tilespmem:s16+$0x80];
	v9 =	vperm.xlane v3, v1  }
0x23b: {  	v11 =	vld [tilespmem:s16+$0xFFFFFF60]  }
0x23c: {  	v13 =	vld [tilespmem:s16+$0xFFFFFEF0];
	v5 =	vadd.f32 v9, v5  }
0x23d: {  	v16 =	vld [tilespmem:s16+$0xFFFFFF00];
	v12 =	vperm.xlane v6, v1  }
0x23e: {  	v17 =	vld [tilespmem:s16+$0xFFFFFF30];
	v14 =	vperm.xlane v4, v1;
	v15 =	vmul.f32 $2.000000030e-01, v5  }
0x23f: {  	v18 =	vld [tilespmem:s16+$0xFFFFFF40];
	v3 =	vperm.xlane v3, v2;
	v8 =	vadd.f32 v12, v8;
	vm0 =	vgt.f32 v5, $0.0e+00  }
0x240: {  	v19 =	vld [tilespmem:s16+$0xFFFFFF50];
	v11 =	vadd.f32 v14, v11;
	v5 =	vsel vm0, v5, v15  }
0x241: {  	v20 =	vld [tilespmem:s16+$0xFFFFFFA0];
	v4 =	vperm.xlane v4, v2;
	v15 =	vmul.f32 $2.000000030e-01, v8;
	v3 =	vsub.f32 v5, v3  }
0x242: {  	v21 =	vld [tilespmem:s16+$0xFFFFFFB0];
	vm14 =	vgt.f32 v8, $0.0e+00;
	v5 =	vperm.xlane v6, v2;
	v6 =	vmul.f32 $2.000000030e-01, v11  }
0x243: {  	v22 =	vld [tilespmem:s16+$0xFFFFFFC0];
	vm1 =	vgt.f32 v11, $0.0e+00;
	v8 =	vsel vm14, v8, v15;
	v3 =	vmul.f32 $1.442695020e+00, v3  }
0x244: {  	v25 =	vld [tilespmem:s16+$0xFFFFFFD0];
	v6 =	vsel vm1, v11, v6;
	v5 =	vsub.f32 v8, v5  }
0x245: {  	v28 =	vld [tilespmem:s16+$0xFFFFFFE0];
	v11 =	vperm.xlane v7, v1;
	(erf) = vpow2.f32 v3;
	v3 =	vsub.f32 v6, v4  }
0x246: {  	v29 =	vld [tilespmem:s16+$0x0];
	v4 =	vmul.f32 $1.442695020e+00, v5  }
0x247: {  	v30 =	vld [tilespmem:s16+$0x10];
	v5 =	vadd.f32 v11, v10;
	v3 =	vmul.f32 $1.442695020e+00, v3  }
0x248: {  	v31 =	vld [tilespmem:s16+$0x20];
	(erf) = vpow2.f32 v4  }
0x249: {  	v32 =	vld [tilespmem:s16+$0x30];
	v4 =	vmul.f32 $2.000000030e-01, v5;
	(erf) = vpow2.f32 v3  }
0x24a: {  	v10 =	vld [tilespmem:s16+$0x100];
	vm15 =	vgt.f32 v5, $0.0e+00;
	v3 =	vperm.xlane v7, v2  }
0x24b: {  	v9 =	vld [tilespmem:s16+$0xFFFFFEE0];
	v4 =	vsel vm15, v5, v4  }
0x24c: {  	v8 =	vld [tilespmem:s16+$0xFFFFFF70];
	v3 =	vsub.f32 v4, v3  }
0x24d: {  	v6 =	vld [tilespmem:s16+$0xFFFFFF80]  }
0x24e: {  	v12 =	vld [tilespmem:s16+$0xFFFFFF10];
	v3 =	vmul.f32 $1.442695020e+00, v3;
	v4 =	vpop (erf)  }
0x24f: {  	v14 =	vld [tilespmem:s16+$0xFFFFFF20];
	v5 =	vmul.f32 v10, v4  }
0x250: {  	v15 =	vld [tilespmem:s16+$0xFFFFFF90];
	(erf) = vpow2.f32 v3;
	[tilespmem:s16+$0x110] =	vst v4  }
0x251: {  	v7 =	vld [tilespmem:s16+$0x60];
	v33 =	vpop (erf);
	[tilespmem:s16+$0x100] =	vst v5  }
0x252: {  	v5 =	vld [tilespmem:s16+$0x40];
	[tilespmem:s16+$0xFFFFFFF0] =	vst v33;
	v3 =	vmul.f32 v33, v8;
	v8 =	vmul.f32 v33, v6;
	v11 =	vpop (erf)  }
0x253: {  	v6 =	vld [tilespmem:s16+$0x50];
	v23 =	vmul.f32 v20, v33;
	[tilespmem:s16+$0xFFFFFF60] =	vst v11;
	v10 =	vmul.f32 v11, v9  }
0x254: {  	v20 =	vmul.f32 v22, v33;
	v22 =	vld [tilespmem:s16+$0xE0];
	v13 =	vmul.f32 v11, v13;
	[tilespmem:s16+$0xFFFFFF70] =	vst v3  }
0x255: {  	v26 =	vmul.f32 v15, v33;
	v16 =	vmul.f32 v16, v11;
	v9 =	vld [tilespmem:s16+$0x70];
	[tilespmem:s16+$0xFFFFFEE0] =	vst v10  }
0x256: {  	v24 =	vmul.f32 v12, v11;
	v34 =	vmul.f32 v14, v11;
	v12 =	vld [tilespmem:s16+$0xB0];
	[tilespmem:s16+$0xFFFFFEF0] =	vst v13  }
0x257: {  	v35 =	vmul.f32 v17, v11;
	v27 =	vmul.f32 v19, v11;
	v14 =	vld [tilespmem:s16+$0xC0];
	[tilespmem:s16+$0xFFFFFF00] =	vst v16  }
0x258: {  	v10 =	vld [tilespmem:s16+$0x90];
	v13 =	vmul.f32 v18, v11;
	[tilespmem:s16+$0xFFFFFF10] =	vst v24;
	v24 =	vmul.f32 v21, v33  }
0x259: {  	v11 =	vld [tilespmem:s16+$0xA0];
	[tilespmem:s16+$0xFFFFFF20] =	vst v34;
	v21 =	vmul.f32 v25, v33;
	v18 =	vmul.f32 v28, v33;
	v3 =	vpop (erf)  }
0x25a: {  	v17 =	vld [tilespmem:s16+$0xD0];
	[tilespmem:s16+$0xFFFFFF30] =	vst v35;
	v19 =	vmul.f32 v3, v29;
	v15 =	vmul.f32 v3, v30  }
0x25b: {  	s31 =	simm.s32 $0x0;
	s0 =	simm.s32 $0x8C60;
	s26 =	simm.s32 $0x2E20;
	v25 =	vld [tilespmem:s16+$0xF0];
	[tilespmem:s16+$0xFFFFFF40] =	vst v13;
	v16 =	vmul.f32 v31, v3;
	v13 =	vmul.f32 v32, v3  }
.LBB2_29:
0x25c: {  	v28 =	vld [tilespmem:s0+$0x10];
	s31 =	sadd.s32 $0x4, s31;
	[tilespmem:s16+$0xFFFFFF50] =	vst v27;
	v5 =	vmul.f32 v5, v3;
	v6 =	vmul.f32 v6, v3  }
0x25d: {  	v7 =	vmul.f32 v7, v3;
	s16 =	sadd.s32 $0x240, s16;
	v27 =	vld [tilespmem:s0+$0xFFFFFFE0];
	p1 =	slt.u32 s31, $0x4C;
	[tilespmem:s26+$0xFFFFFF80] =	vst v8;
	v8 =	vmul.f32 v9, v3  }
0x25e: {  	v10 =	vmul.f32 v4, v10;
	v11 =	vmul.f32 v4, v11;
	v9 =	vld [tilespmem:s16+$0x110];
	[tilespmem:s26+$0xFFFFFF90] =	vst v26  }
0x25f: {  	v12 =	vmul.f32 v12, v4;
	v14 =	vmul.f32 v14, v4;
	v26 =	vld [tilespmem:s0+$0xFFFFFFF0];
	[tilespmem:s26+$0xFFFFFFA0] =	vst v23  }
0x260: {  	v17 =	vmul.f32 v17, v4;
	v22 =	vmul.f32 v22, v4;
	v23 =	vld [tilespmem:s0+$0x0];
	[tilespmem:s26+$0xFFFFFFB0] =	vst v24  }
0x261: {  	v4 =	vmul.f32 v25, v4;
	v24 =	vld [tilespmem:s16+$0xFFFFFFF0];
	v29 =	vperm.xlane v28, v1;
	[tilespmem:s26+$0xFFFFFFC0] =	vst v20  }
0x262: {  	v20 =	vperm.xlane v27, v1;
	v25 =	vperm.xlane v27, v2;
	v27 =	vld [tilespmem:s16+$0x80];
	[tilespmem:s26+$0xFFFFFFD0] =	vst v21  }
0x263: {  	v21 =	vld [tilespmem:s16+$0xFFFFFF60];
	v9 =	vadd.f32 v29, v9;
	[tilespmem:s26+$0xFFFFFFE0] =	vst v18  }
0x264: {  	v18 =	vld [tilespmem:s16+$0xFFFFFEE0];
	v29 =	vperm.xlane v26, v1;
	v26 =	vperm.xlane v26, v2;
	[tilespmem:s26+$0x0] =	vst v19  }
0x265: {  	v19 =	vld [tilespmem:s16+$0xFFFFFEF0];
	v30 =	vperm.xlane v23, v1;
	v31 =	vmul.f32 $2.000000030e-01, v9;
	[tilespmem:s26+$0x10] =	vst v15  }
0x266: {  	v28 =	vperm.xlane v28, v2;
	vm0 =	vgt.f32 v9, $0.0e+00;
	v15 =	vld [tilespmem:s16+$0xFFFFFF00];
	v24 =	vadd.f32 v29, v24;
	[tilespmem:s26+$0x20] =	vst v16  }
0x267: {  	v23 =	vperm.xlane v23, v2;
	v16 =	vld [tilespmem:s16+$0xFFFFFF10];
	v27 =	vadd.f32 v30, v27;
	v9 =	vsel vm0, v9, v31;
	[tilespmem:s26+$0x30] =	vst v13  }
0x268: {  	v13 =	vadd.f32 v20, v21;
	v20 =	vld [tilespmem:s16+$0xFFFFFF20];
	v21 =	vmul.f32 $2.000000030e-01, v24;
	v9 =	vsub.f32 v9, v28;
	[tilespmem:s26+$0x40] =	vst v5  }
0x269: {  	vm0 =	vgt.f32 v24, $0.0e+00;
	v28 =	vld [tilespmem:s16+$0xFFFFFF30];
	vm1 =	vgt.f32 v27, $0.0e+00;
	v5 =	vmul.f32 $2.000000030e-01, v27;
	[tilespmem:s26+$0x50] =	vst v6  }
0x26a: {  	vm2 =	vgt.f32 v13, $0.0e+00;
	v6 =	vmul.f32 $2.000000030e-01, v13;
	v29 =	vld [tilespmem:s16+$0xFFFFFF40];
	v9 =	vmul.f32 $1.442695020e+00, v9;
	[tilespmem:s26+$0x60] =	vst v7  }
0x26b: {  	v7 =	vsel vm0, v24, v21;
	v30 =	vld [tilespmem:s16+$0xFFFFFF50];
	v5 =	vsel vm1, v27, v5;
	[tilespmem:s26+$0x70] =	vst v8  }
0x26c: {  	v7 =	vsub.f32 v7, v26;
	v6 =	vsel vm2, v13, v6;
	v8 =	vld [tilespmem:s16+$0xFFFFFF70];
	(erf) = vpow2.f32 v9;
	[tilespmem:s26+$0x90] =	vst v10  }
0x26d: {  	v5 =	vsub.f32 v5, v23;
	v6 =	vsub.f32 v6, v25;
	v9 =	vld [tilespmem:s16+$0xFFFFFF80];
	[tilespmem:s26+$0xA0] =	vst v11  }
0x26e: {  	v7 =	vmul.f32 $1.442695020e+00, v7;
	v13 =	vld [tilespmem:s16+$0xFFFFFF90];
	[tilespmem:s26+$0xB0] =	vst v12  }
0x26f: {  	v5 =	vmul.f32 $1.442695020e+00, v5;
	v6 =	vmul.f32 $1.442695020e+00, v6;
	v12 =	vld [tilespmem:s16+$0xFFFFFFA0];
	[tilespmem:s26+$0xC0] =	vst v14  }
0x270: {  	v14 =	vld [tilespmem:s16+$0xFFFFFFB0];
	(erf) = vpow2.f32 v7;
	[tilespmem:s26+$0xD0] =	vst v17  }
0x271: {  	v7 =	vld [tilespmem:s16+$0x100];
	(erf) = vpow2.f32 v6;
	[tilespmem:s26+$0xE0] =	vst v22  }
0x272: {  	v17 =	vld [tilespmem:s16+$0xFFFFFFC0];
	(erf) = vpow2.f32 v5;
	[tilespmem:s26+$0xF0] =	vst v4  }
0x273: {  	v21 =	vld [tilespmem:s16+$0xFFFFFFD0];
	[tilespmem:s26+$0x80] =	vst v3;
	s26 =	smov.u32 s16  }
0x274: {  	v22 =	vld [tilespmem:s16+$0xFFFFFFE0]  }
0x275: {  	v25 =	vld [tilespmem:s16+$0x0];
	v4 =	vpop (erf)  }
0x276: {  	v31 =	vld [tilespmem:s16+$0x10];
	[tilespmem:s16+$0x110] =	vst v4;
	v3 =	vmul.f32 v7, v4  }
0x277: {  	v32 =	vld [tilespmem:s16+$0x20]  }
0x278: {  	v33 =	vld [tilespmem:s16+$0x30];
	[tilespmem:s16+$0x100] =	vst v3  }
0x279: {  	v5 =	vld [tilespmem:s16+$0x40];
	v34 =	vpop (erf)  }
0x27a: {  	[tilespmem:s16+$0xFFFFFFF0] =	vst v34;
	v10 =	vmul.f32 v34, v8;
	v8 =	vmul.f32 v34, v9;
	v6 =	vld [tilespmem:s16+$0x50];
	v11 =	vpop (erf)  }
0x27b: {  	[tilespmem:s16+$0xFFFFFF60] =	vst v11;
	v18 =	vmul.f32 v11, v18;
	v19 =	vmul.f32 v11, v19;
	v7 =	vld [tilespmem:s16+$0x60];
	v3 =	vpop (erf)  }
0x27c: {  	v15 =	vmul.f32 v15, v11;
	v16 =	vmul.f32 v16, v11;
	[tilespmem:s16+$0xFFFFFF70] =	vst v10;
	v9 =	vld [tilespmem:s16+$0x70]  }
0x27d: {  	v28 =	vmul.f32 v28, v11;
	[tilespmem:s16+$0xFFFFFEE0] =	vst v18;
	v18 =	vmul.f32 v20, v11;
	v10 =	vld [tilespmem:s16+$0x90]  }
0x27e: {  	v29 =	vmul.f32 v29, v11;
	v27 =	vmul.f32 v30, v11;
	[tilespmem:s16+$0xFFFFFEF0] =	vst v19;
	v11 =	vld [tilespmem:s16+$0xA0]  }
.Ltmp7:
0x27f: {  	v26 =	vmul.f32 v13, v34;
	v23 =	vmul.f32 v12, v34;
	[tilespmem:s16+$0xFFFFFF00] =	vst v15;
	v12 =	vld [tilespmem:s16+$0xB0];
	(pc) =	sbr.rel @p1 .LBB2_29-.Ltmp7, $4  }
0x280: {  	v24 =	vmul.f32 v14, v34;
	v20 =	vmul.f32 v17, v34;
	[tilespmem:s16+$0xFFFFFF10] =	vst v16;
	v14 =	vld [tilespmem:s16+$0xC0]  }
0x281: {  	v21 =	vmul.f32 v21, v34;
	[tilespmem:s16+$0xFFFFFF20] =	vst v18;
	v18 =	vmul.f32 v22, v34;
	v17 =	vld [tilespmem:s16+$0xD0]  }
0x282: {  	v19 =	vmul.f32 v3, v25;
	v15 =	vmul.f32 v3, v31;
	[tilespmem:s16+$0xFFFFFF30] =	vst v28;
	v22 =	vld [tilespmem:s16+$0xE0]  }
0x283: {  	s0 =	sadd.s32 $0x40, s0;
	v13 =	vmul.f32 v33, v3;
	v16 =	vmul.f32 v32, v3;
	[tilespmem:s16+$0xFFFFFF40] =	vst v29;
	v25 =	vld [tilespmem:s16+$0xF0]  }
0x284: {  	[tilespmem:s16+$0xFFFFFF50] =	vst v27  }
0x285: {  	[tilespmem:s26+$0xFFFFFF80] =	vst v8  }
0x286: {  	[tilespmem:s26+$0xFFFFFF90] =	vst v26  }
0x287: {  	[tilespmem:s26+$0xFFFFFFA0] =	vst v23  }
0x288: {  	[tilespmem:s26+$0xFFFFFFB0] =	vst v24  }
0x289: {  	[tilespmem:s26+$0xFFFFFFC0] =	vst v20  }
0x28a: {  	[tilespmem:s26+$0xFFFFFFD0] =	vst v21  }
0x28b: {  	[tilespmem:s26+$0xFFFFFFE0] =	vst v18  }
0x28c: {  	[tilespmem:s26+$0x0] =	vst v19  }
0x28d: {  	[tilespmem:s26+$0x10] =	vst v15  }
0x28e: {  	[tilespmem:s26+$0x80] =	vst v3  }
0x28f: {  	v5 =	vmul.f32 v5, v3;
	[tilespmem:s26+$0x20] =	vst v16  }
0x290: {  	v6 =	vmul.f32 v6, v3;
	[tilespmem:s26+$0x30] =	vst v13  }
0x291: {  	v7 =	vmul.f32 v7, v3;
	[tilespmem:s26+$0x40] =	vst v5  }
0x292: {  	v56 =	vmul.f32 v9, v3;
	[tilespmem:s26+$0x50] =	vst v6  }
0x293: {  	v57 =	vmul.f32 v4, v10;
	[tilespmem:s26+$0x60] =	vst v7  }
0x294: {  	v58 =	vmul.f32 v4, v11;
	[tilespmem:s26+$0x70] =	vst v56  }
0x295: {  	v59 =	vmul.f32 v12, v4;
	[tilespmem:s26+$0x90] =	vst v57  }
0x296: {  	v60 =	vmul.f32 v14, v4;
	[tilespmem:s26+$0xA0] =	vst v58  }
0x297: {  	v61 =	vmul.f32 v17, v4;
	[tilespmem:s26+$0xB0] =	vst v59  }
0x298: {  	v62 =	vmul.f32 v22, v4;
	[tilespmem:s26+$0xC0] =	vst v60  }
0x299: {  	v63 =	vmul.f32 v25, v4;
	[tilespmem:s26+$0xD0] =	vst v61  }
0x29a: {  	[tilespmem:s26+$0xE0] =	vst v62  }
0x29b: {  	s0 =	simm.s32 $0x2D00;
	s14 =	sadd.s32 $0x1, s14;
	[tilespmem:s26+$0xF0] =	vst v63;
	s26 =	simm.s32 $0x96F0  }
0x29c: {  	[spmem:s3] =	stream.indirect.scatter.add.f32 [tilespmem:s0], [sflag:$0xB], $0x90, s26, s21, $0xb8;
	[tilespmem:$0x1F770] =	vst v63  }
0x29d: {  	p1 =	sne.s32 s14, $0x52;
	_ =	swait.ge [sflag:s9], $0x2D00  }
.Ltmp8:
0x29e: {  	s31 =	rddreg [dreg:$0xc];
	(pc) =	sbr.rel @p1 .LBB2_24-.Ltmp8, $4  }
0x29f: {  	s0 =	sadd.s32 s15, s31  }
0x2a0: {  	[sflag:s9] =	ssyncset.done $0x0;
	s0 =	sshrl.u32 s0, $0x3  }
0x2a1: {  	[sflag:s9] =	ssyncadd.s32 $0xFFFFD300;
	s0 =	sadd.s32 s5, s0  }
0x2a2: {  	[tilespmem:s23], [sflag:$0x7] =	stream.strided.gather [hbm4b:s0+s21], $0xA0, s22, s21, $0x38;
	[tilespmem:$0x1F770] =	vst v63  }
0x2a3: {  	_ =	swait.ge [sflag:s19], $0x2D00  }
0x2a4: {  	[sflag:s19] =	ssyncset.done $0x0  }
0x2a5: {  	[sflag:s19] =	ssyncadd.s32 $0xFFFFD300  }
0x2a6: {  	_ =	swait.ge [sflag:s20], $0x500  }
0x2a7: {  	[sflag:s20] =	ssyncset.done $0x0  }
0x2a8: {  	[sflag:s20] =	ssyncadd.s32 $0xFFFFFB00  }
0x2a9: {  	_ =	swait.ge [sflag:s2], $0xA0  }
0x2aa: {  	[sflag:s2] =	ssyncset.done $0x0  }
0x2ab: {  	[sflag:s2] =	ssyncadd.s32 $0xFFFFFF60  }
0x2ac: {  	[tilespmem:s4], [sflag:$0x1] =	stream.indirect.gather [hbm4b:s7+s21], $0x90, s23, s21, $0xb8;
	[tilespmem:$0x1F770] =	vst v63  }
0x2ad: {  	s0 =	simm.s32 $0x8700;
	s31 =	simm.s32 $0x9120  }
0x2ae: {  	[tilespmem:s0], [sflag:$0x4] =	stream.indirect.gather [hbm4b:s1+s21], $0x10, s24, s21, $0xb8;
	[tilespmem:$0x1F770] =	vst v63  }
0x2af: {  	v3 =	vld [tilespmem:s31+$0x10]  }
0x2b0: {  	s14 =	simm.s32 $0x5B20;
	v4 =	vld [tilespmem:s31+$0xFFFFFFE0]  }
0x2b1: {  	v5 =	vld [tilespmem:s14+$0x110]  }
0x2b2: {  	v6 =	vld [tilespmem:s31+$0xFFFFFFF0]  }
0x2b3: {  	v7 =	vld [tilespmem:s31+$0x0]  }
0x2b4: {  	v8 =	vld [tilespmem:s14+$0xFFFFFFF0]  }
0x2b5: {  	v10 =	vld [tilespmem:s14+$0x80];
	v9 =	vperm.xlane v3, v1  }
0x2b6: {  	v11 =	vld [tilespmem:s14+$0xFFFFFF60]  }
0x2b7: {  	v13 =	vld [tilespmem:s14+$0xFFFFFEF0];
	v5 =	vadd.f32 v9, v5  }
0x2b8: {  	v16 =	vld [tilespmem:s14+$0xFFFFFF00];
	v12 =	vperm.xlane v6, v1  }
0x2b9: {  	v17 =	vld [tilespmem:s14+$0xFFFFFF30];
	v14 =	vperm.xlane v4, v1;
	v15 =	vmul.f32 $2.000000030e-01, v5  }
0x2ba: {  	v18 =	vld [tilespmem:s14+$0xFFFFFF40];
	v3 =	vperm.xlane v3, v2;
	v8 =	vadd.f32 v12, v8;
	vm0 =	vgt.f32 v5, $0.0e+00  }
0x2bb: {  	v19 =	vld [tilespmem:s14+$0xFFFFFF50];
	v11 =	vadd.f32 v14, v11;
	v5 =	vsel vm0, v5, v15  }
0x2bc: {  	v20 =	vld [tilespmem:s14+$0xFFFFFFA0];
	v4 =	vperm.xlane v4, v2;
	v15 =	vmul.f32 $2.000000030e-01, v8;
	v3 =	vsub.f32 v5, v3  }
0x2bd: {  	v21 =	vld [tilespmem:s14+$0xFFFFFFB0];
	vm14 =	vgt.f32 v8, $0.0e+00;
	v5 =	vperm.xlane v6, v2;
	v6 =	vmul.f32 $2.000000030e-01, v11  }
0x2be: {  	v22 =	vld [tilespmem:s14+$0xFFFFFFC0];
	vm1 =	vgt.f32 v11, $0.0e+00;
	v8 =	vsel vm14, v8, v15;
	v3 =	vmul.f32 $1.442695020e+00, v3  }
0x2bf: {  	v25 =	vld [tilespmem:s14+$0xFFFFFFD0];
	v6 =	vsel vm1, v11, v6;
	v5 =	vsub.f32 v8, v5  }
0x2c0: {  	v28 =	vld [tilespmem:s14+$0xFFFFFFE0];
	v11 =	vperm.xlane v7, v1;
	(erf) = vpow2.f32 v3;
	v3 =	vsub.f32 v6, v4  }
0x2c1: {  	v29 =	vld [tilespmem:s14+$0x0];
	v4 =	vmul.f32 $1.442695020e+00, v5  }
0x2c2: {  	v30 =	vld [tilespmem:s14+$0x10];
	v5 =	vadd.f32 v11, v10;
	v3 =	vmul.f32 $1.442695020e+00, v3  }
0x2c3: {  	v31 =	vld [tilespmem:s14+$0x20];
	(erf) = vpow2.f32 v4  }
0x2c4: {  	v32 =	vld [tilespmem:s14+$0x30];
	v4 =	vmul.f32 $2.000000030e-01, v5;
	(erf) = vpow2.f32 v3  }
0x2c5: {  	v10 =	vld [tilespmem:s14+$0x100];
	vm15 =	vgt.f32 v5, $0.0e+00;
	v3 =	vperm.xlane v7, v2  }
0x2c6: {  	v9 =	vld [tilespmem:s14+$0xFFFFFEE0];
	v4 =	vsel vm15, v5, v4  }
0x2c7: {  	v8 =	vld [tilespmem:s14+$0xFFFFFF70];
	v3 =	vsub.f32 v4, v3  }
0x2c8: {  	v6 =	vld [tilespmem:s14+$0xFFFFFF80]  }
0x2c9: {  	v12 =	vld [tilespmem:s14+$0xFFFFFF10];
	v3 =	vmul.f32 $1.442695020e+00, v3;
	v4 =	vpop (erf)  }
0x2ca: {  	v14 =	vld [tilespmem:s14+$0xFFFFFF20];
	v5 =	vmul.f32 v10, v4  }
0x2cb: {  	v15 =	vld [tilespmem:s14+$0xFFFFFF90];
	(erf) = vpow2.f32 v3;
	[tilespmem:s14+$0x110] =	vst v4  }
0x2cc: {  	v7 =	vld [tilespmem:s14+$0x60];
	v33 =	vpop (erf);
	[tilespmem:s14+$0x100] =	vst v5  }
0x2cd: {  	v5 =	vld [tilespmem:s14+$0x40];
	[tilespmem:s14+$0xFFFFFFF0] =	vst v33;
	v3 =	vmul.f32 v33, v8;
	v8 =	vmul.f32 v33, v6;
	v11 =	vpop (erf)  }
0x2ce: {  	v6 =	vld [tilespmem:s14+$0x50];
	v23 =	vmul.f32 v20, v33;
	[tilespmem:s14+$0xFFFFFF60] =	vst v11;
	v10 =	vmul.f32 v11, v9  }
0x2cf: {  	v20 =	vmul.f32 v22, v33;
	v22 =	vld [tilespmem:s14+$0xE0];
	v13 =	vmul.f32 v11, v13;
	[tilespmem:s14+$0xFFFFFF70] =	vst v3  }
0x2d0: {  	v26 =	vmul.f32 v15, v33;
	v16 =	vmul.f32 v16, v11;
	v9 =	vld [tilespmem:s14+$0x70];
	[tilespmem:s14+$0xFFFFFEE0] =	vst v10  }
0x2d1: {  	v24 =	vmul.f32 v12, v11;
	v34 =	vmul.f32 v14, v11;
	v12 =	vld [tilespmem:s14+$0xB0];
	[tilespmem:s14+$0xFFFFFEF0] =	vst v13  }
0x2d2: {  	v35 =	vmul.f32 v17, v11;
	v27 =	vmul.f32 v19, v11;
	v14 =	vld [tilespmem:s14+$0xC0];
	[tilespmem:s14+$0xFFFFFF00] =	vst v16  }
0x2d3: {  	v10 =	vld [tilespmem:s14+$0x90];
	v13 =	vmul.f32 v18, v11;
	[tilespmem:s14+$0xFFFFFF10] =	vst v24;
	v24 =	vmul.f32 v21, v33  }
0x2d4: {  	v11 =	vld [tilespmem:s14+$0xA0];
	[tilespmem:s14+$0xFFFFFF20] =	vst v34;
	v21 =	vmul.f32 v25, v33;
	v18 =	vmul.f32 v28, v33;
	v3 =	vpop (erf)  }
0x2d5: {  	v17 =	vld [tilespmem:s14+$0xD0];
	[tilespmem:s14+$0xFFFFFF30] =	vst v35;
	v19 =	vmul.f32 v3, v29;
	v15 =	vmul.f32 v3, v30  }
0x2d6: {  	s16 =	simm.s32 $0x0;
	s15 =	simm.s32 $0x5B20;
	s0 =	simm.s32 $0x9160;
	v25 =	vld [tilespmem:s14+$0xF0];
	[tilespmem:s14+$0xFFFFFF40] =	vst v13;
	v16 =	vmul.f32 v31, v3;
	v13 =	vmul.f32 v32, v3  }
.LBB2_32:
0x2d7: {  	v28 =	vld [tilespmem:s0+$0x10];
	s16 =	sadd.s32 $0x4, s16;
	[tilespmem:s14+$0xFFFFFF50] =	vst v27;
	v5 =	vmul.f32 v5, v3;
	v6 =	vmul.f32 v6, v3  }
0x2d8: {  	v7 =	vmul.f32 v7, v3;
	s14 =	sadd.s32 $0x240, s14;
	v27 =	vld [tilespmem:s0+$0xFFFFFFE0];
	p1 =	slt.u32 s16, $0x4C;
	[tilespmem:s15+$0xFFFFFF80] =	vst v8;
	v8 =	vmul.f32 v9, v3  }
0x2d9: {  	v10 =	vmul.f32 v4, v10;
	v11 =	vmul.f32 v4, v11;
	v9 =	vld [tilespmem:s14+$0x110];
	[tilespmem:s15+$0xFFFFFF90] =	vst v26  }
0x2da: {  	v12 =	vmul.f32 v12, v4;
	v14 =	vmul.f32 v14, v4;
	v26 =	vld [tilespmem:s0+$0xFFFFFFF0];
	[tilespmem:s15+$0xFFFFFFA0] =	vst v23  }
0x2db: {  	v17 =	vmul.f32 v17, v4;
	v22 =	vmul.f32 v22, v4;
	v23 =	vld [tilespmem:s0+$0x0];
	[tilespmem:s15+$0xFFFFFFB0] =	vst v24  }
0x2dc: {  	v4 =	vmul.f32 v25, v4;
	v24 =	vld [tilespmem:s14+$0xFFFFFFF0];
	v29 =	vperm.xlane v28, v1;
	[tilespmem:s15+$0xFFFFFFC0] =	vst v20  }
0x2dd: {  	v20 =	vperm.xlane v27, v1;
	v25 =	vperm.xlane v27, v2;
	v27 =	vld [tilespmem:s14+$0x80];
	[tilespmem:s15+$0xFFFFFFD0] =	vst v21  }
0x2de: {  	v21 =	vld [tilespmem:s14+$0xFFFFFF60];
	v9 =	vadd.f32 v29, v9;
	[tilespmem:s15+$0xFFFFFFE0] =	vst v18  }
0x2df: {  	v18 =	vld [tilespmem:s14+$0xFFFFFEE0];
	v29 =	vperm.xlane v26, v1;
	v26 =	vperm.xlane v26, v2;
	[tilespmem:s15+$0x0] =	vst v19  }
0x2e0: {  	v19 =	vld [tilespmem:s14+$0xFFFFFEF0];
	v30 =	vperm.xlane v23, v1;
	v31 =	vmul.f32 $2.000000030e-01, v9;
	[tilespmem:s15+$0x10] =	vst v15  }
0x2e1: {  	v28 =	vperm.xlane v28, v2;
	vm0 =	vgt.f32 v9, $0.0e+00;
	v15 =	vld [tilespmem:s14+$0xFFFFFF00];
	v24 =	vadd.f32 v29, v24;
	[tilespmem:s15+$0x20] =	vst v16  }
0x2e2: {  	v23 =	vperm.xlane v23, v2;
	v16 =	vld [tilespmem:s14+$0xFFFFFF10];
	v27 =	vadd.f32 v30, v27;
	v9 =	vsel vm0, v9, v31;
	[tilespmem:s15+$0x30] =	vst v13  }
0x2e3: {  	v13 =	vadd.f32 v20, v21;
	v20 =	vld [tilespmem:s14+$0xFFFFFF20];
	v21 =	vmul.f32 $2.000000030e-01, v24;
	v9 =	vsub.f32 v9, v28;
	[tilespmem:s15+$0x40] =	vst v5  }
0x2e4: {  	vm0 =	vgt.f32 v24, $0.0e+00;
	v28 =	vld [tilespmem:s14+$0xFFFFFF30];
	vm1 =	vgt.f32 v27, $0.0e+00;
	v5 =	vmul.f32 $2.000000030e-01, v27;
	[tilespmem:s15+$0x50] =	vst v6  }
0x2e5: {  	vm2 =	vgt.f32 v13, $0.0e+00;
	v6 =	vmul.f32 $2.000000030e-01, v13;
	v29 =	vld [tilespmem:s14+$0xFFFFFF40];
	v9 =	vmul.f32 $1.442695020e+00, v9;
	[tilespmem:s15+$0x60] =	vst v7  }
0x2e6: {  	v7 =	vsel vm0, v24, v21;
	v30 =	vld [tilespmem:s14+$0xFFFFFF50];
	v5 =	vsel vm1, v27, v5;
	[tilespmem:s15+$0x70] =	vst v8  }
0x2e7: {  	v7 =	vsub.f32 v7, v26;
	v6 =	vsel vm2, v13, v6;
	v8 =	vld [tilespmem:s14+$0xFFFFFF70];
	(erf) = vpow2.f32 v9;
	[tilespmem:s15+$0x90] =	vst v10  }
0x2e8: {  	v5 =	vsub.f32 v5, v23;
	v6 =	vsub.f32 v6, v25;
	v9 =	vld [tilespmem:s14+$0xFFFFFF80];
	[tilespmem:s15+$0xA0] =	vst v11  }
0x2e9: {  	v7 =	vmul.f32 $1.442695020e+00, v7;
	v13 =	vld [tilespmem:s14+$0xFFFFFF90];
	[tilespmem:s15+$0xB0] =	vst v12  }
0x2ea: {  	v5 =	vmul.f32 $1.442695020e+00, v5;
	v6 =	vmul.f32 $1.442695020e+00, v6;
	v12 =	vld [tilespmem:s14+$0xFFFFFFA0];
	[tilespmem:s15+$0xC0] =	vst v14  }
0x2eb: {  	v14 =	vld [tilespmem:s14+$0xFFFFFFB0];
	(erf) = vpow2.f32 v7;
	[tilespmem:s15+$0xD0] =	vst v17  }
0x2ec: {  	v7 =	vld [tilespmem:s14+$0x100];
	(erf) = vpow2.f32 v6;
	[tilespmem:s15+$0xE0] =	vst v22  }
0x2ed: {  	v17 =	vld [tilespmem:s14+$0xFFFFFFC0];
	(erf) = vpow2.f32 v5;
	[tilespmem:s15+$0xF0] =	vst v4  }
0x2ee: {  	v21 =	vld [tilespmem:s14+$0xFFFFFFD0];
	[tilespmem:s15+$0x80] =	vst v3;
	s15 =	smov.u32 s14  }
0x2ef: {  	v22 =	vld [tilespmem:s14+$0xFFFFFFE0]  }
0x2f0: {  	v25 =	vld [tilespmem:s14+$0x0];
	v4 =	vpop (erf)  }
0x2f1: {  	v31 =	vld [tilespmem:s14+$0x10];
	[tilespmem:s14+$0x110] =	vst v4;
	v3 =	vmul.f32 v7, v4  }
0x2f2: {  	v32 =	vld [tilespmem:s14+$0x20]  }
0x2f3: {  	v33 =	vld [tilespmem:s14+$0x30];
	[tilespmem:s14+$0x100] =	vst v3  }
0x2f4: {  	v5 =	vld [tilespmem:s14+$0x40];
	v34 =	vpop (erf)  }
0x2f5: {  	[tilespmem:s14+$0xFFFFFFF0] =	vst v34;
	v10 =	vmul.f32 v34, v8;
	v8 =	vmul.f32 v34, v9;
	v6 =	vld [tilespmem:s14+$0x50];
	v11 =	vpop (erf)  }
0x2f6: {  	[tilespmem:s14+$0xFFFFFF60] =	vst v11;
	v18 =	vmul.f32 v11, v18;
	v19 =	vmul.f32 v11, v19;
	v7 =	vld [tilespmem:s14+$0x60];
	v3 =	vpop (erf)  }
0x2f7: {  	v15 =	vmul.f32 v15, v11;
	v16 =	vmul.f32 v16, v11;
	[tilespmem:s14+$0xFFFFFF70] =	vst v10;
	v9 =	vld [tilespmem:s14+$0x70]  }
0x2f8: {  	v28 =	vmul.f32 v28, v11;
	[tilespmem:s14+$0xFFFFFEE0] =	vst v18;
	v18 =	vmul.f32 v20, v11;
	v10 =	vld [tilespmem:s14+$0x90]  }
0x2f9: {  	v29 =	vmul.f32 v29, v11;
	v27 =	vmul.f32 v30, v11;
	[tilespmem:s14+$0xFFFFFEF0] =	vst v19;
	v11 =	vld [tilespmem:s14+$0xA0]  }
.Ltmp9:
0x2fa: {  	v26 =	vmul.f32 v13, v34;
	v23 =	vmul.f32 v12, v34;
	[tilespmem:s14+$0xFFFFFF00] =	vst v15;
	v12 =	vld [tilespmem:s14+$0xB0];
	(pc) =	sbr.rel @p1 .LBB2_32-.Ltmp9, $4  }
0x2fb: {  	v24 =	vmul.f32 v14, v34;
	v20 =	vmul.f32 v17, v34;
	[tilespmem:s14+$0xFFFFFF10] =	vst v16;
	v14 =	vld [tilespmem:s14+$0xC0]  }
0x2fc: {  	v21 =	vmul.f32 v21, v34;
	[tilespmem:s14+$0xFFFFFF20] =	vst v18;
	v18 =	vmul.f32 v22, v34;
	v17 =	vld [tilespmem:s14+$0xD0]  }
0x2fd: {  	v19 =	vmul.f32 v3, v25;
	v15 =	vmul.f32 v3, v31;
	[tilespmem:s14+$0xFFFFFF30] =	vst v28;
	v22 =	vld [tilespmem:s14+$0xE0]  }
0x2fe: {  	s0 =	sadd.s32 $0x40, s0;
	v13 =	vmul.f32 v33, v3;
	v16 =	vmul.f32 v32, v3;
	[tilespmem:s14+$0xFFFFFF40] =	vst v29;
	v25 =	vld [tilespmem:s14+$0xF0]  }
0x2ff: {  	[tilespmem:s14+$0xFFFFFF50] =	vst v27  }
0x300: {  	[tilespmem:s15+$0xFFFFFF80] =	vst v8  }
0x301: {  	[tilespmem:s15+$0xFFFFFF90] =	vst v26  }
0x302: {  	[tilespmem:s15+$0xFFFFFFA0] =	vst v23  }
0x303: {  	[tilespmem:s15+$0xFFFFFFB0] =	vst v24  }
0x304: {  	[tilespmem:s15+$0xFFFFFFC0] =	vst v20  }
0x305: {  	[tilespmem:s15+$0xFFFFFFD0] =	vst v21  }
0x306: {  	[tilespmem:s15+$0xFFFFFFE0] =	vst v18  }
0x307: {  	[tilespmem:s15+$0x0] =	vst v19  }
0x308: {  	[tilespmem:s15+$0x10] =	vst v15  }
0x309: {  	[tilespmem:s15+$0x80] =	vst v3  }
0x30a: {  	v5 =	vmul.f32 v5, v3;
	[tilespmem:s15+$0x20] =	vst v16  }
0x30b: {  	v6 =	vmul.f32 v6, v3;
	[tilespmem:s15+$0x30] =	vst v13  }
0x30c: {  	v7 =	vmul.f32 v7, v3;
	[tilespmem:s15+$0x40] =	vst v5  }
0x30d: {  	v5 =	vmul.f32 v9, v3;
	[tilespmem:s15+$0x50] =	vst v6  }
0x30e: {  	v6 =	vmul.f32 v4, v10;
	[tilespmem:s15+$0x60] =	vst v7  }
0x30f: {  	v7 =	vmul.f32 v4, v11;
	[tilespmem:s15+$0x70] =	vst v5  }
0x310: {  	v5 =	vmul.f32 v12, v4;
	[tilespmem:s15+$0x90] =	vst v6  }
0x311: {  	v6 =	vmul.f32 v14, v4;
	[tilespmem:s15+$0xA0] =	vst v7  }
0x312: {  	v7 =	vmul.f32 v17, v4;
	[tilespmem:s15+$0xB0] =	vst v5  }
0x313: {  	v5 =	vmul.f32 v22, v4;
	[tilespmem:s15+$0xC0] =	vst v6  }
0x314: {  	v4 =	vmul.f32 v25, v4;
	[tilespmem:s15+$0xD0] =	vst v7  }
0x315: {  	[tilespmem:s15+$0xE0] =	vst v5  }
0x316: {  	[tilespmem:s15+$0xF0] =	vst v4  }
0x317: {  	[spmem:s3] =	stream.indirect.scatter.add.f32 [tilespmem:s17], [sflag:$0xC], $0x90, s18, s21, $0xb8;
	[tilespmem:$0x1F770] =	vst v63  }
0x318: {  	_ =	swait.ge [sflag:s28], $0x2D00  }
0x319: {  	[sflag:s28] =	ssyncset.done $0x0  }
0x31a: {  	[sflag:s28] =	ssyncadd.s32 $0xFFFFD300  }
0x31b: {  	_ =	swait.ge [sflag:s29], $0x500  }
0x31c: {  	[sflag:s29] =	ssyncset.done $0x0  }
0x31d: {  	s0 =	simm.s32 $0x8720;
	[sflag:s29] =	ssyncadd.s32 $0xFFFFFB00  }
0x31e: {  	v3 =	vld [tilespmem:s0+$0x10]  }
0x31f: {  	s14 =	simm.s32 $0x120;
	v4 =	vld [tilespmem:s0+$0xFFFFFFE0]  }
0x320: {  	v5 =	vld [tilespmem:s14+$0x110]  }
0x321: {  	v6 =	vld [tilespmem:s0+$0xFFFFFFF0]  }
0x322: {  	v7 =	vld [tilespmem:s0+$0x0]  }
0x323: {  	v8 =	vld [tilespmem:s14+$0xFFFFFFF0];
	v9 =	vperm.xlane v3, v1  }
0x324: {  	v11 =	vld [tilespmem:s14+$0xFFFFFF60]  }
0x325: {  	v10 =	vld [tilespmem:s14+$0x80];
	v5 =	vadd.f32 v9, v5  }
0x326: {  	v13 =	vld [tilespmem:s14+$0xFFFFFEF0];
	v12 =	vperm.xlane v6, v1  }
0x327: {  	v16 =	vld [tilespmem:s14+$0xFFFFFF00];
	v14 =	vperm.xlane v4, v1;
	v15 =	vmul.f32 $2.000000030e-01, v5  }
0x328: {  	v17 =	vld [tilespmem:s14+$0xFFFFFF30];
	v3 =	vperm.xlane v3, v2;
	v8 =	vadd.f32 v12, v8;
	vm0 =	vgt.f32 v5, $0.0e+00  }
0x329: {  	v18 =	vld [tilespmem:s14+$0xFFFFFF40];
	v11 =	vadd.f32 v14, v11;
	v5 =	vsel vm0, v5, v15  }
0x32a: {  	v19 =	vld [tilespmem:s14+$0xFFFFFF50];
	v4 =	vperm.xlane v4, v2;
	v15 =	vmul.f32 $2.000000030e-01, v8;
	v3 =	vsub.f32 v5, v3  }
0x32b: {  	v20 =	vld [tilespmem:s14+$0xFFFFFFA0];
	vm14 =	vgt.f32 v8, $0.0e+00;
	v5 =	vperm.xlane v6, v2;
	v6 =	vmul.f32 $2.000000030e-01, v11  }
0x32c: {  	v21 =	vld [tilespmem:s14+$0xFFFFFFB0];
	vm1 =	vgt.f32 v11, $0.0e+00;
	v8 =	vsel vm14, v8, v15;
	v3 =	vmul.f32 $1.442695020e+00, v3  }
0x32d: {  	v22 =	vld [tilespmem:s14+$0xFFFFFFC0];
	v6 =	vsel vm1, v11, v6;
	v5 =	vsub.f32 v8, v5  }
0x32e: {  	v25 =	vld [tilespmem:s14+$0xFFFFFFD0];
	v11 =	vperm.xlane v7, v1;
	(erf) = vpow2.f32 v3;
	v3 =	vsub.f32 v6, v4  }
0x32f: {  	v28 =	vld [tilespmem:s14+$0xFFFFFFE0];
	v4 =	vmul.f32 $1.442695020e+00, v5  }
0x330: {  	v29 =	vld [tilespmem:s14+$0x0];
	v5 =	vadd.f32 v11, v10;
	v3 =	vmul.f32 $1.442695020e+00, v3  }
0x331: {  	v30 =	vld [tilespmem:s14+$0x10];
	(erf) = vpow2.f32 v4  }
0x332: {  	v31 =	vld [tilespmem:s14+$0x20];
	v4 =	vmul.f32 $2.000000030e-01, v5;
	(erf) = vpow2.f32 v3  }
0x333: {  	v10 =	vld [tilespmem:s14+$0x100];
	vm15 =	vgt.f32 v5, $0.0e+00  }
0x334: {  	v32 =	vld [tilespmem:s14+$0x30];
	v3 =	vperm.xlane v7, v2;
	v4 =	vsel vm15, v5, v4  }
0x335: {  	v9 =	vld [tilespmem:s14+$0xFFFFFEE0]  }
0x336: {  	v8 =	vld [tilespmem:s14+$0xFFFFFF70];
	v3 =	vsub.f32 v4, v3  }
0x337: {  	v6 =	vld [tilespmem:s14+$0xFFFFFF80];
	v4 =	vpop (erf)  }
0x338: {  	v12 =	vld [tilespmem:s14+$0xFFFFFF10];
	v3 =	vmul.f32 $1.442695020e+00, v3;
	v5 =	vmul.f32 v10, v4  }
0x339: {  	v14 =	vld [tilespmem:s14+$0xFFFFFF20];
	[tilespmem:s14+$0x110] =	vst v4  }
0x33a: {  	v15 =	vld [tilespmem:s14+$0xFFFFFF90];
	(erf) = vpow2.f32 v3;
	v33 =	vpop (erf);
	[tilespmem:s14+$0x100] =	vst v5  }
0x33b: {  	v7 =	vld [tilespmem:s14+$0x60];
	[tilespmem:s14+$0xFFFFFFF0] =	vst v33;
	v3 =	vmul.f32 v33, v8;
	v11 =	vpop (erf)  }
0x33c: {  	v5 =	vld [tilespmem:s14+$0x40];
	v8 =	vmul.f32 v33, v6;
	[tilespmem:s14+$0xFFFFFF60] =	vst v11;
	v10 =	vmul.f32 v11, v9  }
0x33d: {  	v6 =	vld [tilespmem:s14+$0x50];
	v23 =	vmul.f32 v20, v33;
	v13 =	vmul.f32 v11, v13;
	[tilespmem:s14+$0xFFFFFF70] =	vst v3  }
0x33e: {  	v20 =	vmul.f32 v22, v33;
	v22 =	vld [tilespmem:s14+$0xE0];
	v16 =	vmul.f32 v16, v11;
	[tilespmem:s14+$0xFFFFFEE0] =	vst v10  }
0x33f: {  	v24 =	vmul.f32 v12, v11;
	v9 =	vld [tilespmem:s14+$0x70];
	[tilespmem:s14+$0xFFFFFEF0] =	vst v13  }
0x340: {  	v26 =	vmul.f32 v15, v33;
	v34 =	vmul.f32 v14, v11;
	v12 =	vld [tilespmem:s14+$0xB0];
	[tilespmem:s14+$0xFFFFFF00] =	vst v16  }
0x341: {  	v35 =	vmul.f32 v17, v11;
	v27 =	vmul.f32 v19, v11;
	v14 =	vld [tilespmem:s14+$0xC0];
	[tilespmem:s14+$0xFFFFFF10] =	vst v24  }
0x342: {  	v10 =	vld [tilespmem:s14+$0x90];
	v13 =	vmul.f32 v18, v11;
	v24 =	vmul.f32 v21, v33;
	[tilespmem:s14+$0xFFFFFF20] =	vst v34  }
0x343: {  	v11 =	vld [tilespmem:s14+$0xA0];
	v21 =	vmul.f32 v25, v33;
	v18 =	vmul.f32 v28, v33;
	[tilespmem:s14+$0xFFFFFF30] =	vst v35;
	v3 =	vpop (erf)  }
0x344: {  	s16 =	simm.s32 $0x0;
	v17 =	vld [tilespmem:s14+$0xD0];
	[tilespmem:s14+$0xFFFFFF40] =	vst v13;
	v19 =	vmul.f32 v3, v29;
	v15 =	vmul.f32 v3, v30  }
0x345: {  	s15 =	simm.s32 $0x120;
	s0 =	simm.s32 $0x8760;
	v25 =	vld [tilespmem:s14+$0xF0];
	s26 =	rddreg [dreg:$0x10];
	v16 =	vmul.f32 v31, v3;
	v13 =	vmul.f32 v32, v3  }
.LBB2_34:
0x346: {  	v28 =	vld [tilespmem:s0+$0x10];
	s16 =	sadd.s32 $0x4, s16;
	[tilespmem:s14+$0xFFFFFF50] =	vst v27;
	v5 =	vmul.f32 v5, v3;
	v6 =	vmul.f32 v6, v3  }
0x347: {  	v7 =	vmul.f32 v7, v3;
	s14 =	sadd.s32 $0x240, s14;
	v27 =	vld [tilespmem:s0+$0xFFFFFFE0];
	p1 =	slt.u32 s16, $0x4C;
	[tilespmem:s15+$0xFFFFFF80] =	vst v8;
	v8 =	vmul.f32 v9, v3  }
0x348: {  	v10 =	vmul.f32 v4, v10;
	v11 =	vmul.f32 v4, v11;
	v9 =	vld [tilespmem:s14+$0x110];
	[tilespmem:s15+$0xFFFFFF90] =	vst v26  }
0x349: {  	v12 =	vmul.f32 v12, v4;
	v14 =	vmul.f32 v14, v4;
	v26 =	vld [tilespmem:s0+$0xFFFFFFF0];
	[tilespmem:s15+$0xFFFFFFA0] =	vst v23  }
0x34a: {  	v17 =	vmul.f32 v17, v4;
	v22 =	vmul.f32 v22, v4;
	v23 =	vld [tilespmem:s0+$0x0];
	[tilespmem:s15+$0xFFFFFFB0] =	vst v24  }
0x34b: {  	v4 =	vmul.f32 v25, v4;
	v24 =	vld [tilespmem:s14+$0xFFFFFFF0];
	v29 =	vperm.xlane v28, v1;
	[tilespmem:s15+$0xFFFFFFC0] =	vst v20  }
0x34c: {  	v20 =	vperm.xlane v27, v1;
	v25 =	vperm.xlane v27, v2;
	v27 =	vld [tilespmem:s14+$0x80];
	[tilespmem:s15+$0xFFFFFFD0] =	vst v21  }
0x34d: {  	v21 =	vld [tilespmem:s14+$0xFFFFFF60];
	v9 =	vadd.f32 v29, v9;
	[tilespmem:s15+$0xFFFFFFE0] =	vst v18  }
0x34e: {  	v18 =	vld [tilespmem:s14+$0xFFFFFEE0];
	v29 =	vperm.xlane v26, v1;
	v26 =	vperm.xlane v26, v2;
	[tilespmem:s15+$0x0] =	vst v19  }
0x34f: {  	v19 =	vld [tilespmem:s14+$0xFFFFFEF0];
	v30 =	vperm.xlane v23, v1;
	v31 =	vmul.f32 $2.000000030e-01, v9;
	[tilespmem:s15+$0x10] =	vst v15  }
0x350: {  	v28 =	vperm.xlane v28, v2;
	vm0 =	vgt.f32 v9, $0.0e+00;
	v15 =	vld [tilespmem:s14+$0xFFFFFF00];
	v24 =	vadd.f32 v29, v24;
	[tilespmem:s15+$0x20] =	vst v16  }
0x351: {  	v23 =	vperm.xlane v23, v2;
	v16 =	vld [tilespmem:s14+$0xFFFFFF10];
	v27 =	vadd.f32 v30, v27;
	v9 =	vsel vm0, v9, v31;
	[tilespmem:s15+$0x30] =	vst v13  }
0x352: {  	v13 =	vadd.f32 v20, v21;
	v20 =	vld [tilespmem:s14+$0xFFFFFF20];
	v21 =	vmul.f32 $2.000000030e-01, v24;
	v9 =	vsub.f32 v9, v28;
	[tilespmem:s15+$0x40] =	vst v5  }
0x353: {  	vm0 =	vgt.f32 v24, $0.0e+00;
	v28 =	vld [tilespmem:s14+$0xFFFFFF30];
	vm1 =	vgt.f32 v27, $0.0e+00;
	v5 =	vmul.f32 $2.000000030e-01, v27;
	[tilespmem:s15+$0x50] =	vst v6  }
0x354: {  	vm2 =	vgt.f32 v13, $0.0e+00;
	v6 =	vmul.f32 $2.000000030e-01, v13;
	v29 =	vld [tilespmem:s14+$0xFFFFFF40];
	v9 =	vmul.f32 $1.442695020e+00, v9;
	[tilespmem:s15+$0x60] =	vst v7  }
0x355: {  	v7 =	vsel vm0, v24, v21;
	v30 =	vld [tilespmem:s14+$0xFFFFFF50];
	v5 =	vsel vm1, v27, v5;
	[tilespmem:s15+$0x70] =	vst v8  }
0x356: {  	v7 =	vsub.f32 v7, v26;
	v6 =	vsel vm2, v13, v6;
	v8 =	vld [tilespmem:s14+$0xFFFFFF70];
	(erf) = vpow2.f32 v9;
	[tilespmem:s15+$0x90] =	vst v10  }
0x357: {  	v5 =	vsub.f32 v5, v23;
	v6 =	vsub.f32 v6, v25;
	v9 =	vld [tilespmem:s14+$0xFFFFFF80];
	[tilespmem:s15+$0xA0] =	vst v11  }
0x358: {  	v7 =	vmul.f32 $1.442695020e+00, v7;
	v13 =	vld [tilespmem:s14+$0xFFFFFF90];
	[tilespmem:s15+$0xB0] =	vst v12  }
0x359: {  	v5 =	vmul.f32 $1.442695020e+00, v5;
	v6 =	vmul.f32 $1.442695020e+00, v6;
	v12 =	vld [tilespmem:s14+$0xFFFFFFA0];
	[tilespmem:s15+$0xC0] =	vst v14  }
0x35a: {  	v14 =	vld [tilespmem:s14+$0xFFFFFFB0];
	(erf) = vpow2.f32 v7;
	[tilespmem:s15+$0xD0] =	vst v17  }
0x35b: {  	v7 =	vld [tilespmem:s14+$0x100];
	(erf) = vpow2.f32 v6;
	[tilespmem:s15+$0xE0] =	vst v22  }
0x35c: {  	v17 =	vld [tilespmem:s14+$0xFFFFFFC0];
	(erf) = vpow2.f32 v5;
	[tilespmem:s15+$0xF0] =	vst v4  }
0x35d: {  	v21 =	vld [tilespmem:s14+$0xFFFFFFD0];
	[tilespmem:s15+$0x80] =	vst v3;
	s15 =	smov.u32 s14  }
0x35e: {  	v22 =	vld [tilespmem:s14+$0xFFFFFFE0]  }
0x35f: {  	v25 =	vld [tilespmem:s14+$0x0];
	v4 =	vpop (erf)  }
0x360: {  	v31 =	vld [tilespmem:s14+$0x10];
	[tilespmem:s14+$0x110] =	vst v4;
	v3 =	vmul.f32 v7, v4  }
0x361: {  	v32 =	vld [tilespmem:s14+$0x20]  }
0x362: {  	v33 =	vld [tilespmem:s14+$0x30];
	[tilespmem:s14+$0x100] =	vst v3  }
0x363: {  	v5 =	vld [tilespmem:s14+$0x40];
	v34 =	vpop (erf)  }
0x364: {  	[tilespmem:s14+$0xFFFFFFF0] =	vst v34;
	v10 =	vmul.f32 v34, v8;
	v8 =	vmul.f32 v34, v9;
	v6 =	vld [tilespmem:s14+$0x50];
	v11 =	vpop (erf)  }
0x365: {  	[tilespmem:s14+$0xFFFFFF60] =	vst v11;
	v18 =	vmul.f32 v11, v18;
	v19 =	vmul.f32 v11, v19;
	v7 =	vld [tilespmem:s14+$0x60];
	v3 =	vpop (erf)  }
0x366: {  	v15 =	vmul.f32 v15, v11;
	v16 =	vmul.f32 v16, v11;
	[tilespmem:s14+$0xFFFFFF70] =	vst v10;
	v9 =	vld [tilespmem:s14+$0x70]  }
0x367: {  	v28 =	vmul.f32 v28, v11;
	[tilespmem:s14+$0xFFFFFEE0] =	vst v18;
	v18 =	vmul.f32 v20, v11;
	v10 =	vld [tilespmem:s14+$0x90]  }
0x368: {  	v29 =	vmul.f32 v29, v11;
	v27 =	vmul.f32 v30, v11;
	[tilespmem:s14+$0xFFFFFEF0] =	vst v19;
	v11 =	vld [tilespmem:s14+$0xA0]  }
.Ltmp10:
0x369: {  	v26 =	vmul.f32 v13, v34;
	v23 =	vmul.f32 v12, v34;
	[tilespmem:s14+$0xFFFFFF00] =	vst v15;
	v12 =	vld [tilespmem:s14+$0xB0];
	(pc) =	sbr.rel @p1 .LBB2_34-.Ltmp10, $4  }
0x36a: {  	v24 =	vmul.f32 v14, v34;
	v20 =	vmul.f32 v17, v34;
	[tilespmem:s14+$0xFFFFFF10] =	vst v16;
	v14 =	vld [tilespmem:s14+$0xC0]  }
0x36b: {  	v21 =	vmul.f32 v21, v34;
	[tilespmem:s14+$0xFFFFFF20] =	vst v18;
	v18 =	vmul.f32 v22, v34;
	v17 =	vld [tilespmem:s14+$0xD0]  }
0x36c: {  	v19 =	vmul.f32 v3, v25;
	v15 =	vmul.f32 v3, v31;
	[tilespmem:s14+$0xFFFFFF30] =	vst v28;
	v22 =	vld [tilespmem:s14+$0xE0]  }
0x36d: {  	s0 =	sadd.s32 $0x40, s0;
	v13 =	vmul.f32 v33, v3;
	v16 =	vmul.f32 v32, v3;
	[tilespmem:s14+$0xFFFFFF40] =	vst v29;
	v25 =	vld [tilespmem:s14+$0xF0]  }
0x36e: {  	[tilespmem:s14+$0xFFFFFF50] =	vst v27  }
0x36f: {  	[tilespmem:s15+$0xFFFFFF80] =	vst v8  }
0x370: {  	[tilespmem:s15+$0xFFFFFF90] =	vst v26  }
0x371: {  	[tilespmem:s15+$0xFFFFFFA0] =	vst v23  }
0x372: {  	[tilespmem:s15+$0xFFFFFFB0] =	vst v24  }
0x373: {  	[tilespmem:s15+$0xFFFFFFC0] =	vst v20  }
0x374: {  	[tilespmem:s15+$0xFFFFFFD0] =	vst v21  }
0x375: {  	[tilespmem:s15+$0xFFFFFFE0] =	vst v18  }
0x376: {  	[tilespmem:s15+$0x0] =	vst v19  }
0x377: {  	[tilespmem:s15+$0x10] =	vst v15  }
0x378: {  	[tilespmem:s15+$0x80] =	vst v3  }
0x379: {  	v5 =	vmul.f32 v5, v3;
	[tilespmem:s15+$0x20] =	vst v16  }
0x37a: {  	v6 =	vmul.f32 v6, v3;
	[tilespmem:s15+$0x30] =	vst v13  }
0x37b: {  	v7 =	vmul.f32 v7, v3;
	[tilespmem:s15+$0x40] =	vst v5  }
0x37c: {  	v56 =	vmul.f32 v9, v3;
	[tilespmem:s15+$0x50] =	vst v6  }
0x37d: {  	v57 =	vmul.f32 v4, v10;
	[tilespmem:s15+$0x60] =	vst v7  }
0x37e: {  	v58 =	vmul.f32 v4, v11;
	[tilespmem:s15+$0x70] =	vst v56  }
0x37f: {  	v59 =	vmul.f32 v12, v4;
	[tilespmem:s15+$0x90] =	vst v57  }
0x380: {  	v60 =	vmul.f32 v14, v4;
	[tilespmem:s15+$0xA0] =	vst v58  }
.Ltmp11:
0x381: {  	v61 =	vmul.f32 v17, v4;
	[tilespmem:s15+$0xB0] =	vst v59;
	(pc) =	sbr.rel .LBB2_36-.Ltmp11, $4  }
0x382: {  	v62 =	vmul.f32 v22, v4;
	[tilespmem:s15+$0xC0] =	vst v60  }
0x383: {  	v63 =	vmul.f32 v25, v4;
	[tilespmem:s15+$0xD0] =	vst v61  }
0x384: {  	[tilespmem:s15+$0xE0] =	vst v62  }
0x385: {  	[tilespmem:s15+$0xF0] =	vst v63  }
.LBB2_2:
0x386: {  	[tilespmem:s4], [sflag:$0x1] =	stream.indirect.gather [hbm4b:s6+s21], $0x90, s23, s21, $0xb8;
	[tilespmem:$0x1F770] =	vst v63  }
0x387: {  	s0 =	simm.s32 $0x8700  }
0x388: {  	[tilespmem:s0], [sflag:$0x4] =	stream.indirect.gather [hbm4b:s1+s21], $0x10, s24, s21, $0xb8;
	[tilespmem:$0x1F770] =	vst v63  }
0x389: {  	s31 =	rddreg [dreg:$0x7];
	s14 =	simm.s32 $0x96A0  }
0x38a: {  	[tilespmem:s14], [sflag:$0x8] =	stream.strided.gather [hbm4b:s31+s21], $0xA0, s22, s21, $0x38;
	[tilespmem:$0x1F770] =	vst v63  }
0x38b: {  	_ =	swait.ge [sflag:s28], $0x2D00  }
0x38c: {  	[sflag:s28] =	ssyncset.done $0x0  }
0x38d: {  	[sflag:s28] =	ssyncadd.s32 $0xFFFFD300  }
0x38e: {  	_ =	swait.ge [sflag:s29], $0x500  }
0x38f: {  	[sflag:s29] =	ssyncset.done $0x0  }
0x390: {  	[sflag:s29] =	ssyncadd.s32 $0xFFFFFB00  }
0x391: {  	_ =	swait.ge [sflag:s30], $0xA0  }
0x392: {  	[sflag:s30] =	ssyncset.done $0x0  }
0x393: {  	s15 =	simm.s32 $0x2D00;
	[sflag:s30] =	ssyncadd.s32 $0xFFFFFF60  }
0x394: {  	[tilespmem:s15], [sflag:$0x2] =	stream.indirect.gather [hbm4b:s6+s21], $0x90, s14, s21, $0xb8;
	[tilespmem:$0x1F770] =	vst v63  }
0x395: {  	s16 =	simm.s32 $0x96F0;
	s26 =	simm.s32 $0x8C00;
	s31 =	simm.s32 $0x8720  }
0x396: {  	[tilespmem:s26], [sflag:$0x5] =	stream.indirect.gather [hbm4b:s1+s21], $0x10, s16, s21, $0xb8;
	[tilespmem:$0x1F770] =	vst v63  }
0x397: {  	v4 =	vld [tilespmem:s31+$0x10]  }
0x398: {  	s14 =	simm.s32 $0x120;
	v5 =	vld [tilespmem:s31+$0xFFFFFFE0]  }
0x399: {  	v3 =	vld [tilespmem:s14+$0x110]  }
0x39a: {  	v6 =	vld [tilespmem:s31+$0xFFFFFFF0]  }
0x39b: {  	v7 =	vld [tilespmem:s31+$0x0]  }
0x39c: {  	v8 =	vld [tilespmem:s14+$0xFFFFFFF0]  }
0x39d: {  	v9 =	vld [tilespmem:s14+$0x80]  }
0x39e: {  	v11 =	vld [tilespmem:s14+$0xFFFFFF60];
	v10 =	vperm.xlane v4, v0  }
0x39f: {  	v12 =	vld [tilespmem:s14+$0xFFFFFEE0]  }
0x3a0: {  	v13 =	vld [tilespmem:s14+$0xFFFFFEF0];
	v10 =	vadd.f32 v10, v3  }
0x3a1: {  	v15 =	vld [tilespmem:s14+$0xFFFFFF00];
	v14 =	vperm.xlane v5, v0  }
0x3a2: {  	v18 =	vld [tilespmem:s14+$0xFFFFFF10];
	v16 =	vperm.xlane v6, v0;
	v3 =	vor.u32 $0x4, v0;
	v17 =	vmul.f32 $2.000000030e-01, v10  }
0x3a3: {  	v20 =	vld [tilespmem:s14+$0xFFFFFF50];
	v11 =	vadd.f32 v14, v11;
	v4 =	vperm.xlane v4, v3;
	vm0 =	vgt.f32 v10, $0.0e+00  }
0x3a4: {  	v21 =	vld [tilespmem:s14+$0xFFFFFF70];
	v8 =	vadd.f32 v16, v8;
	v10 =	vsel vm0, v10, v17  }
0x3a5: {  	v22 =	vld [tilespmem:s14+$0xFFFFFF90];
	v5 =	vperm.xlane v5, v3;
	v4 =	vsub.f32 v10, v4;
	v10 =	vmul.f32 $2.000000030e-01, v11  }
0x3a6: {  	v23 =	vld [tilespmem:s14+$0xFFFFFFA0];
	v6 =	vperm.xlane v6, v3;
	v19 =	vmul.f32 $2.000000030e-01, v8;
	vm1 =	vgt.f32 v11, $0.0e+00  }
0x3a7: {  	v25 =	vld [tilespmem:s14+$0xFFFFFFB0];
	vm14 =	vgt.f32 v8, $0.0e+00;
	v4 =	vmul.f32 $1.442695020e+00, v4;
	v10 =	vsel vm1, v11, v10  }
0x3a8: {  	v30 =	vld [tilespmem:s14+$0xFFFFFFC0];
	v8 =	vsel vm14, v8, v19;
	v5 =	vsub.f32 v10, v5;
	v10 =	vperm.xlane v7, v0  }
0x3a9: {  	v31 =	vld [tilespmem:s14+$0xFFFFFFD0];
	(erf) = vpow2.f32 v4;
	v4 =	vsub.f32 v8, v6  }
0x3aa: {  	v32 =	vld [tilespmem:s14+$0xFFFFFFE0];
	v5 =	vmul.f32 $1.442695020e+00, v5;
	v6 =	vadd.f32 v10, v9  }
0x3ab: {  	v33 =	vld [tilespmem:s14+$0x0];
	v4 =	vmul.f32 $1.442695020e+00, v4  }
0x3ac: {  	v34 =	vld [tilespmem:s14+$0x10];
	(erf) = vpow2.f32 v5;
	v5 =	vmul.f32 $2.000000030e-01, v6  }
0x3ad: {  	v14 =	vld [tilespmem:s14+$0xFFFFFF20];
	vm15 =	vgt.f32 v6, $0.0e+00;
	(erf) = vpow2.f32 v4;
	v4 =	vperm.xlane v7, v3  }
0x3ae: {  	v8 =	vld [tilespmem:s14+$0x100];
	v5 =	vsel vm15, v6, v5  }
0x3af: {  	v16 =	vld [tilespmem:s14+$0xFFFFFF30];
	v4 =	vsub.f32 v5, v4  }
0x3b0: {  	v17 =	vld [tilespmem:s14+$0xFFFFFF40]  }
0x3b1: {  	v19 =	vld [tilespmem:s14+$0xFFFFFF80];
	v4 =	vmul.f32 $1.442695020e+00, v4  }
0x3b2: {  	v11 =	vld [tilespmem:s14+$0x70];
	v5 =	vpop (erf)  }
0x3b3: {  	v10 =	vld [tilespmem:s14+$0x60];
	v9 =	vmul.f32 v8, v5  }
0x3b4: {  	v7 =	vld [tilespmem:s14+$0x40];
	(erf) = vpow2.f32 v4;
	[tilespmem:s14+$0x110] =	vst v5  }
0x3b5: {  	v6 =	vld [tilespmem:s14+$0x20];
	[tilespmem:s14+$0x100] =	vst v9;
	v4 =	vpop (erf)  }
0x3b6: {  	v8 =	vld [tilespmem:s14+$0x30];
	[tilespmem:s14+$0xFFFFFF60] =	vst v4;
	v12 =	vmul.f32 v4, v12;
	v13 =	vmul.f32 v4, v13;
	v35 =	vpop (erf)  }
0x3b7: {  	v9 =	vld [tilespmem:s14+$0x50];
	v15 =	vmul.f32 v15, v4;
	v18 =	vmul.f32 v18, v4;
	[tilespmem:s14+$0xFFFFFFF0] =	vst v35  }
0x3b8: {  	v36 =	vmul.f32 v14, v4;
	v37 =	vmul.f32 v16, v4;
	v14 =	vld [tilespmem:s14+$0xB0];
	[tilespmem:s14+$0xFFFFFEE0] =	vst v12  }
0x3b9: {  	v38 =	vmul.f32 v17, v4;
	v28 =	vmul.f32 v20, v4;
	v16 =	vld [tilespmem:s14+$0xD0];
	[tilespmem:s14+$0xFFFFFEF0] =	vst v13  }
0x3ba: {  	v17 =	vld [tilespmem:s14+$0xE0];
	v29 =	vmul.f32 v35, v21;
	v26 =	vmul.f32 v35, v19;
	[tilespmem:s14+$0xFFFFFF00] =	vst v15  }
0x3bb: {  	v27 =	vmul.f32 v22, v35;
	v24 =	vmul.f32 v23, v35;
	v12 =	vld [tilespmem:s14+$0x90];
	[tilespmem:s14+$0xFFFFFF10] =	vst v18  }
0x3bc: {  	v25 =	vmul.f32 v25, v35;
	v22 =	vmul.f32 v30, v35;
	v13 =	vld [tilespmem:s14+$0xA0];
	[tilespmem:s14+$0xFFFFFF20] =	vst v36  }
0x3bd: {  	v23 =	vmul.f32 v31, v35;
	v20 =	vmul.f32 v32, v35;
	v15 =	vld [tilespmem:s14+$0xC0];
	[tilespmem:s14+$0xFFFFFF30] =	vst v37;
	v4 =	vpop (erf)  }
0x3be: {  	s15 =	simm.s32 $0x120;
	s16 =	simm.s32 $0x0;
	s26 =	simm.s32 $0x8760;
	[tilespmem:s14+$0xFFFFFF40] =	vst v38;
	v18 =	vld [tilespmem:s14+$0xF0];
	v21 =	vmul.f32 v4, v33;
	v19 =	vmul.f32 v4, v34  }
.LBB2_3:
0x3bf: {  	v30 =	vld [tilespmem:s26+$0x10];
	s16 =	sadd.s32 $0x4, s16;
	[tilespmem:s14+$0xFFFFFF50] =	vst v28;
	v6 =	vmul.f32 v6, v4;
	v8 =	vmul.f32 v8, v4  }
0x3c0: {  	v7 =	vmul.f32 v7, v4;
	v9 =	vmul.f32 v9, v4;
	s14 =	sadd.s32 $0x240, s14;
	v28 =	vld [tilespmem:s26+$0xFFFFFFE0];
	p1 =	slt.u32 s16, $0x4C;
	[tilespmem:s15+$0xFFFFFF70] =	vst v29  }
0x3c1: {  	v10 =	vmul.f32 v10, v4;
	v11 =	vmul.f32 v11, v4;
	v29 =	vld [tilespmem:s14+$0x110];
	[tilespmem:s15+$0xFFFFFF80] =	vst v26  }
0x3c2: {  	v12 =	vmul.f32 v5, v12;
	v13 =	vmul.f32 v5, v13;
	v26 =	vld [tilespmem:s26+$0xFFFFFFF0];
	[tilespmem:s15+$0xFFFFFF90] =	vst v27  }
0x3c3: {  	v14 =	vmul.f32 v14, v5;
	v15 =	vmul.f32 v15, v5;
	v27 =	vld [tilespmem:s26+$0x0];
	[tilespmem:s15+$0xFFFFFFA0] =	vst v24  }
0x3c4: {  	v16 =	vmul.f32 v16, v5;
	v24 =	vld [tilespmem:s14+$0xFFFFFFF0];
	v31 =	vperm.xlane v30, v0;
	[tilespmem:s15+$0xFFFFFFB0] =	vst v25  }
0x3c5: {  	v17 =	vmul.f32 v17, v5;
	v25 =	vperm.xlane v28, v0;
	v32 =	vld [tilespmem:s14+$0x80];
	[tilespmem:s15+$0xFFFFFFC0] =	vst v22  }
0x3c6: {  	v5 =	vmul.f32 v18, v5;
	v22 =	vld [tilespmem:s14+$0xFFFFFF60];
	v29 =	vadd.f32 v31, v29;
	[tilespmem:s15+$0xFFFFFFD0] =	vst v23  }
0x3c7: {  	v18 =	vld [tilespmem:s14+$0xFFFFFEE0];
	v23 =	vperm.xlane v26, v0;
	[tilespmem:s15+$0xFFFFFFE0] =	vst v20  }
0x3c8: {  	v20 =	vld [tilespmem:s14+$0xFFFFFEF0];
	v31 =	vperm.xlane v27, v0;
	v33 =	vmul.f32 $2.000000030e-01, v29;
	[tilespmem:s15+$0x0] =	vst v21  }
0x3c9: {  	vm0 =	vgt.f32 v29, $0.0e+00;
	v21 =	vld [tilespmem:s14+$0xFFFFFF00];
	v23 =	vadd.f32 v23, v24;
	v24 =	vperm.xlane v30, v3;
	[tilespmem:s15+$0x10] =	vst v19  }
0x3ca: {  	v19 =	vperm.xlane v28, v3;
	v28 =	vld [tilespmem:s14+$0xFFFFFF10];
	v30 =	vadd.f32 v31, v32;
	v29 =	vsel vm0, v29, v33;
	[tilespmem:s15+$0x20] =	vst v6  }
0x3cb: {  	v6 =	vadd.f32 v25, v22;
	v22 =	vld [tilespmem:s14+$0xFFFFFF20];
	v25 =	vmul.f32 $2.000000030e-01, v23;
	v24 =	vsub.f32 v29, v24;
	[tilespmem:s15+$0x30] =	vst v8  }
0x3cc: {  	vm0 =	vgt.f32 v23, $0.0e+00;
	v29 =	vld [tilespmem:s14+$0xFFFFFF30];
	vm1 =	vgt.f32 v30, $0.0e+00;
	v8 =	vmul.f32 $2.000000030e-01, v30;
	[tilespmem:s15+$0x40] =	vst v7  }
0x3cd: {  	vm2 =	vgt.f32 v6, $0.0e+00;
	v7 =	vmul.f32 $2.000000030e-01, v6;
	v31 =	vld [tilespmem:s14+$0xFFFFFF40];
	v24 =	vmul.f32 $1.442695020e+00, v24;
	[tilespmem:s15+$0x50] =	vst v9  }
0x3ce: {  	v9 =	vperm.xlane v26, v3;
	v23 =	vsel vm0, v23, v25;
	v25 =	vperm.xlane v27, v3;
	v32 =	vld [tilespmem:s14+$0xFFFFFF50];
	[tilespmem:s15+$0x60] =	vst v10  }
0x3cf: {  	v6 =	vsel vm2, v6, v7;
	v26 =	vld [tilespmem:s14+$0xFFFFFF70];
	v7 =	vsel vm1, v30, v8;
	(erf) = vpow2.f32 v24;
	[tilespmem:s15+$0x70] =	vst v11  }
0x3d0: {  	v8 =	vsub.f32 v23, v9;
	v6 =	vsub.f32 v6, v19;
	v19 =	vld [tilespmem:s14+$0xFFFFFF80];
	[tilespmem:s15+$0x90] =	vst v12  }
0x3d1: {  	v7 =	vsub.f32 v7, v25;
	v23 =	vld [tilespmem:s14+$0xFFFFFF90];
	[tilespmem:s15+$0xA0] =	vst v13  }
0x3d2: {  	v8 =	vmul.f32 $1.442695020e+00, v8;
	v6 =	vmul.f32 $1.442695020e+00, v6;
	v24 =	vld [tilespmem:s14+$0xFFFFFFA0];
	[tilespmem:s15+$0xB0] =	vst v14  }
0x3d3: {  	v7 =	vmul.f32 $1.442695020e+00, v7;
	v25 =	vld [tilespmem:s14+$0xFFFFFFB0];
	[tilespmem:s15+$0xC0] =	vst v15  }
0x3d4: {  	v9 =	vld [tilespmem:s14+$0x100];
	(erf) = vpow2.f32 v6;
	[tilespmem:s15+$0xD0] =	vst v16  }
0x3d5: {  	v16 =	vld [tilespmem:s14+$0xFFFFFFC0];
	(erf) = vpow2.f32 v8;
	[tilespmem:s15+$0xE0] =	vst v17  }
0x3d6: {  	v17 =	vld [tilespmem:s14+$0xFFFFFFD0];
	(erf) = vpow2.f32 v7;
	[tilespmem:s15+$0xF0] =	vst v5  }
0x3d7: {  	v30 =	vld [tilespmem:s14+$0xFFFFFFE0];
	[tilespmem:s15+$0x80] =	vst v4;
	s15 =	smov.u32 s14  }
0x3d8: {  	v33 =	vld [tilespmem:s14+$0x0];
	v5 =	vpop (erf)  }
0x3d9: {  	v34 =	vld [tilespmem:s14+$0x10];
	[tilespmem:s14+$0x110] =	vst v5;
	v4 =	vmul.f32 v9, v5  }
0x3da: {  	v6 =	vld [tilespmem:s14+$0x20]  }
0x3db: {  	v8 =	vld [tilespmem:s14+$0x30];
	[tilespmem:s14+$0x100] =	vst v4  }
0x3dc: {  	v7 =	vld [tilespmem:s14+$0x40]  }
0x3dd: {  	v9 =	vld [tilespmem:s14+$0x50];
	v13 =	vpop (erf)  }
0x3de: {  	[tilespmem:s14+$0xFFFFFF60] =	vst v13;
	v12 =	vmul.f32 v13, v18;
	v14 =	vmul.f32 v13, v20;
	v10 =	vld [tilespmem:s14+$0x60];
	v18 =	vpop (erf)  }
0x3df: {  	v15 =	vmul.f32 v21, v13;
	v20 =	vmul.f32 v28, v13;
	[tilespmem:s14+$0xFFFFFFF0] =	vst v18;
	v11 =	vld [tilespmem:s14+$0x70];
	v4 =	vpop (erf)  }
0x3e0: {  	v21 =	vmul.f32 v22, v13;
	v35 =	vmul.f32 v29, v13;
	[tilespmem:s14+$0xFFFFFEE0] =	vst v12;
	v12 =	vld [tilespmem:s14+$0x90]  }
0x3e1: {  	v31 =	vmul.f32 v31, v13;
	v28 =	vmul.f32 v32, v13;
	[tilespmem:s14+$0xFFFFFEF0] =	vst v14;
	v13 =	vld [tilespmem:s14+$0xA0]  }
.Ltmp12:
0x3e2: {  	v29 =	vmul.f32 v18, v26;
	v26 =	vmul.f32 v18, v19;
	[tilespmem:s14+$0xFFFFFF00] =	vst v15;
	v14 =	vld [tilespmem:s14+$0xB0];
	(pc) =	sbr.rel @p1 .LBB2_3-.Ltmp12, $4  }
0x3e3: {  	v27 =	vmul.f32 v23, v18;
	v24 =	vmul.f32 v24, v18;
	[tilespmem:s14+$0xFFFFFF10] =	vst v20;
	v15 =	vld [tilespmem:s14+$0xC0]  }
0x3e4: {  	v25 =	vmul.f32 v25, v18;
	v22 =	vmul.f32 v16, v18;
	[tilespmem:s14+$0xFFFFFF20] =	vst v21;
	v16 =	vld [tilespmem:s14+$0xD0]  }
0x3e5: {  	v23 =	vmul.f32 v17, v18;
	v20 =	vmul.f32 v30, v18;
	[tilespmem:s14+$0xFFFFFF30] =	vst v35;
	v17 =	vld [tilespmem:s14+$0xE0]  }
0x3e6: {  	s26 =	sadd.s32 $0x40, s26;
	v19 =	vmul.f32 v4, v34;
	v21 =	vmul.f32 v4, v33;
	[tilespmem:s14+$0xFFFFFF40] =	vst v31;
	v18 =	vld [tilespmem:s14+$0xF0]  }
0x3e7: {  	[tilespmem:s14+$0xFFFFFF50] =	vst v28  }
0x3e8: {  	[tilespmem:s15+$0xFFFFFF70] =	vst v29  }
0x3e9: {  	[tilespmem:s15+$0xFFFFFF80] =	vst v26  }
0x3ea: {  	[tilespmem:s15+$0xFFFFFF90] =	vst v27  }
0x3eb: {  	[tilespmem:s15+$0xFFFFFFA0] =	vst v24  }
0x3ec: {  	[tilespmem:s15+$0xFFFFFFB0] =	vst v25  }
0x3ed: {  	[tilespmem:s15+$0xFFFFFFC0] =	vst v22  }
0x3ee: {  	[tilespmem:s15+$0xFFFFFFD0] =	vst v23  }
0x3ef: {  	[tilespmem:s15+$0xFFFFFFE0] =	vst v20  }
0x3f0: {  	[tilespmem:s15+$0x80] =	vst v4  }
0x3f1: {  	v6 =	vmul.f32 v6, v4;
	[tilespmem:s15+$0x0] =	vst v21  }
0x3f2: {  	v8 =	vmul.f32 v8, v4;
	[tilespmem:s15+$0x10] =	vst v19  }
0x3f3: {  	v7 =	vmul.f32 v7, v4;
	[tilespmem:s15+$0x20] =	vst v6  }
0x3f4: {  	v6 =	vmul.f32 v9, v4;
	[tilespmem:s15+$0x30] =	vst v8  }
0x3f5: {  	v8 =	vmul.f32 v10, v4;
	[tilespmem:s15+$0x40] =	vst v7  }
0x3f6: {  	v7 =	vmul.f32 v11, v4;
	[tilespmem:s15+$0x50] =	vst v6  }
0x3f7: {  	v6 =	vmul.f32 v5, v12;
	[tilespmem:s15+$0x60] =	vst v8  }
0x3f8: {  	v8 =	vmul.f32 v5, v13;
	[tilespmem:s15+$0x70] =	vst v7  }
0x3f9: {  	v7 =	vmul.f32 v14, v5;
	[tilespmem:s15+$0x90] =	vst v6  }
0x3fa: {  	v6 =	vmul.f32 v15, v5;
	[tilespmem:s15+$0xA0] =	vst v8  }
0x3fb: {  	v8 =	vmul.f32 v16, v5;
	[tilespmem:s15+$0xB0] =	vst v7  }
0x3fc: {  	v7 =	vmul.f32 v17, v5;
	[tilespmem:s15+$0xC0] =	vst v6  }
0x3fd: {  	v5 =	vmul.f32 v18, v5;
	[tilespmem:s15+$0xD0] =	vst v8  }
0x3fe: {  	[tilespmem:s15+$0xE0] =	vst v7  }
0x3ff: {  	[tilespmem:s15+$0xF0] =	vst v5  }
0x400: {  	[spmem:s3] =	stream.indirect.scatter.add.f32 [tilespmem:s4], [sflag:$0xA], $0x90, s24, s21, $0xb8;
	[tilespmem:$0x1F770] =	vst v63  }
0x401: {  	s0 =	rddreg [dreg:$0x8]  }
0x402: {  	[tilespmem:s8], [sflag:$0x9] =	stream.strided.gather [hbm4b:s0+s21], $0xA0, s22, s21, $0x38;
	[tilespmem:$0x1F770] =	vst v63  }
0x403: {  	_ =	swait.ge [sflag:s11], $0x2D00  }
0x404: {  	[sflag:s11] =	ssyncset.done $0x0  }
0x405: {  	[sflag:s11] =	ssyncadd.s32 $0xFFFFD300  }
0x406: {  	_ =	swait.ge [sflag:s12], $0x500  }
0x407: {  	[sflag:s12] =	ssyncset.done $0x0  }
0x408: {  	[sflag:s12] =	ssyncadd.s32 $0xFFFFFB00  }
0x409: {  	_ =	swait.ge [sflag:s13], $0xA0  }
0x40a: {  	[sflag:s13] =	ssyncset.done $0x0  }
0x40b: {  	[sflag:s13] =	ssyncadd.s32 $0xFFFFFF60  }
0x40c: {  	[tilespmem:s17], [sflag:$0x3] =	stream.indirect.gather [hbm4b:s6+s21], $0x90, s8, s21, $0xb8;
	[tilespmem:$0x1F770] =	vst v63  }
0x40d: {  	s26 =	simm.s32 $0x9100;
	s31 =	simm.s32 $0x8C20  }
0x40e: {  	[tilespmem:s26], [sflag:$0x6] =	stream.indirect.gather [hbm4b:s1+s21], $0x10, s18, s21, $0xb8;
	[tilespmem:$0x1F770] =	vst v63  }
0x40f: {  	v4 =	vld [tilespmem:s31+$0x10]  }
0x410: {  	s14 =	simm.s32 $0x2E20;
	v5 =	vld [tilespmem:s31+$0xFFFFFFE0]  }
0x411: {  	v6 =	vld [tilespmem:s14+$0x110]  }
0x412: {  	v7 =	vld [tilespmem:s31+$0xFFFFFFF0]  }
0x413: {  	v8 =	vld [tilespmem:s31+$0x0]  }
0x414: {  	v9 =	vld [tilespmem:s14+$0xFFFFFFF0]  }
0x415: {  	v11 =	vld [tilespmem:s14+$0x80];
	v10 =	vperm.xlane v4, v0  }
0x416: {  	v12 =	vld [tilespmem:s14+$0xFFFFFF60]  }
0x417: {  	v14 =	vld [tilespmem:s14+$0xFFFFFEF0];
	v6 =	vadd.f32 v10, v6  }
0x418: {  	v17 =	vld [tilespmem:s14+$0xFFFFFF00];
	v13 =	vperm.xlane v7, v0  }
0x419: {  	v18 =	vld [tilespmem:s14+$0xFFFFFF30];
	v15 =	vperm.xlane v5, v0;
	v16 =	vmul.f32 $2.000000030e-01, v6  }
0x41a: {  	v19 =	vld [tilespmem:s14+$0xFFFFFF40];
	v4 =	vperm.xlane v4, v3;
	v9 =	vadd.f32 v13, v9;
	vm0 =	vgt.f32 v6, $0.0e+00  }
0x41b: {  	v20 =	vld [tilespmem:s14+$0xFFFFFF50];
	v12 =	vadd.f32 v15, v12;
	v6 =	vsel vm0, v6, v16  }
0x41c: {  	v21 =	vld [tilespmem:s14+$0xFFFFFFA0];
	v5 =	vperm.xlane v5, v3;
	v16 =	vmul.f32 $2.000000030e-01, v9;
	v4 =	vsub.f32 v6, v4  }
0x41d: {  	v22 =	vld [tilespmem:s14+$0xFFFFFFB0];
	vm14 =	vgt.f32 v9, $0.0e+00;
	v6 =	vperm.xlane v7, v3;
	v7 =	vmul.f32 $2.000000030e-01, v12  }
0x41e: {  	v23 =	vld [tilespmem:s14+$0xFFFFFFC0];
	vm1 =	vgt.f32 v12, $0.0e+00;
	v9 =	vsel vm14, v9, v16;
	v4 =	vmul.f32 $1.442695020e+00, v4  }
0x41f: {  	v26 =	vld [tilespmem:s14+$0xFFFFFFD0];
	v7 =	vsel vm1, v12, v7;
	v6 =	vsub.f32 v9, v6  }
0x420: {  	v29 =	vld [tilespmem:s14+$0xFFFFFFE0];
	v12 =	vperm.xlane v8, v0;
	(erf) = vpow2.f32 v4;
	v4 =	vsub.f32 v7, v5  }
0x421: {  	v30 =	vld [tilespmem:s14+$0x0];
	v5 =	vmul.f32 $1.442695020e+00, v6  }
0x422: {  	v31 =	vld [tilespmem:s14+$0x10];
	v6 =	vadd.f32 v12, v11;
	v4 =	vmul.f32 $1.442695020e+00, v4  }
0x423: {  	v32 =	vld [tilespmem:s14+$0x20];
	(erf) = vpow2.f32 v5  }
0x424: {  	v33 =	vld [tilespmem:s14+$0x30];
	v5 =	vmul.f32 $2.000000030e-01, v6;
	(erf) = vpow2.f32 v4  }
0x425: {  	v11 =	vld [tilespmem:s14+$0x100];
	vm15 =	vgt.f32 v6, $0.0e+00;
	v4 =	vperm.xlane v8, v3  }
0x426: {  	v10 =	vld [tilespmem:s14+$0xFFFFFEE0];
	v5 =	vsel vm15, v6, v5  }
0x427: {  	v9 =	vld [tilespmem:s14+$0xFFFFFF70];
	v4 =	vsub.f32 v5, v4  }
0x428: {  	v7 =	vld [tilespmem:s14+$0xFFFFFF80]  }
0x429: {  	v13 =	vld [tilespmem:s14+$0xFFFFFF10];
	v4 =	vmul.f32 $1.442695020e+00, v4;
	v5 =	vpop (erf)  }
0x42a: {  	v15 =	vld [tilespmem:s14+$0xFFFFFF20];
	v6 =	vmul.f32 v11, v5  }
0x42b: {  	v16 =	vld [tilespmem:s14+$0xFFFFFF90];
	(erf) = vpow2.f32 v4;
	[tilespmem:s14+$0x110] =	vst v5  }
0x42c: {  	v8 =	vld [tilespmem:s14+$0x60];
	v34 =	vpop (erf);
	[tilespmem:s14+$0x100] =	vst v6  }
0x42d: {  	v6 =	vld [tilespmem:s14+$0x40];
	[tilespmem:s14+$0xFFFFFFF0] =	vst v34;
	v4 =	vmul.f32 v34, v9;
	v9 =	vmul.f32 v34, v7;
	v12 =	vpop (erf)  }
0x42e: {  	v7 =	vld [tilespmem:s14+$0x50];
	v24 =	vmul.f32 v21, v34;
	[tilespmem:s14+$0xFFFFFF60] =	vst v12;
	v11 =	vmul.f32 v12, v10  }
0x42f: {  	v21 =	vmul.f32 v23, v34;
	v23 =	vld [tilespmem:s14+$0xE0];
	v14 =	vmul.f32 v12, v14;
	[tilespmem:s14+$0xFFFFFF70] =	vst v4  }
0x430: {  	v27 =	vmul.f32 v16, v34;
	v17 =	vmul.f32 v17, v12;
	v10 =	vld [tilespmem:s14+$0x70];
	[tilespmem:s14+$0xFFFFFEE0] =	vst v11  }
0x431: {  	v25 =	vmul.f32 v13, v12;
	v35 =	vmul.f32 v15, v12;
	v13 =	vld [tilespmem:s14+$0xB0];
	[tilespmem:s14+$0xFFFFFEF0] =	vst v14  }
0x432: {  	v36 =	vmul.f32 v18, v12;
	v28 =	vmul.f32 v20, v12;
	v15 =	vld [tilespmem:s14+$0xC0];
	[tilespmem:s14+$0xFFFFFF00] =	vst v17  }
0x433: {  	v11 =	vld [tilespmem:s14+$0x90];
	v14 =	vmul.f32 v19, v12;
	[tilespmem:s14+$0xFFFFFF10] =	vst v25;
	v25 =	vmul.f32 v22, v34  }
0x434: {  	v12 =	vld [tilespmem:s14+$0xA0];
	[tilespmem:s14+$0xFFFFFF20] =	vst v35;
	v22 =	vmul.f32 v26, v34;
	v19 =	vmul.f32 v29, v34;
	v4 =	vpop (erf)  }
0x435: {  	v18 =	vld [tilespmem:s14+$0xD0];
	[tilespmem:s14+$0xFFFFFF30] =	vst v36;
	v20 =	vmul.f32 v4, v30;
	v16 =	vmul.f32 v4, v31  }
0x436: {  	s16 =	simm.s32 $0x0;
	s15 =	simm.s32 $0x2E20;
	s26 =	simm.s32 $0x8C60;
	v26 =	vld [tilespmem:s14+$0xF0];
	[tilespmem:s14+$0xFFFFFF40] =	vst v14;
	v17 =	vmul.f32 v32, v4;
	v14 =	vmul.f32 v33, v4  }
.LBB2_5:
0x437: {  	v29 =	vld [tilespmem:s26+$0x10];
	s16 =	sadd.s32 $0x4, s16;
	[tilespmem:s14+$0xFFFFFF50] =	vst v28;
	v6 =	vmul.f32 v6, v4;
	v7 =	vmul.f32 v7, v4  }
0x438: {  	v8 =	vmul.f32 v8, v4;
	s14 =	sadd.s32 $0x240, s14;
	v28 =	vld [tilespmem:s26+$0xFFFFFFE0];
	p1 =	slt.u32 s16, $0x4C;
	[tilespmem:s15+$0xFFFFFF80] =	vst v9;
	v9 =	vmul.f32 v10, v4  }
0x439: {  	v11 =	vmul.f32 v5, v11;
	v12 =	vmul.f32 v5, v12;
	v10 =	vld [tilespmem:s14+$0x110];
	[tilespmem:s15+$0xFFFFFF90] =	vst v27  }
0x43a: {  	v13 =	vmul.f32 v13, v5;
	v15 =	vmul.f32 v15, v5;
	v27 =	vld [tilespmem:s26+$0xFFFFFFF0];
	[tilespmem:s15+$0xFFFFFFA0] =	vst v24  }
0x43b: {  	v18 =	vmul.f32 v18, v5;
	v23 =	vmul.f32 v23, v5;
	v24 =	vld [tilespmem:s26+$0x0];
	[tilespmem:s15+$0xFFFFFFB0] =	vst v25  }
0x43c: {  	v5 =	vmul.f32 v26, v5;
	v25 =	vld [tilespmem:s14+$0xFFFFFFF0];
	v30 =	vperm.xlane v29, v0;
	[tilespmem:s15+$0xFFFFFFC0] =	vst v21  }
0x43d: {  	v21 =	vperm.xlane v28, v0;
	v26 =	vperm.xlane v28, v3;
	v28 =	vld [tilespmem:s14+$0x80];
	[tilespmem:s15+$0xFFFFFFD0] =	vst v22  }
0x43e: {  	v22 =	vld [tilespmem:s14+$0xFFFFFF60];
	v10 =	vadd.f32 v30, v10;
	[tilespmem:s15+$0xFFFFFFE0] =	vst v19  }
0x43f: {  	v19 =	vld [tilespmem:s14+$0xFFFFFEE0];
	v30 =	vperm.xlane v27, v0;
	v27 =	vperm.xlane v27, v3;
	[tilespmem:s15+$0x0] =	vst v20  }
0x440: {  	v20 =	vld [tilespmem:s14+$0xFFFFFEF0];
	v31 =	vperm.xlane v24, v0;
	v32 =	vmul.f32 $2.000000030e-01, v10;
	[tilespmem:s15+$0x10] =	vst v16  }
0x441: {  	v29 =	vperm.xlane v29, v3;
	vm0 =	vgt.f32 v10, $0.0e+00;
	v16 =	vld [tilespmem:s14+$0xFFFFFF00];
	v25 =	vadd.f32 v30, v25;
	[tilespmem:s15+$0x20] =	vst v17  }
0x442: {  	v24 =	vperm.xlane v24, v3;
	v17 =	vld [tilespmem:s14+$0xFFFFFF10];
	v28 =	vadd.f32 v31, v28;
	v10 =	vsel vm0, v10, v32;
	[tilespmem:s15+$0x30] =	vst v14  }
0x443: {  	v14 =	vadd.f32 v21, v22;
	v21 =	vld [tilespmem:s14+$0xFFFFFF20];
	v22 =	vmul.f32 $2.000000030e-01, v25;
	v10 =	vsub.f32 v10, v29;
	[tilespmem:s15+$0x40] =	vst v6  }
0x444: {  	vm0 =	vgt.f32 v25, $0.0e+00;
	v29 =	vld [tilespmem:s14+$0xFFFFFF30];
	vm1 =	vgt.f32 v28, $0.0e+00;
	v6 =	vmul.f32 $2.000000030e-01, v28;
	[tilespmem:s15+$0x50] =	vst v7  }
0x445: {  	vm2 =	vgt.f32 v14, $0.0e+00;
	v7 =	vmul.f32 $2.000000030e-01, v14;
	v30 =	vld [tilespmem:s14+$0xFFFFFF40];
	v10 =	vmul.f32 $1.442695020e+00, v10;
	[tilespmem:s15+$0x60] =	vst v8  }
0x446: {  	v8 =	vsel vm0, v25, v22;
	v31 =	vld [tilespmem:s14+$0xFFFFFF50];
	v6 =	vsel vm1, v28, v6;
	[tilespmem:s15+$0x70] =	vst v9  }
0x447: {  	v8 =	vsub.f32 v8, v27;
	v7 =	vsel vm2, v14, v7;
	v9 =	vld [tilespmem:s14+$0xFFFFFF70];
	(erf) = vpow2.f32 v10;
	[tilespmem:s15+$0x90] =	vst v11  }
0x448: {  	v6 =	vsub.f32 v6, v24;
	v7 =	vsub.f32 v7, v26;
	v10 =	vld [tilespmem:s14+$0xFFFFFF80];
	[tilespmem:s15+$0xA0] =	vst v12  }
0x449: {  	v8 =	vmul.f32 $1.442695020e+00, v8;
	v14 =	vld [tilespmem:s14+$0xFFFFFF90];
	[tilespmem:s15+$0xB0] =	vst v13  }
0x44a: {  	v6 =	vmul.f32 $1.442695020e+00, v6;
	v7 =	vmul.f32 $1.442695020e+00, v7;
	v13 =	vld [tilespmem:s14+$0xFFFFFFA0];
	[tilespmem:s15+$0xC0] =	vst v15  }
0x44b: {  	v15 =	vld [tilespmem:s14+$0xFFFFFFB0];
	(erf) = vpow2.f32 v8;
	[tilespmem:s15+$0xD0] =	vst v18  }
0x44c: {  	v8 =	vld [tilespmem:s14+$0x100];
	(erf) = vpow2.f32 v7;
	[tilespmem:s15+$0xE0] =	vst v23  }
0x44d: {  	v18 =	vld [tilespmem:s14+$0xFFFFFFC0];
	(erf) = vpow2.f32 v6;
	[tilespmem:s15+$0xF0] =	vst v5  }
0x44e: {  	v22 =	vld [tilespmem:s14+$0xFFFFFFD0];
	[tilespmem:s15+$0x80] =	vst v4;
	s15 =	smov.u32 s14  }
0x44f: {  	v23 =	vld [tilespmem:s14+$0xFFFFFFE0]  }
0x450: {  	v26 =	vld [tilespmem:s14+$0x0];
	v5 =	vpop (erf)  }
0x451: {  	v32 =	vld [tilespmem:s14+$0x10];
	[tilespmem:s14+$0x110] =	vst v5;
	v4 =	vmul.f32 v8, v5  }
0x452: {  	v33 =	vld [tilespmem:s14+$0x20]  }
0x453: {  	v34 =	vld [tilespmem:s14+$0x30];
	[tilespmem:s14+$0x100] =	vst v4  }
0x454: {  	v6 =	vld [tilespmem:s14+$0x40];
	v35 =	vpop (erf)  }
0x455: {  	[tilespmem:s14+$0xFFFFFFF0] =	vst v35;
	v11 =	vmul.f32 v35, v9;
	v9 =	vmul.f32 v35, v10;
	v7 =	vld [tilespmem:s14+$0x50];
	v12 =	vpop (erf)  }
0x456: {  	[tilespmem:s14+$0xFFFFFF60] =	vst v12;
	v19 =	vmul.f32 v12, v19;
	v20 =	vmul.f32 v12, v20;
	v8 =	vld [tilespmem:s14+$0x60];
	v4 =	vpop (erf)  }
0x457: {  	v16 =	vmul.f32 v16, v12;
	v17 =	vmul.f32 v17, v12;
	[tilespmem:s14+$0xFFFFFF70] =	vst v11;
	v10 =	vld [tilespmem:s14+$0x70]  }
0x458: {  	v29 =	vmul.f32 v29, v12;
	[tilespmem:s14+$0xFFFFFEE0] =	vst v19;
	v19 =	vmul.f32 v21, v12;
	v11 =	vld [tilespmem:s14+$0x90]  }
0x459: {  	v30 =	vmul.f32 v30, v12;
	v28 =	vmul.f32 v31, v12;
	[tilespmem:s14+$0xFFFFFEF0] =	vst v20;
	v12 =	vld [tilespmem:s14+$0xA0]  }
.Ltmp13:
0x45a: {  	v27 =	vmul.f32 v14, v35;
	v24 =	vmul.f32 v13, v35;
	[tilespmem:s14+$0xFFFFFF00] =	vst v16;
	v13 =	vld [tilespmem:s14+$0xB0];
	(pc) =	sbr.rel @p1 .LBB2_5-.Ltmp13, $4  }
0x45b: {  	v25 =	vmul.f32 v15, v35;
	v21 =	vmul.f32 v18, v35;
	[tilespmem:s14+$0xFFFFFF10] =	vst v17;
	v15 =	vld [tilespmem:s14+$0xC0]  }
0x45c: {  	v22 =	vmul.f32 v22, v35;
	[tilespmem:s14+$0xFFFFFF20] =	vst v19;
	v19 =	vmul.f32 v23, v35;
	v18 =	vld [tilespmem:s14+$0xD0]  }
0x45d: {  	v20 =	vmul.f32 v4, v26;
	v16 =	vmul.f32 v4, v32;
	[tilespmem:s14+$0xFFFFFF30] =	vst v29;
	v23 =	vld [tilespmem:s14+$0xE0]  }
0x45e: {  	s26 =	sadd.s32 $0x40, s26;
	v14 =	vmul.f32 v34, v4;
	v17 =	vmul.f32 v33, v4;
	[tilespmem:s14+$0xFFFFFF40] =	vst v30;
	v26 =	vld [tilespmem:s14+$0xF0]  }
0x45f: {  	[tilespmem:s14+$0xFFFFFF50] =	vst v28  }
0x460: {  	[tilespmem:s15+$0xFFFFFF80] =	vst v9  }
0x461: {  	[tilespmem:s15+$0xFFFFFF90] =	vst v27  }
0x462: {  	[tilespmem:s15+$0xFFFFFFA0] =	vst v24  }
0x463: {  	[tilespmem:s15+$0xFFFFFFB0] =	vst v25  }
0x464: {  	[tilespmem:s15+$0xFFFFFFC0] =	vst v21  }
0x465: {  	[tilespmem:s15+$0xFFFFFFD0] =	vst v22  }
0x466: {  	[tilespmem:s15+$0xFFFFFFE0] =	vst v19  }
0x467: {  	[tilespmem:s15+$0x0] =	vst v20  }
0x468: {  	[tilespmem:s15+$0x10] =	vst v16  }
0x469: {  	[tilespmem:s15+$0x80] =	vst v4  }
0x46a: {  	v6 =	vmul.f32 v6, v4;
	[tilespmem:s15+$0x20] =	vst v17  }
0x46b: {  	v7 =	vmul.f32 v7, v4;
	[tilespmem:s15+$0x30] =	vst v14  }
0x46c: {  	v8 =	vmul.f32 v8, v4;
	[tilespmem:s15+$0x40] =	vst v6  }
0x46d: {  	v57 =	vmul.f32 v10, v4;
	[tilespmem:s15+$0x50] =	vst v7  }
0x46e: {  	v58 =	vmul.f32 v5, v11;
	[tilespmem:s15+$0x60] =	vst v8  }
0x46f: {  	v59 =	vmul.f32 v5, v12;
	[tilespmem:s15+$0x70] =	vst v57  }
0x470: {  	v60 =	vmul.f32 v13, v5;
	[tilespmem:s15+$0x90] =	vst v58  }
0x471: {  	v61 =	vmul.f32 v15, v5;
	[tilespmem:s15+$0xA0] =	vst v59  }
0x472: {  	v62 =	vmul.f32 v18, v5;
	[tilespmem:s15+$0xB0] =	vst v60  }
0x473: {  	v63 =	vmul.f32 v23, v5;
	[tilespmem:s15+$0xC0] =	vst v61  }
0x474: {  	v5 =	vmul.f32 v26, v5;
	[tilespmem:s15+$0xD0] =	vst v62  }
0x475: {  	[tilespmem:s15+$0xE0] =	vst v63  }
0x476: {  	s0 =	simm.s32 $0x2D00;
	s26 =	simm.s32 $0x96F0;
	[tilespmem:s15+$0xF0] =	vst v5  }
0x477: {  	[spmem:s3] =	stream.indirect.scatter.add.f32 [tilespmem:s0], [sflag:$0xB], $0x90, s26, s21, $0xb8;
	[tilespmem:$0x1F770] =	vst v63  }
0x478: {  	_ =	swait.ge [sflag:s9], $0x2D00  }
0x479: {  	[sflag:s9] =	ssyncset.done $0x0  }
0x47a: {  	s14 =	simm.s32 $0x0;
	s31 =	rddreg [dreg:$0x9];
	[sflag:s9] =	ssyncadd.s32 $0xFFFFD300  }
0x47b: {  	[tilespmem:s23], [sflag:$0x7] =	stream.strided.gather [hbm4b:s31+s21], $0xA0, s22, s21, $0x38;
	[tilespmem:$0x1F770] =	vst v63  }
.LBB2_7:
0x47c: {  	_ =	swait.ge [sflag:s19], $0x2D00  }
0x47d: {  	[sflag:s19] =	ssyncset.done $0x0  }
0x47e: {  	[sflag:s19] =	ssyncadd.s32 $0xFFFFD300  }
0x47f: {  	_ =	swait.ge [sflag:s20], $0x500  }
0x480: {  	[sflag:s20] =	ssyncset.done $0x0  }
0x481: {  	[sflag:s20] =	ssyncadd.s32 $0xFFFFFB00  }
0x482: {  	_ =	swait.ge [sflag:s2], $0xA0  }
0x483: {  	[sflag:s2] =	ssyncset.done $0x0  }
0x484: {  	[sflag:s2] =	ssyncadd.s32 $0xFFFFFF60  }
0x485: {  	[tilespmem:s4], [sflag:$0x1] =	stream.indirect.gather [hbm4b:s6+s21], $0x90, s23, s21, $0xb8;
	[tilespmem:$0x1F770] =	vst v63  }
0x486: {  	s0 =	simm.s32 $0x8700;
	s26 =	simm.s32 $0x9120  }
0x487: {  	[tilespmem:s0], [sflag:$0x4] =	stream.indirect.gather [hbm4b:s1+s21], $0x10, s24, s21, $0xb8;
	[tilespmem:$0x1F770] =	vst v63  }
0x488: {  	v4 =	vld [tilespmem:s26+$0x10]  }
0x489: {  	s15 =	simm.s32 $0x5B20;
	v5 =	vld [tilespmem:s26+$0xFFFFFFE0]  }
0x48a: {  	v6 =	vld [tilespmem:s15+$0x110]  }
0x48b: {  	v7 =	vld [tilespmem:s26+$0xFFFFFFF0]  }
0x48c: {  	v8 =	vld [tilespmem:s26+$0x0]  }
0x48d: {  	v9 =	vld [tilespmem:s15+$0xFFFFFFF0]  }
0x48e: {  	v11 =	vld [tilespmem:s15+$0x80];
	v10 =	vperm.xlane v4, v0  }
0x48f: {  	v12 =	vld [tilespmem:s15+$0xFFFFFF60]  }
0x490: {  	v14 =	vld [tilespmem:s15+$0xFFFFFEF0];
	v6 =	vadd.f32 v10, v6  }
0x491: {  	v17 =	vld [tilespmem:s15+$0xFFFFFF00];
	v13 =	vperm.xlane v7, v0  }
0x492: {  	v18 =	vld [tilespmem:s15+$0xFFFFFF30];
	v15 =	vperm.xlane v5, v0;
	v16 =	vmul.f32 $2.000000030e-01, v6  }
0x493: {  	v19 =	vld [tilespmem:s15+$0xFFFFFF40];
	v4 =	vperm.xlane v4, v3;
	v9 =	vadd.f32 v13, v9;
	vm0 =	vgt.f32 v6, $0.0e+00  }
0x494: {  	v20 =	vld [tilespmem:s15+$0xFFFFFF50];
	v12 =	vadd.f32 v15, v12;
	v6 =	vsel vm0, v6, v16  }
0x495: {  	v21 =	vld [tilespmem:s15+$0xFFFFFFA0];
	v5 =	vperm.xlane v5, v3;
	v16 =	vmul.f32 $2.000000030e-01, v9;
	v4 =	vsub.f32 v6, v4  }
0x496: {  	v22 =	vld [tilespmem:s15+$0xFFFFFFB0];
	vm14 =	vgt.f32 v9, $0.0e+00;
	v6 =	vperm.xlane v7, v3;
	v7 =	vmul.f32 $2.000000030e-01, v12  }
0x497: {  	v23 =	vld [tilespmem:s15+$0xFFFFFFC0];
	vm1 =	vgt.f32 v12, $0.0e+00;
	v9 =	vsel vm14, v9, v16;
	v4 =	vmul.f32 $1.442695020e+00, v4  }
0x498: {  	v26 =	vld [tilespmem:s15+$0xFFFFFFD0];
	v7 =	vsel vm1, v12, v7;
	v6 =	vsub.f32 v9, v6  }
0x499: {  	v29 =	vld [tilespmem:s15+$0xFFFFFFE0];
	v12 =	vperm.xlane v8, v0;
	(erf) = vpow2.f32 v4;
	v4 =	vsub.f32 v7, v5  }
0x49a: {  	v30 =	vld [tilespmem:s15+$0x0];
	v5 =	vmul.f32 $1.442695020e+00, v6  }
0x49b: {  	v31 =	vld [tilespmem:s15+$0x10];
	v6 =	vadd.f32 v12, v11;
	v4 =	vmul.f32 $1.442695020e+00, v4  }
0x49c: {  	v32 =	vld [tilespmem:s15+$0x20];
	(erf) = vpow2.f32 v5  }
0x49d: {  	v33 =	vld [tilespmem:s15+$0x30];
	v5 =	vmul.f32 $2.000000030e-01, v6;
	(erf) = vpow2.f32 v4  }
0x49e: {  	v11 =	vld [tilespmem:s15+$0x100];
	vm15 =	vgt.f32 v6, $0.0e+00;
	v4 =	vperm.xlane v8, v3  }
0x49f: {  	v10 =	vld [tilespmem:s15+$0xFFFFFEE0];
	v5 =	vsel vm15, v6, v5  }
0x4a0: {  	v9 =	vld [tilespmem:s15+$0xFFFFFF70];
	v4 =	vsub.f32 v5, v4  }
0x4a1: {  	v7 =	vld [tilespmem:s15+$0xFFFFFF80]  }
0x4a2: {  	v13 =	vld [tilespmem:s15+$0xFFFFFF10];
	v4 =	vmul.f32 $1.442695020e+00, v4;
	v5 =	vpop (erf)  }
0x4a3: {  	v15 =	vld [tilespmem:s15+$0xFFFFFF20];
	v6 =	vmul.f32 v11, v5  }
0x4a4: {  	v16 =	vld [tilespmem:s15+$0xFFFFFF90];
	(erf) = vpow2.f32 v4;
	[tilespmem:s15+$0x110] =	vst v5  }
0x4a5: {  	v8 =	vld [tilespmem:s15+$0x60];
	v34 =	vpop (erf);
	[tilespmem:s15+$0x100] =	vst v6  }
0x4a6: {  	v6 =	vld [tilespmem:s15+$0x40];
	[tilespmem:s15+$0xFFFFFFF0] =	vst v34;
	v4 =	vmul.f32 v34, v9;
	v9 =	vmul.f32 v34, v7;
	v12 =	vpop (erf)  }
0x4a7: {  	v7 =	vld [tilespmem:s15+$0x50];
	v24 =	vmul.f32 v21, v34;
	[tilespmem:s15+$0xFFFFFF60] =	vst v12;
	v11 =	vmul.f32 v12, v10  }
0x4a8: {  	v21 =	vmul.f32 v23, v34;
	v23 =	vld [tilespmem:s15+$0xE0];
	v14 =	vmul.f32 v12, v14;
	[tilespmem:s15+$0xFFFFFF70] =	vst v4  }
0x4a9: {  	v27 =	vmul.f32 v16, v34;
	v17 =	vmul.f32 v17, v12;
	v10 =	vld [tilespmem:s15+$0x70];
	[tilespmem:s15+$0xFFFFFEE0] =	vst v11  }
0x4aa: {  	v25 =	vmul.f32 v13, v12;
	v35 =	vmul.f32 v15, v12;
	v13 =	vld [tilespmem:s15+$0xB0];
	[tilespmem:s15+$0xFFFFFEF0] =	vst v14  }
0x4ab: {  	v36 =	vmul.f32 v18, v12;
	v28 =	vmul.f32 v20, v12;
	v15 =	vld [tilespmem:s15+$0xC0];
	[tilespmem:s15+$0xFFFFFF00] =	vst v17  }
0x4ac: {  	v11 =	vld [tilespmem:s15+$0x90];
	v14 =	vmul.f32 v19, v12;
	[tilespmem:s15+$0xFFFFFF10] =	vst v25;
	v25 =	vmul.f32 v22, v34  }
0x4ad: {  	v12 =	vld [tilespmem:s15+$0xA0];
	[tilespmem:s15+$0xFFFFFF20] =	vst v35;
	v22 =	vmul.f32 v26, v34;
	v19 =	vmul.f32 v29, v34;
	v4 =	vpop (erf)  }
0x4ae: {  	v18 =	vld [tilespmem:s15+$0xD0];
	[tilespmem:s15+$0xFFFFFF30] =	vst v36;
	v20 =	vmul.f32 v4, v30;
	v16 =	vmul.f32 v4, v31  }
0x4af: {  	s31 =	simm.s32 $0x9160;
	s16 =	simm.s32 $0x5B20;
	s26 =	simm.s32 $0x0;
	v26 =	vld [tilespmem:s15+$0xF0];
	[tilespmem:s15+$0xFFFFFF40] =	vst v14;
	v17 =	vmul.f32 v32, v4;
	v14 =	vmul.f32 v33, v4  }
.LBB2_8:
0x4b0: {  	v29 =	vld [tilespmem:s31+$0x10];
	s26 =	sadd.s32 $0x4, s26;
	[tilespmem:s15+$0xFFFFFF50] =	vst v28;
	v6 =	vmul.f32 v6, v4;
	v7 =	vmul.f32 v7, v4  }
0x4b1: {  	v8 =	vmul.f32 v8, v4;
	s15 =	sadd.s32 $0x240, s15;
	v28 =	vld [tilespmem:s31+$0xFFFFFFE0];
	p1 =	slt.u32 s26, $0x4C;
	[tilespmem:s16+$0xFFFFFF80] =	vst v9;
	v9 =	vmul.f32 v10, v4  }
0x4b2: {  	v11 =	vmul.f32 v5, v11;
	v12 =	vmul.f32 v5, v12;
	v10 =	vld [tilespmem:s15+$0x110];
	[tilespmem:s16+$0xFFFFFF90] =	vst v27  }
0x4b3: {  	v13 =	vmul.f32 v13, v5;
	v15 =	vmul.f32 v15, v5;
	v27 =	vld [tilespmem:s31+$0xFFFFFFF0];
	[tilespmem:s16+$0xFFFFFFA0] =	vst v24  }
0x4b4: {  	v18 =	vmul.f32 v18, v5;
	v23 =	vmul.f32 v23, v5;
	v24 =	vld [tilespmem:s31+$0x0];
	[tilespmem:s16+$0xFFFFFFB0] =	vst v25  }
0x4b5: {  	v5 =	vmul.f32 v26, v5;
	v25 =	vld [tilespmem:s15+$0xFFFFFFF0];
	v30 =	vperm.xlane v29, v0;
	[tilespmem:s16+$0xFFFFFFC0] =	vst v21  }
0x4b6: {  	v21 =	vperm.xlane v28, v0;
	v26 =	vperm.xlane v28, v3;
	v28 =	vld [tilespmem:s15+$0x80];
	[tilespmem:s16+$0xFFFFFFD0] =	vst v22  }
0x4b7: {  	v22 =	vld [tilespmem:s15+$0xFFFFFF60];
	v10 =	vadd.f32 v30, v10;
	[tilespmem:s16+$0xFFFFFFE0] =	vst v19  }
0x4b8: {  	v19 =	vld [tilespmem:s15+$0xFFFFFEE0];
	v30 =	vperm.xlane v27, v0;
	v27 =	vperm.xlane v27, v3;
	[tilespmem:s16+$0x0] =	vst v20  }
0x4b9: {  	v20 =	vld [tilespmem:s15+$0xFFFFFEF0];
	v31 =	vperm.xlane v24, v0;
	v32 =	vmul.f32 $2.000000030e-01, v10;
	[tilespmem:s16+$0x10] =	vst v16  }
0x4ba: {  	v29 =	vperm.xlane v29, v3;
	vm0 =	vgt.f32 v10, $0.0e+00;
	v16 =	vld [tilespmem:s15+$0xFFFFFF00];
	v25 =	vadd.f32 v30, v25;
	[tilespmem:s16+$0x20] =	vst v17  }
0x4bb: {  	v24 =	vperm.xlane v24, v3;
	v17 =	vld [tilespmem:s15+$0xFFFFFF10];
	v28 =	vadd.f32 v31, v28;
	v10 =	vsel vm0, v10, v32;
	[tilespmem:s16+$0x30] =	vst v14  }
0x4bc: {  	v14 =	vadd.f32 v21, v22;
	v21 =	vld [tilespmem:s15+$0xFFFFFF20];
	v22 =	vmul.f32 $2.000000030e-01, v25;
	v10 =	vsub.f32 v10, v29;
	[tilespmem:s16+$0x40] =	vst v6  }
0x4bd: {  	vm0 =	vgt.f32 v25, $0.0e+00;
	v29 =	vld [tilespmem:s15+$0xFFFFFF30];
	vm1 =	vgt.f32 v28, $0.0e+00;
	v6 =	vmul.f32 $2.000000030e-01, v28;
	[tilespmem:s16+$0x50] =	vst v7  }
0x4be: {  	vm2 =	vgt.f32 v14, $0.0e+00;
	v7 =	vmul.f32 $2.000000030e-01, v14;
	v30 =	vld [tilespmem:s15+$0xFFFFFF40];
	v10 =	vmul.f32 $1.442695020e+00, v10;
	[tilespmem:s16+$0x60] =	vst v8  }
0x4bf: {  	v8 =	vsel vm0, v25, v22;
	v31 =	vld [tilespmem:s15+$0xFFFFFF50];
	v6 =	vsel vm1, v28, v6;
	[tilespmem:s16+$0x70] =	vst v9  }
0x4c0: {  	v8 =	vsub.f32 v8, v27;
	v7 =	vsel vm2, v14, v7;
	v9 =	vld [tilespmem:s15+$0xFFFFFF70];
	(erf) = vpow2.f32 v10;
	[tilespmem:s16+$0x90] =	vst v11  }
0x4c1: {  	v6 =	vsub.f32 v6, v24;
	v7 =	vsub.f32 v7, v26;
	v10 =	vld [tilespmem:s15+$0xFFFFFF80];
	[tilespmem:s16+$0xA0] =	vst v12  }
0x4c2: {  	v8 =	vmul.f32 $1.442695020e+00, v8;
	v14 =	vld [tilespmem:s15+$0xFFFFFF90];
	[tilespmem:s16+$0xB0] =	vst v13  }
0x4c3: {  	v6 =	vmul.f32 $1.442695020e+00, v6;
	v7 =	vmul.f32 $1.442695020e+00, v7;
	v13 =	vld [tilespmem:s15+$0xFFFFFFA0];
	[tilespmem:s16+$0xC0] =	vst v15  }
0x4c4: {  	v15 =	vld [tilespmem:s15+$0xFFFFFFB0];
	(erf) = vpow2.f32 v8;
	[tilespmem:s16+$0xD0] =	vst v18  }
0x4c5: {  	v8 =	vld [tilespmem:s15+$0x100];
	(erf) = vpow2.f32 v7;
	[tilespmem:s16+$0xE0] =	vst v23  }
0x4c6: {  	v18 =	vld [tilespmem:s15+$0xFFFFFFC0];
	(erf) = vpow2.f32 v6;
	[tilespmem:s16+$0xF0] =	vst v5  }
0x4c7: {  	v22 =	vld [tilespmem:s15+$0xFFFFFFD0];
	[tilespmem:s16+$0x80] =	vst v4;
	s16 =	smov.u32 s15  }
0x4c8: {  	v23 =	vld [tilespmem:s15+$0xFFFFFFE0]  }
0x4c9: {  	v26 =	vld [tilespmem:s15+$0x0];
	v5 =	vpop (erf)  }
0x4ca: {  	v32 =	vld [tilespmem:s15+$0x10];
	[tilespmem:s15+$0x110] =	vst v5;
	v4 =	vmul.f32 v8, v5  }
0x4cb: {  	v33 =	vld [tilespmem:s15+$0x20]  }
0x4cc: {  	v34 =	vld [tilespmem:s15+$0x30];
	[tilespmem:s15+$0x100] =	vst v4  }
0x4cd: {  	v6 =	vld [tilespmem:s15+$0x40];
	v35 =	vpop (erf)  }
0x4ce: {  	[tilespmem:s15+$0xFFFFFFF0] =	vst v35;
	v11 =	vmul.f32 v35, v9;
	v9 =	vmul.f32 v35, v10;
	v7 =	vld [tilespmem:s15+$0x50];
	v12 =	vpop (erf)  }
0x4cf: {  	[tilespmem:s15+$0xFFFFFF60] =	vst v12;
	v19 =	vmul.f32 v12, v19;
	v20 =	vmul.f32 v12, v20;
	v8 =	vld [tilespmem:s15+$0x60];
	v4 =	vpop (erf)  }
0x4d0: {  	v16 =	vmul.f32 v16, v12;
	v17 =	vmul.f32 v17, v12;
	[tilespmem:s15+$0xFFFFFF70] =	vst v11;
	v10 =	vld [tilespmem:s15+$0x70]  }
0x4d1: {  	v29 =	vmul.f32 v29, v12;
	[tilespmem:s15+$0xFFFFFEE0] =	vst v19;
	v19 =	vmul.f32 v21, v12;
	v11 =	vld [tilespmem:s15+$0x90]  }
0x4d2: {  	v30 =	vmul.f32 v30, v12;
	v28 =	vmul.f32 v31, v12;
	[tilespmem:s15+$0xFFFFFEF0] =	vst v20;
	v12 =	vld [tilespmem:s15+$0xA0]  }
.Ltmp14:
0x4d3: {  	v27 =	vmul.f32 v14, v35;
	v24 =	vmul.f32 v13, v35;
	[tilespmem:s15+$0xFFFFFF00] =	vst v16;
	v13 =	vld [tilespmem:s15+$0xB0];
	(pc) =	sbr.rel @p1 .LBB2_8-.Ltmp14, $4  }
0x4d4: {  	v25 =	vmul.f32 v15, v35;
	v21 =	vmul.f32 v18, v35;
	[tilespmem:s15+$0xFFFFFF10] =	vst v17;
	v15 =	vld [tilespmem:s15+$0xC0]  }
0x4d5: {  	v22 =	vmul.f32 v22, v35;
	[tilespmem:s15+$0xFFFFFF20] =	vst v19;
	v19 =	vmul.f32 v23, v35;
	v18 =	vld [tilespmem:s15+$0xD0]  }
0x4d6: {  	v20 =	vmul.f32 v4, v26;
	v16 =	vmul.f32 v4, v32;
	[tilespmem:s15+$0xFFFFFF30] =	vst v29;
	v23 =	vld [tilespmem:s15+$0xE0]  }
0x4d7: {  	s31 =	sadd.s32 $0x40, s31;
	v14 =	vmul.f32 v34, v4;
	v17 =	vmul.f32 v33, v4;
	[tilespmem:s15+$0xFFFFFF40] =	vst v30;
	v26 =	vld [tilespmem:s15+$0xF0]  }
0x4d8: {  	[tilespmem:s15+$0xFFFFFF50] =	vst v28  }
0x4d9: {  	[tilespmem:s16+$0xFFFFFF80] =	vst v9  }
0x4da: {  	[tilespmem:s16+$0xFFFFFF90] =	vst v27  }
0x4db: {  	[tilespmem:s16+$0xFFFFFFA0] =	vst v24  }
0x4dc: {  	[tilespmem:s16+$0xFFFFFFB0] =	vst v25  }
0x4dd: {  	[tilespmem:s16+$0xFFFFFFC0] =	vst v21  }
0x4de: {  	[tilespmem:s16+$0xFFFFFFD0] =	vst v22  }
0x4df: {  	[tilespmem:s16+$0xFFFFFFE0] =	vst v19  }
0x4e0: {  	[tilespmem:s16+$0x0] =	vst v20  }
0x4e1: {  	[tilespmem:s16+$0x10] =	vst v16  }
0x4e2: {  	[tilespmem:s16+$0x80] =	vst v4  }
0x4e3: {  	v6 =	vmul.f32 v6, v4;
	[tilespmem:s16+$0x20] =	vst v17  }
0x4e4: {  	v7 =	vmul.f32 v7, v4;
	[tilespmem:s16+$0x30] =	vst v14  }
0x4e5: {  	v8 =	vmul.f32 v8, v4;
	[tilespmem:s16+$0x40] =	vst v6  }
0x4e6: {  	v6 =	vmul.f32 v10, v4;
	[tilespmem:s16+$0x50] =	vst v7  }
0x4e7: {  	v7 =	vmul.f32 v5, v11;
	[tilespmem:s16+$0x60] =	vst v8  }
0x4e8: {  	v8 =	vmul.f32 v5, v12;
	[tilespmem:s16+$0x70] =	vst v6  }
0x4e9: {  	v6 =	vmul.f32 v13, v5;
	[tilespmem:s16+$0x90] =	vst v7  }
0x4ea: {  	v7 =	vmul.f32 v15, v5;
	[tilespmem:s16+$0xA0] =	vst v8  }
0x4eb: {  	v8 =	vmul.f32 v18, v5;
	[tilespmem:s16+$0xB0] =	vst v6  }
0x4ec: {  	v6 =	vmul.f32 v23, v5;
	[tilespmem:s16+$0xC0] =	vst v7  }
0x4ed: {  	v5 =	vmul.f32 v26, v5;
	[tilespmem:s16+$0xD0] =	vst v8  }
0x4ee: {  	[tilespmem:s16+$0xE0] =	vst v6  }
0x4ef: {  	[tilespmem:s16+$0xF0] =	vst v5  }
0x4f0: {  	[spmem:s3] =	stream.indirect.scatter.add.f32 [tilespmem:s17], [sflag:$0xC], $0x90, s18, s21, $0xb8;
	[tilespmem:$0x1F770] =	vst v63  }
0x4f1: {  	s15 =	smul.u32 $0xF0, s14;
	_ =	swait.ge [sflag:s10], $0x2D00  }
0x4f2: {  	s0 =	rddreg [dreg:$0xa]  }
0x4f3: {  	s0 =	sadd.s32 s15, s0  }
0x4f4: {  	[sflag:s10] =	ssyncset.done $0x0;
	s0 =	sshrl.u32 s0, $0x3  }
0x4f5: {  	s16 =	simm.s32 $0x96A0;
	[sflag:s10] =	ssyncadd.s32 $0xFFFFD300;
	s0 =	sadd.s32 s5, s0  }
0x4f6: {  	[tilespmem:s16], [sflag:$0x8] =	stream.strided.gather [hbm4b:s0+s21], $0xA0, s22, s21, $0x38;
	[tilespmem:$0x1F770] =	vst v63  }
0x4f7: {  	_ =	swait.ge [sflag:s28], $0x2D00  }
0x4f8: {  	[sflag:s28] =	ssyncset.done $0x0  }
0x4f9: {  	[sflag:s28] =	ssyncadd.s32 $0xFFFFD300  }
0x4fa: {  	_ =	swait.ge [sflag:s29], $0x500  }
0x4fb: {  	[sflag:s29] =	ssyncset.done $0x0  }
0x4fc: {  	[sflag:s29] =	ssyncadd.s32 $0xFFFFFB00  }
0x4fd: {  	_ =	swait.ge [sflag:s30], $0xA0  }
0x4fe: {  	[sflag:s30] =	ssyncset.done $0x0  }
0x4ff: {  	s26 =	simm.s32 $0x2D00;
	[sflag:s30] =	ssyncadd.s32 $0xFFFFFF60  }
0x500: {  	[tilespmem:s26], [sflag:$0x2] =	stream.indirect.gather [hbm4b:s6+s21], $0x90, s16, s21, $0xb8;
	[tilespmem:$0x1F770] =	vst v63  }
0x501: {  	s16 =	simm.s32 $0x96F0;
	s26 =	simm.s32 $0x8C00  }
0x502: {  	[tilespmem:s26], [sflag:$0x5] =	stream.indirect.gather [hbm4b:s1+s21], $0x10, s16, s21, $0xb8;
	[tilespmem:$0x1F770] =	vst v63  }
0x503: {  	s26 =	simm.s32 $0x8720  }
0x504: {  	v4 =	vld [tilespmem:s26+$0x10]  }
0x505: {  	s16 =	simm.s32 $0x120;
	v5 =	vld [tilespmem:s26+$0xFFFFFFE0]  }
0x506: {  	v6 =	vld [tilespmem:s16+$0x110]  }
0x507: {  	v7 =	vld [tilespmem:s26+$0xFFFFFFF0]  }
0x508: {  	v8 =	vld [tilespmem:s26+$0x0]  }
0x509: {  	v9 =	vld [tilespmem:s16+$0xFFFFFFF0]  }
0x50a: {  	v11 =	vld [tilespmem:s16+$0x80];
	v10 =	vperm.xlane v4, v0  }
0x50b: {  	v12 =	vld [tilespmem:s16+$0xFFFFFF60]  }
0x50c: {  	v14 =	vld [tilespmem:s16+$0xFFFFFEF0];
	v6 =	vadd.f32 v10, v6  }
0x50d: {  	v17 =	vld [tilespmem:s16+$0xFFFFFF00];
	v13 =	vperm.xlane v7, v0  }
0x50e: {  	v18 =	vld [tilespmem:s16+$0xFFFFFF30];
	v15 =	vperm.xlane v5, v0;
	v16 =	vmul.f32 $2.000000030e-01, v6  }
0x50f: {  	v19 =	vld [tilespmem:s16+$0xFFFFFF40];
	v4 =	vperm.xlane v4, v3;
	v9 =	vadd.f32 v13, v9;
	vm0 =	vgt.f32 v6, $0.0e+00  }
0x510: {  	v20 =	vld [tilespmem:s16+$0xFFFFFF50];
	v12 =	vadd.f32 v15, v12;
	v6 =	vsel vm0, v6, v16  }
0x511: {  	v21 =	vld [tilespmem:s16+$0xFFFFFFA0];
	v5 =	vperm.xlane v5, v3;
	v16 =	vmul.f32 $2.000000030e-01, v9;
	v4 =	vsub.f32 v6, v4  }
0x512: {  	v22 =	vld [tilespmem:s16+$0xFFFFFFB0];
	vm14 =	vgt.f32 v9, $0.0e+00;
	v6 =	vperm.xlane v7, v3;
	v7 =	vmul.f32 $2.000000030e-01, v12  }
0x513: {  	v23 =	vld [tilespmem:s16+$0xFFFFFFC0];
	vm1 =	vgt.f32 v12, $0.0e+00;
	v9 =	vsel vm14, v9, v16;
	v4 =	vmul.f32 $1.442695020e+00, v4  }
0x514: {  	v26 =	vld [tilespmem:s16+$0xFFFFFFD0];
	v7 =	vsel vm1, v12, v7;
	v6 =	vsub.f32 v9, v6  }
0x515: {  	v29 =	vld [tilespmem:s16+$0xFFFFFFE0];
	v12 =	vperm.xlane v8, v0;
	(erf) = vpow2.f32 v4;
	v4 =	vsub.f32 v7, v5  }
0x516: {  	v30 =	vld [tilespmem:s16+$0x0];
	v5 =	vmul.f32 $1.442695020e+00, v6  }
0x517: {  	v31 =	vld [tilespmem:s16+$0x10];
	v6 =	vadd.f32 v12, v11;
	v4 =	vmul.f32 $1.442695020e+00, v4  }
0x518: {  	v32 =	vld [tilespmem:s16+$0x20];
	(erf) = vpow2.f32 v5  }
0x519: {  	v33 =	vld [tilespmem:s16+$0x30];
	v5 =	vmul.f32 $2.000000030e-01, v6;
	(erf) = vpow2.f32 v4  }
0x51a: {  	v11 =	vld [tilespmem:s16+$0x100];
	vm15 =	vgt.f32 v6, $0.0e+00;
	v4 =	vperm.xlane v8, v3  }
0x51b: {  	v10 =	vld [tilespmem:s16+$0xFFFFFEE0];
	v5 =	vsel vm15, v6, v5  }
0x51c: {  	v9 =	vld [tilespmem:s16+$0xFFFFFF70];
	v4 =	vsub.f32 v5, v4  }
0x51d: {  	v7 =	vld [tilespmem:s16+$0xFFFFFF80]  }
0x51e: {  	v13 =	vld [tilespmem:s16+$0xFFFFFF10];
	v4 =	vmul.f32 $1.442695020e+00, v4;
	v5 =	vpop (erf)  }
0x51f: {  	v15 =	vld [tilespmem:s16+$0xFFFFFF20];
	v6 =	vmul.f32 v11, v5  }
0x520: {  	v16 =	vld [tilespmem:s16+$0xFFFFFF90];
	(erf) = vpow2.f32 v4;
	[tilespmem:s16+$0x110] =	vst v5  }
0x521: {  	v8 =	vld [tilespmem:s16+$0x60];
	v34 =	vpop (erf);
	[tilespmem:s16+$0x100] =	vst v6  }
0x522: {  	v6 =	vld [tilespmem:s16+$0x40];
	[tilespmem:s16+$0xFFFFFFF0] =	vst v34;
	v4 =	vmul.f32 v34, v9;
	v9 =	vmul.f32 v34, v7;
	v12 =	vpop (erf)  }
0x523: {  	v7 =	vld [tilespmem:s16+$0x50];
	v24 =	vmul.f32 v21, v34;
	[tilespmem:s16+$0xFFFFFF60] =	vst v12;
	v11 =	vmul.f32 v12, v10  }
0x524: {  	v21 =	vmul.f32 v23, v34;
	v23 =	vld [tilespmem:s16+$0xE0];
	v14 =	vmul.f32 v12, v14;
	[tilespmem:s16+$0xFFFFFF70] =	vst v4  }
0x525: {  	v27 =	vmul.f32 v16, v34;
	v17 =	vmul.f32 v17, v12;
	v10 =	vld [tilespmem:s16+$0x70];
	[tilespmem:s16+$0xFFFFFEE0] =	vst v11  }
0x526: {  	v25 =	vmul.f32 v13, v12;
	v35 =	vmul.f32 v15, v12;
	v13 =	vld [tilespmem:s16+$0xB0];
	[tilespmem:s16+$0xFFFFFEF0] =	vst v14  }
0x527: {  	v36 =	vmul.f32 v18, v12;
	v28 =	vmul.f32 v20, v12;
	v15 =	vld [tilespmem:s16+$0xC0];
	[tilespmem:s16+$0xFFFFFF00] =	vst v17  }
0x528: {  	v11 =	vld [tilespmem:s16+$0x90];
	v14 =	vmul.f32 v19, v12;
	[tilespmem:s16+$0xFFFFFF10] =	vst v25;
	v25 =	vmul.f32 v22, v34  }
0x529: {  	v12 =	vld [tilespmem:s16+$0xA0];
	[tilespmem:s16+$0xFFFFFF20] =	vst v35;
	v22 =	vmul.f32 v26, v34;
	v19 =	vmul.f32 v29, v34;
	v4 =	vpop (erf)  }
0x52a: {  	v18 =	vld [tilespmem:s16+$0xD0];
	[tilespmem:s16+$0xFFFFFF30] =	vst v36;
	v20 =	vmul.f32 v4, v30;
	v16 =	vmul.f32 v4, v31  }
0x52b: {  	s31 =	simm.s32 $0x0;
	s0 =	simm.s32 $0x8760;
	s26 =	simm.s32 $0x120;
	v26 =	vld [tilespmem:s16+$0xF0];
	[tilespmem:s16+$0xFFFFFF40] =	vst v14;
	v17 =	vmul.f32 v32, v4;
	v14 =	vmul.f32 v33, v4  }
.LBB2_10:
0x52c: {  	v29 =	vld [tilespmem:s0+$0x10];
	s31 =	sadd.s32 $0x4, s31;
	[tilespmem:s16+$0xFFFFFF50] =	vst v28;
	v6 =	vmul.f32 v6, v4;
	v7 =	vmul.f32 v7, v4  }
0x52d: {  	v8 =	vmul.f32 v8, v4;
	s16 =	sadd.s32 $0x240, s16;
	v28 =	vld [tilespmem:s0+$0xFFFFFFE0];
	p1 =	slt.u32 s31, $0x4C;
	[tilespmem:s26+$0xFFFFFF80] =	vst v9;
	v9 =	vmul.f32 v10, v4  }
0x52e: {  	v11 =	vmul.f32 v5, v11;
	v12 =	vmul.f32 v5, v12;
	v10 =	vld [tilespmem:s16+$0x110];
	[tilespmem:s26+$0xFFFFFF90] =	vst v27  }
0x52f: {  	v13 =	vmul.f32 v13, v5;
	v15 =	vmul.f32 v15, v5;
	v27 =	vld [tilespmem:s0+$0xFFFFFFF0];
	[tilespmem:s26+$0xFFFFFFA0] =	vst v24  }
0x530: {  	v18 =	vmul.f32 v18, v5;
	v23 =	vmul.f32 v23, v5;
	v24 =	vld [tilespmem:s0+$0x0];
	[tilespmem:s26+$0xFFFFFFB0] =	vst v25  }
0x531: {  	v5 =	vmul.f32 v26, v5;
	v25 =	vld [tilespmem:s16+$0xFFFFFFF0];
	v30 =	vperm.xlane v29, v0;
	[tilespmem:s26+$0xFFFFFFC0] =	vst v21  }
0x532: {  	v21 =	vperm.xlane v28, v0;
	v26 =	vperm.xlane v28, v3;
	v28 =	vld [tilespmem:s16+$0x80];
	[tilespmem:s26+$0xFFFFFFD0] =	vst v22  }
0x533: {  	v22 =	vld [tilespmem:s16+$0xFFFFFF60];
	v10 =	vadd.f32 v30, v10;
	[tilespmem:s26+$0xFFFFFFE0] =	vst v19  }
0x534: {  	v19 =	vld [tilespmem:s16+$0xFFFFFEE0];
	v30 =	vperm.xlane v27, v0;
	v27 =	vperm.xlane v27, v3;
	[tilespmem:s26+$0x0] =	vst v20  }
0x535: {  	v20 =	vld [tilespmem:s16+$0xFFFFFEF0];
	v31 =	vperm.xlane v24, v0;
	v32 =	vmul.f32 $2.000000030e-01, v10;
	[tilespmem:s26+$0x10] =	vst v16  }
0x536: {  	v29 =	vperm.xlane v29, v3;
	vm0 =	vgt.f32 v10, $0.0e+00;
	v16 =	vld [tilespmem:s16+$0xFFFFFF00];
	v25 =	vadd.f32 v30, v25;
	[tilespmem:s26+$0x20] =	vst v17  }
0x537: {  	v24 =	vperm.xlane v24, v3;
	v17 =	vld [tilespmem:s16+$0xFFFFFF10];
	v28 =	vadd.f32 v31, v28;
	v10 =	vsel vm0, v10, v32;
	[tilespmem:s26+$0x30] =	vst v14  }
0x538: {  	v14 =	vadd.f32 v21, v22;
	v21 =	vld [tilespmem:s16+$0xFFFFFF20];
	v22 =	vmul.f32 $2.000000030e-01, v25;
	v10 =	vsub.f32 v10, v29;
	[tilespmem:s26+$0x40] =	vst v6  }
0x539: {  	vm0 =	vgt.f32 v25, $0.0e+00;
	v29 =	vld [tilespmem:s16+$0xFFFFFF30];
	vm1 =	vgt.f32 v28, $0.0e+00;
	v6 =	vmul.f32 $2.000000030e-01, v28;
	[tilespmem:s26+$0x50] =	vst v7  }
0x53a: {  	vm2 =	vgt.f32 v14, $0.0e+00;
	v7 =	vmul.f32 $2.000000030e-01, v14;
	v30 =	vld [tilespmem:s16+$0xFFFFFF40];
	v10 =	vmul.f32 $1.442695020e+00, v10;
	[tilespmem:s26+$0x60] =	vst v8  }
0x53b: {  	v8 =	vsel vm0, v25, v22;
	v31 =	vld [tilespmem:s16+$0xFFFFFF50];
	v6 =	vsel vm1, v28, v6;
	[tilespmem:s26+$0x70] =	vst v9  }
0x53c: {  	v8 =	vsub.f32 v8, v27;
	v7 =	vsel vm2, v14, v7;
	v9 =	vld [tilespmem:s16+$0xFFFFFF70];
	(erf) = vpow2.f32 v10;
	[tilespmem:s26+$0x90] =	vst v11  }
0x53d: {  	v6 =	vsub.f32 v6, v24;
	v7 =	vsub.f32 v7, v26;
	v10 =	vld [tilespmem:s16+$0xFFFFFF80];
	[tilespmem:s26+$0xA0] =	vst v12  }
0x53e: {  	v8 =	vmul.f32 $1.442695020e+00, v8;
	v14 =	vld [tilespmem:s16+$0xFFFFFF90];
	[tilespmem:s26+$0xB0] =	vst v13  }
0x53f: {  	v6 =	vmul.f32 $1.442695020e+00, v6;
	v7 =	vmul.f32 $1.442695020e+00, v7;
	v13 =	vld [tilespmem:s16+$0xFFFFFFA0];
	[tilespmem:s26+$0xC0] =	vst v15  }
0x540: {  	v15 =	vld [tilespmem:s16+$0xFFFFFFB0];
	(erf) = vpow2.f32 v8;
	[tilespmem:s26+$0xD0] =	vst v18  }
0x541: {  	v8 =	vld [tilespmem:s16+$0x100];
	(erf) = vpow2.f32 v7;
	[tilespmem:s26+$0xE0] =	vst v23  }
0x542: {  	v18 =	vld [tilespmem:s16+$0xFFFFFFC0];
	(erf) = vpow2.f32 v6;
	[tilespmem:s26+$0xF0] =	vst v5  }
0x543: {  	v22 =	vld [tilespmem:s16+$0xFFFFFFD0];
	[tilespmem:s26+$0x80] =	vst v4;
	s26 =	smov.u32 s16  }
0x544: {  	v23 =	vld [tilespmem:s16+$0xFFFFFFE0]  }
0x545: {  	v26 =	vld [tilespmem:s16+$0x0];
	v5 =	vpop (erf)  }
0x546: {  	v32 =	vld [tilespmem:s16+$0x10];
	[tilespmem:s16+$0x110] =	vst v5;
	v4 =	vmul.f32 v8, v5  }
0x547: {  	v33 =	vld [tilespmem:s16+$0x20]  }
0x548: {  	v34 =	vld [tilespmem:s16+$0x30];
	[tilespmem:s16+$0x100] =	vst v4  }
0x549: {  	v6 =	vld [tilespmem:s16+$0x40];
	v35 =	vpop (erf)  }
0x54a: {  	[tilespmem:s16+$0xFFFFFFF0] =	vst v35;
	v11 =	vmul.f32 v35, v9;
	v9 =	vmul.f32 v35, v10;
	v7 =	vld [tilespmem:s16+$0x50];
	v12 =	vpop (erf)  }
0x54b: {  	[tilespmem:s16+$0xFFFFFF60] =	vst v12;
	v19 =	vmul.f32 v12, v19;
	v20 =	vmul.f32 v12, v20;
	v8 =	vld [tilespmem:s16+$0x60];
	v4 =	vpop (erf)  }
0x54c: {  	v16 =	vmul.f32 v16, v12;
	v17 =	vmul.f32 v17, v12;
	[tilespmem:s16+$0xFFFFFF70] =	vst v11;
	v10 =	vld [tilespmem:s16+$0x70]  }
0x54d: {  	v29 =	vmul.f32 v29, v12;
	[tilespmem:s16+$0xFFFFFEE0] =	vst v19;
	v19 =	vmul.f32 v21, v12;
	v11 =	vld [tilespmem:s16+$0x90]  }
0x54e: {  	v30 =	vmul.f32 v30, v12;
	v28 =	vmul.f32 v31, v12;
	[tilespmem:s16+$0xFFFFFEF0] =	vst v20;
	v12 =	vld [tilespmem:s16+$0xA0]  }
.Ltmp15:
0x54f: {  	v27 =	vmul.f32 v14, v35;
	v24 =	vmul.f32 v13, v35;
	[tilespmem:s16+$0xFFFFFF00] =	vst v16;
	v13 =	vld [tilespmem:s16+$0xB0];
	(pc) =	sbr.rel @p1 .LBB2_10-.Ltmp15, $4  }
0x550: {  	v25 =	vmul.f32 v15, v35;
	v21 =	vmul.f32 v18, v35;
	[tilespmem:s16+$0xFFFFFF10] =	vst v17;
	v15 =	vld [tilespmem:s16+$0xC0]  }
0x551: {  	v22 =	vmul.f32 v22, v35;
	[tilespmem:s16+$0xFFFFFF20] =	vst v19;
	v19 =	vmul.f32 v23, v35;
	v18 =	vld [tilespmem:s16+$0xD0]  }
0x552: {  	v20 =	vmul.f32 v4, v26;
	v16 =	vmul.f32 v4, v32;
	[tilespmem:s16+$0xFFFFFF30] =	vst v29;
	v23 =	vld [tilespmem:s16+$0xE0]  }
0x553: {  	s0 =	sadd.s32 $0x40, s0;
	v14 =	vmul.f32 v34, v4;
	v17 =	vmul.f32 v33, v4;
	[tilespmem:s16+$0xFFFFFF40] =	vst v30;
	v26 =	vld [tilespmem:s16+$0xF0]  }
0x554: {  	[tilespmem:s16+$0xFFFFFF50] =	vst v28  }
0x555: {  	[tilespmem:s26+$0xFFFFFF80] =	vst v9  }
0x556: {  	[tilespmem:s26+$0xFFFFFF90] =	vst v27  }
0x557: {  	[tilespmem:s26+$0xFFFFFFA0] =	vst v24  }
0x558: {  	[tilespmem:s26+$0xFFFFFFB0] =	vst v25  }
0x559: {  	[tilespmem:s26+$0xFFFFFFC0] =	vst v21  }
0x55a: {  	[tilespmem:s26+$0xFFFFFFD0] =	vst v22  }
0x55b: {  	[tilespmem:s26+$0xFFFFFFE0] =	vst v19  }
0x55c: {  	[tilespmem:s26+$0x0] =	vst v20  }
0x55d: {  	[tilespmem:s26+$0x10] =	vst v16  }
0x55e: {  	[tilespmem:s26+$0x80] =	vst v4  }
0x55f: {  	v6 =	vmul.f32 v6, v4;
	[tilespmem:s26+$0x20] =	vst v17  }
0x560: {  	v7 =	vmul.f32 v7, v4;
	[tilespmem:s26+$0x30] =	vst v14  }
0x561: {  	v8 =	vmul.f32 v8, v4;
	[tilespmem:s26+$0x40] =	vst v6  }
0x562: {  	v6 =	vmul.f32 v10, v4;
	[tilespmem:s26+$0x50] =	vst v7  }
0x563: {  	v7 =	vmul.f32 v5, v11;
	[tilespmem:s26+$0x60] =	vst v8  }
0x564: {  	v8 =	vmul.f32 v5, v12;
	[tilespmem:s26+$0x70] =	vst v6  }
0x565: {  	v6 =	vmul.f32 v13, v5;
	[tilespmem:s26+$0x90] =	vst v7  }
0x566: {  	v7 =	vmul.f32 v15, v5;
	[tilespmem:s26+$0xA0] =	vst v8  }
0x567: {  	v8 =	vmul.f32 v18, v5;
	[tilespmem:s26+$0xB0] =	vst v6  }
0x568: {  	v6 =	vmul.f32 v23, v5;
	[tilespmem:s26+$0xC0] =	vst v7  }
0x569: {  	v5 =	vmul.f32 v26, v5;
	[tilespmem:s26+$0xD0] =	vst v8  }
0x56a: {  	[tilespmem:s26+$0xE0] =	vst v6  }
0x56b: {  	[tilespmem:s26+$0xF0] =	vst v5  }
0x56c: {  	[spmem:s3] =	stream.indirect.scatter.add.f32 [tilespmem:s4], [sflag:$0xA], $0x90, s24, s21, $0xb8;
	[tilespmem:$0x1F770] =	vst v63  }
0x56d: {  	_ =	swait.ge [sflag:s25], $0x2D00  }
0x56e: {  	s0 =	rddreg [dreg:$0xb]  }
0x56f: {  	s0 =	sadd.s32 s15, s0  }
0x570: {  	[sflag:s25] =	ssyncset.done $0x0;
	s0 =	sshrl.u32 s0, $0x3  }
0x571: {  	[sflag:s25] =	ssyncadd.s32 $0xFFFFD300;
	s0 =	sadd.s32 s5, s0  }
0x572: {  	[tilespmem:s8], [sflag:$0x9] =	stream.strided.gather [hbm4b:s0+s21], $0xA0, s22, s21, $0x38;
	[tilespmem:$0x1F770] =	vst v63  }
0x573: {  	_ =	swait.ge [sflag:s11], $0x2D00  }
0x574: {  	[sflag:s11] =	ssyncset.done $0x0  }
0x575: {  	[sflag:s11] =	ssyncadd.s32 $0xFFFFD300  }
0x576: {  	_ =	swait.ge [sflag:s12], $0x500  }
0x577: {  	[sflag:s12] =	ssyncset.done $0x0  }
0x578: {  	[sflag:s12] =	ssyncadd.s32 $0xFFFFFB00  }
0x579: {  	_ =	swait.ge [sflag:s13], $0xA0  }
0x57a: {  	[sflag:s13] =	ssyncset.done $0x0  }
0x57b: {  	[sflag:s13] =	ssyncadd.s32 $0xFFFFFF60  }
0x57c: {  	[tilespmem:s17], [sflag:$0x3] =	stream.indirect.gather [hbm4b:s6+s21], $0x90, s8, s21, $0xb8;
	[tilespmem:$0x1F770] =	vst v63  }
0x57d: {  	s16 =	simm.s32 $0x9100;
	s26 =	simm.s32 $0x8C20  }
0x57e: {  	[tilespmem:s16], [sflag:$0x6] =	stream.indirect.gather [hbm4b:s1+s21], $0x10, s18, s21, $0xb8;
	[tilespmem:$0x1F770] =	vst v63  }
0x57f: {  	v4 =	vld [tilespmem:s26+$0x10]  }
0x580: {  	s16 =	simm.s32 $0x2E20;
	v5 =	vld [tilespmem:s26+$0xFFFFFFE0]  }
0x581: {  	v6 =	vld [tilespmem:s16+$0x110]  }
0x582: {  	v7 =	vld [tilespmem:s26+$0xFFFFFFF0]  }
0x583: {  	v8 =	vld [tilespmem:s26+$0x0]  }
0x584: {  	v9 =	vld [tilespmem:s16+$0xFFFFFFF0]  }
0x585: {  	v11 =	vld [tilespmem:s16+$0x80];
	v10 =	vperm.xlane v4, v0  }
0x586: {  	v12 =	vld [tilespmem:s16+$0xFFFFFF60]  }
0x587: {  	v14 =	vld [tilespmem:s16+$0xFFFFFEF0];
	v6 =	vadd.f32 v10, v6  }
0x588: {  	v17 =	vld [tilespmem:s16+$0xFFFFFF00];
	v13 =	vperm.xlane v7, v0  }
0x589: {  	v18 =	vld [tilespmem:s16+$0xFFFFFF30];
	v15 =	vperm.xlane v5, v0;
	v16 =	vmul.f32 $2.000000030e-01, v6  }
0x58a: {  	v19 =	vld [tilespmem:s16+$0xFFFFFF40];
	v4 =	vperm.xlane v4, v3;
	v9 =	vadd.f32 v13, v9;
	vm0 =	vgt.f32 v6, $0.0e+00  }
0x58b: {  	v20 =	vld [tilespmem:s16+$0xFFFFFF50];
	v12 =	vadd.f32 v15, v12;
	v6 =	vsel vm0, v6, v16  }
0x58c: {  	v21 =	vld [tilespmem:s16+$0xFFFFFFA0];
	v5 =	vperm.xlane v5, v3;
	v16 =	vmul.f32 $2.000000030e-01, v9;
	v4 =	vsub.f32 v6, v4  }
0x58d: {  	v22 =	vld [tilespmem:s16+$0xFFFFFFB0];
	vm14 =	vgt.f32 v9, $0.0e+00;
	v6 =	vperm.xlane v7, v3;
	v7 =	vmul.f32 $2.000000030e-01, v12  }
0x58e: {  	v23 =	vld [tilespmem:s16+$0xFFFFFFC0];
	vm1 =	vgt.f32 v12, $0.0e+00;
	v9 =	vsel vm14, v9, v16;
	v4 =	vmul.f32 $1.442695020e+00, v4  }
0x58f: {  	v26 =	vld [tilespmem:s16+$0xFFFFFFD0];
	v7 =	vsel vm1, v12, v7;
	v6 =	vsub.f32 v9, v6  }
0x590: {  	v29 =	vld [tilespmem:s16+$0xFFFFFFE0];
	v12 =	vperm.xlane v8, v0;
	(erf) = vpow2.f32 v4;
	v4 =	vsub.f32 v7, v5  }
0x591: {  	v30 =	vld [tilespmem:s16+$0x0];
	v5 =	vmul.f32 $1.442695020e+00, v6  }
0x592: {  	v31 =	vld [tilespmem:s16+$0x10];
	v6 =	vadd.f32 v12, v11;
	v4 =	vmul.f32 $1.442695020e+00, v4  }
0x593: {  	v32 =	vld [tilespmem:s16+$0x20];
	(erf) = vpow2.f32 v5  }
0x594: {  	v33 =	vld [tilespmem:s16+$0x30];
	v5 =	vmul.f32 $2.000000030e-01, v6;
	(erf) = vpow2.f32 v4  }
0x595: {  	v11 =	vld [tilespmem:s16+$0x100];
	vm15 =	vgt.f32 v6, $0.0e+00;
	v4 =	vperm.xlane v8, v3  }
0x596: {  	v10 =	vld [tilespmem:s16+$0xFFFFFEE0];
	v5 =	vsel vm15, v6, v5  }
0x597: {  	v9 =	vld [tilespmem:s16+$0xFFFFFF70];
	v4 =	vsub.f32 v5, v4  }
0x598: {  	v7 =	vld [tilespmem:s16+$0xFFFFFF80]  }
0x599: {  	v13 =	vld [tilespmem:s16+$0xFFFFFF10];
	v4 =	vmul.f32 $1.442695020e+00, v4;
	v5 =	vpop (erf)  }
0x59a: {  	v15 =	vld [tilespmem:s16+$0xFFFFFF20];
	v6 =	vmul.f32 v11, v5  }
0x59b: {  	v16 =	vld [tilespmem:s16+$0xFFFFFF90];
	(erf) = vpow2.f32 v4;
	[tilespmem:s16+$0x110] =	vst v5  }
0x59c: {  	v8 =	vld [tilespmem:s16+$0x60];
	v34 =	vpop (erf);
	[tilespmem:s16+$0x100] =	vst v6  }
0x59d: {  	v6 =	vld [tilespmem:s16+$0x40];
	[tilespmem:s16+$0xFFFFFFF0] =	vst v34;
	v4 =	vmul.f32 v34, v9;
	v9 =	vmul.f32 v34, v7;
	v12 =	vpop (erf)  }
0x59e: {  	v7 =	vld [tilespmem:s16+$0x50];
	v24 =	vmul.f32 v21, v34;
	[tilespmem:s16+$0xFFFFFF60] =	vst v12;
	v11 =	vmul.f32 v12, v10  }
0x59f: {  	v21 =	vmul.f32 v23, v34;
	v23 =	vld [tilespmem:s16+$0xE0];
	v14 =	vmul.f32 v12, v14;
	[tilespmem:s16+$0xFFFFFF70] =	vst v4  }
0x5a0: {  	v27 =	vmul.f32 v16, v34;
	v17 =	vmul.f32 v17, v12;
	v10 =	vld [tilespmem:s16+$0x70];
	[tilespmem:s16+$0xFFFFFEE0] =	vst v11  }
0x5a1: {  	v25 =	vmul.f32 v13, v12;
	v35 =	vmul.f32 v15, v12;
	v13 =	vld [tilespmem:s16+$0xB0];
	[tilespmem:s16+$0xFFFFFEF0] =	vst v14  }
0x5a2: {  	v36 =	vmul.f32 v18, v12;
	v28 =	vmul.f32 v20, v12;
	v15 =	vld [tilespmem:s16+$0xC0];
	[tilespmem:s16+$0xFFFFFF00] =	vst v17  }
0x5a3: {  	v11 =	vld [tilespmem:s16+$0x90];
	v14 =	vmul.f32 v19, v12;
	[tilespmem:s16+$0xFFFFFF10] =	vst v25;
	v25 =	vmul.f32 v22, v34  }
0x5a4: {  	v12 =	vld [tilespmem:s16+$0xA0];
	[tilespmem:s16+$0xFFFFFF20] =	vst v35;
	v22 =	vmul.f32 v26, v34;
	v19 =	vmul.f32 v29, v34;
	v4 =	vpop (erf)  }
0x5a5: {  	v18 =	vld [tilespmem:s16+$0xD0];
	[tilespmem:s16+$0xFFFFFF30] =	vst v36;
	v20 =	vmul.f32 v4, v30;
	v16 =	vmul.f32 v4, v31  }
0x5a6: {  	s31 =	simm.s32 $0x0;
	s0 =	simm.s32 $0x8C60;
	s26 =	simm.s32 $0x2E20;
	v26 =	vld [tilespmem:s16+$0xF0];
	[tilespmem:s16+$0xFFFFFF40] =	vst v14;
	v17 =	vmul.f32 v32, v4;
	v14 =	vmul.f32 v33, v4  }
.LBB2_12:
0x5a7: {  	v29 =	vld [tilespmem:s0+$0x10];
	s31 =	sadd.s32 $0x4, s31;
	[tilespmem:s16+$0xFFFFFF50] =	vst v28;
	v6 =	vmul.f32 v6, v4;
	v7 =	vmul.f32 v7, v4  }
0x5a8: {  	v8 =	vmul.f32 v8, v4;
	s16 =	sadd.s32 $0x240, s16;
	v28 =	vld [tilespmem:s0+$0xFFFFFFE0];
	p1 =	slt.u32 s31, $0x4C;
	[tilespmem:s26+$0xFFFFFF80] =	vst v9;
	v9 =	vmul.f32 v10, v4  }
0x5a9: {  	v11 =	vmul.f32 v5, v11;
	v12 =	vmul.f32 v5, v12;
	v10 =	vld [tilespmem:s16+$0x110];
	[tilespmem:s26+$0xFFFFFF90] =	vst v27  }
0x5aa: {  	v13 =	vmul.f32 v13, v5;
	v15 =	vmul.f32 v15, v5;
	v27 =	vld [tilespmem:s0+$0xFFFFFFF0];
	[tilespmem:s26+$0xFFFFFFA0] =	vst v24  }
0x5ab: {  	v18 =	vmul.f32 v18, v5;
	v23 =	vmul.f32 v23, v5;
	v24 =	vld [tilespmem:s0+$0x0];
	[tilespmem:s26+$0xFFFFFFB0] =	vst v25  }
0x5ac: {  	v5 =	vmul.f32 v26, v5;
	v25 =	vld [tilespmem:s16+$0xFFFFFFF0];
	v30 =	vperm.xlane v29, v0;
	[tilespmem:s26+$0xFFFFFFC0] =	vst v21  }
0x5ad: {  	v21 =	vperm.xlane v28, v0;
	v26 =	vperm.xlane v28, v3;
	v28 =	vld [tilespmem:s16+$0x80];
	[tilespmem:s26+$0xFFFFFFD0] =	vst v22  }
0x5ae: {  	v22 =	vld [tilespmem:s16+$0xFFFFFF60];
	v10 =	vadd.f32 v30, v10;
	[tilespmem:s26+$0xFFFFFFE0] =	vst v19  }
0x5af: {  	v19 =	vld [tilespmem:s16+$0xFFFFFEE0];
	v30 =	vperm.xlane v27, v0;
	v27 =	vperm.xlane v27, v3;
	[tilespmem:s26+$0x0] =	vst v20  }
0x5b0: {  	v20 =	vld [tilespmem:s16+$0xFFFFFEF0];
	v31 =	vperm.xlane v24, v0;
	v32 =	vmul.f32 $2.000000030e-01, v10;
	[tilespmem:s26+$0x10] =	vst v16  }
0x5b1: {  	v29 =	vperm.xlane v29, v3;
	vm0 =	vgt.f32 v10, $0.0e+00;
	v16 =	vld [tilespmem:s16+$0xFFFFFF00];
	v25 =	vadd.f32 v30, v25;
	[tilespmem:s26+$0x20] =	vst v17  }
0x5b2: {  	v24 =	vperm.xlane v24, v3;
	v17 =	vld [tilespmem:s16+$0xFFFFFF10];
	v28 =	vadd.f32 v31, v28;
	v10 =	vsel vm0, v10, v32;
	[tilespmem:s26+$0x30] =	vst v14  }
0x5b3: {  	v14 =	vadd.f32 v21, v22;
	v21 =	vld [tilespmem:s16+$0xFFFFFF20];
	v22 =	vmul.f32 $2.000000030e-01, v25;
	v10 =	vsub.f32 v10, v29;
	[tilespmem:s26+$0x40] =	vst v6  }
0x5b4: {  	vm0 =	vgt.f32 v25, $0.0e+00;
	v29 =	vld [tilespmem:s16+$0xFFFFFF30];
	vm1 =	vgt.f32 v28, $0.0e+00;
	v6 =	vmul.f32 $2.000000030e-01, v28;
	[tilespmem:s26+$0x50] =	vst v7  }
0x5b5: {  	vm2 =	vgt.f32 v14, $0.0e+00;
	v7 =	vmul.f32 $2.000000030e-01, v14;
	v30 =	vld [tilespmem:s16+$0xFFFFFF40];
	v10 =	vmul.f32 $1.442695020e+00, v10;
	[tilespmem:s26+$0x60] =	vst v8  }
0x5b6: {  	v8 =	vsel vm0, v25, v22;
	v31 =	vld [tilespmem:s16+$0xFFFFFF50];
	v6 =	vsel vm1, v28, v6;
	[tilespmem:s26+$0x70] =	vst v9  }
0x5b7: {  	v8 =	vsub.f32 v8, v27;
	v7 =	vsel vm2, v14, v7;
	v9 =	vld [tilespmem:s16+$0xFFFFFF70];
	(erf) = vpow2.f32 v10;
	[tilespmem:s26+$0x90] =	vst v11  }
0x5b8: {  	v6 =	vsub.f32 v6, v24;
	v7 =	vsub.f32 v7, v26;
	v10 =	vld [tilespmem:s16+$0xFFFFFF80];
	[tilespmem:s26+$0xA0] =	vst v12  }
0x5b9: {  	v8 =	vmul.f32 $1.442695020e+00, v8;
	v14 =	vld [tilespmem:s16+$0xFFFFFF90];
	[tilespmem:s26+$0xB0] =	vst v13  }
0x5ba: {  	v6 =	vmul.f32 $1.442695020e+00, v6;
	v7 =	vmul.f32 $1.442695020e+00, v7;
	v13 =	vld [tilespmem:s16+$0xFFFFFFA0];
	[tilespmem:s26+$0xC0] =	vst v15  }
0x5bb: {  	v15 =	vld [tilespmem:s16+$0xFFFFFFB0];
	(erf) = vpow2.f32 v8;
	[tilespmem:s26+$0xD0] =	vst v18  }
0x5bc: {  	v8 =	vld [tilespmem:s16+$0x100];
	(erf) = vpow2.f32 v7;
	[tilespmem:s26+$0xE0] =	vst v23  }
0x5bd: {  	v18 =	vld [tilespmem:s16+$0xFFFFFFC0];
	(erf) = vpow2.f32 v6;
	[tilespmem:s26+$0xF0] =	vst v5  }
0x5be: {  	v22 =	vld [tilespmem:s16+$0xFFFFFFD0];
	[tilespmem:s26+$0x80] =	vst v4;
	s26 =	smov.u32 s16  }
0x5bf: {  	v23 =	vld [tilespmem:s16+$0xFFFFFFE0]  }
0x5c0: {  	v26 =	vld [tilespmem:s16+$0x0];
	v5 =	vpop (erf)  }
0x5c1: {  	v32 =	vld [tilespmem:s16+$0x10];
	[tilespmem:s16+$0x110] =	vst v5;
	v4 =	vmul.f32 v8, v5  }
0x5c2: {  	v33 =	vld [tilespmem:s16+$0x20]  }
0x5c3: {  	v34 =	vld [tilespmem:s16+$0x30];
	[tilespmem:s16+$0x100] =	vst v4  }
0x5c4: {  	v6 =	vld [tilespmem:s16+$0x40];
	v35 =	vpop (erf)  }
0x5c5: {  	[tilespmem:s16+$0xFFFFFFF0] =	vst v35;
	v11 =	vmul.f32 v35, v9;
	v9 =	vmul.f32 v35, v10;
	v7 =	vld [tilespmem:s16+$0x50];
	v12 =	vpop (erf)  }
0x5c6: {  	[tilespmem:s16+$0xFFFFFF60] =	vst v12;
	v19 =	vmul.f32 v12, v19;
	v20 =	vmul.f32 v12, v20;
	v8 =	vld [tilespmem:s16+$0x60];
	v4 =	vpop (erf)  }
0x5c7: {  	v16 =	vmul.f32 v16, v12;
	v17 =	vmul.f32 v17, v12;
	[tilespmem:s16+$0xFFFFFF70] =	vst v11;
	v10 =	vld [tilespmem:s16+$0x70]  }
0x5c8: {  	v29 =	vmul.f32 v29, v12;
	[tilespmem:s16+$0xFFFFFEE0] =	vst v19;
	v19 =	vmul.f32 v21, v12;
	v11 =	vld [tilespmem:s16+$0x90]  }
0x5c9: {  	v30 =	vmul.f32 v30, v12;
	v28 =	vmul.f32 v31, v12;
	[tilespmem:s16+$0xFFFFFEF0] =	vst v20;
	v12 =	vld [tilespmem:s16+$0xA0]  }
.Ltmp16:
0x5ca: {  	v27 =	vmul.f32 v14, v35;
	v24 =	vmul.f32 v13, v35;
	[tilespmem:s16+$0xFFFFFF00] =	vst v16;
	v13 =	vld [tilespmem:s16+$0xB0];
	(pc) =	sbr.rel @p1 .LBB2_12-.Ltmp16, $4  }
0x5cb: {  	v25 =	vmul.f32 v15, v35;
	v21 =	vmul.f32 v18, v35;
	[tilespmem:s16+$0xFFFFFF10] =	vst v17;
	v15 =	vld [tilespmem:s16+$0xC0]  }
0x5cc: {  	v22 =	vmul.f32 v22, v35;
	[tilespmem:s16+$0xFFFFFF20] =	vst v19;
	v19 =	vmul.f32 v23, v35;
	v18 =	vld [tilespmem:s16+$0xD0]  }
0x5cd: {  	v20 =	vmul.f32 v4, v26;
	v16 =	vmul.f32 v4, v32;
	[tilespmem:s16+$0xFFFFFF30] =	vst v29;
	v23 =	vld [tilespmem:s16+$0xE0]  }
0x5ce: {  	s0 =	sadd.s32 $0x40, s0;
	v14 =	vmul.f32 v34, v4;
	v17 =	vmul.f32 v33, v4;
	[tilespmem:s16+$0xFFFFFF40] =	vst v30;
	v26 =	vld [tilespmem:s16+$0xF0]  }
0x5cf: {  	[tilespmem:s16+$0xFFFFFF50] =	vst v28  }
0x5d0: {  	[tilespmem:s26+$0xFFFFFF80] =	vst v9  }
0x5d1: {  	[tilespmem:s26+$0xFFFFFF90] =	vst v27  }
0x5d2: {  	[tilespmem:s26+$0xFFFFFFA0] =	vst v24  }
0x5d3: {  	[tilespmem:s26+$0xFFFFFFB0] =	vst v25  }
0x5d4: {  	[tilespmem:s26+$0xFFFFFFC0] =	vst v21  }
0x5d5: {  	[tilespmem:s26+$0xFFFFFFD0] =	vst v22  }
0x5d6: {  	[tilespmem:s26+$0xFFFFFFE0] =	vst v19  }
0x5d7: {  	[tilespmem:s26+$0x0] =	vst v20  }
0x5d8: {  	[tilespmem:s26+$0x10] =	vst v16  }
0x5d9: {  	[tilespmem:s26+$0x80] =	vst v4  }
0x5da: {  	v6 =	vmul.f32 v6, v4;
	[tilespmem:s26+$0x20] =	vst v17  }
0x5db: {  	v7 =	vmul.f32 v7, v4;
	[tilespmem:s26+$0x30] =	vst v14  }
0x5dc: {  	v8 =	vmul.f32 v8, v4;
	[tilespmem:s26+$0x40] =	vst v6  }
0x5dd: {  	v57 =	vmul.f32 v10, v4;
	[tilespmem:s26+$0x50] =	vst v7  }
0x5de: {  	v58 =	vmul.f32 v5, v11;
	[tilespmem:s26+$0x60] =	vst v8  }
0x5df: {  	v59 =	vmul.f32 v5, v12;
	[tilespmem:s26+$0x70] =	vst v57  }
0x5e0: {  	v60 =	vmul.f32 v13, v5;
	[tilespmem:s26+$0x90] =	vst v58  }
0x5e1: {  	v61 =	vmul.f32 v15, v5;
	[tilespmem:s26+$0xA0] =	vst v59  }
0x5e2: {  	v62 =	vmul.f32 v18, v5;
	[tilespmem:s26+$0xB0] =	vst v60  }
0x5e3: {  	v63 =	vmul.f32 v23, v5;
	[tilespmem:s26+$0xC0] =	vst v61  }
0x5e4: {  	v5 =	vmul.f32 v26, v5;
	[tilespmem:s26+$0xD0] =	vst v62  }
0x5e5: {  	[tilespmem:s26+$0xE0] =	vst v63  }
0x5e6: {  	s0 =	simm.s32 $0x2D00;
	s14 =	sadd.s32 $0x1, s14;
	[tilespmem:s26+$0xF0] =	vst v5;
	s26 =	simm.s32 $0x96F0  }
0x5e7: {  	[spmem:s3] =	stream.indirect.scatter.add.f32 [tilespmem:s0], [sflag:$0xB], $0x90, s26, s21, $0xb8;
	[tilespmem:$0x1F770] =	vst v63  }
0x5e8: {  	p1 =	sne.s32 s14, $0x52;
	_ =	swait.ge [sflag:s9], $0x2D00  }
.Ltmp17:
0x5e9: {  	s31 =	rddreg [dreg:$0xc];
	(pc) =	sbr.rel @p1 .LBB2_7-.Ltmp17, $4  }
0x5ea: {  	s0 =	sadd.s32 s15, s31  }
0x5eb: {  	[sflag:s9] =	ssyncset.done $0x0;
	s0 =	sshrl.u32 s0, $0x3  }
0x5ec: {  	[sflag:s9] =	ssyncadd.s32 $0xFFFFD300;
	s0 =	sadd.s32 s5, s0  }
0x5ed: {  	[tilespmem:s23], [sflag:$0x7] =	stream.strided.gather [hbm4b:s0+s21], $0xA0, s22, s21, $0x38;
	[tilespmem:$0x1F770] =	vst v63  }
0x5ee: {  	_ =	swait.ge [sflag:s19], $0x2D00  }
0x5ef: {  	[sflag:s19] =	ssyncset.done $0x0  }
0x5f0: {  	[sflag:s19] =	ssyncadd.s32 $0xFFFFD300  }
0x5f1: {  	_ =	swait.ge [sflag:s20], $0x500  }
0x5f2: {  	[sflag:s20] =	ssyncset.done $0x0  }
0x5f3: {  	[sflag:s20] =	ssyncadd.s32 $0xFFFFFB00  }
0x5f4: {  	_ =	swait.ge [sflag:s2], $0xA0  }
0x5f5: {  	[sflag:s2] =	ssyncset.done $0x0  }
0x5f6: {  	[sflag:s2] =	ssyncadd.s32 $0xFFFFFF60  }
0x5f7: {  	[tilespmem:s4], [sflag:$0x1] =	stream.indirect.gather [hbm4b:s6+s21], $0x90, s23, s21, $0xb8;
	[tilespmem:$0x1F770] =	vst v63  }
0x5f8: {  	s0 =	simm.s32 $0x8700;
	s31 =	simm.s32 $0x9120  }
0x5f9: {  	[tilespmem:s0], [sflag:$0x4] =	stream.indirect.gather [hbm4b:s1+s21], $0x10, s24, s21, $0xb8;
	[tilespmem:$0x1F770] =	vst v63  }
0x5fa: {  	v4 =	vld [tilespmem:s31+$0x10]  }
0x5fb: {  	s14 =	simm.s32 $0x5B20;
	v5 =	vld [tilespmem:s31+$0xFFFFFFE0]  }
0x5fc: {  	v6 =	vld [tilespmem:s14+$0x110]  }
0x5fd: {  	v7 =	vld [tilespmem:s31+$0xFFFFFFF0]  }
0x5fe: {  	v8 =	vld [tilespmem:s31+$0x0]  }
0x5ff: {  	v9 =	vld [tilespmem:s14+$0xFFFFFFF0]  }
0x600: {  	v11 =	vld [tilespmem:s14+$0x80];
	v10 =	vperm.xlane v4, v0  }
0x601: {  	v12 =	vld [tilespmem:s14+$0xFFFFFF60]  }
0x602: {  	v14 =	vld [tilespmem:s14+$0xFFFFFEF0];
	v6 =	vadd.f32 v10, v6  }
0x603: {  	v17 =	vld [tilespmem:s14+$0xFFFFFF00];
	v13 =	vperm.xlane v7, v0  }
0x604: {  	v18 =	vld [tilespmem:s14+$0xFFFFFF30];
	v15 =	vperm.xlane v5, v0;
	v16 =	vmul.f32 $2.000000030e-01, v6  }
0x605: {  	v19 =	vld [tilespmem:s14+$0xFFFFFF40];
	v4 =	vperm.xlane v4, v3;
	v9 =	vadd.f32 v13, v9;
	vm0 =	vgt.f32 v6, $0.0e+00  }
0x606: {  	v20 =	vld [tilespmem:s14+$0xFFFFFF50];
	v12 =	vadd.f32 v15, v12;
	v6 =	vsel vm0, v6, v16  }
0x607: {  	v21 =	vld [tilespmem:s14+$0xFFFFFFA0];
	v5 =	vperm.xlane v5, v3;
	v16 =	vmul.f32 $2.000000030e-01, v9;
	v4 =	vsub.f32 v6, v4  }
0x608: {  	v22 =	vld [tilespmem:s14+$0xFFFFFFB0];
	vm14 =	vgt.f32 v9, $0.0e+00;
	v6 =	vperm.xlane v7, v3;
	v7 =	vmul.f32 $2.000000030e-01, v12  }
0x609: {  	v23 =	vld [tilespmem:s14+$0xFFFFFFC0];
	vm1 =	vgt.f32 v12, $0.0e+00;
	v9 =	vsel vm14, v9, v16;
	v4 =	vmul.f32 $1.442695020e+00, v4  }
0x60a: {  	v26 =	vld [tilespmem:s14+$0xFFFFFFD0];
	v7 =	vsel vm1, v12, v7;
	v6 =	vsub.f32 v9, v6  }
0x60b: {  	v29 =	vld [tilespmem:s14+$0xFFFFFFE0];
	v12 =	vperm.xlane v8, v0;
	(erf) = vpow2.f32 v4;
	v4 =	vsub.f32 v7, v5  }
0x60c: {  	v30 =	vld [tilespmem:s14+$0x0];
	v5 =	vmul.f32 $1.442695020e+00, v6  }
0x60d: {  	v31 =	vld [tilespmem:s14+$0x10];
	v6 =	vadd.f32 v12, v11;
	v4 =	vmul.f32 $1.442695020e+00, v4  }
0x60e: {  	v32 =	vld [tilespmem:s14+$0x20];
	(erf) = vpow2.f32 v5  }
0x60f: {  	v33 =	vld [tilespmem:s14+$0x30];
	v5 =	vmul.f32 $2.000000030e-01, v6;
	(erf) = vpow2.f32 v4  }
0x610: {  	v11 =	vld [tilespmem:s14+$0x100];
	vm15 =	vgt.f32 v6, $0.0e+00;
	v4 =	vperm.xlane v8, v3  }
0x611: {  	v10 =	vld [tilespmem:s14+$0xFFFFFEE0];
	v5 =	vsel vm15, v6, v5  }
0x612: {  	v9 =	vld [tilespmem:s14+$0xFFFFFF70];
	v4 =	vsub.f32 v5, v4  }
0x613: {  	v7 =	vld [tilespmem:s14+$0xFFFFFF80]  }
0x614: {  	v13 =	vld [tilespmem:s14+$0xFFFFFF10];
	v4 =	vmul.f32 $1.442695020e+00, v4;
	v5 =	vpop (erf)  }
0x615: {  	v15 =	vld [tilespmem:s14+$0xFFFFFF20];
	v6 =	vmul.f32 v11, v5  }
0x616: {  	v16 =	vld [tilespmem:s14+$0xFFFFFF90];
	(erf) = vpow2.f32 v4;
	[tilespmem:s14+$0x110] =	vst v5  }
0x617: {  	v8 =	vld [tilespmem:s14+$0x60];
	v34 =	vpop (erf);
	[tilespmem:s14+$0x100] =	vst v6  }
0x618: {  	v6 =	vld [tilespmem:s14+$0x40];
	[tilespmem:s14+$0xFFFFFFF0] =	vst v34;
	v4 =	vmul.f32 v34, v9;
	v9 =	vmul.f32 v34, v7;
	v12 =	vpop (erf)  }
0x619: {  	v7 =	vld [tilespmem:s14+$0x50];
	v24 =	vmul.f32 v21, v34;
	[tilespmem:s14+$0xFFFFFF60] =	vst v12;
	v11 =	vmul.f32 v12, v10  }
0x61a: {  	v21 =	vmul.f32 v23, v34;
	v23 =	vld [tilespmem:s14+$0xE0];
	v14 =	vmul.f32 v12, v14;
	[tilespmem:s14+$0xFFFFFF70] =	vst v4  }
0x61b: {  	v27 =	vmul.f32 v16, v34;
	v17 =	vmul.f32 v17, v12;
	v10 =	vld [tilespmem:s14+$0x70];
	[tilespmem:s14+$0xFFFFFEE0] =	vst v11  }
0x61c: {  	v25 =	vmul.f32 v13, v12;
	v35 =	vmul.f32 v15, v12;
	v13 =	vld [tilespmem:s14+$0xB0];
	[tilespmem:s14+$0xFFFFFEF0] =	vst v14  }
0x61d: {  	v36 =	vmul.f32 v18, v12;
	v28 =	vmul.f32 v20, v12;
	v15 =	vld [tilespmem:s14+$0xC0];
	[tilespmem:s14+$0xFFFFFF00] =	vst v17  }
0x61e: {  	v11 =	vld [tilespmem:s14+$0x90];
	v14 =	vmul.f32 v19, v12;
	[tilespmem:s14+$0xFFFFFF10] =	vst v25;
	v25 =	vmul.f32 v22, v34  }
0x61f: {  	v12 =	vld [tilespmem:s14+$0xA0];
	[tilespmem:s14+$0xFFFFFF20] =	vst v35;
	v22 =	vmul.f32 v26, v34;
	v19 =	vmul.f32 v29, v34;
	v4 =	vpop (erf)  }
0x620: {  	v18 =	vld [tilespmem:s14+$0xD0];
	[tilespmem:s14+$0xFFFFFF30] =	vst v36;
	v20 =	vmul.f32 v4, v30;
	v16 =	vmul.f32 v4, v31  }
0x621: {  	s16 =	simm.s32 $0x0;
	s15 =	simm.s32 $0x5B20;
	s0 =	simm.s32 $0x9160;
	v26 =	vld [tilespmem:s14+$0xF0];
	[tilespmem:s14+$0xFFFFFF40] =	vst v14;
	v17 =	vmul.f32 v32, v4;
	v14 =	vmul.f32 v33, v4  }
.LBB2_15:
0x622: {  	v29 =	vld [tilespmem:s0+$0x10];
	s16 =	sadd.s32 $0x4, s16;
	[tilespmem:s14+$0xFFFFFF50] =	vst v28;
	v6 =	vmul.f32 v6, v4;
	v7 =	vmul.f32 v7, v4  }
0x623: {  	v8 =	vmul.f32 v8, v4;
	s14 =	sadd.s32 $0x240, s14;
	v28 =	vld [tilespmem:s0+$0xFFFFFFE0];
	p1 =	slt.u32 s16, $0x4C;
	[tilespmem:s15+$0xFFFFFF80] =	vst v9;
	v9 =	vmul.f32 v10, v4  }
0x624: {  	v11 =	vmul.f32 v5, v11;
	v12 =	vmul.f32 v5, v12;
	v10 =	vld [tilespmem:s14+$0x110];
	[tilespmem:s15+$0xFFFFFF90] =	vst v27  }
0x625: {  	v13 =	vmul.f32 v13, v5;
	v15 =	vmul.f32 v15, v5;
	v27 =	vld [tilespmem:s0+$0xFFFFFFF0];
	[tilespmem:s15+$0xFFFFFFA0] =	vst v24  }
0x626: {  	v18 =	vmul.f32 v18, v5;
	v23 =	vmul.f32 v23, v5;
	v24 =	vld [tilespmem:s0+$0x0];
	[tilespmem:s15+$0xFFFFFFB0] =	vst v25  }
0x627: {  	v5 =	vmul.f32 v26, v5;
	v25 =	vld [tilespmem:s14+$0xFFFFFFF0];
	v30 =	vperm.xlane v29, v0;
	[tilespmem:s15+$0xFFFFFFC0] =	vst v21  }
0x628: {  	v21 =	vperm.xlane v28, v0;
	v26 =	vperm.xlane v28, v3;
	v28 =	vld [tilespmem:s14+$0x80];
	[tilespmem:s15+$0xFFFFFFD0] =	vst v22  }
0x629: {  	v22 =	vld [tilespmem:s14+$0xFFFFFF60];
	v10 =	vadd.f32 v30, v10;
	[tilespmem:s15+$0xFFFFFFE0] =	vst v19  }
0x62a: {  	v19 =	vld [tilespmem:s14+$0xFFFFFEE0];
	v30 =	vperm.xlane v27, v0;
	v27 =	vperm.xlane v27, v3;
	[tilespmem:s15+$0x0] =	vst v20  }
0x62b: {  	v20 =	vld [tilespmem:s14+$0xFFFFFEF0];
	v31 =	vperm.xlane v24, v0;
	v32 =	vmul.f32 $2.000000030e-01, v10;
	[tilespmem:s15+$0x10] =	vst v16  }
0x62c: {  	v29 =	vperm.xlane v29, v3;
	vm0 =	vgt.f32 v10, $0.0e+00;
	v16 =	vld [tilespmem:s14+$0xFFFFFF00];
	v25 =	vadd.f32 v30, v25;
	[tilespmem:s15+$0x20] =	vst v17  }
0x62d: {  	v24 =	vperm.xlane v24, v3;
	v17 =	vld [tilespmem:s14+$0xFFFFFF10];
	v28 =	vadd.f32 v31, v28;
	v10 =	vsel vm0, v10, v32;
	[tilespmem:s15+$0x30] =	vst v14  }
0x62e: {  	v14 =	vadd.f32 v21, v22;
	v21 =	vld [tilespmem:s14+$0xFFFFFF20];
	v22 =	vmul.f32 $2.000000030e-01, v25;
	v10 =	vsub.f32 v10, v29;
	[tilespmem:s15+$0x40] =	vst v6  }
0x62f: {  	vm0 =	vgt.f32 v25, $0.0e+00;
	v29 =	vld [tilespmem:s14+$0xFFFFFF30];
	vm1 =	vgt.f32 v28, $0.0e+00;
	v6 =	vmul.f32 $2.000000030e-01, v28;
	[tilespmem:s15+$0x50] =	vst v7  }
0x630: {  	vm2 =	vgt.f32 v14, $0.0e+00;
	v7 =	vmul.f32 $2.000000030e-01, v14;
	v30 =	vld [tilespmem:s14+$0xFFFFFF40];
	v10 =	vmul.f32 $1.442695020e+00, v10;
	[tilespmem:s15+$0x60] =	vst v8  }
0x631: {  	v8 =	vsel vm0, v25, v22;
	v31 =	vld [tilespmem:s14+$0xFFFFFF50];
	v6 =	vsel vm1, v28, v6;
	[tilespmem:s15+$0x70] =	vst v9  }
0x632: {  	v8 =	vsub.f32 v8, v27;
	v7 =	vsel vm2, v14, v7;
	v9 =	vld [tilespmem:s14+$0xFFFFFF70];
	(erf) = vpow2.f32 v10;
	[tilespmem:s15+$0x90] =	vst v11  }
0x633: {  	v6 =	vsub.f32 v6, v24;
	v7 =	vsub.f32 v7, v26;
	v10 =	vld [tilespmem:s14+$0xFFFFFF80];
	[tilespmem:s15+$0xA0] =	vst v12  }
0x634: {  	v8 =	vmul.f32 $1.442695020e+00, v8;
	v14 =	vld [tilespmem:s14+$0xFFFFFF90];
	[tilespmem:s15+$0xB0] =	vst v13  }
0x635: {  	v6 =	vmul.f32 $1.442695020e+00, v6;
	v7 =	vmul.f32 $1.442695020e+00, v7;
	v13 =	vld [tilespmem:s14+$0xFFFFFFA0];
	[tilespmem:s15+$0xC0] =	vst v15  }
0x636: {  	v15 =	vld [tilespmem:s14+$0xFFFFFFB0];
	(erf) = vpow2.f32 v8;
	[tilespmem:s15+$0xD0] =	vst v18  }
0x637: {  	v8 =	vld [tilespmem:s14+$0x100];
	(erf) = vpow2.f32 v7;
	[tilespmem:s15+$0xE0] =	vst v23  }
0x638: {  	v18 =	vld [tilespmem:s14+$0xFFFFFFC0];
	(erf) = vpow2.f32 v6;
	[tilespmem:s15+$0xF0] =	vst v5  }
0x639: {  	v22 =	vld [tilespmem:s14+$0xFFFFFFD0];
	[tilespmem:s15+$0x80] =	vst v4;
	s15 =	smov.u32 s14  }
0x63a: {  	v23 =	vld [tilespmem:s14+$0xFFFFFFE0]  }
0x63b: {  	v26 =	vld [tilespmem:s14+$0x0];
	v5 =	vpop (erf)  }
0x63c: {  	v32 =	vld [tilespmem:s14+$0x10];
	[tilespmem:s14+$0x110] =	vst v5;
	v4 =	vmul.f32 v8, v5  }
0x63d: {  	v33 =	vld [tilespmem:s14+$0x20]  }
0x63e: {  	v34 =	vld [tilespmem:s14+$0x30];
	[tilespmem:s14+$0x100] =	vst v4  }
0x63f: {  	v6 =	vld [tilespmem:s14+$0x40];
	v35 =	vpop (erf)  }
0x640: {  	[tilespmem:s14+$0xFFFFFFF0] =	vst v35;
	v11 =	vmul.f32 v35, v9;
	v9 =	vmul.f32 v35, v10;
	v7 =	vld [tilespmem:s14+$0x50];
	v12 =	vpop (erf)  }
0x641: {  	[tilespmem:s14+$0xFFFFFF60] =	vst v12;
	v19 =	vmul.f32 v12, v19;
	v20 =	vmul.f32 v12, v20;
	v8 =	vld [tilespmem:s14+$0x60];
	v4 =	vpop (erf)  }
0x642: {  	v16 =	vmul.f32 v16, v12;
	v17 =	vmul.f32 v17, v12;
	[tilespmem:s14+$0xFFFFFF70] =	vst v11;
	v10 =	vld [tilespmem:s14+$0x70]  }
0x643: {  	v29 =	vmul.f32 v29, v12;
	[tilespmem:s14+$0xFFFFFEE0] =	vst v19;
	v19 =	vmul.f32 v21, v12;
	v11 =	vld [tilespmem:s14+$0x90]  }
0x644: {  	v30 =	vmul.f32 v30, v12;
	v28 =	vmul.f32 v31, v12;
	[tilespmem:s14+$0xFFFFFEF0] =	vst v20;
	v12 =	vld [tilespmem:s14+$0xA0]  }
.Ltmp18:
0x645: {  	v27 =	vmul.f32 v14, v35;
	v24 =	vmul.f32 v13, v35;
	[tilespmem:s14+$0xFFFFFF00] =	vst v16;
	v13 =	vld [tilespmem:s14+$0xB0];
	(pc) =	sbr.rel @p1 .LBB2_15-.Ltmp18, $4  }
0x646: {  	v25 =	vmul.f32 v15, v35;
	v21 =	vmul.f32 v18, v35;
	[tilespmem:s14+$0xFFFFFF10] =	vst v17;
	v15 =	vld [tilespmem:s14+$0xC0]  }
0x647: {  	v22 =	vmul.f32 v22, v35;
	[tilespmem:s14+$0xFFFFFF20] =	vst v19;
	v19 =	vmul.f32 v23, v35;
	v18 =	vld [tilespmem:s14+$0xD0]  }
0x648: {  	v20 =	vmul.f32 v4, v26;
	v16 =	vmul.f32 v4, v32;
	[tilespmem:s14+$0xFFFFFF30] =	vst v29;
	v23 =	vld [tilespmem:s14+$0xE0]  }
0x649: {  	s0 =	sadd.s32 $0x40, s0;
	v14 =	vmul.f32 v34, v4;
	v17 =	vmul.f32 v33, v4;
	[tilespmem:s14+$0xFFFFFF40] =	vst v30;
	v26 =	vld [tilespmem:s14+$0xF0]  }
0x64a: {  	[tilespmem:s14+$0xFFFFFF50] =	vst v28  }
0x64b: {  	[tilespmem:s15+$0xFFFFFF80] =	vst v9  }
0x64c: {  	[tilespmem:s15+$0xFFFFFF90] =	vst v27  }
0x64d: {  	[tilespmem:s15+$0xFFFFFFA0] =	vst v24  }
0x64e: {  	[tilespmem:s15+$0xFFFFFFB0] =	vst v25  }
0x64f: {  	[tilespmem:s15+$0xFFFFFFC0] =	vst v21  }
0x650: {  	[tilespmem:s15+$0xFFFFFFD0] =	vst v22  }
0x651: {  	[tilespmem:s15+$0xFFFFFFE0] =	vst v19  }
0x652: {  	[tilespmem:s15+$0x0] =	vst v20  }
0x653: {  	[tilespmem:s15+$0x10] =	vst v16  }
0x654: {  	[tilespmem:s15+$0x80] =	vst v4  }
0x655: {  	v6 =	vmul.f32 v6, v4;
	[tilespmem:s15+$0x20] =	vst v17  }
0x656: {  	v7 =	vmul.f32 v7, v4;
	[tilespmem:s15+$0x30] =	vst v14  }
0x657: {  	v8 =	vmul.f32 v8, v4;
	[tilespmem:s15+$0x40] =	vst v6  }
0x658: {  	v6 =	vmul.f32 v10, v4;
	[tilespmem:s15+$0x50] =	vst v7  }
0x659: {  	v7 =	vmul.f32 v5, v11;
	[tilespmem:s15+$0x60] =	vst v8  }
0x65a: {  	v8 =	vmul.f32 v5, v12;
	[tilespmem:s15+$0x70] =	vst v6  }
0x65b: {  	v6 =	vmul.f32 v13, v5;
	[tilespmem:s15+$0x90] =	vst v7  }
0x65c: {  	v7 =	vmul.f32 v15, v5;
	[tilespmem:s15+$0xA0] =	vst v8  }
0x65d: {  	v8 =	vmul.f32 v18, v5;
	[tilespmem:s15+$0xB0] =	vst v6  }
0x65e: {  	v6 =	vmul.f32 v23, v5;
	[tilespmem:s15+$0xC0] =	vst v7  }
0x65f: {  	v5 =	vmul.f32 v26, v5;
	[tilespmem:s15+$0xD0] =	vst v8  }
0x660: {  	[tilespmem:s15+$0xE0] =	vst v6  }
0x661: {  	[tilespmem:s15+$0xF0] =	vst v5  }
0x662: {  	[spmem:s3] =	stream.indirect.scatter.add.f32 [tilespmem:s17], [sflag:$0xC], $0x90, s18, s21, $0xb8;
	[tilespmem:$0x1F770] =	vst v63  }
0x663: {  	_ =	swait.ge [sflag:s28], $0x2D00  }
0x664: {  	[sflag:s28] =	ssyncset.done $0x0  }
0x665: {  	[sflag:s28] =	ssyncadd.s32 $0xFFFFD300  }
0x666: {  	_ =	swait.ge [sflag:s29], $0x500  }
0x667: {  	[sflag:s29] =	ssyncset.done $0x0  }
0x668: {  	s0 =	simm.s32 $0x8720;
	[sflag:s29] =	ssyncadd.s32 $0xFFFFFB00  }
0x669: {  	v4 =	vld [tilespmem:s0+$0x10]  }
0x66a: {  	s14 =	simm.s32 $0x120;
	v5 =	vld [tilespmem:s0+$0xFFFFFFE0]  }
0x66b: {  	v6 =	vld [tilespmem:s14+$0x110]  }
0x66c: {  	v7 =	vld [tilespmem:s0+$0xFFFFFFF0]  }
0x66d: {  	v8 =	vld [tilespmem:s0+$0x0]  }
0x66e: {  	v9 =	vld [tilespmem:s14+$0xFFFFFFF0];
	v10 =	vperm.xlane v4, v0  }
0x66f: {  	v12 =	vld [tilespmem:s14+$0xFFFFFF60]  }
0x670: {  	v11 =	vld [tilespmem:s14+$0x80];
	v6 =	vadd.f32 v10, v6  }
0x671: {  	v14 =	vld [tilespmem:s14+$0xFFFFFEF0];
	v13 =	vperm.xlane v7, v0  }
0x672: {  	v17 =	vld [tilespmem:s14+$0xFFFFFF00];
	v15 =	vperm.xlane v5, v0;
	v16 =	vmul.f32 $2.000000030e-01, v6  }
0x673: {  	v18 =	vld [tilespmem:s14+$0xFFFFFF30];
	v4 =	vperm.xlane v4, v3;
	v9 =	vadd.f32 v13, v9;
	vm0 =	vgt.f32 v6, $0.0e+00  }
0x674: {  	v19 =	vld [tilespmem:s14+$0xFFFFFF40];
	v12 =	vadd.f32 v15, v12;
	v6 =	vsel vm0, v6, v16  }
0x675: {  	v20 =	vld [tilespmem:s14+$0xFFFFFF50];
	v5 =	vperm.xlane v5, v3;
	v16 =	vmul.f32 $2.000000030e-01, v9;
	v4 =	vsub.f32 v6, v4  }
0x676: {  	v21 =	vld [tilespmem:s14+$0xFFFFFFA0];
	vm14 =	vgt.f32 v9, $0.0e+00;
	v6 =	vperm.xlane v7, v3;
	v7 =	vmul.f32 $2.000000030e-01, v12  }
0x677: {  	v22 =	vld [tilespmem:s14+$0xFFFFFFB0];
	vm1 =	vgt.f32 v12, $0.0e+00;
	v9 =	vsel vm14, v9, v16;
	v4 =	vmul.f32 $1.442695020e+00, v4  }
0x678: {  	v23 =	vld [tilespmem:s14+$0xFFFFFFC0];
	v7 =	vsel vm1, v12, v7;
	v6 =	vsub.f32 v9, v6  }
0x679: {  	v26 =	vld [tilespmem:s14+$0xFFFFFFD0];
	v12 =	vperm.xlane v8, v0;
	(erf) = vpow2.f32 v4;
	v4 =	vsub.f32 v7, v5  }
0x67a: {  	v29 =	vld [tilespmem:s14+$0xFFFFFFE0];
	v5 =	vmul.f32 $1.442695020e+00, v6  }
0x67b: {  	v30 =	vld [tilespmem:s14+$0x0];
	v6 =	vadd.f32 v12, v11;
	v4 =	vmul.f32 $1.442695020e+00, v4  }
0x67c: {  	v31 =	vld [tilespmem:s14+$0x10];
	(erf) = vpow2.f32 v5  }
0x67d: {  	v32 =	vld [tilespmem:s14+$0x20];
	v5 =	vmul.f32 $2.000000030e-01, v6;
	(erf) = vpow2.f32 v4  }
0x67e: {  	v11 =	vld [tilespmem:s14+$0x100];
	vm15 =	vgt.f32 v6, $0.0e+00  }
0x67f: {  	v33 =	vld [tilespmem:s14+$0x30];
	v4 =	vperm.xlane v8, v3;
	v5 =	vsel vm15, v6, v5  }
0x680: {  	v10 =	vld [tilespmem:s14+$0xFFFFFEE0]  }
0x681: {  	v9 =	vld [tilespmem:s14+$0xFFFFFF70];
	v4 =	vsub.f32 v5, v4  }
0x682: {  	v7 =	vld [tilespmem:s14+$0xFFFFFF80];
	v5 =	vpop (erf)  }
0x683: {  	v13 =	vld [tilespmem:s14+$0xFFFFFF10];
	v4 =	vmul.f32 $1.442695020e+00, v4;
	v6 =	vmul.f32 v11, v5  }
0x684: {  	v15 =	vld [tilespmem:s14+$0xFFFFFF20];
	[tilespmem:s14+$0x110] =	vst v5  }
0x685: {  	v16 =	vld [tilespmem:s14+$0xFFFFFF90];
	(erf) = vpow2.f32 v4;
	v34 =	vpop (erf);
	[tilespmem:s14+$0x100] =	vst v6  }
0x686: {  	v8 =	vld [tilespmem:s14+$0x60];
	[tilespmem:s14+$0xFFFFFFF0] =	vst v34;
	v4 =	vmul.f32 v34, v9;
	v12 =	vpop (erf)  }
0x687: {  	v6 =	vld [tilespmem:s14+$0x40];
	v9 =	vmul.f32 v34, v7;
	[tilespmem:s14+$0xFFFFFF60] =	vst v12;
	v11 =	vmul.f32 v12, v10  }
0x688: {  	v7 =	vld [tilespmem:s14+$0x50];
	v24 =	vmul.f32 v21, v34;
	v14 =	vmul.f32 v12, v14;
	[tilespmem:s14+$0xFFFFFF70] =	vst v4  }
0x689: {  	v21 =	vmul.f32 v23, v34;
	v23 =	vld [tilespmem:s14+$0xE0];
	v17 =	vmul.f32 v17, v12;
	[tilespmem:s14+$0xFFFFFEE0] =	vst v11  }
0x68a: {  	v25 =	vmul.f32 v13, v12;
	v10 =	vld [tilespmem:s14+$0x70];
	[tilespmem:s14+$0xFFFFFEF0] =	vst v14  }
0x68b: {  	v27 =	vmul.f32 v16, v34;
	v35 =	vmul.f32 v15, v12;
	v13 =	vld [tilespmem:s14+$0xB0];
	[tilespmem:s14+$0xFFFFFF00] =	vst v17  }
0x68c: {  	v36 =	vmul.f32 v18, v12;
	v28 =	vmul.f32 v20, v12;
	v15 =	vld [tilespmem:s14+$0xC0];
	[tilespmem:s14+$0xFFFFFF10] =	vst v25  }
0x68d: {  	v11 =	vld [tilespmem:s14+$0x90];
	v14 =	vmul.f32 v19, v12;
	v25 =	vmul.f32 v22, v34;
	[tilespmem:s14+$0xFFFFFF20] =	vst v35  }
0x68e: {  	v12 =	vld [tilespmem:s14+$0xA0];
	v22 =	vmul.f32 v26, v34;
	v19 =	vmul.f32 v29, v34;
	[tilespmem:s14+$0xFFFFFF30] =	vst v36;
	v4 =	vpop (erf)  }
0x68f: {  	s16 =	simm.s32 $0x0;
	v18 =	vld [tilespmem:s14+$0xD0];
	[tilespmem:s14+$0xFFFFFF40] =	vst v14;
	v20 =	vmul.f32 v4, v30;
	v16 =	vmul.f32 v4, v31  }
0x690: {  	s15 =	simm.s32 $0x120;
	s0 =	simm.s32 $0x8760;
	v26 =	vld [tilespmem:s14+$0xF0];
	s26 =	rddreg [dreg:$0x10];
	v17 =	vmul.f32 v32, v4;
	v14 =	vmul.f32 v33, v4  }
.LBB2_17:
0x691: {  	v29 =	vld [tilespmem:s0+$0x10];
	s16 =	sadd.s32 $0x4, s16;
	[tilespmem:s14+$0xFFFFFF50] =	vst v28;
	v6 =	vmul.f32 v6, v4;
	v7 =	vmul.f32 v7, v4  }
0x692: {  	v8 =	vmul.f32 v8, v4;
	s14 =	sadd.s32 $0x240, s14;
	v28 =	vld [tilespmem:s0+$0xFFFFFFE0];
	p1 =	slt.u32 s16, $0x4C;
	[tilespmem:s15+$0xFFFFFF80] =	vst v9;
	v9 =	vmul.f32 v10, v4  }
0x693: {  	v11 =	vmul.f32 v5, v11;
	v12 =	vmul.f32 v5, v12;
	v10 =	vld [tilespmem:s14+$0x110];
	[tilespmem:s15+$0xFFFFFF90] =	vst v27  }
0x694: {  	v13 =	vmul.f32 v13, v5;
	v15 =	vmul.f32 v15, v5;
	v27 =	vld [tilespmem:s0+$0xFFFFFFF0];
	[tilespmem:s15+$0xFFFFFFA0] =	vst v24  }
0x695: {  	v18 =	vmul.f32 v18, v5;
	v23 =	vmul.f32 v23, v5;
	v24 =	vld [tilespmem:s0+$0x0];
	[tilespmem:s15+$0xFFFFFFB0] =	vst v25  }
0x696: {  	v5 =	vmul.f32 v26, v5;
	v25 =	vld [tilespmem:s14+$0xFFFFFFF0];
	v30 =	vperm.xlane v29, v0;
	[tilespmem:s15+$0xFFFFFFC0] =	vst v21  }
0x697: {  	v21 =	vperm.xlane v28, v0;
	v26 =	vperm.xlane v28, v3;
	v28 =	vld [tilespmem:s14+$0x80];
	[tilespmem:s15+$0xFFFFFFD0] =	vst v22  }
0x698: {  	v22 =	vld [tilespmem:s14+$0xFFFFFF60];
	v10 =	vadd.f32 v30, v10;
	[tilespmem:s15+$0xFFFFFFE0] =	vst v19  }
0x699: {  	v19 =	vld [tilespmem:s14+$0xFFFFFEE0];
	v30 =	vperm.xlane v27, v0;
	v27 =	vperm.xlane v27, v3;
	[tilespmem:s15+$0x0] =	vst v20  }
0x69a: {  	v20 =	vld [tilespmem:s14+$0xFFFFFEF0];
	v31 =	vperm.xlane v24, v0;
	v32 =	vmul.f32 $2.000000030e-01, v10;
	[tilespmem:s15+$0x10] =	vst v16  }
0x69b: {  	v29 =	vperm.xlane v29, v3;
	vm0 =	vgt.f32 v10, $0.0e+00;
	v16 =	vld [tilespmem:s14+$0xFFFFFF00];
	v25 =	vadd.f32 v30, v25;
	[tilespmem:s15+$0x20] =	vst v17  }
0x69c: {  	v24 =	vperm.xlane v24, v3;
	v17 =	vld [tilespmem:s14+$0xFFFFFF10];
	v28 =	vadd.f32 v31, v28;
	v10 =	vsel vm0, v10, v32;
	[tilespmem:s15+$0x30] =	vst v14  }
0x69d: {  	v14 =	vadd.f32 v21, v22;
	v21 =	vld [tilespmem:s14+$0xFFFFFF20];
	v22 =	vmul.f32 $2.000000030e-01, v25;
	v10 =	vsub.f32 v10, v29;
	[tilespmem:s15+$0x40] =	vst v6  }
0x69e: {  	vm0 =	vgt.f32 v25, $0.0e+00;
	v29 =	vld [tilespmem:s14+$0xFFFFFF30];
	vm1 =	vgt.f32 v28, $0.0e+00;
	v6 =	vmul.f32 $2.000000030e-01, v28;
	[tilespmem:s15+$0x50] =	vst v7  }
0x69f: {  	vm2 =	vgt.f32 v14, $0.0e+00;
	v7 =	vmul.f32 $2.000000030e-01, v14;
	v30 =	vld [tilespmem:s14+$0xFFFFFF40];
	v10 =	vmul.f32 $1.442695020e+00, v10;
	[tilespmem:s15+$0x60] =	vst v8  }
0x6a0: {  	v8 =	vsel vm0, v25, v22;
	v31 =	vld [tilespmem:s14+$0xFFFFFF50];
	v6 =	vsel vm1, v28, v6;
	[tilespmem:s15+$0x70] =	vst v9  }
0x6a1: {  	v8 =	vsub.f32 v8, v27;
	v7 =	vsel vm2, v14, v7;
	v9 =	vld [tilespmem:s14+$0xFFFFFF70];
	(erf) = vpow2.f32 v10;
	[tilespmem:s15+$0x90] =	vst v11  }
0x6a2: {  	v6 =	vsub.f32 v6, v24;
	v7 =	vsub.f32 v7, v26;
	v10 =	vld [tilespmem:s14+$0xFFFFFF80];
	[tilespmem:s15+$0xA0] =	vst v12  }
0x6a3: {  	v8 =	vmul.f32 $1.442695020e+00, v8;
	v14 =	vld [tilespmem:s14+$0xFFFFFF90];
	[tilespmem:s15+$0xB0] =	vst v13  }
0x6a4: {  	v6 =	vmul.f32 $1.442695020e+00, v6;
	v7 =	vmul.f32 $1.442695020e+00, v7;
	v13 =	vld [tilespmem:s14+$0xFFFFFFA0];
	[tilespmem:s15+$0xC0] =	vst v15  }
0x6a5: {  	v15 =	vld [tilespmem:s14+$0xFFFFFFB0];
	(erf) = vpow2.f32 v8;
	[tilespmem:s15+$0xD0] =	vst v18  }
0x6a6: {  	v8 =	vld [tilespmem:s14+$0x100];
	(erf) = vpow2.f32 v7;
	[tilespmem:s15+$0xE0] =	vst v23  }
0x6a7: {  	v18 =	vld [tilespmem:s14+$0xFFFFFFC0];
	(erf) = vpow2.f32 v6;
	[tilespmem:s15+$0xF0] =	vst v5  }
0x6a8: {  	v22 =	vld [tilespmem:s14+$0xFFFFFFD0];
	[tilespmem:s15+$0x80] =	vst v4;
	s15 =	smov.u32 s14  }
0x6a9: {  	v23 =	vld [tilespmem:s14+$0xFFFFFFE0]  }
0x6aa: {  	v26 =	vld [tilespmem:s14+$0x0];
	v5 =	vpop (erf)  }
0x6ab: {  	v32 =	vld [tilespmem:s14+$0x10];
	[tilespmem:s14+$0x110] =	vst v5;
	v4 =	vmul.f32 v8, v5  }
0x6ac: {  	v33 =	vld [tilespmem:s14+$0x20]  }
0x6ad: {  	v34 =	vld [tilespmem:s14+$0x30];
	[tilespmem:s14+$0x100] =	vst v4  }
0x6ae: {  	v6 =	vld [tilespmem:s14+$0x40];
	v35 =	vpop (erf)  }
0x6af: {  	[tilespmem:s14+$0xFFFFFFF0] =	vst v35;
	v11 =	vmul.f32 v35, v9;
	v9 =	vmul.f32 v35, v10;
	v7 =	vld [tilespmem:s14+$0x50];
	v12 =	vpop (erf)  }
0x6b0: {  	[tilespmem:s14+$0xFFFFFF60] =	vst v12;
	v19 =	vmul.f32 v12, v19;
	v20 =	vmul.f32 v12, v20;
	v8 =	vld [tilespmem:s14+$0x60];
	v4 =	vpop (erf)  }
0x6b1: {  	v16 =	vmul.f32 v16, v12;
	v17 =	vmul.f32 v17, v12;
	[tilespmem:s14+$0xFFFFFF70] =	vst v11;
	v10 =	vld [tilespmem:s14+$0x70]  }
0x6b2: {  	v29 =	vmul.f32 v29, v12;
	[tilespmem:s14+$0xFFFFFEE0] =	vst v19;
	v19 =	vmul.f32 v21, v12;
	v11 =	vld [tilespmem:s14+$0x90]  }
0x6b3: {  	v30 =	vmul.f32 v30, v12;
	v28 =	vmul.f32 v31, v12;
	[tilespmem:s14+$0xFFFFFEF0] =	vst v20;
	v12 =	vld [tilespmem:s14+$0xA0]  }
.Ltmp19:
0x6b4: {  	v27 =	vmul.f32 v14, v35;
	v24 =	vmul.f32 v13, v35;
	[tilespmem:s14+$0xFFFFFF00] =	vst v16;
	v13 =	vld [tilespmem:s14+$0xB0];
	(pc) =	sbr.rel @p1 .LBB2_17-.Ltmp19, $4  }
0x6b5: {  	v25 =	vmul.f32 v15, v35;
	v21 =	vmul.f32 v18, v35;
	[tilespmem:s14+$0xFFFFFF10] =	vst v17;
	v15 =	vld [tilespmem:s14+$0xC0]  }
0x6b6: {  	v22 =	vmul.f32 v22, v35;
	[tilespmem:s14+$0xFFFFFF20] =	vst v19;
	v19 =	vmul.f32 v23, v35;
	v18 =	vld [tilespmem:s14+$0xD0]  }
0x6b7: {  	v20 =	vmul.f32 v4, v26;
	v16 =	vmul.f32 v4, v32;
	[tilespmem:s14+$0xFFFFFF30] =	vst v29;
	v23 =	vld [tilespmem:s14+$0xE0]  }
0x6b8: {  	s0 =	sadd.s32 $0x40, s0;
	v14 =	vmul.f32 v34, v4;
	v17 =	vmul.f32 v33, v4;
	[tilespmem:s14+$0xFFFFFF40] =	vst v30;
	v26 =	vld [tilespmem:s14+$0xF0]  }
0x6b9: {  	[tilespmem:s14+$0xFFFFFF50] =	vst v28  }
0x6ba: {  	[tilespmem:s15+$0xFFFFFF80] =	vst v9  }
0x6bb: {  	[tilespmem:s15+$0xFFFFFF90] =	vst v27  }
0x6bc: {  	[tilespmem:s15+$0xFFFFFFA0] =	vst v24  }
0x6bd: {  	[tilespmem:s15+$0xFFFFFFB0] =	vst v25  }
0x6be: {  	[tilespmem:s15+$0xFFFFFFC0] =	vst v21  }
0x6bf: {  	[tilespmem:s15+$0xFFFFFFD0] =	vst v22  }
0x6c0: {  	[tilespmem:s15+$0xFFFFFFE0] =	vst v19  }
0x6c1: {  	[tilespmem:s15+$0x0] =	vst v20  }
0x6c2: {  	[tilespmem:s15+$0x10] =	vst v16  }
0x6c3: {  	[tilespmem:s15+$0x80] =	vst v4  }
0x6c4: {  	v3 =	vmul.f32 v6, v4;
	[tilespmem:s15+$0x20] =	vst v17  }
0x6c5: {  	v57 =	vmul.f32 v7, v4;
	[tilespmem:s15+$0x30] =	vst v14  }
0x6c6: {  	v58 =	vmul.f32 v8, v4;
	[tilespmem:s15+$0x40] =	vst v3  }
0x6c7: {  	v59 =	vmul.f32 v5, v11;
	[tilespmem:s15+$0x50] =	vst v57  }
0x6c8: {  	v60 =	vmul.f32 v5, v12;
	[tilespmem:s15+$0x60] =	vst v58  }
0x6c9: {  	v61 =	vmul.f32 v15, v5;
	[tilespmem:s15+$0x90] =	vst v59  }
0x6ca: {  	v3 =	vmul.f32 v10, v4;
	[tilespmem:s15+$0xA0] =	vst v60  }
0x6cb: {  	v62 =	vmul.f32 v18, v5;
	[tilespmem:s15+$0xC0] =	vst v61  }
.Ltmp20:
0x6cc: {  	[tilespmem:s15+$0x70] =	vst v3;
	v3 =	vmul.f32 v13, v5;
	(pc) =	sbr.rel .LBB2_36-.Ltmp20, $4  }
0x6cd: {  	v63 =	vmul.f32 v26, v5;
	[tilespmem:s15+$0xD0] =	vst v62  }
0x6ce: {  	[tilespmem:s15+$0xB0] =	vst v3;
	v3 =	vmul.f32 v23, v5  }
0x6cf: {  	[tilespmem:s15+$0xF0] =	vst v63  }
0x6d0: {  	[tilespmem:s15+$0xE0] =	vst v3  }
.LBB2_37:
0x6d1: {  	_ =	sfence.sel $0x180000  }
0x6d2: {  	[bflag:$0x0] =	sbarrier.arrive $0xFFFF  }
0x6d3: {  	_ =	strace $0x90000047  }
0x6d4: {  	s0 =	stileid.u32;
	[bflag:$0x2] =	sbarrier.arrive $0xFFFF  }
0x6d5: {  	p0 =	sne.s32 s0, $0x0;
	s0 =	rddreg [dreg:$0x3]  }
0x6d6: {  	s0 =	sadd.s32 @!p0 $0x100000, s0  }
0x6d7: {  	[sflag:s0] =	ssyncadd.tile.s32 @!p0 $0x1;
	_ =	shalt  }
.Lfunc_end2:
_tile_overlayer_lowered:
.L_overlay_start_2:
0x6d8: {  	(tag) =	ssettag $0x2  }
0x6d9: {  	s0 =	rddreg [dreg:$0x0];
	s2 =	stileid.u32  }
0x6da: {  	s1 =	rddreg [dreg:$0x1];
	p0 =	sne.s32 s2, $0x0  }
0x6db: {  	s3 =	rddreg [dreg:$0x2];
	[bflag:$0x3] =	sbarrier.arrive $0xFFFF;
	s2 =	simm.s32 @!p0 $0x1C0D  }
0x6dc: {  	[timem:s3], [sflag:s2] =	dma.local @!p0 [hbm:s0], s1  }
0x6dd: {  	s0 =	simm.s32 @!p0 $0xD  }
0x6de: {  	_ =	swait.ge @!p0 [sflag:s0], s1  }
0x6df: {  	s1 =	ssub.s32 @!p0 $0x0, s1;
	[sflag:s0] =	ssyncset.done @!p0 $0x0  }
0x6e0: {  	[sflag:s0] =	ssyncadd.s32 @!p0 s1  }
0x6e1: {  	[bflag:$0x3] =	sbarrier.arrive $0xFFFF  }
0x6e2: {  	_ =	shalt  }

</sc_bundles>
